<compile_context>
chip_gen: v7x
topology: tpu7x:2x2x1
jax: 0.10.2.dev20260603
libtpu: 0.0.44.dev20260713+nightly
codegen_flags: <defaults>
</compile_context>

<pallas_src>
import jax
import jax.numpy as jnp
from jax import lax
from jax.experimental import pallas as pl
from jax.experimental.pallas import tpu as pltpu
from jax.experimental.pallas import tpu_sc as plsc

B = 16384
L = 50
EMB_DIM = 64
N_WORDS_TOTAL = 1000000
TOTAL = B * L
NW = 32
PER_W = TOTAL // NW
CHUNK = 512
IDXW = 128
ROWS_PER_CHUNK = CHUNK // IDXW
N_CHUNKS = PER_W // CHUNK
GROUPS = CHUNK // 16
UNROLL = 16
WPR = EMB_DIM // 2

BK = 2048
NBLK = 125
SPLIT = NBLK * BK
NROWS_LIN = 4 * SPLIT
IN_BLOCKS = (N_WORDS_TOTAL + BK - 1) // BK - 1


def _pack_bf16_pair(lo32, hi32):
    ul = lax.bitcast_convert_type(lo32, jnp.uint32)
    uh = lax.bitcast_convert_type(hi32, jnp.uint32)
    hm = jnp.uint32(0xFFFF0000)
    rl = (ul + jnp.uint32(0x7FFF) + ((ul >> 16) & jnp.uint32(1))) & hm
    rh = (uh + jnp.uint32(0x7FFF) + ((uh >> 16) & jnp.uint32(1))) & hm
    return lax.bitcast_convert_type(rl >> 16 | rh, jnp.int32)


def _tr_body(a_ref, b_ref, c_ref, d_ref, o_ref):
    parts = []
    for r in (a_ref, b_ref, c_ref, d_ref):
        v = r[...]
        w = _pack_bf16_pair(v[:WPR, :], v[WPR:, :])
        parts.append(w.T)
    o_ref[...] = jnp.concatenate(parts, axis=1)


def _transpose_pack(tt):
    def spec(j):
        return pl.BlockSpec(
            (EMB_DIM, BK),
            lambda k, j=j: (0, jnp.minimum(j * NBLK + k, IN_BLOCKS)))
    return pl.pallas_call(
        _tr_body,
        grid=(NBLK,),
        in_specs=[spec(0), spec(1), spec(2), spec(3)],
        out_specs=pl.BlockSpec((BK, 4 * WPR), lambda k: (k, 0)),
        out_shape=jax.ShapeDtypeStruct((SPLIT, 4 * WPR), jnp.int32),
    )(tt, tt, tt, tt)


def _sc_body(wi_hbm, ci_hbm, table_hbm, params_hbm, out_hbm,
             wi_v, ci_v, wr, cr, outb, pv, sems, osems):
    nc = 2
    wid = lax.axis_index("s") * nc + lax.axis_index("c")

    pltpu.sync_copy(params_hbm, pv)
    bias = pv[pl.ds(EMB_DIM, 16)]
    fw = [pv[pl.ds(k * 16, 16)] for k in range(EMB_DIM // 16)]
    mask15 = lax.iota(jnp.int32, 16) == 15
    himask = jnp.full((16,), -65536, jnp.int32)

    idx_row0 = wid * (PER_W // IDXW)
    out_base = wid * PER_W

    pltpu.sync_copy(wi_hbm.at[pl.ds(idx_row0, PER_W // IDXW)], wi_v)
    pltpu.sync_copy(ci_hbm.at[pl.ds(idx_row0, PER_W // IDXW)], ci_v)

    def start_gathers(c, buf):
        row = c * ROWS_PER_CHUNK
        for j in range(ROWS_PER_CHUNK):
            pltpu.async_copy(table_hbm.at[wi_v.at[row + j]],
                             wr.at[buf, pl.ds(j * IDXW, IDXW)], sems.at[buf])
            pltpu.async_copy(table_hbm.at[ci_v.at[row + j]],
                             cr.at[buf, pl.ds(j * IDXW, IDXW)], sems.at[buf])

    def wait_gathers(c, buf):
        row = c * ROWS_PER_CHUNK
        for j in range(ROWS_PER_CHUNK):
            pltpu.make_async_copy(table_hbm.at[wi_v.at[row + j]],
                                  wr.at[buf, pl.ds(j * IDXW, IDXW)],
                                  sems.at[buf]).wait()
            pltpu.make_async_copy(table_hbm.at[ci_v.at[row + j]],
                                  cr.at[buf, pl.ds(j * IDXW, IDXW)],
                                  sems.at[buf]).wait()

    def unpack(v):
        lo = plsc.bitcast(v << 16, jnp.float32)
        hi = plsc.bitcast(v & himask, jnp.float32)
        return lo, hi

    def compute_chunk(c, buf):
        @pl.when(c >= 2)
        def _():
            pltpu.make_async_copy(
                outb.at[buf, pl.ds(0, CHUNK)],
                out_hbm.at[pl.ds(out_base + (c - 2) * CHUNK, CHUNK)],
                osems.at[buf]).wait()

        def look_body(i, _):
            accs = []
            for u in range(UNROLL):
                ii = i * UNROLL + u
                w0lo, w0hi = unpack(wr[buf, ii, pl.ds(0, 16)])
                w1lo, w1hi = unpack(wr[buf, ii, pl.ds(16, 16)])
                c0lo, c0hi = unpack(cr[buf, ii, pl.ds(0, 16)])
                c1lo, c1hi = unpack(cr[buf, ii, pl.ds(16, 16)])
                acc = ((w0lo * c0lo) * fw[0] + (w1lo * c1lo) * fw[1]
                       + (w0hi * c0hi) * fw[2] + (w1hi * c1hi) * fw[3])
                accs.append(acc)
            cums = [plsc.cumsum(a) for a in accs]
            for u, cum in enumerate(cums):
                plsc.store_compressed(outb.at[buf, pl.ds(i * UNROLL + u, 16)],
                                      cum, mask=mask15)
            return 0

        lax.fori_loop(0, CHUNK // UNROLL, look_body, 0)

        def sig_body(g, _):
            v = outb[buf, pl.ds(g * 16, 16)] + bias
            outb[buf, pl.ds(g * 16, 16)] = 1.0 / (1.0 + jnp.exp(-v))
            return 0

        lax.fori_loop(0, GROUPS, sig_body, 0)
        pltpu.async_copy(outb.at[buf, pl.ds(0, CHUNK)],
                         out_hbm.at[pl.ds(out_base + c * CHUNK, CHUNK)],
                         osems.at[buf])

    start_gathers(0, 0)

    def pair_body(m, _):
        c0 = m * 2
        start_gathers(c0 + 1, 1)
        wait_gathers(c0, 0)
        compute_chunk(c0, 0)

        @pl.when(c0 + 2 < N_CHUNKS)
        def _():
            start_gathers(c0 + 2, 0)

        wait_gathers(c0 + 1, 1)
        compute_chunk(c0 + 1, 1)
        return 0

    lax.fori_loop(0, N_CHUNKS // 2, pair_body, 0)

    for buf, c in ((0, N_CHUNKS - 2), (1, N_CHUNKS - 1)):
        pltpu.make_async_copy(
            outb.at[buf, pl.ds(0, CHUNK)],
            out_hbm.at[pl.ds(out_base + c * CHUNK, CHUNK)],
            osems.at[buf]).wait()


@jax.jit
def _run(wi2d, ci2d, table, params):
    mesh = plsc.VectorSubcoreMesh(core_axis_name="c", subcore_axis_name="s")
    kern = pl.kernel(
        _sc_body,
        out_type=jax.ShapeDtypeStruct((TOTAL,), jnp.float32),
        mesh=mesh,
        scratch_types=[
            pltpu.VMEM((PER_W // IDXW, IDXW), jnp.int32),
            pltpu.VMEM((PER_W // IDXW, IDXW), jnp.int32),
            pltpu.VMEM((2, CHUNK, WPR), jnp.int32),
            pltpu.VMEM((2, CHUNK, WPR), jnp.int32),
            pltpu.VMEM((2, CHUNK + 16), jnp.float32),
            pltpu.VMEM((EMB_DIM + 16,), jnp.float32),
            pltpu.SemaphoreType.DMA((2,)),
            pltpu.SemaphoreType.DMA((2,)),
        ],
        compiler_params=pltpu.CompilerParams(
            needs_layout_passes=False, use_tc_tiling_on_sc=False),
    )
    return kern(wi2d, ci2d, table, params)


def kernel(word_ids, context_ids, table, fc_w, fc_b):
    packed = _transpose_pack(table.T.astype(jnp.float32))
    table_lin = packed.reshape(NROWS_LIN, WPR)

    def remap(ids):
        i = ids.T.reshape(TOTAL // IDXW, IDXW).astype(jnp.int32)
        return 4 * (i % SPLIT) + i // SPLIT

    wi2d = remap(word_ids)
    ci2d = remap(context_ids)
    params = jnp.concatenate(
        [fc_w.reshape(EMB_DIM), jnp.broadcast_to(fc_b, (16,))]).astype(jnp.float32)
    out = _run(wi2d, ci2d, table_lin, params)
    return out.reshape(L, B).T.reshape(B, L, 1)

# --- scband reference (transcript-rebuilt; emitter-appended) ---
"""Pipeline reference for scband-bilinear-24352464570221 (READ-ONLY COPY).

The authoritative reference and input builder live on the scoring server;
editing this copy changes nothing except your own understanding.
"""

import jax, jax.numpy as jnp
import numpy as np

N_WORDS = 1000000
EMB_DIM = 64
B = 16384
L = 50

def setup_inputs(seed: int = 0) -> dict:
    key = jax.random.key(seed)
    k1, k2, k3, k4, k5 = jax.random.split(key, 5)
    word_ids = jax.random.randint(k1, (B, L), 0, N_WORDS, dtype=jnp.int64 if jax.config.jax_enable_x64 else jnp.int32)
    context_ids = jax.random.randint(k2, (B, L), 0, N_WORDS, dtype=jnp.int64 if jax.config.jax_enable_x64 else jnp.int32)
    table = jax.random.normal(k3, (N_WORDS, EMB_DIM), dtype=jnp.float32)
    fc_w = jax.random.normal(k4, (1, EMB_DIM), dtype=jnp.float32) * (1.0 / np.sqrt(EMB_DIM))
    fc_b = jax.random.normal(k5, (1,), dtype=jnp.float32) * 0.01
    return {"word_ids": word_ids, "context_ids": context_ids, "table": table, "fc_w": fc_w, "fc_b": fc_b}

def reference(word_ids, context_ids, table, fc_w, fc_b):
    # embedding lookups (gather)
    word_emb = jnp.take(table, word_ids, axis=0)        # [B, L, D]
    context_emb = jnp.take(table, context_ids, axis=0)  # [B, L, D]
    z = word_emb * context_emb                           # elementwise bilinear interaction
    logits = jnp.einsum('bld,od->blo', z, fc_w) + fc_b   # Linear(emb_dim, 1)
    z = jax.nn.sigmoid(logits)                           # [B, L, 1]
    return z

if __name__ == "__main__":
    import jax
    _d = setup_inputs()
    print(jax.jit(kernel)(*tuple(_d.values())))

</pallas_src>

<mosaic_0001>
#map = affine_map<(d0, d1) -> (0, 0)>
#map1 = affine_map<(d0, d1) -> (0)>
module attributes {stable_mosaic.version = 14 : i64} {
  func.func @_sc_body(%arg0: i32, %arg1: i32, %arg2: memref<6400x128xi32, #tpu.memory_space<hbm>>, %arg3: memref<6400x128xi32, #tpu.memory_space<hbm>>, %arg4: memref<1024000x32xi32, #tpu.memory_space<hbm>>, %arg5: memref<80xf32, #tpu.memory_space<hbm>>, %arg6: memref<819200xf32, #tpu.memory_space<hbm>>, %arg7: memref<200x128xi32, #tpu.memory_space<vmem>>, %arg8: memref<200x128xi32, #tpu.memory_space<vmem>>, %arg9: memref<2x512x32xi32, #tpu.memory_space<vmem>>, %arg10: memref<2x512x32xi32, #tpu.memory_space<vmem>>, %arg11: memref<2x528xf32, #tpu.memory_space<vmem>>, %arg12: memref<80xf32, #tpu.memory_space<vmem>>, %arg13: memref<2x!tpu.dma_semaphore, #tpu.memory_space<semaphore_mem>>, %arg14: memref<2x!tpu.dma_semaphore, #tpu.memory_space<semaphore_mem>>) attributes {dimension_semantics = [#tpu.dimension_semantics<core_parallel>, #tpu.dimension_semantics<subcore_parallel>], iteration_bounds = array<i64: 2, 16>, scalar_prefetch = 0 : i64, scratch_operands = 8 : i64, tpu.core_type = #tpu.core_type<sc_vector_subcore>, window_params = [{transform_indices = #map}, {transform_indices = #map}, {transform_indices = #map}, {transform_indices = #map1}, {transform_indices = #map1}]} {
    %mul3A = arith.constant 2 : i32
    %mul3A_0 = arith.muli %arg1, %mul3A : i32
    %add3A = arith.addi %mul3A_0, %arg0 : i32
    "tpu.region"() ({
      %run_scoped3A = tpu.sem_alloc : memref<!tpu.dma_semaphore, #tpu.memory_space<semaphore_mem>>
      tpu.enqueue_dma source(%arg5 : memref<80xf32, #tpu.memory_space<hbm>>) target(%arg12 : memref<80xf32, #tpu.memory_space<vmem>>) target_semaphore(%run_scoped3A : memref<!tpu.dma_semaphore, #tpu.memory_space<semaphore_mem>>)
      tpu.wait_dma2 semaphore(%run_scoped3A : memref<!tpu.dma_semaphore, #tpu.memory_space<semaphore_mem>>) src(%arg5 : memref<80xf32, #tpu.memory_space<hbm>>) dst(%arg12 : memref<80xf32, #tpu.memory_space<vmem>>)
      tpu.yield
    }) : () -> ()
    %get3A = arith.constant 64 : index
    %get3A_1 = tpu.vector_load %arg12[%get3A] {strides = array<i32>} : memref<80xf32, #tpu.memory_space<vmem>>, vector<16xf32>,
    %get3A_2 = arith.constant 0 : index
    %get3A_3 = tpu.vector_load %arg12[%get3A_2] {strides = array<i32>} : memref<80xf32, #tpu.memory_space<vmem>>, vector<16xf32>,
    %get3A_4 = arith.constant 16 : index
    %get3A_5 = tpu.vector_load %arg12[%get3A_4] {strides = array<i32>} : memref<80xf32, #tpu.memory_space<vmem>>, vector<16xf32>,
    %get3A_6 = arith.constant 32 : index
    %get3A_7 = tpu.vector_load %arg12[%get3A_6] {strides = array<i32>} : memref<80xf32, #tpu.memory_space<vmem>>, vector<16xf32>,
    %get3A_8 = arith.constant 48 : index
    %get3A_9 = tpu.vector_load %arg12[%get3A_8] {strides = array<i32>} : memref<80xf32, #tpu.memory_space<vmem>>, vector<16xf32>,
    %iota3A = tpu.iota {dimensions = array<i32: 0>} : vector<16xi32>
    %eq3A = arith.constant 15 : i32
    %eq3A_10 = vector.broadcast %eq3A : i32 to vector<16xi32>
    %eq3A_11 = arith.cmpi eq, %iota3A, %eq3A_10 : vector<16xi32>
    %broadcast_in_dim3A = arith.constant -65536 : i32
    %broadcast_in_dim3A_12 = vector.broadcast %broadcast_in_dim3A : i32 to vector<16xi32>
    %mul3A_13 = arith.constant 200 : i32
    %mul3A_14 = arith.muli %add3A, %mul3A_13 : i32
    %mul3A_15 = arith.constant 25600 : i32
    %mul3A_16 = arith.muli %add3A, %mul3A_15 : i32
    "tpu.region"() ({
      %run_scoped3A = tpu.sem_alloc : memref<!tpu.dma_semaphore, #tpu.memory_space<semaphore_mem>>
      %dma_start3A_169 = arith.constant 0 : i32
      %dma_start3A_170 = tpu.memref_slice %arg2[%mul3A_14, %dma_start3A_169] : memref<6400x128xi32, #tpu.memory_space<hbm>> -> memref<200x128xi32, #tpu.memory_space<hbm>>
      %dma_start3A_171 = arith.constant 0 : i32
      %dma_start3A_172 = tpu.memref_slice %arg2[%mul3A_14, %dma_start3A_171] : memref<6400x128xi32, #tpu.memory_space<hbm>> -> memref<200x128xi32, #tpu.memory_space<hbm>>
      tpu.enqueue_dma source(%dma_start3A_172 : memref<200x128xi32, #tpu.memory_space<hbm>>) target(%arg7 : memref<200x128xi32, #tpu.memory_space<vmem>>) target_semaphore(%run_scoped3A : memref<!tpu.dma_semaphore, #tpu.memory_space<semaphore_mem>>)
      %dma_wait3A_173 = arith.constant 0 : i32
      %dma_wait3A_174 = tpu.memref_slice %arg2[%mul3A_14, %dma_wait3A_173] : memref<6400x128xi32, #tpu.memory_space<hbm>> -> memref<200x128xi32, #tpu.memory_space<hbm>>
      %dma_wait3A_175 = arith.constant 0 : i32
      %dma_wait3A_176 = tpu.memref_slice %arg2[%mul3A_14, %dma_wait3A_175] : memref<6400x128xi32, #tpu.memory_space<hbm>> -> memref<200x128xi32, #tpu.memory_space<hbm>>
      tpu.wait_dma2 semaphore(%run_scoped3A : memref<!tpu.dma_semaphore, #tpu.memory_space<semaphore_mem>>) src(%dma_wait3A_176 : memref<200x128xi32, #tpu.memory_space<hbm>>) dst(%arg7 : memref<200x128xi32, #tpu.memory_space<vmem>>)
      tpu.yield
    }) : () -> ()
    "tpu.region"() ({
      %run_scoped3A = tpu.sem_alloc : memref<!tpu.dma_semaphore, #tpu.memory_space<semaphore_mem>>
      %dma_start3A_169 = arith.constant 0 : i32
      %dma_start3A_170 = tpu.memref_slice %arg3[%mul3A_14, %dma_start3A_169] : memref<6400x128xi32, #tpu.memory_space<hbm>> -> memref<200x128xi32, #tpu.memory_space<hbm>>
      %dma_start3A_171 = arith.constant 0 : i32
      %dma_start3A_172 = tpu.memref_slice %arg3[%mul3A_14, %dma_start3A_171] : memref<6400x128xi32, #tpu.memory_space<hbm>> -> memref<200x128xi32, #tpu.memory_space<hbm>>
      tpu.enqueue_dma source(%dma_start3A_172 : memref<200x128xi32, #tpu.memory_space<hbm>>) target(%arg8 : memref<200x128xi32, #tpu.memory_space<vmem>>) target_semaphore(%run_scoped3A : memref<!tpu.dma_semaphore, #tpu.memory_space<semaphore_mem>>)
      %dma_wait3A_173 = arith.constant 0 : i32
      %dma_wait3A_174 = tpu.memref_slice %arg3[%mul3A_14, %dma_wait3A_173] : memref<6400x128xi32, #tpu.memory_space<hbm>> -> memref<200x128xi32, #tpu.memory_space<hbm>>
      %dma_wait3A_175 = arith.constant 0 : i32
      %dma_wait3A_176 = tpu.memref_slice %arg3[%mul3A_14, %dma_wait3A_175] : memref<6400x128xi32, #tpu.memory_space<hbm>> -> memref<200x128xi32, #tpu.memory_space<hbm>>
      tpu.wait_dma2 semaphore(%run_scoped3A : memref<!tpu.dma_semaphore, #tpu.memory_space<semaphore_mem>>) src(%dma_wait3A_176 : memref<200x128xi32, #tpu.memory_space<hbm>>) dst(%arg8 : memref<200x128xi32, #tpu.memory_space<vmem>>)
      tpu.yield
    }) : () -> ()
    %dma_start3A = arith.constant 0 : i32
    %dma_start3A_17 = arith.constant 0 : i32
    %dma_start3A_18 = arith.constant 0 : i32
    %dma_start3A_19 = arith.constant 0 : i32
    %dma_start3A_20 = arith.constant 0 : i32
    %dma_start3A_21 = tpu.memref_slice %arg9[%dma_start3A_17, %dma_start3A_19, %dma_start3A_20] : memref<2x512x32xi32, #tpu.memory_space<vmem>> -> memref<1x128x32xi32, #tpu.memory_space<vmem>>
    %dma_start3A_22 = tpu.memref_squeeze %dma_start3A_21 : memref<1x128x32xi32, #tpu.memory_space<vmem>> -> memref<128x32xi32, #tpu.memory_space<vmem>>
    %dma_start3A_23 = arith.constant 0 : i32
    %dma_start3A_24 = tpu.memref_slice %arg7[%dma_start3A, %dma_start3A_23] : memref<200x128xi32, #tpu.memory_space<vmem>> -> memref<1x128xi32, #tpu.memory_space<vmem>>
    %dma_start3A_25 = tpu.memref_squeeze %dma_start3A_24 : memref<1x128xi32, #tpu.memory_space<vmem>> -> memref<128xi32, #tpu.memory_space<vmem>>
    %dma_start3A_26 = arith.constant 0 : i32
    %dma_start3A_27 = arith.constant 0 : i32
    %dma_start3A_28 = tpu.memref_slice %arg4[%dma_start3A_26, %dma_start3A_27] : memref<1024000x32xi32, #tpu.memory_space<hbm>> -> memref<1024000x32xi32, #tpu.memory_space<hbm>>
    %dma_start3A_29 = tpu.memref_slice %arg13[%dma_start3A_18] : memref<2x!tpu.dma_semaphore, #tpu.memory_space<semaphore_mem>> -> memref<1x!tpu.dma_semaphore, #tpu.memory_space<semaphore_mem>>
    %dma_start3A_30 = tpu.memref_squeeze %dma_start3A_29 : memref<1x!tpu.dma_semaphore, #tpu.memory_space<semaphore_mem>> -> memref<!tpu.dma_semaphore, #tpu.memory_space<semaphore_mem>>
    tpu.enqueue_indirect_dma source(%dma_start3A_28 : memref<1024000x32xi32, #tpu.memory_space<hbm>>) target(%dma_start3A_22 : memref<128x32xi32, #tpu.memory_space<vmem>>) offsets(%dma_start3A_25 : memref<128xi32, #tpu.memory_space<vmem>>) semaphore(%dma_start3A_30 : memref<!tpu.dma_semaphore, #tpu.memory_space<semaphore_mem>>)
    %dma_start3A_31 = arith.constant 0 : i32
    %dma_start3A_32 = arith.constant 0 : i32
    %dma_start3A_33 = arith.constant 0 : i32
    %dma_start3A_34 = arith.constant 0 : i32
    %dma_start3A_35 = arith.constant 0 : i32
    %dma_start3A_36 = tpu.memref_slice %arg10[%dma_start3A_32, %dma_start3A_34, %dma_start3A_35] : memref<2x512x32xi32, #tpu.memory_space<vmem>> -> memref<1x128x32xi32, #tpu.memory_space<vmem>>
    %dma_start3A_37 = tpu.memref_squeeze %dma_start3A_36 : memref<1x128x32xi32, #tpu.memory_space<vmem>> -> memref<128x32xi32, #tpu.memory_space<vmem>>
    %dma_start3A_38 = arith.constant 0 : i32
    %dma_start3A_39 = tpu.memref_slice %arg8[%dma_start3A_31, %dma_start3A_38] : memref<200x128xi32, #tpu.memory_space<vmem>> -> memref<1x128xi32, #tpu.memory_space<vmem>>
    %dma_start3A_40 = tpu.memref_squeeze %dma_start3A_39 : memref<1x128xi32, #tpu.memory_space<vmem>> -> memref<128xi32, #tpu.memory_space<vmem>>
    %dma_start3A_41 = arith.constant 0 : i32
    %dma_start3A_42 = arith.constant 0 : i32
    %dma_start3A_43 = tpu.memref_slice %arg4[%dma_start3A_41, %dma_start3A_42] : memref<1024000x32xi32, #tpu.memory_space<hbm>> -> memref<1024000x32xi32, #tpu.memory_space<hbm>>
    %dma_start3A_44 = tpu.memref_slice %arg13[%dma_start3A_33] : memref<2x!tpu.dma_semaphore, #tpu.memory_space<semaphore_mem>> -> memref<1x!tpu.dma_semaphore, #tpu.memory_space<semaphore_mem>>
    %dma_start3A_45 = tpu.memref_squeeze %dma_start3A_44 : memref<1x!tpu.dma_semaphore, #tpu.memory_space<semaphore_mem>> -> memref<!tpu.dma_semaphore, #tpu.memory_space<semaphore_mem>>
    tpu.enqueue_indirect_dma source(%dma_start3A_43 : memref<1024000x32xi32, #tpu.memory_space<hbm>>) target(%dma_start3A_37 : memref<128x32xi32, #tpu.memory_space<vmem>>) offsets(%dma_start3A_40 : memref<128xi32, #tpu.memory_space<vmem>>) semaphore(%dma_start3A_45 : memref<!tpu.dma_semaphore, #tpu.memory_space<semaphore_mem>>)
    %dma_start3A_46 = arith.constant 1 : i32
    %dma_start3A_47 = arith.constant 0 : i32
    %dma_start3A_48 = arith.constant 0 : i32
    %dma_start3A_49 = arith.constant 128 : i32
    %dma_start3A_50 = arith.constant 0 : i32
    %dma_start3A_51 = tpu.memref_slice %arg9[%dma_start3A_47, %dma_start3A_49, %dma_start3A_50] : memref<2x512x32xi32, #tpu.memory_space<vmem>> -> memref<1x128x32xi32, #tpu.memory_space<vmem>>
    %dma_start3A_52 = tpu.memref_squeeze %dma_start3A_51 : memref<1x128x32xi32, #tpu.memory_space<vmem>> -> memref<128x32xi32, #tpu.memory_space<vmem>>
    %dma_start3A_53 = arith.constant 0 : i32
    %dma_start3A_54 = tpu.memref_slice %arg7[%dma_start3A_46, %dma_start3A_53] : memref<200x128xi32, #tpu.memory_space<vmem>> -> memref<1x128xi32, #tpu.memory_space<vmem>>
    %dma_start3A_55 = tpu.memref_squeeze %dma_start3A_54 : memref<1x128xi32, #tpu.memory_space<vmem>> -> memref<128xi32, #tpu.memory_space<vmem>>
    %dma_start3A_56 = arith.constant 0 : i32
    %dma_start3A_57 = arith.constant 0 : i32
    %dma_start3A_58 = tpu.memref_slice %arg4[%dma_start3A_56, %dma_start3A_57] : memref<1024000x32xi32, #tpu.memory_space<hbm>> -> memref<1024000x32xi32, #tpu.memory_space<hbm>>
    %dma_start3A_59 = tpu.memref_slice %arg13[%dma_start3A_48] : memref<2x!tpu.dma_semaphore, #tpu.memory_space<semaphore_mem>> -> memref<1x!tpu.dma_semaphore, #tpu.memory_space<semaphore_mem>>
    %dma_start3A_60 = tpu.memref_squeeze %dma_start3A_59 : memref<1x!tpu.dma_semaphore, #tpu.memory_space<semaphore_mem>> -> memref<!tpu.dma_semaphore, #tpu.memory_space<semaphore_mem>>
    tpu.enqueue_indirect_dma source(%dma_start3A_58 : memref<1024000x32xi32, #tpu.memory_space<hbm>>) target(%dma_start3A_52 : memref<128x32xi32, #tpu.memory_space<vmem>>) offsets(%dma_start3A_55 : memref<128xi32, #tpu.memory_space<vmem>>) semaphore(%dma_start3A_60 : memref<!tpu.dma_semaphore, #tpu.memory_space<semaphore_mem>>)
    %dma_start3A_61 = arith.constant 1 : i32
    %dma_start3A_62 = arith.constant 0 : i32
    %dma_start3A_63 = arith.constant 0 : i32
    %dma_start3A_64 = arith.constant 128 : i32
    %dma_start3A_65 = arith.constant 0 : i32
    %dma_start3A_66 = tpu.memref_slice %arg10[%dma_start3A_62, %dma_start3A_64, %dma_start3A_65] : memref<2x512x32xi32, #tpu.memory_space<vmem>> -> memref<1x128x32xi32, #tpu.memory_space<vmem>>
    %dma_start3A_67 = tpu.memref_squeeze %dma_start3A_66 : memref<1x128x32xi32, #tpu.memory_space<vmem>> -> memref<128x32xi32, #tpu.memory_space<vmem>>
    %dma_start3A_68 = arith.constant 0 : i32
    %dma_start3A_69 = tpu.memref_slice %arg8[%dma_start3A_61, %dma_start3A_68] : memref<200x128xi32, #tpu.memory_space<vmem>> -> memref<1x128xi32, #tpu.memory_space<vmem>>
    %dma_start3A_70 = tpu.memref_squeeze %dma_start3A_69 : memref<1x128xi32, #tpu.memory_space<vmem>> -> memref<128xi32, #tpu.memory_space<vmem>>
    %dma_start3A_71 = arith.constant 0 : i32
    %dma_start3A_72 = arith.constant 0 : i32
    %dma_start3A_73 = tpu.memref_slice %arg4[%dma_start3A_71, %dma_start3A_72] : memref<1024000x32xi32, #tpu.memory_space<hbm>> -> memref<1024000x32xi32, #tpu.memory_space<hbm>>
    %dma_start3A_74 = tpu.memref_slice %arg13[%dma_start3A_63] : memref<2x!tpu.dma_semaphore, #tpu.memory_space<semaphore_mem>> -> memref<1x!tpu.dma_semaphore, #tpu.memory_space<semaphore_mem>>
    %dma_start3A_75 = tpu.memref_squeeze %dma_start3A_74 : memref<1x!tpu.dma_semaphore, #tpu.memory_space<semaphore_mem>> -> memref<!tpu.dma_semaphore, #tpu.memory_space<semaphore_mem>>
    tpu.enqueue_indirect_dma source(%dma_start3A_73 : memref<1024000x32xi32, #tpu.memory_space<hbm>>) target(%dma_start3A_67 : memref<128x32xi32, #tpu.memory_space<vmem>>) offsets(%dma_start3A_70 : memref<128xi32, #tpu.memory_space<vmem>>) semaphore(%dma_start3A_75 : memref<!tpu.dma_semaphore, #tpu.memory_space<semaphore_mem>>)
    %dma_start3A_76 = arith.constant 2 : i32
    %dma_start3A_77 = arith.constant 0 : i32
    %dma_start3A_78 = arith.constant 0 : i32
    %dma_start3A_79 = arith.constant 256 : i32
    %dma_start3A_80 = arith.constant 0 : i32
    %dma_start3A_81 = tpu.memref_slice %arg9[%dma_start3A_77, %dma_start3A_79, %dma_start3A_80] : memref<2x512x32xi32, #tpu.memory_space<vmem>> -> memref<1x128x32xi32, #tpu.memory_space<vmem>>
    %dma_start3A_82 = tpu.memref_squeeze %dma_start3A_81 : memref<1x128x32xi32, #tpu.memory_space<vmem>> -> memref<128x32xi32, #tpu.memory_space<vmem>>
    %dma_start3A_83 = arith.constant 0 : i32
    %dma_start3A_84 = tpu.memref_slice %arg7[%dma_start3A_76, %dma_start3A_83] : memref<200x128xi32, #tpu.memory_space<vmem>> -> memref<1x128xi32, #tpu.memory_space<vmem>>
    %dma_start3A_85 = tpu.memref_squeeze %dma_start3A_84 : memref<1x128xi32, #tpu.memory_space<vmem>> -> memref<128xi32, #tpu.memory_space<vmem>>
    %dma_start3A_86 = arith.constant 0 : i32
    %dma_start3A_87 = arith.constant 0 : i32
    %dma_start3A_88 = tpu.memref_slice %arg4[%dma_start3A_86, %dma_start3A_87] : memref<1024000x32xi32, #tpu.memory_space<hbm>> -> memref<1024000x32xi32, #tpu.memory_space<hbm>>
    %dma_start3A_89 = tpu.memref_slice %arg13[%dma_start3A_78] : memref<2x!tpu.dma_semaphore, #tpu.memory_space<semaphore_mem>> -> memref<1x!tpu.dma_semaphore, #tpu.memory_space<semaphore_mem>>
    %dma_start3A_90 = tpu.memref_squeeze %dma_start3A_89 : memref<1x!tpu.dma_semaphore, #tpu.memory_space<semaphore_mem>> -> memref<!tpu.dma_semaphore, #tpu.memory_space<semaphore_mem>>
    tpu.enqueue_indirect_dma source(%dma_start3A_88 : memref<1024000x32xi32, #tpu.memory_space<hbm>>) target(%dma_start3A_82 : memref<128x32xi32, #tpu.memory_space<vmem>>) offsets(%dma_start3A_85 : memref<128xi32, #tpu.memory_space<vmem>>) semaphore(%dma_start3A_90 : memref<!tpu.dma_semaphore, #tpu.memory_space<semaphore_mem>>)
    %dma_start3A_91 = arith.constant 2 : i32
    %dma_start3A_92 = arith.constant 0 : i32
    %dma_start3A_93 = arith.constant 0 : i32
    %dma_start3A_94 = arith.constant 256 : i32
    %dma_start3A_95 = arith.constant 0 : i32
    %dma_start3A_96 = tpu.memref_slice %arg10[%dma_start3A_92, %dma_start3A_94, %dma_start3A_95] : memref<2x512x32xi32, #tpu.memory_space<vmem>> -> memref<1x128x32xi32, #tpu.memory_space<vmem>>
    %dma_start3A_97 = tpu.memref_squeeze %dma_start3A_96 : memref<1x128x32xi32, #tpu.memory_space<vmem>> -> memref<128x32xi32, #tpu.memory_space<vmem>>
    %dma_start3A_98 = arith.constant 0 : i32
    %dma_start3A_99 = tpu.memref_slice %arg8[%dma_start3A_91, %dma_start3A_98] : memref<200x128xi32, #tpu.memory_space<vmem>> -> memref<1x128xi32, #tpu.memory_space<vmem>>
    %dma_start3A_100 = tpu.memref_squeeze %dma_start3A_99 : memref<1x128xi32, #tpu.memory_space<vmem>> -> memref<128xi32, #tpu.memory_space<vmem>>
    %dma_start3A_101 = arith.constant 0 : i32
    %dma_start3A_102 = arith.constant 0 : i32
    %dma_start3A_103 = tpu.memref_slice %arg4[%dma_start3A_101, %dma_start3A_102] : memref<1024000x32xi32, #tpu.memory_space<hbm>> -> memref<1024000x32xi32, #tpu.memory_space<hbm>>
    %dma_start3A_104 = tpu.memref_slice %arg13[%dma_start3A_93] : memref<2x!tpu.dma_semaphore, #tpu.memory_space<semaphore_mem>> -> memref<1x!tpu.dma_semaphore, #tpu.memory_space<semaphore_mem>>
    %dma_start3A_105 = tpu.memref_squeeze %dma_start3A_104 : memref<1x!tpu.dma_semaphore, #tpu.memory_space<semaphore_mem>> -> memref<!tpu.dma_semaphore, #tpu.memory_space<semaphore_mem>>
    tpu.enqueue_indirect_dma source(%dma_start3A_103 : memref<1024000x32xi32, #tpu.memory_space<hbm>>) target(%dma_start3A_97 : memref<128x32xi32, #tpu.memory_space<vmem>>) offsets(%dma_start3A_100 : memref<128xi32, #tpu.memory_space<vmem>>) semaphore(%dma_start3A_105 : memref<!tpu.dma_semaphore, #tpu.memory_space<semaphore_mem>>)
    %dma_start3A_106 = arith.constant 3 : i32
    %dma_start3A_107 = arith.constant 0 : i32
    %dma_start3A_108 = arith.constant 0 : i32
    %dma_start3A_109 = arith.constant 384 : i32
    %dma_start3A_110 = arith.constant 0 : i32
    %dma_start3A_111 = tpu.memref_slice %arg9[%dma_start3A_107, %dma_start3A_109, %dma_start3A_110] : memref<2x512x32xi32, #tpu.memory_space<vmem>> -> memref<1x128x32xi32, #tpu.memory_space<vmem>>
    %dma_start3A_112 = tpu.memref_squeeze %dma_start3A_111 : memref<1x128x32xi32, #tpu.memory_space<vmem>> -> memref<128x32xi32, #tpu.memory_space<vmem>>
    %dma_start3A_113 = arith.constant 0 : i32
    %dma_start3A_114 = tpu.memref_slice %arg7[%dma_start3A_106, %dma_start3A_113] : memref<200x128xi32, #tpu.memory_space<vmem>> -> memref<1x128xi32, #tpu.memory_space<vmem>>
    %dma_start3A_115 = tpu.memref_squeeze %dma_start3A_114 : memref<1x128xi32, #tpu.memory_space<vmem>> -> memref<128xi32, #tpu.memory_space<vmem>>
    %dma_start3A_116 = arith.constant 0 : i32
    %dma_start3A_117 = arith.constant 0 : i32
    %dma_start3A_118 = tpu.memref_slice %arg4[%dma_start3A_116, %dma_start3A_117] : memref<1024000x32xi32, #tpu.memory_space<hbm>> -> memref<1024000x32xi32, #tpu.memory_space<hbm>>
    %dma_start3A_119 = tpu.memref_slice %arg13[%dma_start3A_108] : memref<2x!tpu.dma_semaphore, #tpu.memory_space<semaphore_mem>> -> memref<1x!tpu.dma_semaphore, #tpu.memory_space<semaphore_mem>>
    %dma_start3A_120 = tpu.memref_squeeze %dma_start3A_119 : memref<1x!tpu.dma_semaphore, #tpu.memory_space<semaphore_mem>> -> memref<!tpu.dma_semaphore, #tpu.memory_space<semaphore_mem>>
    tpu.enqueue_indirect_dma source(%dma_start3A_118 : memref<1024000x32xi32, #tpu.memory_space<hbm>>) target(%dma_start3A_112 : memref<128x32xi32, #tpu.memory_space<vmem>>) offsets(%dma_start3A_115 : memref<128xi32, #tpu.memory_space<vmem>>) semaphore(%dma_start3A_120 : memref<!tpu.dma_semaphore, #tpu.memory_space<semaphore_mem>>)
    %dma_start3A_121 = arith.constant 3 : i32
    %dma_start3A_122 = arith.constant 0 : i32
    %dma_start3A_123 = arith.constant 0 : i32
    %dma_start3A_124 = arith.constant 384 : i32
    %dma_start3A_125 = arith.constant 0 : i32
    %dma_start3A_126 = tpu.memref_slice %arg10[%dma_start3A_122, %dma_start3A_124, %dma_start3A_125] : memref<2x512x32xi32, #tpu.memory_space<vmem>> -> memref<1x128x32xi32, #tpu.memory_space<vmem>>
    %dma_start3A_127 = tpu.memref_squeeze %dma_start3A_126 : memref<1x128x32xi32, #tpu.memory_space<vmem>> -> memref<128x32xi32, #tpu.memory_space<vmem>>
    %dma_start3A_128 = arith.constant 0 : i32
    %dma_start3A_129 = tpu.memref_slice %arg8[%dma_start3A_121, %dma_start3A_128] : memref<200x128xi32, #tpu.memory_space<vmem>> -> memref<1x128xi32, #tpu.memory_space<vmem>>
    %dma_start3A_130 = tpu.memref_squeeze %dma_start3A_129 : memref<1x128xi32, #tpu.memory_space<vmem>> -> memref<128xi32, #tpu.memory_space<vmem>>
    %dma_start3A_131 = arith.constant 0 : i32
    %dma_start3A_132 = arith.constant 0 : i32
    %dma_start3A_133 = tpu.memref_slice %arg4[%dma_start3A_131, %dma_start3A_132] : memref<1024000x32xi32, #tpu.memory_space<hbm>> -> memref<1024000x32xi32, #tpu.memory_space<hbm>>
    %dma_start3A_134 = tpu.memref_slice %arg13[%dma_start3A_123] : memref<2x!tpu.dma_semaphore, #tpu.memory_space<semaphore_mem>> -> memref<1x!tpu.dma_semaphore, #tpu.memory_space<semaphore_mem>>
    %dma_start3A_135 = tpu.memref_squeeze %dma_start3A_134 : memref<1x!tpu.dma_semaphore, #tpu.memory_space<semaphore_mem>> -> memref<!tpu.dma_semaphore, #tpu.memory_space<semaphore_mem>>
    tpu.enqueue_indirect_dma source(%dma_start3A_133 : memref<1024000x32xi32, #tpu.memory_space<hbm>>) target(%dma_start3A_127 : memref<128x32xi32, #tpu.memory_space<vmem>>) offsets(%dma_start3A_130 : memref<128xi32, #tpu.memory_space<vmem>>) semaphore(%dma_start3A_135 : memref<!tpu.dma_semaphore, #tpu.memory_space<semaphore_mem>>)
    %scan3A = arith.constant 0 : i32
    %scan3A_136 = arith.constant 0 : i32
    %scan3A_137 = arith.constant 25 : i32
    %scan3A_138 = arith.addi %scan3A_136, %scan3A_137 : i32
    %scan3A_139 = arith.constant 1 : i32
    %scan3A_140 = scf.for %scan3A_169 = %scan3A_136 to %scan3A_138 step %scan3A_139 iter_args(%scan3A_170 = %scan3A) -> (i32)  : i32 {
      %mul3A_171 = arith.constant 2 : i32
      %mul3A_172 = arith.muli %scan3A_169, %mul3A_171 : i32
      %add3A_173 = arith.constant 1 : i32
      %add3A_174 = arith.addi %mul3A_172, %add3A_173 : i32
      %mul3A_175 = arith.constant 4 : i32
      %mul3A_176 = arith.muli %add3A_174, %mul3A_175 : i32
      %add3A_177 = arith.constant 0 : i32
      %add3A_178 = arith.addi %mul3A_176, %add3A_177 : i32
      %dma_start3A_179 = arith.constant 1 : i32
      %dma_start3A_180 = arith.constant 1 : i32
      %dma_start3A_181 = arith.constant 0 : i32
      %dma_start3A_182 = arith.constant 0 : i32
      %dma_start3A_183 = tpu.memref_slice %arg9[%dma_start3A_179, %dma_start3A_181, %dma_start3A_182] : memref<2x512x32xi32, #tpu.memory_space<vmem>> -> memref<1x128x32xi32, #tpu.memory_space<vmem>>
      %dma_start3A_184 = tpu.memref_squeeze %dma_start3A_183 : memref<1x128x32xi32, #tpu.memory_space<vmem>> -> memref<128x32xi32, #tpu.memory_space<vmem>>
      %dma_start3A_185 = arith.constant 0 : i32
      %dma_start3A_186 = tpu.memref_slice %arg7[%add3A_178, %dma_start3A_185] : memref<200x128xi32, #tpu.memory_space<vmem>> -> memref<1x128xi32, #tpu.memory_space<vmem>>
      %dma_start3A_187 = tpu.memref_squeeze %dma_start3A_186 : memref<1x128xi32, #tpu.memory_space<vmem>> -> memref<128xi32, #tpu.memory_space<vmem>>
      %dma_start3A_188 = arith.constant 0 : i32
      %dma_start3A_189 = arith.constant 0 : i32
      %dma_start3A_190 = tpu.memref_slice %arg4[%dma_start3A_188, %dma_start3A_189] : memref<1024000x32xi32, #tpu.memory_space<hbm>> -> memref<1024000x32xi32, #tpu.memory_space<hbm>>
      %dma_start3A_191 = tpu.memref_slice %arg13[%dma_start3A_180] : memref<2x!tpu.dma_semaphore, #tpu.memory_space<semaphore_mem>> -> memref<1x!tpu.dma_semaphore, #tpu.memory_space<semaphore_mem>>
      %dma_start3A_192 = tpu.memref_squeeze %dma_start3A_191 : memref<1x!tpu.dma_semaphore, #tpu.memory_space<semaphore_mem>> -> memref<!tpu.dma_semaphore, #tpu.memory_space<semaphore_mem>>
      tpu.enqueue_indirect_dma source(%dma_start3A_190 : memref<1024000x32xi32, #tpu.memory_space<hbm>>) target(%dma_start3A_184 : memref<128x32xi32, #tpu.memory_space<vmem>>) offsets(%dma_start3A_187 : memref<128xi32, #tpu.memory_space<vmem>>) semaphore(%dma_start3A_192 : memref<!tpu.dma_semaphore, #tpu.memory_space<semaphore_mem>>)
      %add3A_193 = arith.constant 0 : i32
      %add3A_194 = arith.addi %mul3A_176, %add3A_193 : i32
      %dma_start3A_195 = arith.constant 1 : i32
      %dma_start3A_196 = arith.constant 1 : i32
      %dma_start3A_197 = arith.constant 0 : i32
      %dma_start3A_198 = arith.constant 0 : i32
      %dma_start3A_199 = tpu.memref_slice %arg10[%dma_start3A_195, %dma_start3A_197, %dma_start3A_198] : memref<2x512x32xi32, #tpu.memory_space<vmem>> -> memref<1x128x32xi32, #tpu.memory_space<vmem>>
      %dma_start3A_200 = tpu.memref_squeeze %dma_start3A_199 : memref<1x128x32xi32, #tpu.memory_space<vmem>> -> memref<128x32xi32, #tpu.memory_space<vmem>>
      %dma_start3A_201 = arith.constant 0 : i32
      %dma_start3A_202 = tpu.memref_slice %arg8[%add3A_194, %dma_start3A_201] : memref<200x128xi32, #tpu.memory_space<vmem>> -> memref<1x128xi32, #tpu.memory_space<vmem>>
      %dma_start3A_203 = tpu.memref_squeeze %dma_start3A_202 : memref<1x128xi32, #tpu.memory_space<vmem>> -> memref<128xi32, #tpu.memory_space<vmem>>
      %dma_start3A_204 = arith.constant 0 : i32
      %dma_start3A_205 = arith.constant 0 : i32
      %dma_start3A_206 = tpu.memref_slice %arg4[%dma_start3A_204, %dma_start3A_205] : memref<1024000x32xi32, #tpu.memory_space<hbm>> -> memref<1024000x32xi32, #tpu.memory_space<hbm>>
      %dma_start3A_207 = tpu.memref_slice %arg13[%dma_start3A_196] : memref<2x!tpu.dma_semaphore, #tpu.memory_space<semaphore_mem>> -> memref<1x!tpu.dma_semaphore, #tpu.memory_space<semaphore_mem>>
      %dma_start3A_208 = tpu.memref_squeeze %dma_start3A_207 : memref<1x!tpu.dma_semaphore, #tpu.memory_space<semaphore_mem>> -> memref<!tpu.dma_semaphore, #tpu.memory_space<semaphore_mem>>
      tpu.enqueue_indirect_dma source(%dma_start3A_206 : memref<1024000x32xi32, #tpu.memory_space<hbm>>) target(%dma_start3A_200 : memref<128x32xi32, #tpu.memory_space<vmem>>) offsets(%dma_start3A_203 : memref<128xi32, #tpu.memory_space<vmem>>) semaphore(%dma_start3A_208 : memref<!tpu.dma_semaphore, #tpu.memory_space<semaphore_mem>>)
      %add3A_209 = arith.constant 1 : i32
      %add3A_210 = arith.addi %mul3A_176, %add3A_209 : i32
      %dma_start3A_211 = arith.constant 1 : i32
      %dma_start3A_212 = arith.constant 1 : i32
      %dma_start3A_213 = arith.constant 128 : i32
      %dma_start3A_214 = arith.constant 0 : i32
      %dma_start3A_215 = tpu.memref_slice %arg9[%dma_start3A_211, %dma_start3A_213, %dma_start3A_214] : memref<2x512x32xi32, #tpu.memory_space<vmem>> -> memref<1x128x32xi32, #tpu.memory_space<vmem>>
      %dma_start3A_216 = tpu.memref_squeeze %dma_start3A_215 : memref<1x128x32xi32, #tpu.memory_space<vmem>> -> memref<128x32xi32, #tpu.memory_space<vmem>>
      %dma_start3A_217 = arith.constant 0 : i32
      %dma_start3A_218 = tpu.memref_slice %arg7[%add3A_210, %dma_start3A_217] : memref<200x128xi32, #tpu.memory_space<vmem>> -> memref<1x128xi32, #tpu.memory_space<vmem>>
      %dma_start3A_219 = tpu.memref_squeeze %dma_start3A_218 : memref<1x128xi32, #tpu.memory_space<vmem>> -> memref<128xi32, #tpu.memory_space<vmem>>
      %dma_start3A_220 = arith.constant 0 : i32
      %dma_start3A_221 = arith.constant 0 : i32
      %dma_start3A_222 = tpu.memref_slice %arg4[%dma_start3A_220, %dma_start3A_221] : memref<1024000x32xi32, #tpu.memory_space<hbm>> -> memref<1024000x32xi32, #tpu.memory_space<hbm>>
      %dma_start3A_223 = tpu.memref_slice %arg13[%dma_start3A_212] : memref<2x!tpu.dma_semaphore, #tpu.memory_space<semaphore_mem>> -> memref<1x!tpu.dma_semaphore, #tpu.memory_space<semaphore_mem>>
      %dma_start3A_224 = tpu.memref_squeeze %dma_start3A_223 : memref<1x!tpu.dma_semaphore, #tpu.memory_space<semaphore_mem>> -> memref<!tpu.dma_semaphore, #tpu.memory_space<semaphore_mem>>
      tpu.enqueue_indirect_dma source(%dma_start3A_222 : memref<1024000x32xi32, #tpu.memory_space<hbm>>) target(%dma_start3A_216 : memref<128x32xi32, #tpu.memory_space<vmem>>) offsets(%dma_start3A_219 : memref<128xi32, #tpu.memory_space<vmem>>) semaphore(%dma_start3A_224 : memref<!tpu.dma_semaphore, #tpu.memory_space<semaphore_mem>>)
      %add3A_225 = arith.constant 1 : i32
      %add3A_226 = arith.addi %mul3A_176, %add3A_225 : i32
      %dma_start3A_227 = arith.constant 1 : i32
      %dma_start3A_228 = arith.constant 1 : i32
      %dma_start3A_229 = arith.constant 128 : i32
      %dma_start3A_230 = arith.constant 0 : i32
      %dma_start3A_231 = tpu.memref_slice %arg10[%dma_start3A_227, %dma_start3A_229, %dma_start3A_230] : memref<2x512x32xi32, #tpu.memory_space<vmem>> -> memref<1x128x32xi32, #tpu.memory_space<vmem>>
      %dma_start3A_232 = tpu.memref_squeeze %dma_start3A_231 : memref<1x128x32xi32, #tpu.memory_space<vmem>> -> memref<128x32xi32, #tpu.memory_space<vmem>>
      %dma_start3A_233 = arith.constant 0 : i32
      %dma_start3A_234 = tpu.memref_slice %arg8[%add3A_226, %dma_start3A_233] : memref<200x128xi32, #tpu.memory_space<vmem>> -> memref<1x128xi32, #tpu.memory_space<vmem>>
      %dma_start3A_235 = tpu.memref_squeeze %dma_start3A_234 : memref<1x128xi32, #tpu.memory_space<vmem>> -> memref<128xi32, #tpu.memory_space<vmem>>
      %dma_start3A_236 = arith.constant 0 : i32
      %dma_start3A_237 = arith.constant 0 : i32
      %dma_start3A_238 = tpu.memref_slice %arg4[%dma_start3A_236, %dma_start3A_237] : memref<1024000x32xi32, #tpu.memory_space<hbm>> -> memref<1024000x32xi32, #tpu.memory_space<hbm>>
      %dma_start3A_239 = tpu.memref_slice %arg13[%dma_start3A_228] : memref<2x!tpu.dma_semaphore, #tpu.memory_space<semaphore_mem>> -> memref<1x!tpu.dma_semaphore, #tpu.memory_space<semaphore_mem>>
      %dma_start3A_240 = tpu.memref_squeeze %dma_start3A_239 : memref<1x!tpu.dma_semaphore, #tpu.memory_space<semaphore_mem>> -> memref<!tpu.dma_semaphore, #tpu.memory_space<semaphore_mem>>
      tpu.enqueue_indirect_dma source(%dma_start3A_238 : memref<1024000x32xi32, #tpu.memory_space<hbm>>) target(%dma_start3A_232 : memref<128x32xi32, #tpu.memory_space<vmem>>) offsets(%dma_start3A_235 : memref<128xi32, #tpu.memory_space<vmem>>) semaphore(%dma_start3A_240 : memref<!tpu.dma_semaphore, #tpu.memory_space<semaphore_mem>>)
      %add3A_241 = arith.constant 2 : i32
      %add3A_242 = arith.addi %mul3A_176, %add3A_241 : i32
      %dma_start3A_243 = arith.constant 1 : i32
      %dma_start3A_244 = arith.constant 1 : i32
      %dma_start3A_245 = arith.constant 256 : i32
      %dma_start3A_246 = arith.constant 0 : i32
      %dma_start3A_247 = tpu.memref_slice %arg9[%dma_start3A_243, %dma_start3A_245, %dma_start3A_246] : memref<2x512x32xi32, #tpu.memory_space<vmem>> -> memref<1x128x32xi32, #tpu.memory_space<vmem>>
      %dma_start3A_248 = tpu.memref_squeeze %dma_start3A_247 : memref<1x128x32xi32, #tpu.memory_space<vmem>> -> memref<128x32xi32, #tpu.memory_space<vmem>>
      %dma_start3A_249 = arith.constant 0 : i32
      %dma_start3A_250 = tpu.memref_slice %arg7[%add3A_242, %dma_start3A_249] : memref<200x128xi32, #tpu.memory_space<vmem>> -> memref<1x128xi32, #tpu.memory_space<vmem>>
      %dma_start3A_251 = tpu.memref_squeeze %dma_start3A_250 : memref<1x128xi32, #tpu.memory_space<vmem>> -> memref<128xi32, #tpu.memory_space<vmem>>
      %dma_start3A_252 = arith.constant 0 : i32
      %dma_start3A_253 = arith.constant 0 : i32
      %dma_start3A_254 = tpu.memref_slice %arg4[%dma_start3A_252, %dma_start3A_253] : memref<1024000x32xi32, #tpu.memory_space<hbm>> -> memref<1024000x32xi32, #tpu.memory_space<hbm>>
      %dma_start3A_255 = tpu.memref_slice %arg13[%dma_start3A_244] : memref<2x!tpu.dma_semaphore, #tpu.memory_space<semaphore_mem>> -> memref<1x!tpu.dma_semaphore, #tpu.memory_space<semaphore_mem>>
      %dma_start3A_256 = tpu.memref_squeeze %dma_start3A_255 : memref<1x!tpu.dma_semaphore, #tpu.memory_space<semaphore_mem>> -> memref<!tpu.dma_semaphore, #tpu.memory_space<semaphore_mem>>
      tpu.enqueue_indirect_dma source(%dma_start3A_254 : memref<1024000x32xi32, #tpu.memory_space<hbm>>) target(%dma_start3A_248 : memref<128x32xi32, #tpu.memory_space<vmem>>) offsets(%dma_start3A_251 : memref<128xi32, #tpu.memory_space<vmem>>) semaphore(%dma_start3A_256 : memref<!tpu.dma_semaphore, #tpu.memory_space<semaphore_mem>>)
      %add3A_257 = arith.constant 2 : i32
      %add3A_258 = arith.addi %mul3A_176, %add3A_257 : i32
      %dma_start3A_259 = arith.constant 1 : i32
      %dma_start3A_260 = arith.constant 1 : i32
      %dma_start3A_261 = arith.constant 256 : i32
      %dma_start3A_262 = arith.constant 0 : i32
      %dma_start3A_263 = tpu.memref_slice %arg10[%dma_start3A_259, %dma_start3A_261, %dma_start3A_262] : memref<2x512x32xi32, #tpu.memory_space<vmem>> -> memref<1x128x32xi32, #tpu.memory_space<vmem>>
      %dma_start3A_264 = tpu.memref_squeeze %dma_start3A_263 : memref<1x128x32xi32, #tpu.memory_space<vmem>> -> memref<128x32xi32, #tpu.memory_space<vmem>>
      %dma_start3A_265 = arith.constant 0 : i32
      %dma_start3A_266 = tpu.memref_slice %arg8[%add3A_258, %dma_start3A_265] : memref<200x128xi32, #tpu.memory_space<vmem>> -> memref<1x128xi32, #tpu.memory_space<vmem>>
      %dma_start3A_267 = tpu.memref_squeeze %dma_start3A_266 : memref<1x128xi32, #tpu.memory_space<vmem>> -> memref<128xi32, #tpu.memory_space<vmem>>
      %dma_start3A_268 = arith.constant 0 : i32
      %dma_start3A_269 = arith.constant 0 : i32
      %dma_start3A_270 = tpu.memref_slice %arg4[%dma_start3A_268, %dma_start3A_269] : memref<1024000x32xi32, #tpu.memory_space<hbm>> -> memref<1024000x32xi32, #tpu.memory_space<hbm>>
      %dma_start3A_271 = tpu.memref_slice %arg13[%dma_start3A_260] : memref<2x!tpu.dma_semaphore, #tpu.memory_space<semaphore_mem>> -> memref<1x!tpu.dma_semaphore, #tpu.memory_space<semaphore_mem>>
      %dma_start3A_272 = tpu.memref_squeeze %dma_start3A_271 : memref<1x!tpu.dma_semaphore, #tpu.memory_space<semaphore_mem>> -> memref<!tpu.dma_semaphore, #tpu.memory_space<semaphore_mem>>
      tpu.enqueue_indirect_dma source(%dma_start3A_270 : memref<1024000x32xi32, #tpu.memory_space<hbm>>) target(%dma_start3A_264 : memref<128x32xi32, #tpu.memory_space<vmem>>) offsets(%dma_start3A_267 : memref<128xi32, #tpu.memory_space<vmem>>) semaphore(%dma_start3A_272 : memref<!tpu.dma_semaphore, #tpu.memory_space<semaphore_mem>>)
      %add3A_273 = arith.constant 3 : i32
      %add3A_274 = arith.addi %mul3A_176, %add3A_273 : i32
      %dma_start3A_275 = arith.constant 1 : i32
      %dma_start3A_276 = arith.constant 1 : i32
      %dma_start3A_277 = arith.constant 384 : i32
      %dma_start3A_278 = arith.constant 0 : i32
      %dma_start3A_279 = tpu.memref_slice %arg9[%dma_start3A_275, %dma_start3A_277, %dma_start3A_278] : memref<2x512x32xi32, #tpu.memory_space<vmem>> -> memref<1x128x32xi32, #tpu.memory_space<vmem>>
      %dma_start3A_280 = tpu.memref_squeeze %dma_start3A_279 : memref<1x128x32xi32, #tpu.memory_space<vmem>> -> memref<128x32xi32, #tpu.memory_space<vmem>>
      %dma_start3A_281 = arith.constant 0 : i32
      %dma_start3A_282 = tpu.memref_slice %arg7[%add3A_274, %dma_start3A_281] : memref<200x128xi32, #tpu.memory_space<vmem>> -> memref<1x128xi32, #tpu.memory_space<vmem>>
      %dma_start3A_283 = tpu.memref_squeeze %dma_start3A_282 : memref<1x128xi32, #tpu.memory_space<vmem>> -> memref<128xi32, #tpu.memory_space<vmem>>
      %dma_start3A_284 = arith.constant 0 : i32
      %dma_start3A_285 = arith.constant 0 : i32
      %dma_start3A_286 = tpu.memref_slice %arg4[%dma_start3A_284, %dma_start3A_285] : memref<1024000x32xi32, #tpu.memory_space<hbm>> -> memref<1024000x32xi32, #tpu.memory_space<hbm>>
      %dma_start3A_287 = tpu.memref_slice %arg13[%dma_start3A_276] : memref<2x!tpu.dma_semaphore, #tpu.memory_space<semaphore_mem>> -> memref<1x!tpu.dma_semaphore, #tpu.memory_space<semaphore_mem>>
      %dma_start3A_288 = tpu.memref_squeeze %dma_start3A_287 : memref<1x!tpu.dma_semaphore, #tpu.memory_space<semaphore_mem>> -> memref<!tpu.dma_semaphore, #tpu.memory_space<semaphore_mem>>
      tpu.enqueue_indirect_dma source(%dma_start3A_286 : memref<1024000x32xi32, #tpu.memory_space<hbm>>) target(%dma_start3A_280 : memref<128x32xi32, #tpu.memory_space<vmem>>) offsets(%dma_start3A_283 : memref<128xi32, #tpu.memory_space<vmem>>) semaphore(%dma_start3A_288 : memref<!tpu.dma_semaphore, #tpu.memory_space<semaphore_mem>>)
      %add3A_289 = arith.constant 3 : i32
      %add3A_290 = arith.addi %mul3A_176, %add3A_289 : i32
      %dma_start3A_291 = arith.constant 1 : i32
      %dma_start3A_292 = arith.constant 1 : i32
      %dma_start3A_293 = arith.constant 384 : i32
      %dma_start3A_294 = arith.constant 0 : i32
      %dma_start3A_295 = tpu.memref_slice %arg10[%dma_start3A_291, %dma_start3A_293, %dma_start3A_294] : memref<2x512x32xi32, #tpu.memory_space<vmem>> -> memref<1x128x32xi32, #tpu.memory_space<vmem>>
      %dma_start3A_296 = tpu.memref_squeeze %dma_start3A_295 : memref<1x128x32xi32, #tpu.memory_space<vmem>> -> memref<128x32xi32, #tpu.memory_space<vmem>>
      %dma_start3A_297 = arith.constant 0 : i32
      %dma_start3A_298 = tpu.memref_slice %arg8[%add3A_290, %dma_start3A_297] : memref<200x128xi32, #tpu.memory_space<vmem>> -> memref<1x128xi32, #tpu.memory_space<vmem>>
      %dma_start3A_299 = tpu.memref_squeeze %dma_start3A_298 : memref<1x128xi32, #tpu.memory_space<vmem>> -> memref<128xi32, #tpu.memory_space<vmem>>
      %dma_start3A_300 = arith.constant 0 : i32
      %dma_start3A_301 = arith.constant 0 : i32
      %dma_start3A_302 = tpu.memref_slice %arg4[%dma_start3A_300, %dma_start3A_301] : memref<1024000x32xi32, #tpu.memory_space<hbm>> -> memref<1024000x32xi32, #tpu.memory_space<hbm>>
      %dma_start3A_303 = tpu.memref_slice %arg13[%dma_start3A_292] : memref<2x!tpu.dma_semaphore, #tpu.memory_space<semaphore_mem>> -> memref<1x!tpu.dma_semaphore, #tpu.memory_space<semaphore_mem>>
      %dma_start3A_304 = tpu.memref_squeeze %dma_start3A_303 : memref<1x!tpu.dma_semaphore, #tpu.memory_space<semaphore_mem>> -> memref<!tpu.dma_semaphore, #tpu.memory_space<semaphore_mem>>
      tpu.enqueue_indirect_dma source(%dma_start3A_302 : memref<1024000x32xi32, #tpu.memory_space<hbm>>) target(%dma_start3A_296 : memref<128x32xi32, #tpu.memory_space<vmem>>) offsets(%dma_start3A_299 : memref<128xi32, #tpu.memory_space<vmem>>) semaphore(%dma_start3A_304 : memref<!tpu.dma_semaphore, #tpu.memory_space<semaphore_mem>>)
      %mul3A_305 = arith.constant 4 : i32
      %mul3A_306 = arith.muli %mul3A_172, %mul3A_305 : i32
      %add3A_307 = arith.constant 0 : i32
      %add3A_308 = arith.addi %mul3A_306, %add3A_307 : i32
      %dma_wait3A_309 = arith.constant 0 : i32
      %dma_wait3A_310 = arith.constant 0 : i32
      %dma_wait3A_311 = arith.constant 0 : i32
      %dma_wait3A_312 = arith.constant 0 : i32
      %dma_wait3A_313 = tpu.memref_slice %arg9[%dma_wait3A_309, %dma_wait3A_311, %dma_wait3A_312] : memref<2x512x32xi32, #tpu.memory_space<vmem>> -> memref<1x128x32xi32, #tpu.memory_space<vmem>>
      %dma_wait3A_314 = tpu.memref_squeeze %dma_wait3A_313 : memref<1x128x32xi32, #tpu.memory_space<vmem>> -> memref<128x32xi32, #tpu.memory_space<vmem>>
      %dma_wait3A_315 = arith.constant 0 : i32
      %dma_wait3A_316 = tpu.memref_slice %arg7[%add3A_308, %dma_wait3A_315] : memref<200x128xi32, #tpu.memory_space<vmem>> -> memref<1x128xi32, #tpu.memory_space<vmem>>
      %dma_wait3A_317 = tpu.memref_squeeze %dma_wait3A_316 : memref<1x128xi32, #tpu.memory_space<vmem>> -> memref<128xi32, #tpu.memory_space<vmem>>
      %dma_wait3A_318 = arith.constant 0 : i32
      %dma_wait3A_319 = arith.constant 0 : i32
      %dma_wait3A_320 = tpu.memref_slice %arg4[%dma_wait3A_318, %dma_wait3A_319] : memref<1024000x32xi32, #tpu.memory_space<hbm>> -> memref<1024000x32xi32, #tpu.memory_space<hbm>>
      %dma_wait3A_321 = tpu.memref_slice %arg13[%dma_wait3A_310] : memref<2x!tpu.dma_semaphore, #tpu.memory_space<semaphore_mem>> -> memref<1x!tpu.dma_semaphore, #tpu.memory_space<semaphore_mem>>
      %dma_wait3A_322 = tpu.memref_squeeze %dma_wait3A_321 : memref<1x!tpu.dma_semaphore, #tpu.memory_space<semaphore_mem>> -> memref<!tpu.dma_semaphore, #tpu.memory_space<semaphore_mem>>
      tpu.wait_indirect_dma semaphore(%dma_wait3A_322 : memref<!tpu.dma_semaphore, #tpu.memory_space<semaphore_mem>>) src(%dma_wait3A_320 : memref<1024000x32xi32, #tpu.memory_space<hbm>>) dst(%dma_wait3A_314 : memref<128x32xi32, #tpu.memory_space<vmem>>)
      %add3A_323 = arith.constant 0 : i32
      %add3A_324 = arith.addi %mul3A_306, %add3A_323 : i32
      %dma_wait3A_325 = arith.constant 0 : i32
      %dma_wait3A_326 = arith.constant 0 : i32
      %dma_wait3A_327 = arith.constant 0 : i32
      %dma_wait3A_328 = arith.constant 0 : i32
      %dma_wait3A_329 = tpu.memref_slice %arg10[%dma_wait3A_325, %dma_wait3A_327, %dma_wait3A_328] : memref<2x512x32xi32, #tpu.memory_space<vmem>> -> memref<1x128x32xi32, #tpu.memory_space<vmem>>
      %dma_wait3A_330 = tpu.memref_squeeze %dma_wait3A_329 : memref<1x128x32xi32, #tpu.memory_space<vmem>> -> memref<128x32xi32, #tpu.memory_space<vmem>>
      %dma_wait3A_331 = arith.constant 0 : i32
      %dma_wait3A_332 = tpu.memref_slice %arg8[%add3A_324, %dma_wait3A_331] : memref<200x128xi32, #tpu.memory_space<vmem>> -> memref<1x128xi32, #tpu.memory_space<vmem>>
      %dma_wait3A_333 = tpu.memref_squeeze %dma_wait3A_332 : memref<1x128xi32, #tpu.memory_space<vmem>> -> memref<128xi32, #tpu.memory_space<vmem>>
      %dma_wait3A_334 = arith.constant 0 : i32
      %dma_wait3A_335 = arith.constant 0 : i32
      %dma_wait3A_336 = tpu.memref_slice %arg4[%dma_wait3A_334, %dma_wait3A_335] : memref<1024000x32xi32, #tpu.memory_space<hbm>> -> memref<1024000x32xi32, #tpu.memory_space<hbm>>
      %dma_wait3A_337 = tpu.memref_slice %arg13[%dma_wait3A_326] : memref<2x!tpu.dma_semaphore, #tpu.memory_space<semaphore_mem>> -> memref<1x!tpu.dma_semaphore, #tpu.memory_space<semaphore_mem>>
      %dma_wait3A_338 = tpu.memref_squeeze %dma_wait3A_337 : memref<1x!tpu.dma_semaphore, #tpu.memory_space<semaphore_mem>> -> memref<!tpu.dma_semaphore, #tpu.memory_space<semaphore_mem>>
      tpu.wait_indirect_dma semaphore(%dma_wait3A_338 : memref<!tpu.dma_semaphore, #tpu.memory_space<semaphore_mem>>) src(%dma_wait3A_336 : memref<1024000x32xi32, #tpu.memory_space<hbm>>) dst(%dma_wait3A_330 : memref<128x32xi32, #tpu.memory_space<vmem>>)
      %add3A_339 = arith.constant 1 : i32
      %add3A_340 = arith.addi %mul3A_306, %add3A_339 : i32
      %dma_wait3A_341 = arith.constant 0 : i32
      %dma_wait3A_342 = arith.constant 0 : i32
      %dma_wait3A_343 = arith.constant 128 : i32
      %dma_wait3A_344 = arith.constant 0 : i32
      %dma_wait3A_345 = tpu.memref_slice %arg9[%dma_wait3A_341, %dma_wait3A_343, %dma_wait3A_344] : memref<2x512x32xi32, #tpu.memory_space<vmem>> -> memref<1x128x32xi32, #tpu.memory_space<vmem>>
      %dma_wait3A_346 = tpu.memref_squeeze %dma_wait3A_345 : memref<1x128x32xi32, #tpu.memory_space<vmem>> -> memref<128x32xi32, #tpu.memory_space<vmem>>
      %dma_wait3A_347 = arith.constant 0 : i32
      %dma_wait3A_348 = tpu.memref_slice %arg7[%add3A_340, %dma_wait3A_347] : memref<200x128xi32, #tpu.memory_space<vmem>> -> memref<1x128xi32, #tpu.memory_space<vmem>>
      %dma_wait3A_349 = tpu.memref_squeeze %dma_wait3A_348 : memref<1x128xi32, #tpu.memory_space<vmem>> -> memref<128xi32, #tpu.memory_space<vmem>>
      %dma_wait3A_350 = arith.constant 0 : i32
      %dma_wait3A_351 = arith.constant 0 : i32
      %dma_wait3A_352 = tpu.memref_slice %arg4[%dma_wait3A_350, %dma_wait3A_351] : memref<1024000x32xi32, #tpu.memory_space<hbm>> -> memref<1024000x32xi32, #tpu.memory_space<hbm>>
      %dma_wait3A_353 = tpu.memref_slice %arg13[%dma_wait3A_342] : memref<2x!tpu.dma_semaphore, #tpu.memory_space<semaphore_mem>> -> memref<1x!tpu.dma_semaphore, #tpu.memory_space<semaphore_mem>>
      %dma_wait3A_354 = tpu.memref_squeeze %dma_wait3A_353 : memref<1x!tpu.dma_semaphore, #tpu.memory_space<semaphore_mem>> -> memref<!tpu.dma_semaphore, #tpu.memory_space<semaphore_mem>>
      tpu.wait_indirect_dma semaphore(%dma_wait3A_354 : memref<!tpu.dma_semaphore, #tpu.memory_space<semaphore_mem>>) src(%dma_wait3A_352 : memref<1024000x32xi32, #tpu.memory_space<hbm>>) dst(%dma_wait3A_346 : memref<128x32xi32, #tpu.memory_space<vmem>>)
      %add3A_355 = arith.constant 1 : i32
      %add3A_356 = arith.addi %mul3A_306, %add3A_355 : i32
      %dma_wait3A_357 = arith.constant 0 : i32
      %dma_wait3A_358 = arith.constant 0 : i32
      %dma_wait3A_359 = arith.constant 128 : i32
      %dma_wait3A_360 = arith.constant 0 : i32
      %dma_wait3A_361 = tpu.memref_slice %arg10[%dma_wait3A_357, %dma_wait3A_359, %dma_wait3A_360] : memref<2x512x32xi32, #tpu.memory_space<vmem>> -> memref<1x128x32xi32, #tpu.memory_space<vmem>>
      %dma_wait3A_362 = tpu.memref_squeeze %dma_wait3A_361 : memref<1x128x32xi32, #tpu.memory_space<vmem>> -> memref<128x32xi32, #tpu.memory_space<vmem>>
      %dma_wait3A_363 = arith.constant 0 : i32
      %dma_wait3A_364 = tpu.memref_slice %arg8[%add3A_356, %dma_wait3A_363] : memref<200x128xi32, #tpu.memory_space<vmem>> -> memref<1x128xi32, #tpu.memory_space<vmem>>
      %dma_wait3A_365 = tpu.memref_squeeze %dma_wait3A_364 : memref<1x128xi32, #tpu.memory_space<vmem>> -> memref<128xi32, #tpu.memory_space<vmem>>
      %dma_wait3A_366 = arith.constant 0 : i32
      %dma_wait3A_367 = arith.constant 0 : i32
      %dma_wait3A_368 = tpu.memref_slice %arg4[%dma_wait3A_366, %dma_wait3A_367] : memref<1024000x32xi32, #tpu.memory_space<hbm>> -> memref<1024000x32xi32, #tpu.memory_space<hbm>>
      %dma_wait3A_369 = tpu.memref_slice %arg13[%dma_wait3A_358] : memref<2x!tpu.dma_semaphore, #tpu.memory_space<semaphore_mem>> -> memref<1x!tpu.dma_semaphore, #tpu.memory_space<semaphore_mem>>
      %dma_wait3A_370 = tpu.memref_squeeze %dma_wait3A_369 : memref<1x!tpu.dma_semaphore, #tpu.memory_space<semaphore_mem>> -> memref<!tpu.dma_semaphore, #tpu.memory_space<semaphore_mem>>
      tpu.wait_indirect_dma semaphore(%dma_wait3A_370 : memref<!tpu.dma_semaphore, #tpu.memory_space<semaphore_mem>>) src(%dma_wait3A_368 : memref<1024000x32xi32, #tpu.memory_space<hbm>>) dst(%dma_wait3A_362 : memref<128x32xi32, #tpu.memory_space<vmem>>)
      %add3A_371 = arith.constant 2 : i32
      %add3A_372 = arith.addi %mul3A_306, %add3A_371 : i32
      %dma_wait3A_373 = arith.constant 0 : i32
      %dma_wait3A_374 = arith.constant 0 : i32
      %dma_wait3A_375 = arith.constant 256 : i32
      %dma_wait3A_376 = arith.constant 0 : i32
      %dma_wait3A_377 = tpu.memref_slice %arg9[%dma_wait3A_373, %dma_wait3A_375, %dma_wait3A_376] : memref<2x512x32xi32, #tpu.memory_space<vmem>> -> memref<1x128x32xi32, #tpu.memory_space<vmem>>
      %dma_wait3A_378 = tpu.memref_squeeze %dma_wait3A_377 : memref<1x128x32xi32, #tpu.memory_space<vmem>> -> memref<128x32xi32, #tpu.memory_space<vmem>>
      %dma_wait3A_379 = arith.constant 0 : i32
      %dma_wait3A_380 = tpu.memref_slice %arg7[%add3A_372, %dma_wait3A_379] : memref<200x128xi32, #tpu.memory_space<vmem>> -> memref<1x128xi32, #tpu.memory_space<vmem>>
      %dma_wait3A_381 = tpu.memref_squeeze %dma_wait3A_380 : memref<1x128xi32, #tpu.memory_space<vmem>> -> memref<128xi32, #tpu.memory_space<vmem>>
      %dma_wait3A_382 = arith.constant 0 : i32
      %dma_wait3A_383 = arith.constant 0 : i32
      %dma_wait3A_384 = tpu.memref_slice %arg4[%dma_wait3A_382, %dma_wait3A_383] : memref<1024000x32xi32, #tpu.memory_space<hbm>> -> memref<1024000x32xi32, #tpu.memory_space<hbm>>
      %dma_wait3A_385 = tpu.memref_slice %arg13[%dma_wait3A_374] : memref<2x!tpu.dma_semaphore, #tpu.memory_space<semaphore_mem>> -> memref<1x!tpu.dma_semaphore, #tpu.memory_space<semaphore_mem>>
      %dma_wait3A_386 = tpu.memref_squeeze %dma_wait3A_385 : memref<1x!tpu.dma_semaphore, #tpu.memory_space<semaphore_mem>> -> memref<!tpu.dma_semaphore, #tpu.memory_space<semaphore_mem>>
      tpu.wait_indirect_dma semaphore(%dma_wait3A_386 : memref<!tpu.dma_semaphore, #tpu.memory_space<semaphore_mem>>) src(%dma_wait3A_384 : memref<1024000x32xi32, #tpu.memory_space<hbm>>) dst(%dma_wait3A_378 : memref<128x32xi32, #tpu.memory_space<vmem>>)
      %add3A_387 = arith.constant 2 : i32
      %add3A_388 = arith.addi %mul3A_306, %add3A_387 : i32
      %dma_wait3A_389 = arith.constant 0 : i32
      %dma_wait3A_390 = arith.constant 0 : i32
      %dma_wait3A_391 = arith.constant 256 : i32
      %dma_wait3A_392 = arith.constant 0 : i32
      %dma_wait3A_393 = tpu.memref_slice %arg10[%dma_wait3A_389, %dma_wait3A_391, %dma_wait3A_392] : memref<2x512x32xi32, #tpu.memory_space<vmem>> -> memref<1x128x32xi32, #tpu.memory_space<vmem>>
      %dma_wait3A_394 = tpu.memref_squeeze %dma_wait3A_393 : memref<1x128x32xi32, #tpu.memory_space<vmem>> -> memref<128x32xi32, #tpu.memory_space<vmem>>
      %dma_wait3A_395 = arith.constant 0 : i32
      %dma_wait3A_396 = tpu.memref_slice %arg8[%add3A_388, %dma_wait3A_395] : memref<200x128xi32, #tpu.memory_space<vmem>> -> memref<1x128xi32, #tpu.memory_space<vmem>>
      %dma_wait3A_397 = tpu.memref_squeeze %dma_wait3A_396 : memref<1x128xi32, #tpu.memory_space<vmem>> -> memref<128xi32, #tpu.memory_space<vmem>>
      %dma_wait3A_398 = arith.constant 0 : i32
      %dma_wait3A_399 = arith.constant 0 : i32
      %dma_wait3A_400 = tpu.memref_slice %arg4[%dma_wait3A_398, %dma_wait3A_399] : memref<1024000x32xi32, #tpu.memory_space<hbm>> -> memref<1024000x32xi32, #tpu.memory_space<hbm>>
      %dma_wait3A_401 = tpu.memref_slice %arg13[%dma_wait3A_390] : memref<2x!tpu.dma_semaphore, #tpu.memory_space<semaphore_mem>> -> memref<1x!tpu.dma_semaphore, #tpu.memory_space<semaphore_mem>>
      %dma_wait3A_402 = tpu.memref_squeeze %dma_wait3A_401 : memref<1x!tpu.dma_semaphore, #tpu.memory_space<semaphore_mem>> -> memref<!tpu.dma_semaphore, #tpu.memory_space<semaphore_mem>>
      tpu.wait_indirect_dma semaphore(%dma_wait3A_402 : memref<!tpu.dma_semaphore, #tpu.memory_space<semaphore_mem>>) src(%dma_wait3A_400 : memref<1024000x32xi32, #tpu.memory_space<hbm>>) dst(%dma_wait3A_394 : memref<128x32xi32, #tpu.memory_space<vmem>>)
      %add3A_403 = arith.constant 3 : i32
      %add3A_404 = arith.addi %mul3A_306, %add3A_403 : i32
      %dma_wait3A_405 = arith.constant 0 : i32
      %dma_wait3A_406 = arith.constant 0 : i32
      %dma_wait3A_407 = arith.constant 384 : i32
      %dma_wait3A_408 = arith.constant 0 : i32
      %dma_wait3A_409 = tpu.memref_slice %arg9[%dma_wait3A_405, %dma_wait3A_407, %dma_wait3A_408] : memref<2x512x32xi32, #tpu.memory_space<vmem>> -> memref<1x128x32xi32, #tpu.memory_space<vmem>>
      %dma_wait3A_410 = tpu.memref_squeeze %dma_wait3A_409 : memref<1x128x32xi32, #tpu.memory_space<vmem>> -> memref<128x32xi32, #tpu.memory_space<vmem>>
      %dma_wait3A_411 = arith.constant 0 : i32
      %dma_wait3A_412 = tpu.memref_slice %arg7[%add3A_404, %dma_wait3A_411] : memref<200x128xi32, #tpu.memory_space<vmem>> -> memref<1x128xi32, #tpu.memory_space<vmem>>
      %dma_wait3A_413 = tpu.memref_squeeze %dma_wait3A_412 : memref<1x128xi32, #tpu.memory_space<vmem>> -> memref<128xi32, #tpu.memory_space<vmem>>
      %dma_wait3A_414 = arith.constant 0 : i32
      %dma_wait3A_415 = arith.constant 0 : i32
      %dma_wait3A_416 = tpu.memref_slice %arg4[%dma_wait3A_414, %dma_wait3A_415] : memref<1024000x32xi32, #tpu.memory_space<hbm>> -> memref<1024000x32xi32, #tpu.memory_space<hbm>>
      %dma_wait3A_417 = tpu.memref_slice %arg13[%dma_wait3A_406] : memref<2x!tpu.dma_semaphore, #tpu.memory_space<semaphore_mem>> -> memref<1x!tpu.dma_semaphore, #tpu.memory_space<semaphore_mem>>
      %dma_wait3A_418 = tpu.memref_squeeze %dma_wait3A_417 : memref<1x!tpu.dma_semaphore, #tpu.memory_space<semaphore_mem>> -> memref<!tpu.dma_semaphore, #tpu.memory_space<semaphore_mem>>
      tpu.wait_indirect_dma semaphore(%dma_wait3A_418 : memref<!tpu.dma_semaphore, #tpu.memory_space<semaphore_mem>>) src(%dma_wait3A_416 : memref<1024000x32xi32, #tpu.memory_space<hbm>>) dst(%dma_wait3A_410 : memref<128x32xi32, #tpu.memory_space<vmem>>)
      %add3A_419 = arith.constant 3 : i32
      %add3A_420 = arith.addi %mul3A_306, %add3A_419 : i32
      %dma_wait3A_421 = arith.constant 0 : i32
      %dma_wait3A_422 = arith.constant 0 : i32
      %dma_wait3A_423 = arith.constant 384 : i32
      %dma_wait3A_424 = arith.constant 0 : i32
      %dma_wait3A_425 = tpu.memref_slice %arg10[%dma_wait3A_421, %dma_wait3A_423, %dma_wait3A_424] : memref<2x512x32xi32, #tpu.memory_space<vmem>> -> memref<1x128x32xi32, #tpu.memory_space<vmem>>
      %dma_wait3A_426 = tpu.memref_squeeze %dma_wait3A_425 : memref<1x128x32xi32, #tpu.memory_space<vmem>> -> memref<128x32xi32, #tpu.memory_space<vmem>>
      %dma_wait3A_427 = arith.constant 0 : i32
      %dma_wait3A_428 = tpu.memref_slice %arg8[%add3A_420, %dma_wait3A_427] : memref<200x128xi32, #tpu.memory_space<vmem>> -> memref<1x128xi32, #tpu.memory_space<vmem>>
      %dma_wait3A_429 = tpu.memref_squeeze %dma_wait3A_428 : memref<1x128xi32, #tpu.memory_space<vmem>> -> memref<128xi32, #tpu.memory_space<vmem>>
      %dma_wait3A_430 = arith.constant 0 : i32
      %dma_wait3A_431 = arith.constant 0 : i32
      %dma_wait3A_432 = tpu.memref_slice %arg4[%dma_wait3A_430, %dma_wait3A_431] : memref<1024000x32xi32, #tpu.memory_space<hbm>> -> memref<1024000x32xi32, #tpu.memory_space<hbm>>
      %dma_wait3A_433 = tpu.memref_slice %arg13[%dma_wait3A_422] : memref<2x!tpu.dma_semaphore, #tpu.memory_space<semaphore_mem>> -> memref<1x!tpu.dma_semaphore, #tpu.memory_space<semaphore_mem>>
      %dma_wait3A_434 = tpu.memref_squeeze %dma_wait3A_433 : memref<1x!tpu.dma_semaphore, #tpu.memory_space<semaphore_mem>> -> memref<!tpu.dma_semaphore, #tpu.memory_space<semaphore_mem>>
      tpu.wait_indirect_dma semaphore(%dma_wait3A_434 : memref<!tpu.dma_semaphore, #tpu.memory_space<semaphore_mem>>) src(%dma_wait3A_432 : memref<1024000x32xi32, #tpu.memory_space<hbm>>) dst(%dma_wait3A_426 : memref<128x32xi32, #tpu.memory_space<vmem>>)
      %ge3A = arith.constant 2 : i32
      %ge3A_435 = arith.cmpi sge, %mul3A_172, %ge3A : i32
      %convert_element_type3A = arith.extui %ge3A_435 : i1 to i32
      %cond3A = arith.constant 0 : i32
      %cond3A_436 = arith.cmpi ne, %convert_element_type3A, %cond3A : i32
      scf.if %cond3A_436 {
        %sub3A = arith.constant 2 : i32
        %sub3A_641 = arith.subi %mul3A_172, %sub3A : i32
        %mul3A_642 = arith.constant 512 : i32
        %mul3A_643 = arith.muli %sub3A_641, %mul3A_642 : i32
        %add3A_644 = arith.addi %mul3A_16, %mul3A_643 : i32
        %dma_wait3A_645 = arith.constant 0 : i32
        %dma_wait3A_646 = arith.constant 0 : i32
        %dma_wait3A_647 = arith.constant 0 : i32
        %dma_wait3A_648 = tpu.memref_slice %arg11[%dma_wait3A_645, %dma_wait3A_647] : memref<2x528xf32, #tpu.memory_space<vmem>> -> memref<1x512xf32, #tpu.memory_space<vmem>>
        %dma_wait3A_649 = tpu.memref_squeeze %dma_wait3A_648 : memref<1x512xf32, #tpu.memory_space<vmem>> -> memref<512xf32, #tpu.memory_space<vmem>>
        %dma_wait3A_650 = tpu.memref_slice %arg6[%add3A_644] : memref<819200xf32, #tpu.memory_space<hbm>> -> memref<512xf32, #tpu.memory_space<hbm>>
        %dma_wait3A_651 = tpu.memref_slice %arg14[%dma_wait3A_646] : memref<2x!tpu.dma_semaphore, #tpu.memory_space<semaphore_mem>> -> memref<1x!tpu.dma_semaphore, #tpu.memory_space<semaphore_mem>>
        %dma_wait3A_652 = tpu.memref_squeeze %dma_wait3A_651 : memref<1x!tpu.dma_semaphore, #tpu.memory_space<semaphore_mem>> -> memref<!tpu.dma_semaphore, #tpu.memory_space<semaphore_mem>>
        %dma_wait3A_653 = tpu.memref_slice %arg6[%add3A_644] : memref<819200xf32, #tpu.memory_space<hbm>> -> memref<512xf32, #tpu.memory_space<hbm>>
        %dma_wait3A_654 = arith.constant 0 : i32
        %dma_wait3A_655 = tpu.memref_slice %arg11[%dma_wait3A_645, %dma_wait3A_654] : memref<2x528xf32, #tpu.memory_space<vmem>> -> memref<1x512xf32, #tpu.memory_space<vmem>>
        %dma_wait3A_656 = tpu.memref_squeeze %dma_wait3A_655 : memref<1x512xf32, #tpu.memory_space<vmem>> -> memref<512xf32, #tpu.memory_space<vmem>>
        tpu.wait_dma2 semaphore(%dma_wait3A_652 : memref<!tpu.dma_semaphore, #tpu.memory_space<semaphore_mem>>) src(%dma_wait3A_656 : memref<512xf32, #tpu.memory_space<vmem>>) dst(%dma_wait3A_653 : memref<512xf32, #tpu.memory_space<hbm>>)
      } else {
      }
      %scan3A_437 = arith.constant 0 : i32
      %scan3A_438 = arith.constant 0 : i32
      %scan3A_439 = arith.constant 32 : i32
      %scan3A_440 = arith.addi %scan3A_438, %scan3A_439 : i32
      %scan3A_441 = arith.constant 1 : i32
      %scan3A_442 = scf.for %scan3A_641 = %scan3A_438 to %scan3A_440 step %scan3A_441 iter_args(%scan3A_642 = %scan3A_437) -> (i32)  : i32 {
        %mul3A_643 = arith.constant 16 : i32
        %mul3A_644 = arith.muli %scan3A_641, %mul3A_643 : i32
        %add3A_645 = arith.constant 0 : i32
        %add3A_646 = arith.addi %mul3A_644, %add3A_645 : i32
        %get3A_647 = arith.constant 0 : i32
        %get3A_648 = arith.index_cast %get3A_647 : i32 to index
        %get3A_649 = arith.index_cast %add3A_646 : i32 to index
        %get3A_650 = arith.constant 0 : index
        %get3A_651 = tpu.vector_load %arg9[%get3A_648, %get3A_649, %get3A_650] {strides = array<i32>} : memref<2x512x32xi32, #tpu.memory_space<vmem>>, vector<16xi32>,
        %shift_left3A = arith.constant 16 : i32
        %shift_left3A_652 = vector.broadcast %shift_left3A : i32 to vector<16xi32>
        %shift_left3A_653 = arith.shli %get3A_651, %shift_left3A_652 : vector<16xi32>
        %bitcast3A = vector.bitcast %shift_left3A_653 : vector<16xi32> to vector<16xf32>
        %and3A = arith.andi %get3A_651, %broadcast_in_dim3A_12 : vector<16xi32>
        %bitcast3A_654 = vector.bitcast %and3A : vector<16xi32> to vector<16xf32>
        %get3A_655 = arith.constant 0 : i32
        %get3A_656 = arith.index_cast %get3A_655 : i32 to index
        %get3A_657 = arith.index_cast %add3A_646 : i32 to index
        %get3A_658 = arith.constant 16 : index
        %get3A_659 = tpu.vector_load %arg9[%get3A_656, %get3A_657, %get3A_658] {strides = array<i32>} : memref<2x512x32xi32, #tpu.memory_space<vmem>>, vector<16xi32>,
        %shift_left3A_660 = arith.constant 16 : i32
        %shift_left3A_661 = vector.broadcast %shift_left3A_660 : i32 to vector<16xi32>
        %shift_left3A_662 = arith.shli %get3A_659, %shift_left3A_661 : vector<16xi32>
        %bitcast3A_663 = vector.bitcast %shift_left3A_662 : vector<16xi32> to vector<16xf32>
        %and3A_664 = arith.andi %get3A_659, %broadcast_in_dim3A_12 : vector<16xi32>
        %bitcast3A_665 = vector.bitcast %and3A_664 : vector<16xi32> to vector<16xf32>
        %get3A_666 = arith.constant 0 : i32
        %get3A_667 = arith.index_cast %get3A_666 : i32 to index
        %get3A_668 = arith.index_cast %add3A_646 : i32 to index
        %get3A_669 = arith.constant 0 : index
        %get3A_670 = tpu.vector_load %arg10[%get3A_667, %get3A_668, %get3A_669] {strides = array<i32>} : memref<2x512x32xi32, #tpu.memory_space<vmem>>, vector<16xi32>,
        %shift_left3A_671 = arith.constant 16 : i32
        %shift_left3A_672 = vector.broadcast %shift_left3A_671 : i32 to vector<16xi32>
        %shift_left3A_673 = arith.shli %get3A_670, %shift_left3A_672 : vector<16xi32>
        %bitcast3A_674 = vector.bitcast %shift_left3A_673 : vector<16xi32> to vector<16xf32>
        %and3A_675 = arith.andi %get3A_670, %broadcast_in_dim3A_12 : vector<16xi32>
        %bitcast3A_676 = vector.bitcast %and3A_675 : vector<16xi32> to vector<16xf32>
        %get3A_677 = arith.constant 0 : i32
        %get3A_678 = arith.index_cast %get3A_677 : i32 to index
        %get3A_679 = arith.index_cast %add3A_646 : i32 to index
        %get3A_680 = arith.constant 16 : index
        %get3A_681 = tpu.vector_load %arg10[%get3A_678, %get3A_679, %get3A_680] {strides = array<i32>} : memref<2x512x32xi32, #tpu.memory_space<vmem>>, vector<16xi32>,
        %shift_left3A_682 = arith.constant 16 : i32
        %shift_left3A_683 = vector.broadcast %shift_left3A_682 : i32 to vector<16xi32>
        %shift_left3A_684 = arith.shli %get3A_681, %shift_left3A_683 : vector<16xi32>
        %bitcast3A_685 = vector.bitcast %shift_left3A_684 : vector<16xi32> to vector<16xf32>
        %and3A_686 = arith.andi %get3A_681, %broadcast_in_dim3A_12 : vector<16xi32>
        %bitcast3A_687 = vector.bitcast %and3A_686 : vector<16xi32> to vector<16xf32>
        %mul3A_688 = arith.mulf %bitcast3A, %bitcast3A_674 : vector<16xf32>
        %mul3A_689 = arith.mulf %mul3A_688, %get3A_3 : vector<16xf32>
        %mul3A_690 = arith.mulf %bitcast3A_663, %bitcast3A_685 : vector<16xf32>
        %mul3A_691 = arith.mulf %mul3A_690, %get3A_5 : vector<16xf32>
        %add3A_692 = arith.addf %mul3A_689, %mul3A_691 : vector<16xf32>
        %mul3A_693 = arith.mulf %bitcast3A_654, %bitcast3A_676 : vector<16xf32>
        %mul3A_694 = arith.mulf %mul3A_693, %get3A_7 : vector<16xf32>
        %add3A_695 = arith.addf %add3A_692, %mul3A_694 : vector<16xf32>
        %mul3A_696 = arith.mulf %bitcast3A_665, %bitcast3A_687 : vector<16xf32>
        %mul3A_697 = arith.mulf %mul3A_696, %get3A_9 : vector<16xf32>
        %add3A_698 = arith.addf %add3A_695, %mul3A_697 : vector<16xf32>
        %mul3A_699 = arith.constant 16 : i32
        %mul3A_700 = arith.muli %scan3A_641, %mul3A_699 : i32
        %add3A_701 = arith.constant 1 : i32
        %add3A_702 = arith.addi %mul3A_700, %add3A_701 : i32
        %get3A_703 = arith.constant 0 : i32
        %get3A_704 = arith.index_cast %get3A_703 : i32 to index
        %get3A_705 = arith.index_cast %add3A_702 : i32 to index
        %get3A_706 = arith.constant 0 : index
        %get3A_707 = tpu.vector_load %arg9[%get3A_704, %get3A_705, %get3A_706] {strides = array<i32>} : memref<2x512x32xi32, #tpu.memory_space<vmem>>, vector<16xi32>,
        %shift_left3A_708 = arith.constant 16 : i32
        %shift_left3A_709 = vector.broadcast %shift_left3A_708 : i32 to vector<16xi32>
        %shift_left3A_710 = arith.shli %get3A_707, %shift_left3A_709 : vector<16xi32>
        %bitcast3A_711 = vector.bitcast %shift_left3A_710 : vector<16xi32> to vector<16xf32>
        %and3A_712 = arith.andi %get3A_707, %broadcast_in_dim3A_12 : vector<16xi32>
        %bitcast3A_713 = vector.bitcast %and3A_712 : vector<16xi32> to vector<16xf32>
        %get3A_714 = arith.constant 0 : i32
        %get3A_715 = arith.index_cast %get3A_714 : i32 to index
        %get3A_716 = arith.index_cast %add3A_702 : i32 to index
        %get3A_717 = arith.constant 16 : index
        %get3A_718 = tpu.vector_load %arg9[%get3A_715, %get3A_716, %get3A_717] {strides = array<i32>} : memref<2x512x32xi32, #tpu.memory_space<vmem>>, vector<16xi32>,
        %shift_left3A_719 = arith.constant 16 : i32
        %shift_left3A_720 = vector.broadcast %shift_left3A_719 : i32 to vector<16xi32>
        %shift_left3A_721 = arith.shli %get3A_718, %shift_left3A_720 : vector<16xi32>
        %bitcast3A_722 = vector.bitcast %shift_left3A_721 : vector<16xi32> to vector<16xf32>
        %and3A_723 = arith.andi %get3A_718, %broadcast_in_dim3A_12 : vector<16xi32>
        %bitcast3A_724 = vector.bitcast %and3A_723 : vector<16xi32> to vector<16xf32>
        %get3A_725 = arith.constant 0 : i32
        %get3A_726 = arith.index_cast %get3A_725 : i32 to index
        %get3A_727 = arith.index_cast %add3A_702 : i32 to index
        %get3A_728 = arith.constant 0 : index
        %get3A_729 = tpu.vector_load %arg10[%get3A_726, %get3A_727, %get3A_728] {strides = array<i32>} : memref<2x512x32xi32, #tpu.memory_space<vmem>>, vector<16xi32>,
        %shift_left3A_730 = arith.constant 16 : i32
        %shift_left3A_731 = vector.broadcast %shift_left3A_730 : i32 to vector<16xi32>
        %shift_left3A_732 = arith.shli %get3A_729, %shift_left3A_731 : vector<16xi32>
        %bitcast3A_733 = vector.bitcast %shift_left3A_732 : vector<16xi32> to vector<16xf32>
        %and3A_734 = arith.andi %get3A_729, %broadcast_in_dim3A_12 : vector<16xi32>
        %bitcast3A_735 = vector.bitcast %and3A_734 : vector<16xi32> to vector<16xf32>
        %get3A_736 = arith.constant 0 : i32
        %get3A_737 = arith.index_cast %get3A_736 : i32 to index
        %get3A_738 = arith.index_cast %add3A_702 : i32 to index
        %get3A_739 = arith.constant 16 : index
        %get3A_740 = tpu.vector_load %arg10[%get3A_737, %get3A_738, %get3A_739] {strides = array<i32>} : memref<2x512x32xi32, #tpu.memory_space<vmem>>, vector<16xi32>,
        %shift_left3A_741 = arith.constant 16 : i32
        %shift_left3A_742 = vector.broadcast %shift_left3A_741 : i32 to vector<16xi32>
        %shift_left3A_743 = arith.shli %get3A_740, %shift_left3A_742 : vector<16xi32>
        %bitcast3A_744 = vector.bitcast %shift_left3A_743 : vector<16xi32> to vector<16xf32>
        %and3A_745 = arith.andi %get3A_740, %broadcast_in_dim3A_12 : vector<16xi32>
        %bitcast3A_746 = vector.bitcast %and3A_745 : vector<16xi32> to vector<16xf32>
        %mul3A_747 = arith.mulf %bitcast3A_711, %bitcast3A_733 : vector<16xf32>
        %mul3A_748 = arith.mulf %mul3A_747, %get3A_3 : vector<16xf32>
        %mul3A_749 = arith.mulf %bitcast3A_722, %bitcast3A_744 : vector<16xf32>
        %mul3A_750 = arith.mulf %mul3A_749, %get3A_5 : vector<16xf32>
        %add3A_751 = arith.addf %mul3A_748, %mul3A_750 : vector<16xf32>
        %mul3A_752 = arith.mulf %bitcast3A_713, %bitcast3A_735 : vector<16xf32>
        %mul3A_753 = arith.mulf %mul3A_752, %get3A_7 : vector<16xf32>
        %add3A_754 = arith.addf %add3A_751, %mul3A_753 : vector<16xf32>
        %mul3A_755 = arith.mulf %bitcast3A_724, %bitcast3A_746 : vector<16xf32>
        %mul3A_756 = arith.mulf %mul3A_755, %get3A_9 : vector<16xf32>
        %add3A_757 = arith.addf %add3A_754, %mul3A_756 : vector<16xf32>
        %mul3A_758 = arith.constant 16 : i32
        %mul3A_759 = arith.muli %scan3A_641, %mul3A_758 : i32
        %add3A_760 = arith.constant 2 : i32
        %add3A_761 = arith.addi %mul3A_759, %add3A_760 : i32
        %get3A_762 = arith.constant 0 : i32
        %get3A_763 = arith.index_cast %get3A_762 : i32 to index
        %get3A_764 = arith.index_cast %add3A_761 : i32 to index
        %get3A_765 = arith.constant 0 : index
        %get3A_766 = tpu.vector_load %arg9[%get3A_763, %get3A_764, %get3A_765] {strides = array<i32>} : memref<2x512x32xi32, #tpu.memory_space<vmem>>, vector<16xi32>,
        %shift_left3A_767 = arith.constant 16 : i32
        %shift_left3A_768 = vector.broadcast %shift_left3A_767 : i32 to vector<16xi32>
        %shift_left3A_769 = arith.shli %get3A_766, %shift_left3A_768 : vector<16xi32>
        %bitcast3A_770 = vector.bitcast %shift_left3A_769 : vector<16xi32> to vector<16xf32>
        %and3A_771 = arith.andi %get3A_766, %broadcast_in_dim3A_12 : vector<16xi32>
        %bitcast3A_772 = vector.bitcast %and3A_771 : vector<16xi32> to vector<16xf32>
        %get3A_773 = arith.constant 0 : i32
        %get3A_774 = arith.index_cast %get3A_773 : i32 to index
        %get3A_775 = arith.index_cast %add3A_761 : i32 to index
        %get3A_776 = arith.constant 16 : index
        %get3A_777 = tpu.vector_load %arg9[%get3A_774, %get3A_775, %get3A_776] {strides = array<i32>} : memref<2x512x32xi32, #tpu.memory_space<vmem>>, vector<16xi32>,
        %shift_left3A_778 = arith.constant 16 : i32
        %shift_left3A_779 = vector.broadcast %shift_left3A_778 : i32 to vector<16xi32>
        %shift_left3A_780 = arith.shli %get3A_777, %shift_left3A_779 : vector<16xi32>
        %bitcast3A_781 = vector.bitcast %shift_left3A_780 : vector<16xi32> to vector<16xf32>
        %and3A_782 = arith.andi %get3A_777, %broadcast_in_dim3A_12 : vector<16xi32>
        %bitcast3A_783 = vector.bitcast %and3A_782 : vector<16xi32> to vector<16xf32>
        %get3A_784 = arith.constant 0 : i32
        %get3A_785 = arith.index_cast %get3A_784 : i32 to index
        %get3A_786 = arith.index_cast %add3A_761 : i32 to index
        %get3A_787 = arith.constant 0 : index
        %get3A_788 = tpu.vector_load %arg10[%get3A_785, %get3A_786, %get3A_787] {strides = array<i32>} : memref<2x512x32xi32, #tpu.memory_space<vmem>>, vector<16xi32>,
        %shift_left3A_789 = arith.constant 16 : i32
        %shift_left3A_790 = vector.broadcast %shift_left3A_789 : i32 to vector<16xi32>
        %shift_left3A_791 = arith.shli %get3A_788, %shift_left3A_790 : vector<16xi32>
        %bitcast3A_792 = vector.bitcast %shift_left3A_791 : vector<16xi32> to vector<16xf32>
        %and3A_793 = arith.andi %get3A_788, %broadcast_in_dim3A_12 : vector<16xi32>
        %bitcast3A_794 = vector.bitcast %and3A_793 : vector<16xi32> to vector<16xf32>
        %get3A_795 = arith.constant 0 : i32
        %get3A_796 = arith.index_cast %get3A_795 : i32 to index
        %get3A_797 = arith.index_cast %add3A_761 : i32 to index
        %get3A_798 = arith.constant 16 : index
        %get3A_799 = tpu.vector_load %arg10[%get3A_796, %get3A_797, %get3A_798] {strides = array<i32>} : memref<2x512x32xi32, #tpu.memory_space<vmem>>, vector<16xi32>,
        %shift_left3A_800 = arith.constant 16 : i32
        %shift_left3A_801 = vector.broadcast %shift_left3A_800 : i32 to vector<16xi32>
        %shift_left3A_802 = arith.shli %get3A_799, %shift_left3A_801 : vector<16xi32>
        %bitcast3A_803 = vector.bitcast %shift_left3A_802 : vector<16xi32> to vector<16xf32>
        %and3A_804 = arith.andi %get3A_799, %broadcast_in_dim3A_12 : vector<16xi32>
        %bitcast3A_805 = vector.bitcast %and3A_804 : vector<16xi32> to vector<16xf32>
        %mul3A_806 = arith.mulf %bitcast3A_770, %bitcast3A_792 : vector<16xf32>
        %mul3A_807 = arith.mulf %mul3A_806, %get3A_3 : vector<16xf32>
        %mul3A_808 = arith.mulf %bitcast3A_781, %bitcast3A_803 : vector<16xf32>
        %mul3A_809 = arith.mulf %mul3A_808, %get3A_5 : vector<16xf32>
        %add3A_810 = arith.addf %mul3A_807, %mul3A_809 : vector<16xf32>
        %mul3A_811 = arith.mulf %bitcast3A_772, %bitcast3A_794 : vector<16xf32>
        %mul3A_812 = arith.mulf %mul3A_811, %get3A_7 : vector<16xf32>
        %add3A_813 = arith.addf %add3A_810, %mul3A_812 : vector<16xf32>
        %mul3A_814 = arith.mulf %bitcast3A_783, %bitcast3A_805 : vector<16xf32>
        %mul3A_815 = arith.mulf %mul3A_814, %get3A_9 : vector<16xf32>
        %add3A_816 = arith.addf %add3A_813, %mul3A_815 : vector<16xf32>
        %mul3A_817 = arith.constant 16 : i32
        %mul3A_818 = arith.muli %scan3A_641, %mul3A_817 : i32
        %add3A_819 = arith.constant 3 : i32
        %add3A_820 = arith.addi %mul3A_818, %add3A_819 : i32
        %get3A_821 = arith.constant 0 : i32
        %get3A_822 = arith.index_cast %get3A_821 : i32 to index
        %get3A_823 = arith.index_cast %add3A_820 : i32 to index
        %get3A_824 = arith.constant 0 : index
        %get3A_825 = tpu.vector_load %arg9[%get3A_822, %get3A_823, %get3A_824] {strides = array<i32>} : memref<2x512x32xi32, #tpu.memory_space<vmem>>, vector<16xi32>,
        %shift_left3A_826 = arith.constant 16 : i32
        %shift_left3A_827 = vector.broadcast %shift_left3A_826 : i32 to vector<16xi32>
        %shift_left3A_828 = arith.shli %get3A_825, %shift_left3A_827 : vector<16xi32>
        %bitcast3A_829 = vector.bitcast %shift_left3A_828 : vector<16xi32> to vector<16xf32>
        %and3A_830 = arith.andi %get3A_825, %broadcast_in_dim3A_12 : vector<16xi32>
        %bitcast3A_831 = vector.bitcast %and3A_830 : vector<16xi32> to vector<16xf32>
        %get3A_832 = arith.constant 0 : i32
        %get3A_833 = arith.index_cast %get3A_832 : i32 to index
        %get3A_834 = arith.index_cast %add3A_820 : i32 to index
        %get3A_835 = arith.constant 16 : index
        %get3A_836 = tpu.vector_load %arg9[%get3A_833, %get3A_834, %get3A_835] {strides = array<i32>} : memref<2x512x32xi32, #tpu.memory_space<vmem>>, vector<16xi32>,
        %shift_left3A_837 = arith.constant 16 : i32
        %shift_left3A_838 = vector.broadcast %shift_left3A_837 : i32 to vector<16xi32>
        %shift_left3A_839 = arith.shli %get3A_836, %shift_left3A_838 : vector<16xi32>
        %bitcast3A_840 = vector.bitcast %shift_left3A_839 : vector<16xi32> to vector<16xf32>
        %and3A_841 = arith.andi %get3A_836, %broadcast_in_dim3A_12 : vector<16xi32>
        %bitcast3A_842 = vector.bitcast %and3A_841 : vector<16xi32> to vector<16xf32>
        %get3A_843 = arith.constant 0 : i32
        %get3A_844 = arith.index_cast %get3A_843 : i32 to index
        %get3A_845 = arith.index_cast %add3A_820 : i32 to index
        %get3A_846 = arith.constant 0 : index
        %get3A_847 = tpu.vector_load %arg10[%get3A_844, %get3A_845, %get3A_846] {strides = array<i32>} : memref<2x512x32xi32, #tpu.memory_space<vmem>>, vector<16xi32>,
        %shift_left3A_848 = arith.constant 16 : i32
        %shift_left3A_849 = vector.broadcast %shift_left3A_848 : i32 to vector<16xi32>
        %shift_left3A_850 = arith.shli %get3A_847, %shift_left3A_849 : vector<16xi32>
        %bitcast3A_851 = vector.bitcast %shift_left3A_850 : vector<16xi32> to vector<16xf32>
        %and3A_852 = arith.andi %get3A_847, %broadcast_in_dim3A_12 : vector<16xi32>
        %bitcast3A_853 = vector.bitcast %and3A_852 : vector<16xi32> to vector<16xf32>
        %get3A_854 = arith.constant 0 : i32
        %get3A_855 = arith.index_cast %get3A_854 : i32 to index
        %get3A_856 = arith.index_cast %add3A_820 : i32 to index
        %get3A_857 = arith.constant 16 : index
        %get3A_858 = tpu.vector_load %arg10[%get3A_855, %get3A_856, %get3A_857] {strides = array<i32>} : memref<2x512x32xi32, #tpu.memory_space<vmem>>, vector<16xi32>,
        %shift_left3A_859 = arith.constant 16 : i32
        %shift_left3A_860 = vector.broadcast %shift_left3A_859 : i32 to vector<16xi32>
        %shift_left3A_861 = arith.shli %get3A_858, %shift_left3A_860 : vector<16xi32>
        %bitcast3A_862 = vector.bitcast %shift_left3A_861 : vector<16xi32> to vector<16xf32>
        %and3A_863 = arith.andi %get3A_858, %broadcast_in_dim3A_12 : vector<16xi32>
        %bitcast3A_864 = vector.bitcast %and3A_863 : vector<16xi32> to vector<16xf32>
        %mul3A_865 = arith.mulf %bitcast3A_829, %bitcast3A_851 : vector<16xf32>
        %mul3A_866 = arith.mulf %mul3A_865, %get3A_3 : vector<16xf32>
        %mul3A_867 = arith.mulf %bitcast3A_840, %bitcast3A_862 : vector<16xf32>
        %mul3A_868 = arith.mulf %mul3A_867, %get3A_5 : vector<16xf32>
        %add3A_869 = arith.addf %mul3A_866, %mul3A_868 : vector<16xf32>
        %mul3A_870 = arith.mulf %bitcast3A_831, %bitcast3A_853 : vector<16xf32>
        %mul3A_871 = arith.mulf %mul3A_870, %get3A_7 : vector<16xf32>
        %add3A_872 = arith.addf %add3A_869, %mul3A_871 : vector<16xf32>
        %mul3A_873 = arith.mulf %bitcast3A_842, %bitcast3A_864 : vector<16xf32>
        %mul3A_874 = arith.mulf %mul3A_873, %get3A_9 : vector<16xf32>
        %add3A_875 = arith.addf %add3A_872, %mul3A_874 : vector<16xf32>
        %mul3A_876 = arith.constant 16 : i32
        %mul3A_877 = arith.muli %scan3A_641, %mul3A_876 : i32
        %add3A_878 = arith.constant 4 : i32
        %add3A_879 = arith.addi %mul3A_877, %add3A_878 : i32
        %get3A_880 = arith.constant 0 : i32
        %get3A_881 = arith.index_cast %get3A_880 : i32 to index
        %get3A_882 = arith.index_cast %add3A_879 : i32 to index
        %get3A_883 = arith.constant 0 : index
        %get3A_884 = tpu.vector_load %arg9[%get3A_881, %get3A_882, %get3A_883] {strides = array<i32>} : memref<2x512x32xi32, #tpu.memory_space<vmem>>, vector<16xi32>,
        %shift_left3A_885 = arith.constant 16 : i32
        %shift_left3A_886 = vector.broadcast %shift_left3A_885 : i32 to vector<16xi32>
        %shift_left3A_887 = arith.shli %get3A_884, %shift_left3A_886 : vector<16xi32>
        %bitcast3A_888 = vector.bitcast %shift_left3A_887 : vector<16xi32> to vector<16xf32>
        %and3A_889 = arith.andi %get3A_884, %broadcast_in_dim3A_12 : vector<16xi32>
        %bitcast3A_890 = vector.bitcast %and3A_889 : vector<16xi32> to vector<16xf32>
        %get3A_891 = arith.constant 0 : i32
        %get3A_892 = arith.index_cast %get3A_891 : i32 to index
        %get3A_893 = arith.index_cast %add3A_879 : i32 to index
        %get3A_894 = arith.constant 16 : index
        %get3A_895 = tpu.vector_load %arg9[%get3A_892, %get3A_893, %get3A_894] {strides = array<i32>} : memref<2x512x32xi32, #tpu.memory_space<vmem>>, vector<16xi32>,
        %shift_left3A_896 = arith.constant 16 : i32
        %shift_left3A_897 = vector.broadcast %shift_left3A_896 : i32 to vector<16xi32>
        %shift_left3A_898 = arith.shli %get3A_895, %shift_left3A_897 : vector<16xi32>
        %bitcast3A_899 = vector.bitcast %shift_left3A_898 : vector<16xi32> to vector<16xf32>
        %and3A_900 = arith.andi %get3A_895, %broadcast_in_dim3A_12 : vector<16xi32>
        %bitcast3A_901 = vector.bitcast %and3A_900 : vector<16xi32> to vector<16xf32>
        %get3A_902 = arith.constant 0 : i32
        %get3A_903 = arith.index_cast %get3A_902 : i32 to index
        %get3A_904 = arith.index_cast %add3A_879 : i32 to index
        %get3A_905 = arith.constant 0 : index
        %get3A_906 = tpu.vector_load %arg10[%get3A_903, %get3A_904, %get3A_905] {strides = array<i32>} : memref<2x512x32xi32, #tpu.memory_space<vmem>>, vector<16xi32>,
        %shift_left3A_907 = arith.constant 16 : i32
        %shift_left3A_908 = vector.broadcast %shift_left3A_907 : i32 to vector<16xi32>
        %shift_left3A_909 = arith.shli %get3A_906, %shift_left3A_908 : vector<16xi32>
        %bitcast3A_910 = vector.bitcast %shift_left3A_909 : vector<16xi32> to vector<16xf32>
        %and3A_911 = arith.andi %get3A_906, %broadcast_in_dim3A_12 : vector<16xi32>
        %bitcast3A_912 = vector.bitcast %and3A_911 : vector<16xi32> to vector<16xf32>
        %get3A_913 = arith.constant 0 : i32
        %get3A_914 = arith.index_cast %get3A_913 : i32 to index
        %get3A_915 = arith.index_cast %add3A_879 : i32 to index
        %get3A_916 = arith.constant 16 : index
        %get3A_917 = tpu.vector_load %arg10[%get3A_914, %get3A_915, %get3A_916] {strides = array<i32>} : memref<2x512x32xi32, #tpu.memory_space<vmem>>, vector<16xi32>,
        %shift_left3A_918 = arith.constant 16 : i32
        %shift_left3A_919 = vector.broadcast %shift_left3A_918 : i32 to vector<16xi32>
        %shift_left3A_920 = arith.shli %get3A_917, %shift_left3A_919 : vector<16xi32>
        %bitcast3A_921 = vector.bitcast %shift_left3A_920 : vector<16xi32> to vector<16xf32>
        %and3A_922 = arith.andi %get3A_917, %broadcast_in_dim3A_12 : vector<16xi32>
        %bitcast3A_923 = vector.bitcast %and3A_922 : vector<16xi32> to vector<16xf32>
        %mul3A_924 = arith.mulf %bitcast3A_888, %bitcast3A_910 : vector<16xf32>
        %mul3A_925 = arith.mulf %mul3A_924, %get3A_3 : vector<16xf32>
        %mul3A_926 = arith.mulf %bitcast3A_899, %bitcast3A_921 : vector<16xf32>
        %mul3A_927 = arith.mulf %mul3A_926, %get3A_5 : vector<16xf32>
        %add3A_928 = arith.addf %mul3A_925, %mul3A_927 : vector<16xf32>
        %mul3A_929 = arith.mulf %bitcast3A_890, %bitcast3A_912 : vector<16xf32>
        %mul3A_930 = arith.mulf %mul3A_929, %get3A_7 : vector<16xf32>
        %add3A_931 = arith.addf %add3A_928, %mul3A_930 : vector<16xf32>
        %mul3A_932 = arith.mulf %bitcast3A_901, %bitcast3A_923 : vector<16xf32>
        %mul3A_933 = arith.mulf %mul3A_932, %get3A_9 : vector<16xf32>
        %add3A_934 = arith.addf %add3A_931, %mul3A_933 : vector<16xf32>
        %mul3A_935 = arith.constant 16 : i32
        %mul3A_936 = arith.muli %scan3A_641, %mul3A_935 : i32
        %add3A_937 = arith.constant 5 : i32
        %add3A_938 = arith.addi %mul3A_936, %add3A_937 : i32
        %get3A_939 = arith.constant 0 : i32
        %get3A_940 = arith.index_cast %get3A_939 : i32 to index
        %get3A_941 = arith.index_cast %add3A_938 : i32 to index
        %get3A_942 = arith.constant 0 : index
        %get3A_943 = tpu.vector_load %arg9[%get3A_940, %get3A_941, %get3A_942] {strides = array<i32>} : memref<2x512x32xi32, #tpu.memory_space<vmem>>, vector<16xi32>,
        %shift_left3A_944 = arith.constant 16 : i32
        %shift_left3A_945 = vector.broadcast %shift_left3A_944 : i32 to vector<16xi32>
        %shift_left3A_946 = arith.shli %get3A_943, %shift_left3A_945 : vector<16xi32>
        %bitcast3A_947 = vector.bitcast %shift_left3A_946 : vector<16xi32> to vector<16xf32>
        %and3A_948 = arith.andi %get3A_943, %broadcast_in_dim3A_12 : vector<16xi32>
        %bitcast3A_949 = vector.bitcast %and3A_948 : vector<16xi32> to vector<16xf32>
        %get3A_950 = arith.constant 0 : i32
        %get3A_951 = arith.index_cast %get3A_950 : i32 to index
        %get3A_952 = arith.index_cast %add3A_938 : i32 to index
        %get3A_953 = arith.constant 16 : index
        %get3A_954 = tpu.vector_load %arg9[%get3A_951, %get3A_952, %get3A_953] {strides = array<i32>} : memref<2x512x32xi32, #tpu.memory_space<vmem>>, vector<16xi32>,
        %shift_left3A_955 = arith.constant 16 : i32
        %shift_left3A_956 = vector.broadcast %shift_left3A_955 : i32 to vector<16xi32>
        %shift_left3A_957 = arith.shli %get3A_954, %shift_left3A_956 : vector<16xi32>
        %bitcast3A_958 = vector.bitcast %shift_left3A_957 : vector<16xi32> to vector<16xf32>
        %and3A_959 = arith.andi %get3A_954, %broadcast_in_dim3A_12 : vector<16xi32>
        %bitcast3A_960 = vector.bitcast %and3A_959 : vector<16xi32> to vector<16xf32>
        %get3A_961 = arith.constant 0 : i32
        %get3A_962 = arith.index_cast %get3A_961 : i32 to index
        %get3A_963 = arith.index_cast %add3A_938 : i32 to index
        %get3A_964 = arith.constant 0 : index
        %get3A_965 = tpu.vector_load %arg10[%get3A_962, %get3A_963, %get3A_964] {strides = array<i32>} : memref<2x512x32xi32, #tpu.memory_space<vmem>>, vector<16xi32>,
        %shift_left3A_966 = arith.constant 16 : i32
        %shift_left3A_967 = vector.broadcast %shift_left3A_966 : i32 to vector<16xi32>
        %shift_left3A_968 = arith.shli %get3A_965, %shift_left3A_967 : vector<16xi32>
        %bitcast3A_969 = vector.bitcast %shift_left3A_968 : vector<16xi32> to vector<16xf32>
        %and3A_970 = arith.andi %get3A_965, %broadcast_in_dim3A_12 : vector<16xi32>
        %bitcast3A_971 = vector.bitcast %and3A_970 : vector<16xi32> to vector<16xf32>
        %get3A_972 = arith.constant 0 : i32
        %get3A_973 = arith.index_cast %get3A_972 : i32 to index
        %get3A_974 = arith.index_cast %add3A_938 : i32 to index
        %get3A_975 = arith.constant 16 : index
        %get3A_976 = tpu.vector_load %arg10[%get3A_973, %get3A_974, %get3A_975] {strides = array<i32>} : memref<2x512x32xi32, #tpu.memory_space<vmem>>, vector<16xi32>,
        %shift_left3A_977 = arith.constant 16 : i32
        %shift_left3A_978 = vector.broadcast %shift_left3A_977 : i32 to vector<16xi32>
        %shift_left3A_979 = arith.shli %get3A_976, %shift_left3A_978 : vector<16xi32>
        %bitcast3A_980 = vector.bitcast %shift_left3A_979 : vector<16xi32> to vector<16xf32>
        %and3A_981 = arith.andi %get3A_976, %broadcast_in_dim3A_12 : vector<16xi32>
        %bitcast3A_982 = vector.bitcast %and3A_981 : vector<16xi32> to vector<16xf32>
        %mul3A_983 = arith.mulf %bitcast3A_947, %bitcast3A_969 : vector<16xf32>
        %mul3A_984 = arith.mulf %mul3A_983, %get3A_3 : vector<16xf32>
        %mul3A_985 = arith.mulf %bitcast3A_958, %bitcast3A_980 : vector<16xf32>
        %mul3A_986 = arith.mulf %mul3A_985, %get3A_5 : vector<16xf32>
        %add3A_987 = arith.addf %mul3A_984, %mul3A_986 : vector<16xf32>
        %mul3A_988 = arith.mulf %bitcast3A_949, %bitcast3A_971 : vector<16xf32>
        %mul3A_989 = arith.mulf %mul3A_988, %get3A_7 : vector<16xf32>
        %add3A_990 = arith.addf %add3A_987, %mul3A_989 : vector<16xf32>
        %mul3A_991 = arith.mulf %bitcast3A_960, %bitcast3A_982 : vector<16xf32>
        %mul3A_992 = arith.mulf %mul3A_991, %get3A_9 : vector<16xf32>
        %add3A_993 = arith.addf %add3A_990, %mul3A_992 : vector<16xf32>
        %mul3A_994 = arith.constant 16 : i32
        %mul3A_995 = arith.muli %scan3A_641, %mul3A_994 : i32
        %add3A_996 = arith.constant 6 : i32
        %add3A_997 = arith.addi %mul3A_995, %add3A_996 : i32
        %get3A_998 = arith.constant 0 : i32
        %get3A_999 = arith.index_cast %get3A_998 : i32 to index
        %get3A_1000 = arith.index_cast %add3A_997 : i32 to index
        %get3A_1001 = arith.constant 0 : index
        %get3A_1002 = tpu.vector_load %arg9[%get3A_999, %get3A_1000, %get3A_1001] {strides = array<i32>} : memref<2x512x32xi32, #tpu.memory_space<vmem>>, vector<16xi32>,
        %shift_left3A_1003 = arith.constant 16 : i32
        %shift_left3A_1004 = vector.broadcast %shift_left3A_1003 : i32 to vector<16xi32>
        %shift_left3A_1005 = arith.shli %get3A_1002, %shift_left3A_1004 : vector<16xi32>
        %bitcast3A_1006 = vector.bitcast %shift_left3A_1005 : vector<16xi32> to vector<16xf32>
        %and3A_1007 = arith.andi %get3A_1002, %broadcast_in_dim3A_12 : vector<16xi32>
        %bitcast3A_1008 = vector.bitcast %and3A_1007 : vector<16xi32> to vector<16xf32>
        %get3A_1009 = arith.constant 0 : i32
        %get3A_1010 = arith.index_cast %get3A_1009 : i32 to index
        %get3A_1011 = arith.index_cast %add3A_997 : i32 to index
        %get3A_1012 = arith.constant 16 : index
        %get3A_1013 = tpu.vector_load %arg9[%get3A_1010, %get3A_1011, %get3A_1012] {strides = array<i32>} : memref<2x512x32xi32, #tpu.memory_space<vmem>>, vector<16xi32>,
        %shift_left3A_1014 = arith.constant 16 : i32
        %shift_left3A_1015 = vector.broadcast %shift_left3A_1014 : i32 to vector<16xi32>
        %shift_left3A_1016 = arith.shli %get3A_1013, %shift_left3A_1015 : vector<16xi32>
        %bitcast3A_1017 = vector.bitcast %shift_left3A_1016 : vector<16xi32> to vector<16xf32>
        %and3A_1018 = arith.andi %get3A_1013, %broadcast_in_dim3A_12 : vector<16xi32>
        %bitcast3A_1019 = vector.bitcast %and3A_1018 : vector<16xi32> to vector<16xf32>
        %get3A_1020 = arith.constant 0 : i32
        %get3A_1021 = arith.index_cast %get3A_1020 : i32 to index
        %get3A_1022 = arith.index_cast %add3A_997 : i32 to index
        %get3A_1023 = arith.constant 0 : index
        %get3A_1024 = tpu.vector_load %arg10[%get3A_1021, %get3A_1022, %get3A_1023] {strides = array<i32>} : memref<2x512x32xi32, #tpu.memory_space<vmem>>, vector<16xi32>,
        %shift_left3A_1025 = arith.constant 16 : i32
        %shift_left3A_1026 = vector.broadcast %shift_left3A_1025 : i32 to vector<16xi32>
        %shift_left3A_1027 = arith.shli %get3A_1024, %shift_left3A_1026 : vector<16xi32>
        %bitcast3A_1028 = vector.bitcast %shift_left3A_1027 : vector<16xi32> to vector<16xf32>
        %and3A_1029 = arith.andi %get3A_1024, %broadcast_in_dim3A_12 : vector<16xi32>
        %bitcast3A_1030 = vector.bitcast %and3A_1029 : vector<16xi32> to vector<16xf32>
        %get3A_1031 = arith.constant 0 : i32
        %get3A_1032 = arith.index_cast %get3A_1031 : i32 to index
        %get3A_1033 = arith.index_cast %add3A_997 : i32 to index
        %get3A_1034 = arith.constant 16 : index
        %get3A_1035 = tpu.vector_load %arg10[%get3A_1032, %get3A_1033, %get3A_1034] {strides = array<i32>} : memref<2x512x32xi32, #tpu.memory_space<vmem>>, vector<16xi32>,
        %shift_left3A_1036 = arith.constant 16 : i32
        %shift_left3A_1037 = vector.broadcast %shift_left3A_1036 : i32 to vector<16xi32>
        %shift_left3A_1038 = arith.shli %get3A_1035, %shift_left3A_1037 : vector<16xi32>
        %bitcast3A_1039 = vector.bitcast %shift_left3A_1038 : vector<16xi32> to vector<16xf32>
        %and3A_1040 = arith.andi %get3A_1035, %broadcast_in_dim3A_12 : vector<16xi32>
        %bitcast3A_1041 = vector.bitcast %and3A_1040 : vector<16xi32> to vector<16xf32>
        %mul3A_1042 = arith.mulf %bitcast3A_1006, %bitcast3A_1028 : vector<16xf32>
        %mul3A_1043 = arith.mulf %mul3A_1042, %get3A_3 : vector<16xf32>
        %mul3A_1044 = arith.mulf %bitcast3A_1017, %bitcast3A_1039 : vector<16xf32>
        %mul3A_1045 = arith.mulf %mul3A_1044, %get3A_5 : vector<16xf32>
        %add3A_1046 = arith.addf %mul3A_1043, %mul3A_1045 : vector<16xf32>
        %mul3A_1047 = arith.mulf %bitcast3A_1008, %bitcast3A_1030 : vector<16xf32>
        %mul3A_1048 = arith.mulf %mul3A_1047, %get3A_7 : vector<16xf32>
        %add3A_1049 = arith.addf %add3A_1046, %mul3A_1048 : vector<16xf32>
        %mul3A_1050 = arith.mulf %bitcast3A_1019, %bitcast3A_1041 : vector<16xf32>
        %mul3A_1051 = arith.mulf %mul3A_1050, %get3A_9 : vector<16xf32>
        %add3A_1052 = arith.addf %add3A_1049, %mul3A_1051 : vector<16xf32>
        %mul3A_1053 = arith.constant 16 : i32
        %mul3A_1054 = arith.muli %scan3A_641, %mul3A_1053 : i32
        %add3A_1055 = arith.constant 7 : i32
        %add3A_1056 = arith.addi %mul3A_1054, %add3A_1055 : i32
        %get3A_1057 = arith.constant 0 : i32
        %get3A_1058 = arith.index_cast %get3A_1057 : i32 to index
        %get3A_1059 = arith.index_cast %add3A_1056 : i32 to index
        %get3A_1060 = arith.constant 0 : index
        %get3A_1061 = tpu.vector_load %arg9[%get3A_1058, %get3A_1059, %get3A_1060] {strides = array<i32>} : memref<2x512x32xi32, #tpu.memory_space<vmem>>, vector<16xi32>,
        %shift_left3A_1062 = arith.constant 16 : i32
        %shift_left3A_1063 = vector.broadcast %shift_left3A_1062 : i32 to vector<16xi32>
        %shift_left3A_1064 = arith.shli %get3A_1061, %shift_left3A_1063 : vector<16xi32>
        %bitcast3A_1065 = vector.bitcast %shift_left3A_1064 : vector<16xi32> to vector<16xf32>
        %and3A_1066 = arith.andi %get3A_1061, %broadcast_in_dim3A_12 : vector<16xi32>
        %bitcast3A_1067 = vector.bitcast %and3A_1066 : vector<16xi32> to vector<16xf32>
        %get3A_1068 = arith.constant 0 : i32
        %get3A_1069 = arith.index_cast %get3A_1068 : i32 to index
        %get3A_1070 = arith.index_cast %add3A_1056 : i32 to index
        %get3A_1071 = arith.constant 16 : index
        %get3A_1072 = tpu.vector_load %arg9[%get3A_1069, %get3A_1070, %get3A_1071] {strides = array<i32>} : memref<2x512x32xi32, #tpu.memory_space<vmem>>, vector<16xi32>,
        %shift_left3A_1073 = arith.constant 16 : i32
        %shift_left3A_1074 = vector.broadcast %shift_left3A_1073 : i32 to vector<16xi32>
        %shift_left3A_1075 = arith.shli %get3A_1072, %shift_left3A_1074 : vector<16xi32>
        %bitcast3A_1076 = vector.bitcast %shift_left3A_1075 : vector<16xi32> to vector<16xf32>
        %and3A_1077 = arith.andi %get3A_1072, %broadcast_in_dim3A_12 : vector<16xi32>
        %bitcast3A_1078 = vector.bitcast %and3A_1077 : vector<16xi32> to vector<16xf32>
        %get3A_1079 = arith.constant 0 : i32
        %get3A_1080 = arith.index_cast %get3A_1079 : i32 to index
        %get3A_1081 = arith.index_cast %add3A_1056 : i32 to index
        %get3A_1082 = arith.constant 0 : index
        %get3A_1083 = tpu.vector_load %arg10[%get3A_1080, %get3A_1081, %get3A_1082] {strides = array<i32>} : memref<2x512x32xi32, #tpu.memory_space<vmem>>, vector<16xi32>,
        %shift_left3A_1084 = arith.constant 16 : i32
        %shift_left3A_1085 = vector.broadcast %shift_left3A_1084 : i32 to vector<16xi32>
        %shift_left3A_1086 = arith.shli %get3A_1083, %shift_left3A_1085 : vector<16xi32>
        %bitcast3A_1087 = vector.bitcast %shift_left3A_1086 : vector<16xi32> to vector<16xf32>
        %and3A_1088 = arith.andi %get3A_1083, %broadcast_in_dim3A_12 : vector<16xi32>
        %bitcast3A_1089 = vector.bitcast %and3A_1088 : vector<16xi32> to vector<16xf32>
        %get3A_1090 = arith.constant 0 : i32
        %get3A_1091 = arith.index_cast %get3A_1090 : i32 to index
        %get3A_1092 = arith.index_cast %add3A_1056 : i32 to index
        %get3A_1093 = arith.constant 16 : index
        %get3A_1094 = tpu.vector_load %arg10[%get3A_1091, %get3A_1092, %get3A_1093] {strides = array<i32>} : memref<2x512x32xi32, #tpu.memory_space<vmem>>, vector<16xi32>,
        %shift_left3A_1095 = arith.constant 16 : i32
        %shift_left3A_1096 = vector.broadcast %shift_left3A_1095 : i32 to vector<16xi32>
        %shift_left3A_1097 = arith.shli %get3A_1094, %shift_left3A_1096 : vector<16xi32>
        %bitcast3A_1098 = vector.bitcast %shift_left3A_1097 : vector<16xi32> to vector<16xf32>
        %and3A_1099 = arith.andi %get3A_1094, %broadcast_in_dim3A_12 : vector<16xi32>
        %bitcast3A_1100 = vector.bitcast %and3A_1099 : vector<16xi32> to vector<16xf32>
        %mul3A_1101 = arith.mulf %bitcast3A_1065, %bitcast3A_1087 : vector<16xf32>
        %mul3A_1102 = arith.mulf %mul3A_1101, %get3A_3 : vector<16xf32>
        %mul3A_1103 = arith.mulf %bitcast3A_1076, %bitcast3A_1098 : vector<16xf32>
        %mul3A_1104 = arith.mulf %mul3A_1103, %get3A_5 : vector<16xf32>
        %add3A_1105 = arith.addf %mul3A_1102, %mul3A_1104 : vector<16xf32>
        %mul3A_1106 = arith.mulf %bitcast3A_1067, %bitcast3A_1089 : vector<16xf32>
        %mul3A_1107 = arith.mulf %mul3A_1106, %get3A_7 : vector<16xf32>
        %add3A_1108 = arith.addf %add3A_1105, %mul3A_1107 : vector<16xf32>
        %mul3A_1109 = arith.mulf %bitcast3A_1078, %bitcast3A_1100 : vector<16xf32>
        %mul3A_1110 = arith.mulf %mul3A_1109, %get3A_9 : vector<16xf32>
        %add3A_1111 = arith.addf %add3A_1108, %mul3A_1110 : vector<16xf32>
        %mul3A_1112 = arith.constant 16 : i32
        %mul3A_1113 = arith.muli %scan3A_641, %mul3A_1112 : i32
        %add3A_1114 = arith.constant 8 : i32
        %add3A_1115 = arith.addi %mul3A_1113, %add3A_1114 : i32
        %get3A_1116 = arith.constant 0 : i32
        %get3A_1117 = arith.index_cast %get3A_1116 : i32 to index
        %get3A_1118 = arith.index_cast %add3A_1115 : i32 to index
        %get3A_1119 = arith.constant 0 : index
        %get3A_1120 = tpu.vector_load %arg9[%get3A_1117, %get3A_1118, %get3A_1119] {strides = array<i32>} : memref<2x512x32xi32, #tpu.memory_space<vmem>>, vector<16xi32>,
        %shift_left3A_1121 = arith.constant 16 : i32
        %shift_left3A_1122 = vector.broadcast %shift_left3A_1121 : i32 to vector<16xi32>
        %shift_left3A_1123 = arith.shli %get3A_1120, %shift_left3A_1122 : vector<16xi32>
        %bitcast3A_1124 = vector.bitcast %shift_left3A_1123 : vector<16xi32> to vector<16xf32>
        %and3A_1125 = arith.andi %get3A_1120, %broadcast_in_dim3A_12 : vector<16xi32>
        %bitcast3A_1126 = vector.bitcast %and3A_1125 : vector<16xi32> to vector<16xf32>
        %get3A_1127 = arith.constant 0 : i32
        %get3A_1128 = arith.index_cast %get3A_1127 : i32 to index
        %get3A_1129 = arith.index_cast %add3A_1115 : i32 to index
        %get3A_1130 = arith.constant 16 : index
        %get3A_1131 = tpu.vector_load %arg9[%get3A_1128, %get3A_1129, %get3A_1130] {strides = array<i32>} : memref<2x512x32xi32, #tpu.memory_space<vmem>>, vector<16xi32>,
        %shift_left3A_1132 = arith.constant 16 : i32
        %shift_left3A_1133 = vector.broadcast %shift_left3A_1132 : i32 to vector<16xi32>
        %shift_left3A_1134 = arith.shli %get3A_1131, %shift_left3A_1133 : vector<16xi32>
        %bitcast3A_1135 = vector.bitcast %shift_left3A_1134 : vector<16xi32> to vector<16xf32>
        %and3A_1136 = arith.andi %get3A_1131, %broadcast_in_dim3A_12 : vector<16xi32>
        %bitcast3A_1137 = vector.bitcast %and3A_1136 : vector<16xi32> to vector<16xf32>
        %get3A_1138 = arith.constant 0 : i32
        %get3A_1139 = arith.index_cast %get3A_1138 : i32 to index
        %get3A_1140 = arith.index_cast %add3A_1115 : i32 to index
        %get3A_1141 = arith.constant 0 : index
        %get3A_1142 = tpu.vector_load %arg10[%get3A_1139, %get3A_1140, %get3A_1141] {strides = array<i32>} : memref<2x512x32xi32, #tpu.memory_space<vmem>>, vector<16xi32>,
        %shift_left3A_1143 = arith.constant 16 : i32
        %shift_left3A_1144 = vector.broadcast %shift_left3A_1143 : i32 to vector<16xi32>
        %shift_left3A_1145 = arith.shli %get3A_1142, %shift_left3A_1144 : vector<16xi32>
        %bitcast3A_1146 = vector.bitcast %shift_left3A_1145 : vector<16xi32> to vector<16xf32>
        %and3A_1147 = arith.andi %get3A_1142, %broadcast_in_dim3A_12 : vector<16xi32>
        %bitcast3A_1148 = vector.bitcast %and3A_1147 : vector<16xi32> to vector<16xf32>
        %get3A_1149 = arith.constant 0 : i32
        %get3A_1150 = arith.index_cast %get3A_1149 : i32 to index
        %get3A_1151 = arith.index_cast %add3A_1115 : i32 to index
        %get3A_1152 = arith.constant 16 : index
        %get3A_1153 = tpu.vector_load %arg10[%get3A_1150, %get3A_1151, %get3A_1152] {strides = array<i32>} : memref<2x512x32xi32, #tpu.memory_space<vmem>>, vector<16xi32>,
        %shift_left3A_1154 = arith.constant 16 : i32
        %shift_left3A_1155 = vector.broadcast %shift_left3A_1154 : i32 to vector<16xi32>
        %shift_left3A_1156 = arith.shli %get3A_1153, %shift_left3A_1155 : vector<16xi32>
        %bitcast3A_1157 = vector.bitcast %shift_left3A_1156 : vector<16xi32> to vector<16xf32>
        %and3A_1158 = arith.andi %get3A_1153, %broadcast_in_dim3A_12 : vector<16xi32>
        %bitcast3A_1159 = vector.bitcast %and3A_1158 : vector<16xi32> to vector<16xf32>
        %mul3A_1160 = arith.mulf %bitcast3A_1124, %bitcast3A_1146 : vector<16xf32>
        %mul3A_1161 = arith.mulf %mul3A_1160, %get3A_3 : vector<16xf32>
        %mul3A_1162 = arith.mulf %bitcast3A_1135, %bitcast3A_1157 : vector<16xf32>
        %mul3A_1163 = arith.mulf %mul3A_1162, %get3A_5 : vector<16xf32>
        %add3A_1164 = arith.addf %mul3A_1161, %mul3A_1163 : vector<16xf32>
        %mul3A_1165 = arith.mulf %bitcast3A_1126, %bitcast3A_1148 : vector<16xf32>
        %mul3A_1166 = arith.mulf %mul3A_1165, %get3A_7 : vector<16xf32>
        %add3A_1167 = arith.addf %add3A_1164, %mul3A_1166 : vector<16xf32>
        %mul3A_1168 = arith.mulf %bitcast3A_1137, %bitcast3A_1159 : vector<16xf32>
        %mul3A_1169 = arith.mulf %mul3A_1168, %get3A_9 : vector<16xf32>
        %add3A_1170 = arith.addf %add3A_1167, %mul3A_1169 : vector<16xf32>
        %mul3A_1171 = arith.constant 16 : i32
        %mul3A_1172 = arith.muli %scan3A_641, %mul3A_1171 : i32
        %add3A_1173 = arith.constant 9 : i32
        %add3A_1174 = arith.addi %mul3A_1172, %add3A_1173 : i32
        %get3A_1175 = arith.constant 0 : i32
        %get3A_1176 = arith.index_cast %get3A_1175 : i32 to index
        %get3A_1177 = arith.index_cast %add3A_1174 : i32 to index
        %get3A_1178 = arith.constant 0 : index
        %get3A_1179 = tpu.vector_load %arg9[%get3A_1176, %get3A_1177, %get3A_1178] {strides = array<i32>} : memref<2x512x32xi32, #tpu.memory_space<vmem>>, vector<16xi32>,
        %shift_left3A_1180 = arith.constant 16 : i32
        %shift_left3A_1181 = vector.broadcast %shift_left3A_1180 : i32 to vector<16xi32>
        %shift_left3A_1182 = arith.shli %get3A_1179, %shift_left3A_1181 : vector<16xi32>
        %bitcast3A_1183 = vector.bitcast %shift_left3A_1182 : vector<16xi32> to vector<16xf32>
        %and3A_1184 = arith.andi %get3A_1179, %broadcast_in_dim3A_12 : vector<16xi32>
        %bitcast3A_1185 = vector.bitcast %and3A_1184 : vector<16xi32> to vector<16xf32>
        %get3A_1186 = arith.constant 0 : i32
        %get3A_1187 = arith.index_cast %get3A_1186 : i32 to index
        %get3A_1188 = arith.index_cast %add3A_1174 : i32 to index
        %get3A_1189 = arith.constant 16 : index
        %get3A_1190 = tpu.vector_load %arg9[%get3A_1187, %get3A_1188, %get3A_1189] {strides = array<i32>} : memref<2x512x32xi32, #tpu.memory_space<vmem>>, vector<16xi32>,
        %shift_left3A_1191 = arith.constant 16 : i32
        %shift_left3A_1192 = vector.broadcast %shift_left3A_1191 : i32 to vector<16xi32>
        %shift_left3A_1193 = arith.shli %get3A_1190, %shift_left3A_1192 : vector<16xi32>
        %bitcast3A_1194 = vector.bitcast %shift_left3A_1193 : vector<16xi32> to vector<16xf32>
        %and3A_1195 = arith.andi %get3A_1190, %broadcast_in_dim3A_12 : vector<16xi32>
        %bitcast3A_1196 = vector.bitcast %and3A_1195 : vector<16xi32> to vector<16xf32>
        %get3A_1197 = arith.constant 0 : i32
        %get3A_1198 = arith.index_cast %get3A_1197 : i32 to index
        %get3A_1199 = arith.index_cast %add3A_1174 : i32 to index
        %get3A_1200 = arith.constant 0 : index
        %get3A_1201 = tpu.vector_load %arg10[%get3A_1198, %get3A_1199, %get3A_1200] {strides = array<i32>} : memref<2x512x32xi32, #tpu.memory_space<vmem>>, vector<16xi32>,
        %shift_left3A_1202 = arith.constant 16 : i32
        %shift_left3A_1203 = vector.broadcast %shift_left3A_1202 : i32 to vector<16xi32>
        %shift_left3A_1204 = arith.shli %get3A_1201, %shift_left3A_1203 : vector<16xi32>
        %bitcast3A_1205 = vector.bitcast %shift_left3A_1204 : vector<16xi32> to vector<16xf32>
        %and3A_1206 = arith.andi %get3A_1201, %broadcast_in_dim3A_12 : vector<16xi32>
        %bitcast3A_1207 = vector.bitcast %and3A_1206 : vector<16xi32> to vector<16xf32>
        %get3A_1208 = arith.constant 0 : i32
        %get3A_1209 = arith.index_cast %get3A_1208 : i32 to index
        %get3A_1210 = arith.index_cast %add3A_1174 : i32 to index
        %get3A_1211 = arith.constant 16 : index
        %get3A_1212 = tpu.vector_load %arg10[%get3A_1209, %get3A_1210, %get3A_1211] {strides = array<i32>} : memref<2x512x32xi32, #tpu.memory_space<vmem>>, vector<16xi32>,
        %shift_left3A_1213 = arith.constant 16 : i32
        %shift_left3A_1214 = vector.broadcast %shift_left3A_1213 : i32 to vector<16xi32>
        %shift_left3A_1215 = arith.shli %get3A_1212, %shift_left3A_1214 : vector<16xi32>
        %bitcast3A_1216 = vector.bitcast %shift_left3A_1215 : vector<16xi32> to vector<16xf32>
        %and3A_1217 = arith.andi %get3A_1212, %broadcast_in_dim3A_12 : vector<16xi32>
        %bitcast3A_1218 = vector.bitcast %and3A_1217 : vector<16xi32> to vector<16xf32>
        %mul3A_1219 = arith.mulf %bitcast3A_1183, %bitcast3A_1205 : vector<16xf32>
        %mul3A_1220 = arith.mulf %mul3A_1219, %get3A_3 : vector<16xf32>
        %mul3A_1221 = arith.mulf %bitcast3A_1194, %bitcast3A_1216 : vector<16xf32>
        %mul3A_1222 = arith.mulf %mul3A_1221, %get3A_5 : vector<16xf32>
        %add3A_1223 = arith.addf %mul3A_1220, %mul3A_1222 : vector<16xf32>
        %mul3A_1224 = arith.mulf %bitcast3A_1185, %bitcast3A_1207 : vector<16xf32>
        %mul3A_1225 = arith.mulf %mul3A_1224, %get3A_7 : vector<16xf32>
        %add3A_1226 = arith.addf %add3A_1223, %mul3A_1225 : vector<16xf32>
        %mul3A_1227 = arith.mulf %bitcast3A_1196, %bitcast3A_1218 : vector<16xf32>
        %mul3A_1228 = arith.mulf %mul3A_1227, %get3A_9 : vector<16xf32>
        %add3A_1229 = arith.addf %add3A_1226, %mul3A_1228 : vector<16xf32>
        %mul3A_1230 = arith.constant 16 : i32
        %mul3A_1231 = arith.muli %scan3A_641, %mul3A_1230 : i32
        %add3A_1232 = arith.constant 10 : i32
        %add3A_1233 = arith.addi %mul3A_1231, %add3A_1232 : i32
        %get3A_1234 = arith.constant 0 : i32
        %get3A_1235 = arith.index_cast %get3A_1234 : i32 to index
        %get3A_1236 = arith.index_cast %add3A_1233 : i32 to index
        %get3A_1237 = arith.constant 0 : index
        %get3A_1238 = tpu.vector_load %arg9[%get3A_1235, %get3A_1236, %get3A_1237] {strides = array<i32>} : memref<2x512x32xi32, #tpu.memory_space<vmem>>, vector<16xi32>,
        %shift_left3A_1239 = arith.constant 16 : i32
        %shift_left3A_1240 = vector.broadcast %shift_left3A_1239 : i32 to vector<16xi32>
        %shift_left3A_1241 = arith.shli %get3A_1238, %shift_left3A_1240 : vector<16xi32>
        %bitcast3A_1242 = vector.bitcast %shift_left3A_1241 : vector<16xi32> to vector<16xf32>
        %and3A_1243 = arith.andi %get3A_1238, %broadcast_in_dim3A_12 : vector<16xi32>
        %bitcast3A_1244 = vector.bitcast %and3A_1243 : vector<16xi32> to vector<16xf32>
        %get3A_1245 = arith.constant 0 : i32
        %get3A_1246 = arith.index_cast %get3A_1245 : i32 to index
        %get3A_1247 = arith.index_cast %add3A_1233 : i32 to index
        %get3A_1248 = arith.constant 16 : index
        %get3A_1249 = tpu.vector_load %arg9[%get3A_1246, %get3A_1247, %get3A_1248] {strides = array<i32>} : memref<2x512x32xi32, #tpu.memory_space<vmem>>, vector<16xi32>,
        %shift_left3A_1250 = arith.constant 16 : i32
        %shift_left3A_1251 = vector.broadcast %shift_left3A_1250 : i32 to vector<16xi32>
        %shift_left3A_1252 = arith.shli %get3A_1249, %shift_left3A_1251 : vector<16xi32>
        %bitcast3A_1253 = vector.bitcast %shift_left3A_1252 : vector<16xi32> to vector<16xf32>
        %and3A_1254 = arith.andi %get3A_1249, %broadcast_in_dim3A_12 : vector<16xi32>
        %bitcast3A_1255 = vector.bitcast %and3A_1254 : vector<16xi32> to vector<16xf32>
        %get3A_1256 = arith.constant 0 : i32
        %get3A_1257 = arith.index_cast %get3A_1256 : i32 to index
        %get3A_1258 = arith.index_cast %add3A_1233 : i32 to index
        %get3A_1259 = arith.constant 0 : index
        %get3A_1260 = tpu.vector_load %arg10[%get3A_1257, %get3A_1258, %get3A_1259] {strides = array<i32>} : memref<2x512x32xi32, #tpu.memory_space<vmem>>, vector<16xi32>,
        %shift_left3A_1261 = arith.constant 16 : i32
        %shift_left3A_1262 = vector.broadcast %shift_left3A_1261 : i32 to vector<16xi32>
        %shift_left3A_1263 = arith.shli %get3A_1260, %shift_left3A_1262 : vector<16xi32>
        %bitcast3A_1264 = vector.bitcast %shift_left3A_1263 : vector<16xi32> to vector<16xf32>
        %and3A_1265 = arith.andi %get3A_1260, %broadcast_in_dim3A_12 : vector<16xi32>
        %bitcast3A_1266 = vector.bitcast %and3A_1265 : vector<16xi32> to vector<16xf32>
        %get3A_1267 = arith.constant 0 : i32
        %get3A_1268 = arith.index_cast %get3A_1267 : i32 to index
        %get3A_1269 = arith.index_cast %add3A_1233 : i32 to index
        %get3A_1270 = arith.constant 16 : index
        %get3A_1271 = tpu.vector_load %arg10[%get3A_1268, %get3A_1269, %get3A_1270] {strides = array<i32>} : memref<2x512x32xi32, #tpu.memory_space<vmem>>, vector<16xi32>,
        %shift_left3A_1272 = arith.constant 16 : i32
        %shift_left3A_1273 = vector.broadcast %shift_left3A_1272 : i32 to vector<16xi32>
        %shift_left3A_1274 = arith.shli %get3A_1271, %shift_left3A_1273 : vector<16xi32>
        %bitcast3A_1275 = vector.bitcast %shift_left3A_1274 : vector<16xi32> to vector<16xf32>
        %and3A_1276 = arith.andi %get3A_1271, %broadcast_in_dim3A_12 : vector<16xi32>
        %bitcast3A_1277 = vector.bitcast %and3A_1276 : vector<16xi32> to vector<16xf32>
        %mul3A_1278 = arith.mulf %bitcast3A_1242, %bitcast3A_1264 : vector<16xf32>
        %mul3A_1279 = arith.mulf %mul3A_1278, %get3A_3 : vector<16xf32>
        %mul3A_1280 = arith.mulf %bitcast3A_1253, %bitcast3A_1275 : vector<16xf32>
        %mul3A_1281 = arith.mulf %mul3A_1280, %get3A_5 : vector<16xf32>
        %add3A_1282 = arith.addf %mul3A_1279, %mul3A_1281 : vector<16xf32>
        %mul3A_1283 = arith.mulf %bitcast3A_1244, %bitcast3A_1266 : vector<16xf32>
        %mul3A_1284 = arith.mulf %mul3A_1283, %get3A_7 : vector<16xf32>
        %add3A_1285 = arith.addf %add3A_1282, %mul3A_1284 : vector<16xf32>
        %mul3A_1286 = arith.mulf %bitcast3A_1255, %bitcast3A_1277 : vector<16xf32>
        %mul3A_1287 = arith.mulf %mul3A_1286, %get3A_9 : vector<16xf32>
        %add3A_1288 = arith.addf %add3A_1285, %mul3A_1287 : vector<16xf32>
        %mul3A_1289 = arith.constant 16 : i32
        %mul3A_1290 = arith.muli %scan3A_641, %mul3A_1289 : i32
        %add3A_1291 = arith.constant 11 : i32
        %add3A_1292 = arith.addi %mul3A_1290, %add3A_1291 : i32
        %get3A_1293 = arith.constant 0 : i32
        %get3A_1294 = arith.index_cast %get3A_1293 : i32 to index
        %get3A_1295 = arith.index_cast %add3A_1292 : i32 to index
        %get3A_1296 = arith.constant 0 : index
        %get3A_1297 = tpu.vector_load %arg9[%get3A_1294, %get3A_1295, %get3A_1296] {strides = array<i32>} : memref<2x512x32xi32, #tpu.memory_space<vmem>>, vector<16xi32>,
        %shift_left3A_1298 = arith.constant 16 : i32
        %shift_left3A_1299 = vector.broadcast %shift_left3A_1298 : i32 to vector<16xi32>
        %shift_left3A_1300 = arith.shli %get3A_1297, %shift_left3A_1299 : vector<16xi32>
        %bitcast3A_1301 = vector.bitcast %shift_left3A_1300 : vector<16xi32> to vector<16xf32>
        %and3A_1302 = arith.andi %get3A_1297, %broadcast_in_dim3A_12 : vector<16xi32>
        %bitcast3A_1303 = vector.bitcast %and3A_1302 : vector<16xi32> to vector<16xf32>
        %get3A_1304 = arith.constant 0 : i32
        %get3A_1305 = arith.index_cast %get3A_1304 : i32 to index
        %get3A_1306 = arith.index_cast %add3A_1292 : i32 to index
        %get3A_1307 = arith.constant 16 : index
        %get3A_1308 = tpu.vector_load %arg9[%get3A_1305, %get3A_1306, %get3A_1307] {strides = array<i32>} : memref<2x512x32xi32, #tpu.memory_space<vmem>>, vector<16xi32>,
        %shift_left3A_1309 = arith.constant 16 : i32
        %shift_left3A_1310 = vector.broadcast %shift_left3A_1309 : i32 to vector<16xi32>
        %shift_left3A_1311 = arith.shli %get3A_1308, %shift_left3A_1310 : vector<16xi32>
        %bitcast3A_1312 = vector.bitcast %shift_left3A_1311 : vector<16xi32> to vector<16xf32>
        %and3A_1313 = arith.andi %get3A_1308, %broadcast_in_dim3A_12 : vector<16xi32>
        %bitcast3A_1314 = vector.bitcast %and3A_1313 : vector<16xi32> to vector<16xf32>
        %get3A_1315 = arith.constant 0 : i32
        %get3A_1316 = arith.index_cast %get3A_1315 : i32 to index
        %get3A_1317 = arith.index_cast %add3A_1292 : i32 to index
        %get3A_1318 = arith.constant 0 : index
        %get3A_1319 = tpu.vector_load %arg10[%get3A_1316, %get3A_1317, %get3A_1318] {strides = array<i32>} : memref<2x512x32xi32, #tpu.memory_space<vmem>>, vector<16xi32>,
        %shift_left3A_1320 = arith.constant 16 : i32
        %shift_left3A_1321 = vector.broadcast %shift_left3A_1320 : i32 to vector<16xi32>
        %shift_left3A_1322 = arith.shli %get3A_1319, %shift_left3A_1321 : vector<16xi32>
        %bitcast3A_1323 = vector.bitcast %shift_left3A_1322 : vector<16xi32> to vector<16xf32>
        %and3A_1324 = arith.andi %get3A_1319, %broadcast_in_dim3A_12 : vector<16xi32>
        %bitcast3A_1325 = vector.bitcast %and3A_1324 : vector<16xi32> to vector<16xf32>
        %get3A_1326 = arith.constant 0 : i32
        %get3A_1327 = arith.index_cast %get3A_1326 : i32 to index
        %get3A_1328 = arith.index_cast %add3A_1292 : i32 to index
        %get3A_1329 = arith.constant 16 : index
        %get3A_1330 = tpu.vector_load %arg10[%get3A_1327, %get3A_1328, %get3A_1329] {strides = array<i32>} : memref<2x512x32xi32, #tpu.memory_space<vmem>>, vector<16xi32>,
        %shift_left3A_1331 = arith.constant 16 : i32
        %shift_left3A_1332 = vector.broadcast %shift_left3A_1331 : i32 to vector<16xi32>
        %shift_left3A_1333 = arith.shli %get3A_1330, %shift_left3A_1332 : vector<16xi32>
        %bitcast3A_1334 = vector.bitcast %shift_left3A_1333 : vector<16xi32> to vector<16xf32>
        %and3A_1335 = arith.andi %get3A_1330, %broadcast_in_dim3A_12 : vector<16xi32>
        %bitcast3A_1336 = vector.bitcast %and3A_1335 : vector<16xi32> to vector<16xf32>
        %mul3A_1337 = arith.mulf %bitcast3A_1301, %bitcast3A_1323 : vector<16xf32>
        %mul3A_1338 = arith.mulf %mul3A_1337, %get3A_3 : vector<16xf32>
        %mul3A_1339 = arith.mulf %bitcast3A_1312, %bitcast3A_1334 : vector<16xf32>
        %mul3A_1340 = arith.mulf %mul3A_1339, %get3A_5 : vector<16xf32>
        %add3A_1341 = arith.addf %mul3A_1338, %mul3A_1340 : vector<16xf32>
        %mul3A_1342 = arith.mulf %bitcast3A_1303, %bitcast3A_1325 : vector<16xf32>
        %mul3A_1343 = arith.mulf %mul3A_1342, %get3A_7 : vector<16xf32>
        %add3A_1344 = arith.addf %add3A_1341, %mul3A_1343 : vector<16xf32>
        %mul3A_1345 = arith.mulf %bitcast3A_1314, %bitcast3A_1336 : vector<16xf32>
        %mul3A_1346 = arith.mulf %mul3A_1345, %get3A_9 : vector<16xf32>
        %add3A_1347 = arith.addf %add3A_1344, %mul3A_1346 : vector<16xf32>
        %mul3A_1348 = arith.constant 16 : i32
        %mul3A_1349 = arith.muli %scan3A_641, %mul3A_1348 : i32
        %add3A_1350 = arith.constant 12 : i32
        %add3A_1351 = arith.addi %mul3A_1349, %add3A_1350 : i32
        %get3A_1352 = arith.constant 0 : i32
        %get3A_1353 = arith.index_cast %get3A_1352 : i32 to index
        %get3A_1354 = arith.index_cast %add3A_1351 : i32 to index
        %get3A_1355 = arith.constant 0 : index
        %get3A_1356 = tpu.vector_load %arg9[%get3A_1353, %get3A_1354, %get3A_1355] {strides = array<i32>} : memref<2x512x32xi32, #tpu.memory_space<vmem>>, vector<16xi32>,
        %shift_left3A_1357 = arith.constant 16 : i32
        %shift_left3A_1358 = vector.broadcast %shift_left3A_1357 : i32 to vector<16xi32>
        %shift_left3A_1359 = arith.shli %get3A_1356, %shift_left3A_1358 : vector<16xi32>
        %bitcast3A_1360 = vector.bitcast %shift_left3A_1359 : vector<16xi32> to vector<16xf32>
        %and3A_1361 = arith.andi %get3A_1356, %broadcast_in_dim3A_12 : vector<16xi32>
        %bitcast3A_1362 = vector.bitcast %and3A_1361 : vector<16xi32> to vector<16xf32>
        %get3A_1363 = arith.constant 0 : i32
        %get3A_1364 = arith.index_cast %get3A_1363 : i32 to index
        %get3A_1365 = arith.index_cast %add3A_1351 : i32 to index
        %get3A_1366 = arith.constant 16 : index
        %get3A_1367 = tpu.vector_load %arg9[%get3A_1364, %get3A_1365, %get3A_1366] {strides = array<i32>} : memref<2x512x32xi32, #tpu.memory_space<vmem>>, vector<16xi32>,
        %shift_left3A_1368 = arith.constant 16 : i32
        %shift_left3A_1369 = vector.broadcast %shift_left3A_1368 : i32 to vector<16xi32>
        %shift_left3A_1370 = arith.shli %get3A_1367, %shift_left3A_1369 : vector<16xi32>
        %bitcast3A_1371 = vector.bitcast %shift_left3A_1370 : vector<16xi32> to vector<16xf32>
        %and3A_1372 = arith.andi %get3A_1367, %broadcast_in_dim3A_12 : vector<16xi32>
        %bitcast3A_1373 = vector.bitcast %and3A_1372 : vector<16xi32> to vector<16xf32>
        %get3A_1374 = arith.constant 0 : i32
        %get3A_1375 = arith.index_cast %get3A_1374 : i32 to index
        %get3A_1376 = arith.index_cast %add3A_1351 : i32 to index
        %get3A_1377 = arith.constant 0 : index
        %get3A_1378 = tpu.vector_load %arg10[%get3A_1375, %get3A_1376, %get3A_1377] {strides = array<i32>} : memref<2x512x32xi32, #tpu.memory_space<vmem>>, vector<16xi32>,
        %shift_left3A_1379 = arith.constant 16 : i32
        %shift_left3A_1380 = vector.broadcast %shift_left3A_1379 : i32 to vector<16xi32>
        %shift_left3A_1381 = arith.shli %get3A_1378, %shift_left3A_1380 : vector<16xi32>
        %bitcast3A_1382 = vector.bitcast %shift_left3A_1381 : vector<16xi32> to vector<16xf32>
        %and3A_1383 = arith.andi %get3A_1378, %broadcast_in_dim3A_12 : vector<16xi32>
        %bitcast3A_1384 = vector.bitcast %and3A_1383 : vector<16xi32> to vector<16xf32>
        %get3A_1385 = arith.constant 0 : i32
        %get3A_1386 = arith.index_cast %get3A_1385 : i32 to index
        %get3A_1387 = arith.index_cast %add3A_1351 : i32 to index
        %get3A_1388 = arith.constant 16 : index
        %get3A_1389 = tpu.vector_load %arg10[%get3A_1386, %get3A_1387, %get3A_1388] {strides = array<i32>} : memref<2x512x32xi32, #tpu.memory_space<vmem>>, vector<16xi32>,
        %shift_left3A_1390 = arith.constant 16 : i32
        %shift_left3A_1391 = vector.broadcast %shift_left3A_1390 : i32 to vector<16xi32>
        %shift_left3A_1392 = arith.shli %get3A_1389, %shift_left3A_1391 : vector<16xi32>
        %bitcast3A_1393 = vector.bitcast %shift_left3A_1392 : vector<16xi32> to vector<16xf32>
        %and3A_1394 = arith.andi %get3A_1389, %broadcast_in_dim3A_12 : vector<16xi32>
        %bitcast3A_1395 = vector.bitcast %and3A_1394 : vector<16xi32> to vector<16xf32>
        %mul3A_1396 = arith.mulf %bitcast3A_1360, %bitcast3A_1382 : vector<16xf32>
        %mul3A_1397 = arith.mulf %mul3A_1396, %get3A_3 : vector<16xf32>
        %mul3A_1398 = arith.mulf %bitcast3A_1371, %bitcast3A_1393 : vector<16xf32>
        %mul3A_1399 = arith.mulf %mul3A_1398, %get3A_5 : vector<16xf32>
        %add3A_1400 = arith.addf %mul3A_1397, %mul3A_1399 : vector<16xf32>
        %mul3A_1401 = arith.mulf %bitcast3A_1362, %bitcast3A_1384 : vector<16xf32>
        %mul3A_1402 = arith.mulf %mul3A_1401, %get3A_7 : vector<16xf32>
        %add3A_1403 = arith.addf %add3A_1400, %mul3A_1402 : vector<16xf32>
        %mul3A_1404 = arith.mulf %bitcast3A_1373, %bitcast3A_1395 : vector<16xf32>
        %mul3A_1405 = arith.mulf %mul3A_1404, %get3A_9 : vector<16xf32>
        %add3A_1406 = arith.addf %add3A_1403, %mul3A_1405 : vector<16xf32>
        %mul3A_1407 = arith.constant 16 : i32
        %mul3A_1408 = arith.muli %scan3A_641, %mul3A_1407 : i32
        %add3A_1409 = arith.constant 13 : i32
        %add3A_1410 = arith.addi %mul3A_1408, %add3A_1409 : i32
        %get3A_1411 = arith.constant 0 : i32
        %get3A_1412 = arith.index_cast %get3A_1411 : i32 to index
        %get3A_1413 = arith.index_cast %add3A_1410 : i32 to index
        %get3A_1414 = arith.constant 0 : index
        %get3A_1415 = tpu.vector_load %arg9[%get3A_1412, %get3A_1413, %get3A_1414] {strides = array<i32>} : memref<2x512x32xi32, #tpu.memory_space<vmem>>, vector<16xi32>,
        %shift_left3A_1416 = arith.constant 16 : i32
        %shift_left3A_1417 = vector.broadcast %shift_left3A_1416 : i32 to vector<16xi32>
        %shift_left3A_1418 = arith.shli %get3A_1415, %shift_left3A_1417 : vector<16xi32>
        %bitcast3A_1419 = vector.bitcast %shift_left3A_1418 : vector<16xi32> to vector<16xf32>
        %and3A_1420 = arith.andi %get3A_1415, %broadcast_in_dim3A_12 : vector<16xi32>
        %bitcast3A_1421 = vector.bitcast %and3A_1420 : vector<16xi32> to vector<16xf32>
        %get3A_1422 = arith.constant 0 : i32
        %get3A_1423 = arith.index_cast %get3A_1422 : i32 to index
        %get3A_1424 = arith.index_cast %add3A_1410 : i32 to index
        %get3A_1425 = arith.constant 16 : index
        %get3A_1426 = tpu.vector_load %arg9[%get3A_1423, %get3A_1424, %get3A_1425] {strides = array<i32>} : memref<2x512x32xi32, #tpu.memory_space<vmem>>, vector<16xi32>,
        %shift_left3A_1427 = arith.constant 16 : i32
        %shift_left3A_1428 = vector.broadcast %shift_left3A_1427 : i32 to vector<16xi32>
        %shift_left3A_1429 = arith.shli %get3A_1426, %shift_left3A_1428 : vector<16xi32>
        %bitcast3A_1430 = vector.bitcast %shift_left3A_1429 : vector<16xi32> to vector<16xf32>
        %and3A_1431 = arith.andi %get3A_1426, %broadcast_in_dim3A_12 : vector<16xi32>
        %bitcast3A_1432 = vector.bitcast %and3A_1431 : vector<16xi32> to vector<16xf32>
        %get3A_1433 = arith.constant 0 : i32
        %get3A_1434 = arith.index_cast %get3A_1433 : i32 to index
        %get3A_1435 = arith.index_cast %add3A_1410 : i32 to index
        %get3A_1436 = arith.constant 0 : index
        %get3A_1437 = tpu.vector_load %arg10[%get3A_1434, %get3A_1435, %get3A_1436] {strides = array<i32>} : memref<2x512x32xi32, #tpu.memory_space<vmem>>, vector<16xi32>,
        %shift_left3A_1438 = arith.constant 16 : i32
        %shift_left3A_1439 = vector.broadcast %shift_left3A_1438 : i32 to vector<16xi32>
        %shift_left3A_1440 = arith.shli %get3A_1437, %shift_left3A_1439 : vector<16xi32>
        %bitcast3A_1441 = vector.bitcast %shift_left3A_1440 : vector<16xi32> to vector<16xf32>
        %and3A_1442 = arith.andi %get3A_1437, %broadcast_in_dim3A_12 : vector<16xi32>
        %bitcast3A_1443 = vector.bitcast %and3A_1442 : vector<16xi32> to vector<16xf32>
        %get3A_1444 = arith.constant 0 : i32
        %get3A_1445 = arith.index_cast %get3A_1444 : i32 to index
        %get3A_1446 = arith.index_cast %add3A_1410 : i32 to index
        %get3A_1447 = arith.constant 16 : index
        %get3A_1448 = tpu.vector_load %arg10[%get3A_1445, %get3A_1446, %get3A_1447] {strides = array<i32>} : memref<2x512x32xi32, #tpu.memory_space<vmem>>, vector<16xi32>,
        %shift_left3A_1449 = arith.constant 16 : i32
        %shift_left3A_1450 = vector.broadcast %shift_left3A_1449 : i32 to vector<16xi32>
        %shift_left3A_1451 = arith.shli %get3A_1448, %shift_left3A_1450 : vector<16xi32>
        %bitcast3A_1452 = vector.bitcast %shift_left3A_1451 : vector<16xi32> to vector<16xf32>
        %and3A_1453 = arith.andi %get3A_1448, %broadcast_in_dim3A_12 : vector<16xi32>
        %bitcast3A_1454 = vector.bitcast %and3A_1453 : vector<16xi32> to vector<16xf32>
        %mul3A_1455 = arith.mulf %bitcast3A_1419, %bitcast3A_1441 : vector<16xf32>
        %mul3A_1456 = arith.mulf %mul3A_1455, %get3A_3 : vector<16xf32>
        %mul3A_1457 = arith.mulf %bitcast3A_1430, %bitcast3A_1452 : vector<16xf32>
        %mul3A_1458 = arith.mulf %mul3A_1457, %get3A_5 : vector<16xf32>
        %add3A_1459 = arith.addf %mul3A_1456, %mul3A_1458 : vector<16xf32>
        %mul3A_1460 = arith.mulf %bitcast3A_1421, %bitcast3A_1443 : vector<16xf32>
        %mul3A_1461 = arith.mulf %mul3A_1460, %get3A_7 : vector<16xf32>
        %add3A_1462 = arith.addf %add3A_1459, %mul3A_1461 : vector<16xf32>
        %mul3A_1463 = arith.mulf %bitcast3A_1432, %bitcast3A_1454 : vector<16xf32>
        %mul3A_1464 = arith.mulf %mul3A_1463, %get3A_9 : vector<16xf32>
        %add3A_1465 = arith.addf %add3A_1462, %mul3A_1464 : vector<16xf32>
        %mul3A_1466 = arith.constant 16 : i32
        %mul3A_1467 = arith.muli %scan3A_641, %mul3A_1466 : i32
        %add3A_1468 = arith.constant 14 : i32
        %add3A_1469 = arith.addi %mul3A_1467, %add3A_1468 : i32
        %get3A_1470 = arith.constant 0 : i32
        %get3A_1471 = arith.index_cast %get3A_1470 : i32 to index
        %get3A_1472 = arith.index_cast %add3A_1469 : i32 to index
        %get3A_1473 = arith.constant 0 : index
        %get3A_1474 = tpu.vector_load %arg9[%get3A_1471, %get3A_1472, %get3A_1473] {strides = array<i32>} : memref<2x512x32xi32, #tpu.memory_space<vmem>>, vector<16xi32>,
        %shift_left3A_1475 = arith.constant 16 : i32
        %shift_left3A_1476 = vector.broadcast %shift_left3A_1475 : i32 to vector<16xi32>
        %shift_left3A_1477 = arith.shli %get3A_1474, %shift_left3A_1476 : vector<16xi32>
        %bitcast3A_1478 = vector.bitcast %shift_left3A_1477 : vector<16xi32> to vector<16xf32>
        %and3A_1479 = arith.andi %get3A_1474, %broadcast_in_dim3A_12 : vector<16xi32>
        %bitcast3A_1480 = vector.bitcast %and3A_1479 : vector<16xi32> to vector<16xf32>
        %get3A_1481 = arith.constant 0 : i32
        %get3A_1482 = arith.index_cast %get3A_1481 : i32 to index
        %get3A_1483 = arith.index_cast %add3A_1469 : i32 to index
        %get3A_1484 = arith.constant 16 : index
        %get3A_1485 = tpu.vector_load %arg9[%get3A_1482, %get3A_1483, %get3A_1484] {strides = array<i32>} : memref<2x512x32xi32, #tpu.memory_space<vmem>>, vector<16xi32>,
        %shift_left3A_1486 = arith.constant 16 : i32
        %shift_left3A_1487 = vector.broadcast %shift_left3A_1486 : i32 to vector<16xi32>
        %shift_left3A_1488 = arith.shli %get3A_1485, %shift_left3A_1487 : vector<16xi32>
        %bitcast3A_1489 = vector.bitcast %shift_left3A_1488 : vector<16xi32> to vector<16xf32>
        %and3A_1490 = arith.andi %get3A_1485, %broadcast_in_dim3A_12 : vector<16xi32>
        %bitcast3A_1491 = vector.bitcast %and3A_1490 : vector<16xi32> to vector<16xf32>
        %get3A_1492 = arith.constant 0 : i32
        %get3A_1493 = arith.index_cast %get3A_1492 : i32 to index
        %get3A_1494 = arith.index_cast %add3A_1469 : i32 to index
        %get3A_1495 = arith.constant 0 : index
        %get3A_1496 = tpu.vector_load %arg10[%get3A_1493, %get3A_1494, %get3A_1495] {strides = array<i32>} : memref<2x512x32xi32, #tpu.memory_space<vmem>>, vector<16xi32>,
        %shift_left3A_1497 = arith.constant 16 : i32
        %shift_left3A_1498 = vector.broadcast %shift_left3A_1497 : i32 to vector<16xi32>
        %shift_left3A_1499 = arith.shli %get3A_1496, %shift_left3A_1498 : vector<16xi32>
        %bitcast3A_1500 = vector.bitcast %shift_left3A_1499 : vector<16xi32> to vector<16xf32>
        %and3A_1501 = arith.andi %get3A_1496, %broadcast_in_dim3A_12 : vector<16xi32>
        %bitcast3A_1502 = vector.bitcast %and3A_1501 : vector<16xi32> to vector<16xf32>
        %get3A_1503 = arith.constant 0 : i32
        %get3A_1504 = arith.index_cast %get3A_1503 : i32 to index
        %get3A_1505 = arith.index_cast %add3A_1469 : i32 to index
        %get3A_1506 = arith.constant 16 : index
        %get3A_1507 = tpu.vector_load %arg10[%get3A_1504, %get3A_1505, %get3A_1506] {strides = array<i32>} : memref<2x512x32xi32, #tpu.memory_space<vmem>>, vector<16xi32>,
        %shift_left3A_1508 = arith.constant 16 : i32
        %shift_left3A_1509 = vector.broadcast %shift_left3A_1508 : i32 to vector<16xi32>
        %shift_left3A_1510 = arith.shli %get3A_1507, %shift_left3A_1509 : vector<16xi32>
        %bitcast3A_1511 = vector.bitcast %shift_left3A_1510 : vector<16xi32> to vector<16xf32>
        %and3A_1512 = arith.andi %get3A_1507, %broadcast_in_dim3A_12 : vector<16xi32>
        %bitcast3A_1513 = vector.bitcast %and3A_1512 : vector<16xi32> to vector<16xf32>
        %mul3A_1514 = arith.mulf %bitcast3A_1478, %bitcast3A_1500 : vector<16xf32>
        %mul3A_1515 = arith.mulf %mul3A_1514, %get3A_3 : vector<16xf32>
        %mul3A_1516 = arith.mulf %bitcast3A_1489, %bitcast3A_1511 : vector<16xf32>
        %mul3A_1517 = arith.mulf %mul3A_1516, %get3A_5 : vector<16xf32>
        %add3A_1518 = arith.addf %mul3A_1515, %mul3A_1517 : vector<16xf32>
        %mul3A_1519 = arith.mulf %bitcast3A_1480, %bitcast3A_1502 : vector<16xf32>
        %mul3A_1520 = arith.mulf %mul3A_1519, %get3A_7 : vector<16xf32>
        %add3A_1521 = arith.addf %add3A_1518, %mul3A_1520 : vector<16xf32>
        %mul3A_1522 = arith.mulf %bitcast3A_1491, %bitcast3A_1513 : vector<16xf32>
        %mul3A_1523 = arith.mulf %mul3A_1522, %get3A_9 : vector<16xf32>
        %add3A_1524 = arith.addf %add3A_1521, %mul3A_1523 : vector<16xf32>
        %mul3A_1525 = arith.constant 16 : i32
        %mul3A_1526 = arith.muli %scan3A_641, %mul3A_1525 : i32
        %add3A_1527 = arith.constant 15 : i32
        %add3A_1528 = arith.addi %mul3A_1526, %add3A_1527 : i32
        %get3A_1529 = arith.constant 0 : i32
        %get3A_1530 = arith.index_cast %get3A_1529 : i32 to index
        %get3A_1531 = arith.index_cast %add3A_1528 : i32 to index
        %get3A_1532 = arith.constant 0 : index
        %get3A_1533 = tpu.vector_load %arg9[%get3A_1530, %get3A_1531, %get3A_1532] {strides = array<i32>} : memref<2x512x32xi32, #tpu.memory_space<vmem>>, vector<16xi32>,
        %shift_left3A_1534 = arith.constant 16 : i32
        %shift_left3A_1535 = vector.broadcast %shift_left3A_1534 : i32 to vector<16xi32>
        %shift_left3A_1536 = arith.shli %get3A_1533, %shift_left3A_1535 : vector<16xi32>
        %bitcast3A_1537 = vector.bitcast %shift_left3A_1536 : vector<16xi32> to vector<16xf32>
        %and3A_1538 = arith.andi %get3A_1533, %broadcast_in_dim3A_12 : vector<16xi32>
        %bitcast3A_1539 = vector.bitcast %and3A_1538 : vector<16xi32> to vector<16xf32>
        %get3A_1540 = arith.constant 0 : i32
        %get3A_1541 = arith.index_cast %get3A_1540 : i32 to index
        %get3A_1542 = arith.index_cast %add3A_1528 : i32 to index
        %get3A_1543 = arith.constant 16 : index
        %get3A_1544 = tpu.vector_load %arg9[%get3A_1541, %get3A_1542, %get3A_1543] {strides = array<i32>} : memref<2x512x32xi32, #tpu.memory_space<vmem>>, vector<16xi32>,
        %shift_left3A_1545 = arith.constant 16 : i32
        %shift_left3A_1546 = vector.broadcast %shift_left3A_1545 : i32 to vector<16xi32>
        %shift_left3A_1547 = arith.shli %get3A_1544, %shift_left3A_1546 : vector<16xi32>
        %bitcast3A_1548 = vector.bitcast %shift_left3A_1547 : vector<16xi32> to vector<16xf32>
        %and3A_1549 = arith.andi %get3A_1544, %broadcast_in_dim3A_12 : vector<16xi32>
        %bitcast3A_1550 = vector.bitcast %and3A_1549 : vector<16xi32> to vector<16xf32>
        %get3A_1551 = arith.constant 0 : i32
        %get3A_1552 = arith.index_cast %get3A_1551 : i32 to index
        %get3A_1553 = arith.index_cast %add3A_1528 : i32 to index
        %get3A_1554 = arith.constant 0 : index
        %get3A_1555 = tpu.vector_load %arg10[%get3A_1552, %get3A_1553, %get3A_1554] {strides = array<i32>} : memref<2x512x32xi32, #tpu.memory_space<vmem>>, vector<16xi32>,
        %shift_left3A_1556 = arith.constant 16 : i32
        %shift_left3A_1557 = vector.broadcast %shift_left3A_1556 : i32 to vector<16xi32>
        %shift_left3A_1558 = arith.shli %get3A_1555, %shift_left3A_1557 : vector<16xi32>
        %bitcast3A_1559 = vector.bitcast %shift_left3A_1558 : vector<16xi32> to vector<16xf32>
        %and3A_1560 = arith.andi %get3A_1555, %broadcast_in_dim3A_12 : vector<16xi32>
        %bitcast3A_1561 = vector.bitcast %and3A_1560 : vector<16xi32> to vector<16xf32>
        %get3A_1562 = arith.constant 0 : i32
        %get3A_1563 = arith.index_cast %get3A_1562 : i32 to index
        %get3A_1564 = arith.index_cast %add3A_1528 : i32 to index
        %get3A_1565 = arith.constant 16 : index
        %get3A_1566 = tpu.vector_load %arg10[%get3A_1563, %get3A_1564, %get3A_1565] {strides = array<i32>} : memref<2x512x32xi32, #tpu.memory_space<vmem>>, vector<16xi32>,
        %shift_left3A_1567 = arith.constant 16 : i32
        %shift_left3A_1568 = vector.broadcast %shift_left3A_1567 : i32 to vector<16xi32>
        %shift_left3A_1569 = arith.shli %get3A_1566, %shift_left3A_1568 : vector<16xi32>
        %bitcast3A_1570 = vector.bitcast %shift_left3A_1569 : vector<16xi32> to vector<16xf32>
        %and3A_1571 = arith.andi %get3A_1566, %broadcast_in_dim3A_12 : vector<16xi32>
        %bitcast3A_1572 = vector.bitcast %and3A_1571 : vector<16xi32> to vector<16xf32>
        %mul3A_1573 = arith.mulf %bitcast3A_1537, %bitcast3A_1559 : vector<16xf32>
        %mul3A_1574 = arith.mulf %mul3A_1573, %get3A_3 : vector<16xf32>
        %mul3A_1575 = arith.mulf %bitcast3A_1548, %bitcast3A_1570 : vector<16xf32>
        %mul3A_1576 = arith.mulf %mul3A_1575, %get3A_5 : vector<16xf32>
        %add3A_1577 = arith.addf %mul3A_1574, %mul3A_1576 : vector<16xf32>
        %mul3A_1578 = arith.mulf %bitcast3A_1539, %bitcast3A_1561 : vector<16xf32>
        %mul3A_1579 = arith.mulf %mul3A_1578, %get3A_7 : vector<16xf32>
        %add3A_1580 = arith.addf %add3A_1577, %mul3A_1579 : vector<16xf32>
        %mul3A_1581 = arith.mulf %bitcast3A_1550, %bitcast3A_1572 : vector<16xf32>
        %mul3A_1582 = arith.mulf %mul3A_1581, %get3A_9 : vector<16xf32>
        %add3A_1583 = arith.addf %add3A_1580, %mul3A_1582 : vector<16xf32>
        %broadcast_in_dim3A_1584 = arith.constant true
        %broadcast_in_dim3A_1585 = vector.broadcast %broadcast_in_dim3A_1584 : i1 to vector<16xi1>
        %masked_cumsum3A = tpu.scan <sum>, %add3A_698 masked %broadcast_in_dim3A_1585 : vector<16xf32>, vector<16xi1> -> vector<16xf32>
        %broadcast_in_dim3A_1586 = arith.constant true
        %broadcast_in_dim3A_1587 = vector.broadcast %broadcast_in_dim3A_1586 : i1 to vector<16xi1>
        %masked_cumsum3A_1588 = tpu.scan <sum>, %add3A_757 masked %broadcast_in_dim3A_1587 : vector<16xf32>, vector<16xi1> -> vector<16xf32>
        %broadcast_in_dim3A_1589 = arith.constant true
        %broadcast_in_dim3A_1590 = vector.broadcast %broadcast_in_dim3A_1589 : i1 to vector<16xi1>
        %masked_cumsum3A_1591 = tpu.scan <sum>, %add3A_816 masked %broadcast_in_dim3A_1590 : vector<16xf32>, vector<16xi1> -> vector<16xf32>
        %broadcast_in_dim3A_1592 = arith.constant true
        %broadcast_in_dim3A_1593 = vector.broadcast %broadcast_in_dim3A_1592 : i1 to vector<16xi1>
        %masked_cumsum3A_1594 = tpu.scan <sum>, %add3A_875 masked %broadcast_in_dim3A_1593 : vector<16xf32>, vector<16xi1> -> vector<16xf32>
        %broadcast_in_dim3A_1595 = arith.constant true
        %broadcast_in_dim3A_1596 = vector.broadcast %broadcast_in_dim3A_1595 : i1 to vector<16xi1>
        %masked_cumsum3A_1597 = tpu.scan <sum>, %add3A_934 masked %broadcast_in_dim3A_1596 : vector<16xf32>, vector<16xi1> -> vector<16xf32>
        %broadcast_in_dim3A_1598 = arith.constant true
        %broadcast_in_dim3A_1599 = vector.broadcast %broadcast_in_dim3A_1598 : i1 to vector<16xi1>
        %masked_cumsum3A_1600 = tpu.scan <sum>, %add3A_993 masked %broadcast_in_dim3A_1599 : vector<16xf32>, vector<16xi1> -> vector<16xf32>
        %broadcast_in_dim3A_1601 = arith.constant true
        %broadcast_in_dim3A_1602 = vector.broadcast %broadcast_in_dim3A_1601 : i1 to vector<16xi1>
        %masked_cumsum3A_1603 = tpu.scan <sum>, %add3A_1052 masked %broadcast_in_dim3A_1602 : vector<16xf32>, vector<16xi1> -> vector<16xf32>
        %broadcast_in_dim3A_1604 = arith.constant true
        %broadcast_in_dim3A_1605 = vector.broadcast %broadcast_in_dim3A_1604 : i1 to vector<16xi1>
        %masked_cumsum3A_1606 = tpu.scan <sum>, %add3A_1111 masked %broadcast_in_dim3A_1605 : vector<16xf32>, vector<16xi1> -> vector<16xf32>
        %broadcast_in_dim3A_1607 = arith.constant true
        %broadcast_in_dim3A_1608 = vector.broadcast %broadcast_in_dim3A_1607 : i1 to vector<16xi1>
        %masked_cumsum3A_1609 = tpu.scan <sum>, %add3A_1170 masked %broadcast_in_dim3A_1608 : vector<16xf32>, vector<16xi1> -> vector<16xf32>
        %broadcast_in_dim3A_1610 = arith.constant true
        %broadcast_in_dim3A_1611 = vector.broadcast %broadcast_in_dim3A_1610 : i1 to vector<16xi1>
        %masked_cumsum3A_1612 = tpu.scan <sum>, %add3A_1229 masked %broadcast_in_dim3A_1611 : vector<16xf32>, vector<16xi1> -> vector<16xf32>
        %broadcast_in_dim3A_1613 = arith.constant true
        %broadcast_in_dim3A_1614 = vector.broadcast %broadcast_in_dim3A_1613 : i1 to vector<16xi1>
        %masked_cumsum3A_1615 = tpu.scan <sum>, %add3A_1288 masked %broadcast_in_dim3A_1614 : vector<16xf32>, vector<16xi1> -> vector<16xf32>
        %broadcast_in_dim3A_1616 = arith.constant true
        %broadcast_in_dim3A_1617 = vector.broadcast %broadcast_in_dim3A_1616 : i1 to vector<16xi1>
        %masked_cumsum3A_1618 = tpu.scan <sum>, %add3A_1347 masked %broadcast_in_dim3A_1617 : vector<16xf32>, vector<16xi1> -> vector<16xf32>
        %broadcast_in_dim3A_1619 = arith.constant true
        %broadcast_in_dim3A_1620 = vector.broadcast %broadcast_in_dim3A_1619 : i1 to vector<16xi1>
        %masked_cumsum3A_1621 = tpu.scan <sum>, %add3A_1406 masked %broadcast_in_dim3A_1620 : vector<16xf32>, vector<16xi1> -> vector<16xf32>
        %broadcast_in_dim3A_1622 = arith.constant true
        %broadcast_in_dim3A_1623 = vector.broadcast %broadcast_in_dim3A_1622 : i1 to vector<16xi1>
        %masked_cumsum3A_1624 = tpu.scan <sum>, %add3A_1465 masked %broadcast_in_dim3A_1623 : vector<16xf32>, vector<16xi1> -> vector<16xf32>
        %broadcast_in_dim3A_1625 = arith.constant true
        %broadcast_in_dim3A_1626 = vector.broadcast %broadcast_in_dim3A_1625 : i1 to vector<16xi1>
        %masked_cumsum3A_1627 = tpu.scan <sum>, %add3A_1524 masked %broadcast_in_dim3A_1626 : vector<16xf32>, vector<16xi1> -> vector<16xf32>
        %broadcast_in_dim3A_1628 = arith.constant true
        %broadcast_in_dim3A_1629 = vector.broadcast %broadcast_in_dim3A_1628 : i1 to vector<16xi1>
        %masked_cumsum3A_1630 = tpu.scan <sum>, %add3A_1583 masked %broadcast_in_dim3A_1629 : vector<16xf32>, vector<16xi1> -> vector<16xf32>
        %mul3A_1631 = arith.constant 16 : i32
        %mul3A_1632 = arith.muli %scan3A_641, %mul3A_1631 : i32
        %add3A_1633 = arith.constant 0 : i32
        %add3A_1634 = arith.addi %mul3A_1632, %add3A_1633 : i32
        %swap3A = arith.constant 0 : i32
        %swap3A_1635 = arith.index_cast %swap3A : i32 to index
        %swap3A_1636 = arith.index_cast %add3A_1634 : i32 to index
        %swap3A_1637 = tpu.vector_load %arg11[%swap3A_1635, %swap3A_1636] masked %eq3A_11 {strides = array<i32>} : memref<2x528xf32, #tpu.memory_space<vmem>>, vector<16xf32>, vector<16xi1>
        tpu.vector_store %arg11[%swap3A_1635, %swap3A_1636], %masked_cumsum3A masked %eq3A_11 {strides = array<i32>} : memref<2x528xf32, #tpu.memory_space<vmem>>, vector<16xf32>, vector<16xi1>
        %mul3A_1638 = arith.constant 16 : i32
        %mul3A_1639 = arith.muli %scan3A_641, %mul3A_1638 : i32
        %add3A_1640 = arith.constant 1 : i32
        %add3A_1641 = arith.addi %mul3A_1639, %add3A_1640 : i32
        %swap3A_1642 = arith.constant 0 : i32
        %swap3A_1643 = arith.index_cast %swap3A_1642 : i32 to index
        %swap3A_1644 = arith.index_cast %add3A_1641 : i32 to index
        %swap3A_1645 = tpu.vector_load %arg11[%swap3A_1643, %swap3A_1644] masked %eq3A_11 {strides = array<i32>} : memref<2x528xf32, #tpu.memory_space<vmem>>, vector<16xf32>, vector<16xi1>
        tpu.vector_store %arg11[%swap3A_1643, %swap3A_1644], %masked_cumsum3A_1588 masked %eq3A_11 {strides = array<i32>} : memref<2x528xf32, #tpu.memory_space<vmem>>, vector<16xf32>, vector<16xi1>
        %mul3A_1646 = arith.constant 16 : i32
        %mul3A_1647 = arith.muli %scan3A_641, %mul3A_1646 : i32
        %add3A_1648 = arith.constant 2 : i32
        %add3A_1649 = arith.addi %mul3A_1647, %add3A_1648 : i32
        %swap3A_1650 = arith.constant 0 : i32
        %swap3A_1651 = arith.index_cast %swap3A_1650 : i32 to index
        %swap3A_1652 = arith.index_cast %add3A_1649 : i32 to index
        %swap3A_1653 = tpu.vector_load %arg11[%swap3A_1651, %swap3A_1652] masked %eq3A_11 {strides = array<i32>} : memref<2x528xf32, #tpu.memory_space<vmem>>, vector<16xf32>, vector<16xi1>
        tpu.vector_store %arg11[%swap3A_1651, %swap3A_1652], %masked_cumsum3A_1591 masked %eq3A_11 {strides = array<i32>} : memref<2x528xf32, #tpu.memory_space<vmem>>, vector<16xf32>, vector<16xi1>
        %mul3A_1654 = arith.constant 16 : i32
        %mul3A_1655 = arith.muli %scan3A_641, %mul3A_1654 : i32
        %add3A_1656 = arith.constant 3 : i32
        %add3A_1657 = arith.addi %mul3A_1655, %add3A_1656 : i32
        %swap3A_1658 = arith.constant 0 : i32
        %swap3A_1659 = arith.index_cast %swap3A_1658 : i32 to index
        %swap3A_1660 = arith.index_cast %add3A_1657 : i32 to index
        %swap3A_1661 = tpu.vector_load %arg11[%swap3A_1659, %swap3A_1660] masked %eq3A_11 {strides = array<i32>} : memref<2x528xf32, #tpu.memory_space<vmem>>, vector<16xf32>, vector<16xi1>
        tpu.vector_store %arg11[%swap3A_1659, %swap3A_1660], %masked_cumsum3A_1594 masked %eq3A_11 {strides = array<i32>} : memref<2x528xf32, #tpu.memory_space<vmem>>, vector<16xf32>, vector<16xi1>
        %mul3A_1662 = arith.constant 16 : i32
        %mul3A_1663 = arith.muli %scan3A_641, %mul3A_1662 : i32
        %add3A_1664 = arith.constant 4 : i32
        %add3A_1665 = arith.addi %mul3A_1663, %add3A_1664 : i32
        %swap3A_1666 = arith.constant 0 : i32
        %swap3A_1667 = arith.index_cast %swap3A_1666 : i32 to index
        %swap3A_1668 = arith.index_cast %add3A_1665 : i32 to index
        %swap3A_1669 = tpu.vector_load %arg11[%swap3A_1667, %swap3A_1668] masked %eq3A_11 {strides = array<i32>} : memref<2x528xf32, #tpu.memory_space<vmem>>, vector<16xf32>, vector<16xi1>
        tpu.vector_store %arg11[%swap3A_1667, %swap3A_1668], %masked_cumsum3A_1597 masked %eq3A_11 {strides = array<i32>} : memref<2x528xf32, #tpu.memory_space<vmem>>, vector<16xf32>, vector<16xi1>
        %mul3A_1670 = arith.constant 16 : i32
        %mul3A_1671 = arith.muli %scan3A_641, %mul3A_1670 : i32
        %add3A_1672 = arith.constant 5 : i32
        %add3A_1673 = arith.addi %mul3A_1671, %add3A_1672 : i32
        %swap3A_1674 = arith.constant 0 : i32
        %swap3A_1675 = arith.index_cast %swap3A_1674 : i32 to index
        %swap3A_1676 = arith.index_cast %add3A_1673 : i32 to index
        %swap3A_1677 = tpu.vector_load %arg11[%swap3A_1675, %swap3A_1676] masked %eq3A_11 {strides = array<i32>} : memref<2x528xf32, #tpu.memory_space<vmem>>, vector<16xf32>, vector<16xi1>
        tpu.vector_store %arg11[%swap3A_1675, %swap3A_1676], %masked_cumsum3A_1600 masked %eq3A_11 {strides = array<i32>} : memref<2x528xf32, #tpu.memory_space<vmem>>, vector<16xf32>, vector<16xi1>
        %mul3A_1678 = arith.constant 16 : i32
        %mul3A_1679 = arith.muli %scan3A_641, %mul3A_1678 : i32
        %add3A_1680 = arith.constant 6 : i32
        %add3A_1681 = arith.addi %mul3A_1679, %add3A_1680 : i32
        %swap3A_1682 = arith.constant 0 : i32
        %swap3A_1683 = arith.index_cast %swap3A_1682 : i32 to index
        %swap3A_1684 = arith.index_cast %add3A_1681 : i32 to index
        %swap3A_1685 = tpu.vector_load %arg11[%swap3A_1683, %swap3A_1684] masked %eq3A_11 {strides = array<i32>} : memref<2x528xf32, #tpu.memory_space<vmem>>, vector<16xf32>, vector<16xi1>
        tpu.vector_store %arg11[%swap3A_1683, %swap3A_1684], %masked_cumsum3A_1603 masked %eq3A_11 {strides = array<i32>} : memref<2x528xf32, #tpu.memory_space<vmem>>, vector<16xf32>, vector<16xi1>
        %mul3A_1686 = arith.constant 16 : i32
        %mul3A_1687 = arith.muli %scan3A_641, %mul3A_1686 : i32
        %add3A_1688 = arith.constant 7 : i32
        %add3A_1689 = arith.addi %mul3A_1687, %add3A_1688 : i32
        %swap3A_1690 = arith.constant 0 : i32
        %swap3A_1691 = arith.index_cast %swap3A_1690 : i32 to index
        %swap3A_1692 = arith.index_cast %add3A_1689 : i32 to index
        %swap3A_1693 = tpu.vector_load %arg11[%swap3A_1691, %swap3A_1692] masked %eq3A_11 {strides = array<i32>} : memref<2x528xf32, #tpu.memory_space<vmem>>, vector<16xf32>, vector<16xi1>
        tpu.vector_store %arg11[%swap3A_1691, %swap3A_1692], %masked_cumsum3A_1606 masked %eq3A_11 {strides = array<i32>} : memref<2x528xf32, #tpu.memory_space<vmem>>, vector<16xf32>, vector<16xi1>
        %mul3A_1694 = arith.constant 16 : i32
        %mul3A_1695 = arith.muli %scan3A_641, %mul3A_1694 : i32
        %add3A_1696 = arith.constant 8 : i32
        %add3A_1697 = arith.addi %mul3A_1695, %add3A_1696 : i32
        %swap3A_1698 = arith.constant 0 : i32
        %swap3A_1699 = arith.index_cast %swap3A_1698 : i32 to index
        %swap3A_1700 = arith.index_cast %add3A_1697 : i32 to index
        %swap3A_1701 = tpu.vector_load %arg11[%swap3A_1699, %swap3A_1700] masked %eq3A_11 {strides = array<i32>} : memref<2x528xf32, #tpu.memory_space<vmem>>, vector<16xf32>, vector<16xi1>
        tpu.vector_store %arg11[%swap3A_1699, %swap3A_1700], %masked_cumsum3A_1609 masked %eq3A_11 {strides = array<i32>} : memref<2x528xf32, #tpu.memory_space<vmem>>, vector<16xf32>, vector<16xi1>
        %mul3A_1702 = arith.constant 16 : i32
        %mul3A_1703 = arith.muli %scan3A_641, %mul3A_1702 : i32
        %add3A_1704 = arith.constant 9 : i32
        %add3A_1705 = arith.addi %mul3A_1703, %add3A_1704 : i32
        %swap3A_1706 = arith.constant 0 : i32
        %swap3A_1707 = arith.index_cast %swap3A_1706 : i32 to index
        %swap3A_1708 = arith.index_cast %add3A_1705 : i32 to index
        %swap3A_1709 = tpu.vector_load %arg11[%swap3A_1707, %swap3A_1708] masked %eq3A_11 {strides = array<i32>} : memref<2x528xf32, #tpu.memory_space<vmem>>, vector<16xf32>, vector<16xi1>
        tpu.vector_store %arg11[%swap3A_1707, %swap3A_1708], %masked_cumsum3A_1612 masked %eq3A_11 {strides = array<i32>} : memref<2x528xf32, #tpu.memory_space<vmem>>, vector<16xf32>, vector<16xi1>
        %mul3A_1710 = arith.constant 16 : i32
        %mul3A_1711 = arith.muli %scan3A_641, %mul3A_1710 : i32
        %add3A_1712 = arith.constant 10 : i32
        %add3A_1713 = arith.addi %mul3A_1711, %add3A_1712 : i32
        %swap3A_1714 = arith.constant 0 : i32
        %swap3A_1715 = arith.index_cast %swap3A_1714 : i32 to index
        %swap3A_1716 = arith.index_cast %add3A_1713 : i32 to index
        %swap3A_1717 = tpu.vector_load %arg11[%swap3A_1715, %swap3A_1716] masked %eq3A_11 {strides = array<i32>} : memref<2x528xf32, #tpu.memory_space<vmem>>, vector<16xf32>, vector<16xi1>
        tpu.vector_store %arg11[%swap3A_1715, %swap3A_1716], %masked_cumsum3A_1615 masked %eq3A_11 {strides = array<i32>} : memref<2x528xf32, #tpu.memory_space<vmem>>, vector<16xf32>, vector<16xi1>
        %mul3A_1718 = arith.constant 16 : i32
        %mul3A_1719 = arith.muli %scan3A_641, %mul3A_1718 : i32
        %add3A_1720 = arith.constant 11 : i32
        %add3A_1721 = arith.addi %mul3A_1719, %add3A_1720 : i32
        %swap3A_1722 = arith.constant 0 : i32
        %swap3A_1723 = arith.index_cast %swap3A_1722 : i32 to index
        %swap3A_1724 = arith.index_cast %add3A_1721 : i32 to index
        %swap3A_1725 = tpu.vector_load %arg11[%swap3A_1723, %swap3A_1724] masked %eq3A_11 {strides = array<i32>} : memref<2x528xf32, #tpu.memory_space<vmem>>, vector<16xf32>, vector<16xi1>
        tpu.vector_store %arg11[%swap3A_1723, %swap3A_1724], %masked_cumsum3A_1618 masked %eq3A_11 {strides = array<i32>} : memref<2x528xf32, #tpu.memory_space<vmem>>, vector<16xf32>, vector<16xi1>
        %mul3A_1726 = arith.constant 16 : i32
        %mul3A_1727 = arith.muli %scan3A_641, %mul3A_1726 : i32
        %add3A_1728 = arith.constant 12 : i32
        %add3A_1729 = arith.addi %mul3A_1727, %add3A_1728 : i32
        %swap3A_1730 = arith.constant 0 : i32
        %swap3A_1731 = arith.index_cast %swap3A_1730 : i32 to index
        %swap3A_1732 = arith.index_cast %add3A_1729 : i32 to index
        %swap3A_1733 = tpu.vector_load %arg11[%swap3A_1731, %swap3A_1732] masked %eq3A_11 {strides = array<i32>} : memref<2x528xf32, #tpu.memory_space<vmem>>, vector<16xf32>, vector<16xi1>
        tpu.vector_store %arg11[%swap3A_1731, %swap3A_1732], %masked_cumsum3A_1621 masked %eq3A_11 {strides = array<i32>} : memref<2x528xf32, #tpu.memory_space<vmem>>, vector<16xf32>, vector<16xi1>
        %mul3A_1734 = arith.constant 16 : i32
        %mul3A_1735 = arith.muli %scan3A_641, %mul3A_1734 : i32
        %add3A_1736 = arith.constant 13 : i32
        %add3A_1737 = arith.addi %mul3A_1735, %add3A_1736 : i32
        %swap3A_1738 = arith.constant 0 : i32
        %swap3A_1739 = arith.index_cast %swap3A_1738 : i32 to index
        %swap3A_1740 = arith.index_cast %add3A_1737 : i32 to index
        %swap3A_1741 = tpu.vector_load %arg11[%swap3A_1739, %swap3A_1740] masked %eq3A_11 {strides = array<i32>} : memref<2x528xf32, #tpu.memory_space<vmem>>, vector<16xf32>, vector<16xi1>
        tpu.vector_store %arg11[%swap3A_1739, %swap3A_1740], %masked_cumsum3A_1624 masked %eq3A_11 {strides = array<i32>} : memref<2x528xf32, #tpu.memory_space<vmem>>, vector<16xf32>, vector<16xi1>
        %mul3A_1742 = arith.constant 16 : i32
        %mul3A_1743 = arith.muli %scan3A_641, %mul3A_1742 : i32
        %add3A_1744 = arith.constant 14 : i32
        %add3A_1745 = arith.addi %mul3A_1743, %add3A_1744 : i32
        %swap3A_1746 = arith.constant 0 : i32
        %swap3A_1747 = arith.index_cast %swap3A_1746 : i32 to index
        %swap3A_1748 = arith.index_cast %add3A_1745 : i32 to index
        %swap3A_1749 = tpu.vector_load %arg11[%swap3A_1747, %swap3A_1748] masked %eq3A_11 {strides = array<i32>} : memref<2x528xf32, #tpu.memory_space<vmem>>, vector<16xf32>, vector<16xi1>
        tpu.vector_store %arg11[%swap3A_1747, %swap3A_1748], %masked_cumsum3A_1627 masked %eq3A_11 {strides = array<i32>} : memref<2x528xf32, #tpu.memory_space<vmem>>, vector<16xf32>, vector<16xi1>
        %mul3A_1750 = arith.constant 16 : i32
        %mul3A_1751 = arith.muli %scan3A_641, %mul3A_1750 : i32
        %add3A_1752 = arith.constant 15 : i32
        %add3A_1753 = arith.addi %mul3A_1751, %add3A_1752 : i32
        %swap3A_1754 = arith.constant 0 : i32
        %swap3A_1755 = arith.index_cast %swap3A_1754 : i32 to index
        %swap3A_1756 = arith.index_cast %add3A_1753 : i32 to index
        %swap3A_1757 = tpu.vector_load %arg11[%swap3A_1755, %swap3A_1756] masked %eq3A_11 {strides = array<i32>} : memref<2x528xf32, #tpu.memory_space<vmem>>, vector<16xf32>, vector<16xi1>
        tpu.vector_store %arg11[%swap3A_1755, %swap3A_1756], %masked_cumsum3A_1630 masked %eq3A_11 {strides = array<i32>} : memref<2x528xf32, #tpu.memory_space<vmem>>, vector<16xf32>, vector<16xi1>
        %scan3A_1758 = arith.constant 0 : i32
        scf.yield %scan3A_1758 : i32
      }
      %scan3A_443 = arith.constant 32 : i32
      %scan3A_444 = arith.constant 0 : i32
      %scan3A_445 = arith.constant 0 : i32
      %scan3A_446 = arith.constant 32 : i32
      %scan3A_447 = arith.addi %scan3A_445, %scan3A_446 : i32
      %scan3A_448 = arith.constant 1 : i32
      %scan3A_449 = scf.for %scan3A_641 = %scan3A_445 to %scan3A_447 step %scan3A_448 iter_args(%scan3A_642 = %scan3A_444) -> (i32)  : i32 {
        %mul3A_643 = arith.constant 16 : i32
        %mul3A_644 = arith.muli %scan3A_641, %mul3A_643 : i32
        %get3A_645 = arith.constant 0 : i32
        %get3A_646 = arith.index_cast %get3A_645 : i32 to index
        %get3A_647 = arith.index_cast %mul3A_644 : i32 to index
        %get3A_648 = tpu.vector_load %arg11[%get3A_646, %get3A_647] {strides = array<i32>} : memref<2x528xf32, #tpu.memory_space<vmem>>, vector<16xf32>,
        %add3A_649 = arith.addf %get3A_648, %get3A_1 : vector<16xf32>
        %neg3A = arith.constant 0.000000e+00 : f32
        %neg3A_650 = vector.broadcast %neg3A : f32 to vector<16xf32>
        %neg3A_651 = arith.subf %neg3A_650, %add3A_649 : vector<16xf32>
        %exp3A = math.exp %neg3A_651 : vector<16xf32>
        %add3A_652 = arith.constant 1.000000e+00 : f32
        %add3A_653 = vector.broadcast %add3A_652 : f32 to vector<16xf32>
        %add3A_654 = arith.addf %add3A_653, %exp3A : vector<16xf32>
        %div3A = arith.constant 1.000000e+00 : f32
        %div3A_655 = vector.broadcast %div3A : f32 to vector<16xf32>
        %div3A_656 = arith.divf %div3A_655, %add3A_654 : vector<16xf32>
        %mul3A_657 = arith.constant 16 : i32
        %mul3A_658 = arith.muli %scan3A_641, %mul3A_657 : i32
        %swap3A = arith.constant 0 : i32
        %swap3A_659 = arith.index_cast %swap3A : i32 to index
        %swap3A_660 = arith.index_cast %mul3A_658 : i32 to index
        %swap3A_661 = tpu.vector_load %arg11[%swap3A_659, %swap3A_660] {strides = array<i32>} : memref<2x528xf32, #tpu.memory_space<vmem>>, vector<16xf32>,
        tpu.vector_store %arg11[%swap3A_659, %swap3A_660], %div3A_656 {strides = array<i32>} : memref<2x528xf32, #tpu.memory_space<vmem>>, vector<16xf32>,
        %scan3A_662 = arith.constant 0 : i32
        scf.yield %scan3A_662 : i32
      }
      %scan3A_450 = arith.constant 32 : i32
      %mul3A_451 = arith.constant 512 : i32
      %mul3A_452 = arith.muli %mul3A_172, %mul3A_451 : i32
      %add3A_453 = arith.addi %mul3A_16, %mul3A_452 : i32
      %dma_start3A_454 = arith.constant 0 : i32
      %dma_start3A_455 = arith.constant 0 : i32
      %dma_start3A_456 = arith.constant 0 : i32
      %dma_start3A_457 = tpu.memref_slice %arg11[%dma_start3A_454, %dma_start3A_456] : memref<2x528xf32, #tpu.memory_space<vmem>> -> memref<1x512xf32, #tpu.memory_space<vmem>>
      %dma_start3A_458 = tpu.memref_squeeze %dma_start3A_457 : memref<1x512xf32, #tpu.memory_space<vmem>> -> memref<512xf32, #tpu.memory_space<vmem>>
      %dma_start3A_459 = tpu.memref_slice %arg6[%add3A_453] : memref<819200xf32, #tpu.memory_space<hbm>> -> memref<512xf32, #tpu.memory_space<hbm>>
      %dma_start3A_460 = tpu.memref_slice %arg14[%dma_start3A_455] : memref<2x!tpu.dma_semaphore, #tpu.memory_space<semaphore_mem>> -> memref<1x!tpu.dma_semaphore, #tpu.memory_space<semaphore_mem>>
      %dma_start3A_461 = tpu.memref_squeeze %dma_start3A_460 : memref<1x!tpu.dma_semaphore, #tpu.memory_space<semaphore_mem>> -> memref<!tpu.dma_semaphore, #tpu.memory_space<semaphore_mem>>
      %dma_start3A_462 = tpu.memref_slice %arg6[%add3A_453] : memref<819200xf32, #tpu.memory_space<hbm>> -> memref<512xf32, #tpu.memory_space<hbm>>
      %dma_start3A_463 = arith.constant 0 : i32
      %dma_start3A_464 = tpu.memref_slice %arg11[%dma_start3A_454, %dma_start3A_463] : memref<2x528xf32, #tpu.memory_space<vmem>> -> memref<1x512xf32, #tpu.memory_space<vmem>>
      %dma_start3A_465 = tpu.memref_squeeze %dma_start3A_464 : memref<1x512xf32, #tpu.memory_space<vmem>> -> memref<512xf32, #tpu.memory_space<vmem>>
      tpu.enqueue_dma source(%dma_start3A_465 : memref<512xf32, #tpu.memory_space<vmem>>) target(%dma_start3A_462 : memref<512xf32, #tpu.memory_space<hbm>>) target_semaphore(%dma_start3A_461 : memref<!tpu.dma_semaphore, #tpu.memory_space<semaphore_mem>>)
      %add3A_466 = arith.constant 2 : i32
      %add3A_467 = arith.addi %mul3A_172, %add3A_466 : i32
      %lt3A = arith.constant 50 : i32
      %lt3A_468 = arith.cmpi slt, %add3A_467, %lt3A : i32
      %convert_element_type3A_469 = arith.extui %lt3A_468 : i1 to i32
      %cond3A_470 = arith.constant 0 : i32
      %cond3A_471 = arith.cmpi ne, %convert_element_type3A_469, %cond3A_470 : i32
      scf.if %cond3A_471 {
        %add3A_641 = arith.constant 2 : i32
        %add3A_642 = arith.addi %mul3A_172, %add3A_641 : i32
        %mul3A_643 = arith.constant 4 : i32
        %mul3A_644 = arith.muli %add3A_642, %mul3A_643 : i32
        %add3A_645 = arith.constant 0 : i32
        %add3A_646 = arith.addi %mul3A_644, %add3A_645 : i32
        %dma_start3A_647 = arith.constant 0 : i32
        %dma_start3A_648 = arith.constant 0 : i32
        %dma_start3A_649 = arith.constant 0 : i32
        %dma_start3A_650 = arith.constant 0 : i32
        %dma_start3A_651 = tpu.memref_slice %arg9[%dma_start3A_647, %dma_start3A_649, %dma_start3A_650] : memref<2x512x32xi32, #tpu.memory_space<vmem>> -> memref<1x128x32xi32, #tpu.memory_space<vmem>>
        %dma_start3A_652 = tpu.memref_squeeze %dma_start3A_651 : memref<1x128x32xi32, #tpu.memory_space<vmem>> -> memref<128x32xi32, #tpu.memory_space<vmem>>
        %dma_start3A_653 = arith.constant 0 : i32
        %dma_start3A_654 = tpu.memref_slice %arg7[%add3A_646, %dma_start3A_653] : memref<200x128xi32, #tpu.memory_space<vmem>> -> memref<1x128xi32, #tpu.memory_space<vmem>>
        %dma_start3A_655 = tpu.memref_squeeze %dma_start3A_654 : memref<1x128xi32, #tpu.memory_space<vmem>> -> memref<128xi32, #tpu.memory_space<vmem>>
        %dma_start3A_656 = arith.constant 0 : i32
        %dma_start3A_657 = arith.constant 0 : i32
        %dma_start3A_658 = tpu.memref_slice %arg4[%dma_start3A_656, %dma_start3A_657] : memref<1024000x32xi32, #tpu.memory_space<hbm>> -> memref<1024000x32xi32, #tpu.memory_space<hbm>>
        %dma_start3A_659 = tpu.memref_slice %arg13[%dma_start3A_648] : memref<2x!tpu.dma_semaphore, #tpu.memory_space<semaphore_mem>> -> memref<1x!tpu.dma_semaphore, #tpu.memory_space<semaphore_mem>>
        %dma_start3A_660 = tpu.memref_squeeze %dma_start3A_659 : memref<1x!tpu.dma_semaphore, #tpu.memory_space<semaphore_mem>> -> memref<!tpu.dma_semaphore, #tpu.memory_space<semaphore_mem>>
        tpu.enqueue_indirect_dma source(%dma_start3A_658 : memref<1024000x32xi32, #tpu.memory_space<hbm>>) target(%dma_start3A_652 : memref<128x32xi32, #tpu.memory_space<vmem>>) offsets(%dma_start3A_655 : memref<128xi32, #tpu.memory_space<vmem>>) semaphore(%dma_start3A_660 : memref<!tpu.dma_semaphore, #tpu.memory_space<semaphore_mem>>)
        %add3A_661 = arith.constant 0 : i32
        %add3A_662 = arith.addi %mul3A_644, %add3A_661 : i32
        %dma_start3A_663 = arith.constant 0 : i32
        %dma_start3A_664 = arith.constant 0 : i32
        %dma_start3A_665 = arith.constant 0 : i32
        %dma_start3A_666 = arith.constant 0 : i32
        %dma_start3A_667 = tpu.memref_slice %arg10[%dma_start3A_663, %dma_start3A_665, %dma_start3A_666] : memref<2x512x32xi32, #tpu.memory_space<vmem>> -> memref<1x128x32xi32, #tpu.memory_space<vmem>>
        %dma_start3A_668 = tpu.memref_squeeze %dma_start3A_667 : memref<1x128x32xi32, #tpu.memory_space<vmem>> -> memref<128x32xi32, #tpu.memory_space<vmem>>
        %dma_start3A_669 = arith.constant 0 : i32
        %dma_start3A_670 = tpu.memref_slice %arg8[%add3A_662, %dma_start3A_669] : memref<200x128xi32, #tpu.memory_space<vmem>> -> memref<1x128xi32, #tpu.memory_space<vmem>>
        %dma_start3A_671 = tpu.memref_squeeze %dma_start3A_670 : memref<1x128xi32, #tpu.memory_space<vmem>> -> memref<128xi32, #tpu.memory_space<vmem>>
        %dma_start3A_672 = arith.constant 0 : i32
        %dma_start3A_673 = arith.constant 0 : i32
        %dma_start3A_674 = tpu.memref_slice %arg4[%dma_start3A_672, %dma_start3A_673] : memref<1024000x32xi32, #tpu.memory_space<hbm>> -> memref<1024000x32xi32, #tpu.memory_space<hbm>>
        %dma_start3A_675 = tpu.memref_slice %arg13[%dma_start3A_664] : memref<2x!tpu.dma_semaphore, #tpu.memory_space<semaphore_mem>> -> memref<1x!tpu.dma_semaphore, #tpu.memory_space<semaphore_mem>>
        %dma_start3A_676 = tpu.memref_squeeze %dma_start3A_675 : memref<1x!tpu.dma_semaphore, #tpu.memory_space<semaphore_mem>> -> memref<!tpu.dma_semaphore, #tpu.memory_space<semaphore_mem>>
        tpu.enqueue_indirect_dma source(%dma_start3A_674 : memref<1024000x32xi32, #tpu.memory_space<hbm>>) target(%dma_start3A_668 : memref<128x32xi32, #tpu.memory_space<vmem>>) offsets(%dma_start3A_671 : memref<128xi32, #tpu.memory_space<vmem>>) semaphore(%dma_start3A_676 : memref<!tpu.dma_semaphore, #tpu.memory_space<semaphore_mem>>)
        %add3A_677 = arith.constant 1 : i32
        %add3A_678 = arith.addi %mul3A_644, %add3A_677 : i32
        %dma_start3A_679 = arith.constant 0 : i32
        %dma_start3A_680 = arith.constant 0 : i32
        %dma_start3A_681 = arith.constant 128 : i32
        %dma_start3A_682 = arith.constant 0 : i32
        %dma_start3A_683 = tpu.memref_slice %arg9[%dma_start3A_679, %dma_start3A_681, %dma_start3A_682] : memref<2x512x32xi32, #tpu.memory_space<vmem>> -> memref<1x128x32xi32, #tpu.memory_space<vmem>>
        %dma_start3A_684 = tpu.memref_squeeze %dma_start3A_683 : memref<1x128x32xi32, #tpu.memory_space<vmem>> -> memref<128x32xi32, #tpu.memory_space<vmem>>
        %dma_start3A_685 = arith.constant 0 : i32
        %dma_start3A_686 = tpu.memref_slice %arg7[%add3A_678, %dma_start3A_685] : memref<200x128xi32, #tpu.memory_space<vmem>> -> memref<1x128xi32, #tpu.memory_space<vmem>>
        %dma_start3A_687 = tpu.memref_squeeze %dma_start3A_686 : memref<1x128xi32, #tpu.memory_space<vmem>> -> memref<128xi32, #tpu.memory_space<vmem>>
        %dma_start3A_688 = arith.constant 0 : i32
        %dma_start3A_689 = arith.constant 0 : i32
        %dma_start3A_690 = tpu.memref_slice %arg4[%dma_start3A_688, %dma_start3A_689] : memref<1024000x32xi32, #tpu.memory_space<hbm>> -> memref<1024000x32xi32, #tpu.memory_space<hbm>>
        %dma_start3A_691 = tpu.memref_slice %arg13[%dma_start3A_680] : memref<2x!tpu.dma_semaphore, #tpu.memory_space<semaphore_mem>> -> memref<1x!tpu.dma_semaphore, #tpu.memory_space<semaphore_mem>>
        %dma_start3A_692 = tpu.memref_squeeze %dma_start3A_691 : memref<1x!tpu.dma_semaphore, #tpu.memory_space<semaphore_mem>> -> memref<!tpu.dma_semaphore, #tpu.memory_space<semaphore_mem>>
        tpu.enqueue_indirect_dma source(%dma_start3A_690 : memref<1024000x32xi32, #tpu.memory_space<hbm>>) target(%dma_start3A_684 : memref<128x32xi32, #tpu.memory_space<vmem>>) offsets(%dma_start3A_687 : memref<128xi32, #tpu.memory_space<vmem>>) semaphore(%dma_start3A_692 : memref<!tpu.dma_semaphore, #tpu.memory_space<semaphore_mem>>)
        %add3A_693 = arith.constant 1 : i32
        %add3A_694 = arith.addi %mul3A_644, %add3A_693 : i32
        %dma_start3A_695 = arith.constant 0 : i32
        %dma_start3A_696 = arith.constant 0 : i32
        %dma_start3A_697 = arith.constant 128 : i32
        %dma_start3A_698 = arith.constant 0 : i32
        %dma_start3A_699 = tpu.memref_slice %arg10[%dma_start3A_695, %dma_start3A_697, %dma_start3A_698] : memref<2x512x32xi32, #tpu.memory_space<vmem>> -> memref<1x128x32xi32, #tpu.memory_space<vmem>>
        %dma_start3A_700 = tpu.memref_squeeze %dma_start3A_699 : memref<1x128x32xi32, #tpu.memory_space<vmem>> -> memref<128x32xi32, #tpu.memory_space<vmem>>
        %dma_start3A_701 = arith.constant 0 : i32
        %dma_start3A_702 = tpu.memref_slice %arg8[%add3A_694, %dma_start3A_701] : memref<200x128xi32, #tpu.memory_space<vmem>> -> memref<1x128xi32, #tpu.memory_space<vmem>>
        %dma_start3A_703 = tpu.memref_squeeze %dma_start3A_702 : memref<1x128xi32, #tpu.memory_space<vmem>> -> memref<128xi32, #tpu.memory_space<vmem>>
        %dma_start3A_704 = arith.constant 0 : i32
        %dma_start3A_705 = arith.constant 0 : i32
        %dma_start3A_706 = tpu.memref_slice %arg4[%dma_start3A_704, %dma_start3A_705] : memref<1024000x32xi32, #tpu.memory_space<hbm>> -> memref<1024000x32xi32, #tpu.memory_space<hbm>>
        %dma_start3A_707 = tpu.memref_slice %arg13[%dma_start3A_696] : memref<2x!tpu.dma_semaphore, #tpu.memory_space<semaphore_mem>> -> memref<1x!tpu.dma_semaphore, #tpu.memory_space<semaphore_mem>>
        %dma_start3A_708 = tpu.memref_squeeze %dma_start3A_707 : memref<1x!tpu.dma_semaphore, #tpu.memory_space<semaphore_mem>> -> memref<!tpu.dma_semaphore, #tpu.memory_space<semaphore_mem>>
        tpu.enqueue_indirect_dma source(%dma_start3A_706 : memref<1024000x32xi32, #tpu.memory_space<hbm>>) target(%dma_start3A_700 : memref<128x32xi32, #tpu.memory_space<vmem>>) offsets(%dma_start3A_703 : memref<128xi32, #tpu.memory_space<vmem>>) semaphore(%dma_start3A_708 : memref<!tpu.dma_semaphore, #tpu.memory_space<semaphore_mem>>)
        %add3A_709 = arith.constant 2 : i32
        %add3A_710 = arith.addi %mul3A_644, %add3A_709 : i32
        %dma_start3A_711 = arith.constant 0 : i32
        %dma_start3A_712 = arith.constant 0 : i32
        %dma_start3A_713 = arith.constant 256 : i32
        %dma_start3A_714 = arith.constant 0 : i32
        %dma_start3A_715 = tpu.memref_slice %arg9[%dma_start3A_711, %dma_start3A_713, %dma_start3A_714] : memref<2x512x32xi32, #tpu.memory_space<vmem>> -> memref<1x128x32xi32, #tpu.memory_space<vmem>>
        %dma_start3A_716 = tpu.memref_squeeze %dma_start3A_715 : memref<1x128x32xi32, #tpu.memory_space<vmem>> -> memref<128x32xi32, #tpu.memory_space<vmem>>
        %dma_start3A_717 = arith.constant 0 : i32
        %dma_start3A_718 = tpu.memref_slice %arg7[%add3A_710, %dma_start3A_717] : memref<200x128xi32, #tpu.memory_space<vmem>> -> memref<1x128xi32, #tpu.memory_space<vmem>>
        %dma_start3A_719 = tpu.memref_squeeze %dma_start3A_718 : memref<1x128xi32, #tpu.memory_space<vmem>> -> memref<128xi32, #tpu.memory_space<vmem>>
        %dma_start3A_720 = arith.constant 0 : i32
        %dma_start3A_721 = arith.constant 0 : i32
        %dma_start3A_722 = tpu.memref_slice %arg4[%dma_start3A_720, %dma_start3A_721] : memref<1024000x32xi32, #tpu.memory_space<hbm>> -> memref<1024000x32xi32, #tpu.memory_space<hbm>>
        %dma_start3A_723 = tpu.memref_slice %arg13[%dma_start3A_712] : memref<2x!tpu.dma_semaphore, #tpu.memory_space<semaphore_mem>> -> memref<1x!tpu.dma_semaphore, #tpu.memory_space<semaphore_mem>>
        %dma_start3A_724 = tpu.memref_squeeze %dma_start3A_723 : memref<1x!tpu.dma_semaphore, #tpu.memory_space<semaphore_mem>> -> memref<!tpu.dma_semaphore, #tpu.memory_space<semaphore_mem>>
        tpu.enqueue_indirect_dma source(%dma_start3A_722 : memref<1024000x32xi32, #tpu.memory_space<hbm>>) target(%dma_start3A_716 : memref<128x32xi32, #tpu.memory_space<vmem>>) offsets(%dma_start3A_719 : memref<128xi32, #tpu.memory_space<vmem>>) semaphore(%dma_start3A_724 : memref<!tpu.dma_semaphore, #tpu.memory_space<semaphore_mem>>)
        %add3A_725 = arith.constant 2 : i32
        %add3A_726 = arith.addi %mul3A_644, %add3A_725 : i32
        %dma_start3A_727 = arith.constant 0 : i32
        %dma_start3A_728 = arith.constant 0 : i32
        %dma_start3A_729 = arith.constant 256 : i32
        %dma_start3A_730 = arith.constant 0 : i32
        %dma_start3A_731 = tpu.memref_slice %arg10[%dma_start3A_727, %dma_start3A_729, %dma_start3A_730] : memref<2x512x32xi32, #tpu.memory_space<vmem>> -> memref<1x128x32xi32, #tpu.memory_space<vmem>>
        %dma_start3A_732 = tpu.memref_squeeze %dma_start3A_731 : memref<1x128x32xi32, #tpu.memory_space<vmem>> -> memref<128x32xi32, #tpu.memory_space<vmem>>
        %dma_start3A_733 = arith.constant 0 : i32
        %dma_start3A_734 = tpu.memref_slice %arg8[%add3A_726, %dma_start3A_733] : memref<200x128xi32, #tpu.memory_space<vmem>> -> memref<1x128xi32, #tpu.memory_space<vmem>>
        %dma_start3A_735 = tpu.memref_squeeze %dma_start3A_734 : memref<1x128xi32, #tpu.memory_space<vmem>> -> memref<128xi32, #tpu.memory_space<vmem>>
        %dma_start3A_736 = arith.constant 0 : i32
        %dma_start3A_737 = arith.constant 0 : i32
        %dma_start3A_738 = tpu.memref_slice %arg4[%dma_start3A_736, %dma_start3A_737] : memref<1024000x32xi32, #tpu.memory_space<hbm>> -> memref<1024000x32xi32, #tpu.memory_space<hbm>>
        %dma_start3A_739 = tpu.memref_slice %arg13[%dma_start3A_728] : memref<2x!tpu.dma_semaphore, #tpu.memory_space<semaphore_mem>> -> memref<1x!tpu.dma_semaphore, #tpu.memory_space<semaphore_mem>>
        %dma_start3A_740 = tpu.memref_squeeze %dma_start3A_739 : memref<1x!tpu.dma_semaphore, #tpu.memory_space<semaphore_mem>> -> memref<!tpu.dma_semaphore, #tpu.memory_space<semaphore_mem>>
        tpu.enqueue_indirect_dma source(%dma_start3A_738 : memref<1024000x32xi32, #tpu.memory_space<hbm>>) target(%dma_start3A_732 : memref<128x32xi32, #tpu.memory_space<vmem>>) offsets(%dma_start3A_735 : memref<128xi32, #tpu.memory_space<vmem>>) semaphore(%dma_start3A_740 : memref<!tpu.dma_semaphore, #tpu.memory_space<semaphore_mem>>)
        %add3A_741 = arith.constant 3 : i32
        %add3A_742 = arith.addi %mul3A_644, %add3A_741 : i32
        %dma_start3A_743 = arith.constant 0 : i32
        %dma_start3A_744 = arith.constant 0 : i32
        %dma_start3A_745 = arith.constant 384 : i32
        %dma_start3A_746 = arith.constant 0 : i32
        %dma_start3A_747 = tpu.memref_slice %arg9[%dma_start3A_743, %dma_start3A_745, %dma_start3A_746] : memref<2x512x32xi32, #tpu.memory_space<vmem>> -> memref<1x128x32xi32, #tpu.memory_space<vmem>>
        %dma_start3A_748 = tpu.memref_squeeze %dma_start3A_747 : memref<1x128x32xi32, #tpu.memory_space<vmem>> -> memref<128x32xi32, #tpu.memory_space<vmem>>
        %dma_start3A_749 = arith.constant 0 : i32
        %dma_start3A_750 = tpu.memref_slice %arg7[%add3A_742, %dma_start3A_749] : memref<200x128xi32, #tpu.memory_space<vmem>> -> memref<1x128xi32, #tpu.memory_space<vmem>>
        %dma_start3A_751 = tpu.memref_squeeze %dma_start3A_750 : memref<1x128xi32, #tpu.memory_space<vmem>> -> memref<128xi32, #tpu.memory_space<vmem>>
        %dma_start3A_752 = arith.constant 0 : i32
        %dma_start3A_753 = arith.constant 0 : i32
        %dma_start3A_754 = tpu.memref_slice %arg4[%dma_start3A_752, %dma_start3A_753] : memref<1024000x32xi32, #tpu.memory_space<hbm>> -> memref<1024000x32xi32, #tpu.memory_space<hbm>>
        %dma_start3A_755 = tpu.memref_slice %arg13[%dma_start3A_744] : memref<2x!tpu.dma_semaphore, #tpu.memory_space<semaphore_mem>> -> memref<1x!tpu.dma_semaphore, #tpu.memory_space<semaphore_mem>>
        %dma_start3A_756 = tpu.memref_squeeze %dma_start3A_755 : memref<1x!tpu.dma_semaphore, #tpu.memory_space<semaphore_mem>> -> memref<!tpu.dma_semaphore, #tpu.memory_space<semaphore_mem>>
        tpu.enqueue_indirect_dma source(%dma_start3A_754 : memref<1024000x32xi32, #tpu.memory_space<hbm>>) target(%dma_start3A_748 : memref<128x32xi32, #tpu.memory_space<vmem>>) offsets(%dma_start3A_751 : memref<128xi32, #tpu.memory_space<vmem>>) semaphore(%dma_start3A_756 : memref<!tpu.dma_semaphore, #tpu.memory_space<semaphore_mem>>)
        %add3A_757 = arith.constant 3 : i32
        %add3A_758 = arith.addi %mul3A_644, %add3A_757 : i32
        %dma_start3A_759 = arith.constant 0 : i32
        %dma_start3A_760 = arith.constant 0 : i32
        %dma_start3A_761 = arith.constant 384 : i32
        %dma_start3A_762 = arith.constant 0 : i32
        %dma_start3A_763 = tpu.memref_slice %arg10[%dma_start3A_759, %dma_start3A_761, %dma_start3A_762] : memref<2x512x32xi32, #tpu.memory_space<vmem>> -> memref<1x128x32xi32, #tpu.memory_space<vmem>>
        %dma_start3A_764 = tpu.memref_squeeze %dma_start3A_763 : memref<1x128x32xi32, #tpu.memory_space<vmem>> -> memref<128x32xi32, #tpu.memory_space<vmem>>
        %dma_start3A_765 = arith.constant 0 : i32
        %dma_start3A_766 = tpu.memref_slice %arg8[%add3A_758, %dma_start3A_765] : memref<200x128xi32, #tpu.memory_space<vmem>> -> memref<1x128xi32, #tpu.memory_space<vmem>>
        %dma_start3A_767 = tpu.memref_squeeze %dma_start3A_766 : memref<1x128xi32, #tpu.memory_space<vmem>> -> memref<128xi32, #tpu.memory_space<vmem>>
        %dma_start3A_768 = arith.constant 0 : i32
        %dma_start3A_769 = arith.constant 0 : i32
        %dma_start3A_770 = tpu.memref_slice %arg4[%dma_start3A_768, %dma_start3A_769] : memref<1024000x32xi32, #tpu.memory_space<hbm>> -> memref<1024000x32xi32, #tpu.memory_space<hbm>>
        %dma_start3A_771 = tpu.memref_slice %arg13[%dma_start3A_760] : memref<2x!tpu.dma_semaphore, #tpu.memory_space<semaphore_mem>> -> memref<1x!tpu.dma_semaphore, #tpu.memory_space<semaphore_mem>>
        %dma_start3A_772 = tpu.memref_squeeze %dma_start3A_771 : memref<1x!tpu.dma_semaphore, #tpu.memory_space<semaphore_mem>> -> memref<!tpu.dma_semaphore, #tpu.memory_space<semaphore_mem>>
        tpu.enqueue_indirect_dma source(%dma_start3A_770 : memref<1024000x32xi32, #tpu.memory_space<hbm>>) target(%dma_start3A_764 : memref<128x32xi32, #tpu.memory_space<vmem>>) offsets(%dma_start3A_767 : memref<128xi32, #tpu.memory_space<vmem>>) semaphore(%dma_start3A_772 : memref<!tpu.dma_semaphore, #tpu.memory_space<semaphore_mem>>)
      } else {
      }
      %add3A_472 = arith.constant 1 : i32
      %add3A_473 = arith.addi %mul3A_172, %add3A_472 : i32
      %mul3A_474 = arith.constant 4 : i32
      %mul3A_475 = arith.muli %add3A_473, %mul3A_474 : i32
      %add3A_476 = arith.constant 0 : i32
      %add3A_477 = arith.addi %mul3A_475, %add3A_476 : i32
      %dma_wait3A_478 = arith.constant 1 : i32
      %dma_wait3A_479 = arith.constant 1 : i32
      %dma_wait3A_480 = arith.constant 0 : i32
      %dma_wait3A_481 = arith.constant 0 : i32
      %dma_wait3A_482 = tpu.memref_slice %arg9[%dma_wait3A_478, %dma_wait3A_480, %dma_wait3A_481] : memref<2x512x32xi32, #tpu.memory_space<vmem>> -> memref<1x128x32xi32, #tpu.memory_space<vmem>>
      %dma_wait3A_483 = tpu.memref_squeeze %dma_wait3A_482 : memref<1x128x32xi32, #tpu.memory_space<vmem>> -> memref<128x32xi32, #tpu.memory_space<vmem>>
      %dma_wait3A_484 = arith.constant 0 : i32
      %dma_wait3A_485 = tpu.memref_slice %arg7[%add3A_477, %dma_wait3A_484] : memref<200x128xi32, #tpu.memory_space<vmem>> -> memref<1x128xi32, #tpu.memory_space<vmem>>
      %dma_wait3A_486 = tpu.memref_squeeze %dma_wait3A_485 : memref<1x128xi32, #tpu.memory_space<vmem>> -> memref<128xi32, #tpu.memory_space<vmem>>
      %dma_wait3A_487 = arith.constant 0 : i32
      %dma_wait3A_488 = arith.constant 0 : i32
      %dma_wait3A_489 = tpu.memref_slice %arg4[%dma_wait3A_487, %dma_wait3A_488] : memref<1024000x32xi32, #tpu.memory_space<hbm>> -> memref<1024000x32xi32, #tpu.memory_space<hbm>>
      %dma_wait3A_490 = tpu.memref_slice %arg13[%dma_wait3A_479] : memref<2x!tpu.dma_semaphore, #tpu.memory_space<semaphore_mem>> -> memref<1x!tpu.dma_semaphore, #tpu.memory_space<semaphore_mem>>
      %dma_wait3A_491 = tpu.memref_squeeze %dma_wait3A_490 : memref<1x!tpu.dma_semaphore, #tpu.memory_space<semaphore_mem>> -> memref<!tpu.dma_semaphore, #tpu.memory_space<semaphore_mem>>
      tpu.wait_indirect_dma semaphore(%dma_wait3A_491 : memref<!tpu.dma_semaphore, #tpu.memory_space<semaphore_mem>>) src(%dma_wait3A_489 : memref<1024000x32xi32, #tpu.memory_space<hbm>>) dst(%dma_wait3A_483 : memref<128x32xi32, #tpu.memory_space<vmem>>)
      %add3A_492 = arith.constant 0 : i32
      %add3A_493 = arith.addi %mul3A_475, %add3A_492 : i32
      %dma_wait3A_494 = arith.constant 1 : i32
      %dma_wait3A_495 = arith.constant 1 : i32
      %dma_wait3A_496 = arith.constant 0 : i32
      %dma_wait3A_497 = arith.constant 0 : i32
      %dma_wait3A_498 = tpu.memref_slice %arg10[%dma_wait3A_494, %dma_wait3A_496, %dma_wait3A_497] : memref<2x512x32xi32, #tpu.memory_space<vmem>> -> memref<1x128x32xi32, #tpu.memory_space<vmem>>
      %dma_wait3A_499 = tpu.memref_squeeze %dma_wait3A_498 : memref<1x128x32xi32, #tpu.memory_space<vmem>> -> memref<128x32xi32, #tpu.memory_space<vmem>>
      %dma_wait3A_500 = arith.constant 0 : i32
      %dma_wait3A_501 = tpu.memref_slice %arg8[%add3A_493, %dma_wait3A_500] : memref<200x128xi32, #tpu.memory_space<vmem>> -> memref<1x128xi32, #tpu.memory_space<vmem>>
      %dma_wait3A_502 = tpu.memref_squeeze %dma_wait3A_501 : memref<1x128xi32, #tpu.memory_space<vmem>> -> memref<128xi32, #tpu.memory_space<vmem>>
      %dma_wait3A_503 = arith.constant 0 : i32
      %dma_wait3A_504 = arith.constant 0 : i32
      %dma_wait3A_505 = tpu.memref_slice %arg4[%dma_wait3A_503, %dma_wait3A_504] : memref<1024000x32xi32, #tpu.memory_space<hbm>> -> memref<1024000x32xi32, #tpu.memory_space<hbm>>
      %dma_wait3A_506 = tpu.memref_slice %arg13[%dma_wait3A_495] : memref<2x!tpu.dma_semaphore, #tpu.memory_space<semaphore_mem>> -> memref<1x!tpu.dma_semaphore, #tpu.memory_space<semaphore_mem>>
      %dma_wait3A_507 = tpu.memref_squeeze %dma_wait3A_506 : memref<1x!tpu.dma_semaphore, #tpu.memory_space<semaphore_mem>> -> memref<!tpu.dma_semaphore, #tpu.memory_space<semaphore_mem>>
      tpu.wait_indirect_dma semaphore(%dma_wait3A_507 : memref<!tpu.dma_semaphore, #tpu.memory_space<semaphore_mem>>) src(%dma_wait3A_505 : memref<1024000x32xi32, #tpu.memory_space<hbm>>) dst(%dma_wait3A_499 : memref<128x32xi32, #tpu.memory_space<vmem>>)
      %add3A_508 = arith.constant 1 : i32
      %add3A_509 = arith.addi %mul3A_475, %add3A_508 : i32
      %dma_wait3A_510 = arith.constant 1 : i32
      %dma_wait3A_511 = arith.constant 1 : i32
      %dma_wait3A_512 = arith.constant 128 : i32
      %dma_wait3A_513 = arith.constant 0 : i32
      %dma_wait3A_514 = tpu.memref_slice %arg9[%dma_wait3A_510, %dma_wait3A_512, %dma_wait3A_513] : memref<2x512x32xi32, #tpu.memory_space<vmem>> -> memref<1x128x32xi32, #tpu.memory_space<vmem>>
      %dma_wait3A_515 = tpu.memref_squeeze %dma_wait3A_514 : memref<1x128x32xi32, #tpu.memory_space<vmem>> -> memref<128x32xi32, #tpu.memory_space<vmem>>
      %dma_wait3A_516 = arith.constant 0 : i32
      %dma_wait3A_517 = tpu.memref_slice %arg7[%add3A_509, %dma_wait3A_516] : memref<200x128xi32, #tpu.memory_space<vmem>> -> memref<1x128xi32, #tpu.memory_space<vmem>>
      %dma_wait3A_518 = tpu.memref_squeeze %dma_wait3A_517 : memref<1x128xi32, #tpu.memory_space<vmem>> -> memref<128xi32, #tpu.memory_space<vmem>>
      %dma_wait3A_519 = arith.constant 0 : i32
      %dma_wait3A_520 = arith.constant 0 : i32
      %dma_wait3A_521 = tpu.memref_slice %arg4[%dma_wait3A_519, %dma_wait3A_520] : memref<1024000x32xi32, #tpu.memory_space<hbm>> -> memref<1024000x32xi32, #tpu.memory_space<hbm>>
      %dma_wait3A_522 = tpu.memref_slice %arg13[%dma_wait3A_511] : memref<2x!tpu.dma_semaphore, #tpu.memory_space<semaphore_mem>> -> memref<1x!tpu.dma_semaphore, #tpu.memory_space<semaphore_mem>>
      %dma_wait3A_523 = tpu.memref_squeeze %dma_wait3A_522 : memref<1x!tpu.dma_semaphore, #tpu.memory_space<semaphore_mem>> -> memref<!tpu.dma_semaphore, #tpu.memory_space<semaphore_mem>>
      tpu.wait_indirect_dma semaphore(%dma_wait3A_523 : memref<!tpu.dma_semaphore, #tpu.memory_space<semaphore_mem>>) src(%dma_wait3A_521 : memref<1024000x32xi32, #tpu.memory_space<hbm>>) dst(%dma_wait3A_515 : memref<128x32xi32, #tpu.memory_space<vmem>>)
      %add3A_524 = arith.constant 1 : i32
      %add3A_525 = arith.addi %mul3A_475, %add3A_524 : i32
      %dma_wait3A_526 = arith.constant 1 : i32
      %dma_wait3A_527 = arith.constant 1 : i32
      %dma_wait3A_528 = arith.constant 128 : i32
      %dma_wait3A_529 = arith.constant 0 : i32
      %dma_wait3A_530 = tpu.memref_slice %arg10[%dma_wait3A_526, %dma_wait3A_528, %dma_wait3A_529] : memref<2x512x32xi32, #tpu.memory_space<vmem>> -> memref<1x128x32xi32, #tpu.memory_space<vmem>>
      %dma_wait3A_531 = tpu.memref_squeeze %dma_wait3A_530 : memref<1x128x32xi32, #tpu.memory_space<vmem>> -> memref<128x32xi32, #tpu.memory_space<vmem>>
      %dma_wait3A_532 = arith.constant 0 : i32
      %dma_wait3A_533 = tpu.memref_slice %arg8[%add3A_525, %dma_wait3A_532] : memref<200x128xi32, #tpu.memory_space<vmem>> -> memref<1x128xi32, #tpu.memory_space<vmem>>
      %dma_wait3A_534 = tpu.memref_squeeze %dma_wait3A_533 : memref<1x128xi32, #tpu.memory_space<vmem>> -> memref<128xi32, #tpu.memory_space<vmem>>
      %dma_wait3A_535 = arith.constant 0 : i32
      %dma_wait3A_536 = arith.constant 0 : i32
      %dma_wait3A_537 = tpu.memref_slice %arg4[%dma_wait3A_535, %dma_wait3A_536] : memref<1024000x32xi32, #tpu.memory_space<hbm>> -> memref<1024000x32xi32, #tpu.memory_space<hbm>>
      %dma_wait3A_538 = tpu.memref_slice %arg13[%dma_wait3A_527] : memref<2x!tpu.dma_semaphore, #tpu.memory_space<semaphore_mem>> -> memref<1x!tpu.dma_semaphore, #tpu.memory_space<semaphore_mem>>
      %dma_wait3A_539 = tpu.memref_squeeze %dma_wait3A_538 : memref<1x!tpu.dma_semaphore, #tpu.memory_space<semaphore_mem>> -> memref<!tpu.dma_semaphore, #tpu.memory_space<semaphore_mem>>
      tpu.wait_indirect_dma semaphore(%dma_wait3A_539 : memref<!tpu.dma_semaphore, #tpu.memory_space<semaphore_mem>>) src(%dma_wait3A_537 : memref<1024000x32xi32, #tpu.memory_space<hbm>>) dst(%dma_wait3A_531 : memref<128x32xi32, #tpu.memory_space<vmem>>)
      %add3A_540 = arith.constant 2 : i32
      %add3A_541 = arith.addi %mul3A_475, %add3A_540 : i32
      %dma_wait3A_542 = arith.constant 1 : i32
      %dma_wait3A_543 = arith.constant 1 : i32
      %dma_wait3A_544 = arith.constant 256 : i32
      %dma_wait3A_545 = arith.constant 0 : i32
      %dma_wait3A_546 = tpu.memref_slice %arg9[%dma_wait3A_542, %dma_wait3A_544, %dma_wait3A_545] : memref<2x512x32xi32, #tpu.memory_space<vmem>> -> memref<1x128x32xi32, #tpu.memory_space<vmem>>
      %dma_wait3A_547 = tpu.memref_squeeze %dma_wait3A_546 : memref<1x128x32xi32, #tpu.memory_space<vmem>> -> memref<128x32xi32, #tpu.memory_space<vmem>>
      %dma_wait3A_548 = arith.constant 0 : i32
      %dma_wait3A_549 = tpu.memref_slice %arg7[%add3A_541, %dma_wait3A_548] : memref<200x128xi32, #tpu.memory_space<vmem>> -> memref<1x128xi32, #tpu.memory_space<vmem>>
      %dma_wait3A_550 = tpu.memref_squeeze %dma_wait3A_549 : memref<1x128xi32, #tpu.memory_space<vmem>> -> memref<128xi32, #tpu.memory_space<vmem>>
      %dma_wait3A_551 = arith.constant 0 : i32
      %dma_wait3A_552 = arith.constant 0 : i32
      %dma_wait3A_553 = tpu.memref_slice %arg4[%dma_wait3A_551, %dma_wait3A_552] : memref<1024000x32xi32, #tpu.memory_space<hbm>> -> memref<1024000x32xi32, #tpu.memory_space<hbm>>
      %dma_wait3A_554 = tpu.memref_slice %arg13[%dma_wait3A_543] : memref<2x!tpu.dma_semaphore, #tpu.memory_space<semaphore_mem>> -> memref<1x!tpu.dma_semaphore, #tpu.memory_space<semaphore_mem>>
      %dma_wait3A_555 = tpu.memref_squeeze %dma_wait3A_554 : memref<1x!tpu.dma_semaphore, #tpu.memory_space<semaphore_mem>> -> memref<!tpu.dma_semaphore, #tpu.memory_space<semaphore_mem>>
      tpu.wait_indirect_dma semaphore(%dma_wait3A_555 : memref<!tpu.dma_semaphore, #tpu.memory_space<semaphore_mem>>) src(%dma_wait3A_553 : memref<1024000x32xi32, #tpu.memory_space<hbm>>) dst(%dma_wait3A_547 : memref<128x32xi32, #tpu.memory_space<vmem>>)
      %add3A_556 = arith.constant 2 : i32
      %add3A_557 = arith.addi %mul3A_475, %add3A_556 : i32
      %dma_wait3A_558 = arith.constant 1 : i32
      %dma_wait3A_559 = arith.constant 1 : i32
      %dma_wait3A_560 = arith.constant 256 : i32
      %dma_wait3A_561 = arith.constant 0 : i32
      %dma_wait3A_562 = tpu.memref_slice %arg10[%dma_wait3A_558, %dma_wait3A_560, %dma_wait3A_561] : memref<2x512x32xi32, #tpu.memory_space<vmem>> -> memref<1x128x32xi32, #tpu.memory_space<vmem>>
      %dma_wait3A_563 = tpu.memref_squeeze %dma_wait3A_562 : memref<1x128x32xi32, #tpu.memory_space<vmem>> -> memref<128x32xi32, #tpu.memory_space<vmem>>
      %dma_wait3A_564 = arith.constant 0 : i32
      %dma_wait3A_565 = tpu.memref_slice %arg8[%add3A_557, %dma_wait3A_564] : memref<200x128xi32, #tpu.memory_space<vmem>> -> memref<1x128xi32, #tpu.memory_space<vmem>>
      %dma_wait3A_566 = tpu.memref_squeeze %dma_wait3A_565 : memref<1x128xi32, #tpu.memory_space<vmem>> -> memref<128xi32, #tpu.memory_space<vmem>>
      %dma_wait3A_567 = arith.constant 0 : i32
      %dma_wait3A_568 = arith.constant 0 : i32
      %dma_wait3A_569 = tpu.memref_slice %arg4[%dma_wait3A_567, %dma_wait3A_568] : memref<1024000x32xi32, #tpu.memory_space<hbm>> -> memref<1024000x32xi32, #tpu.memory_space<hbm>>
      %dma_wait3A_570 = tpu.memref_slice %arg13[%dma_wait3A_559] : memref<2x!tpu.dma_semaphore, #tpu.memory_space<semaphore_mem>> -> memref<1x!tpu.dma_semaphore, #tpu.memory_space<semaphore_mem>>
      %dma_wait3A_571 = tpu.memref_squeeze %dma_wait3A_570 : memref<1x!tpu.dma_semaphore, #tpu.memory_space<semaphore_mem>> -> memref<!tpu.dma_semaphore, #tpu.memory_space<semaphore_mem>>
      tpu.wait_indirect_dma semaphore(%dma_wait3A_571 : memref<!tpu.dma_semaphore, #tpu.memory_space<semaphore_mem>>) src(%dma_wait3A_569 : memref<1024000x32xi32, #tpu.memory_space<hbm>>) dst(%dma_wait3A_563 : memref<128x32xi32, #tpu.memory_space<vmem>>)
      %add3A_572 = arith.constant 3 : i32
      %add3A_573 = arith.addi %mul3A_475, %add3A_572 : i32
      %dma_wait3A_574 = arith.constant 1 : i32
      %dma_wait3A_575 = arith.constant 1 : i32
      %dma_wait3A_576 = arith.constant 384 : i32
      %dma_wait3A_577 = arith.constant 0 : i32
      %dma_wait3A_578 = tpu.memref_slice %arg9[%dma_wait3A_574, %dma_wait3A_576, %dma_wait3A_577] : memref<2x512x32xi32, #tpu.memory_space<vmem>> -> memref<1x128x32xi32, #tpu.memory_space<vmem>>
      %dma_wait3A_579 = tpu.memref_squeeze %dma_wait3A_578 : memref<1x128x32xi32, #tpu.memory_space<vmem>> -> memref<128x32xi32, #tpu.memory_space<vmem>>
      %dma_wait3A_580 = arith.constant 0 : i32
      %dma_wait3A_581 = tpu.memref_slice %arg7[%add3A_573, %dma_wait3A_580] : memref<200x128xi32, #tpu.memory_space<vmem>> -> memref<1x128xi32, #tpu.memory_space<vmem>>
      %dma_wait3A_582 = tpu.memref_squeeze %dma_wait3A_581 : memref<1x128xi32, #tpu.memory_space<vmem>> -> memref<128xi32, #tpu.memory_space<vmem>>
      %dma_wait3A_583 = arith.constant 0 : i32
      %dma_wait3A_584 = arith.constant 0 : i32
      %dma_wait3A_585 = tpu.memref_slice %arg4[%dma_wait3A_583, %dma_wait3A_584] : memref<1024000x32xi32, #tpu.memory_space<hbm>> -> memref<1024000x32xi32, #tpu.memory_space<hbm>>
      %dma_wait3A_586 = tpu.memref_slice %arg13[%dma_wait3A_575] : memref<2x!tpu.dma_semaphore, #tpu.memory_space<semaphore_mem>> -> memref<1x!tpu.dma_semaphore, #tpu.memory_space<semaphore_mem>>
      %dma_wait3A_587 = tpu.memref_squeeze %dma_wait3A_586 : memref<1x!tpu.dma_semaphore, #tpu.memory_space<semaphore_mem>> -> memref<!tpu.dma_semaphore, #tpu.memory_space<semaphore_mem>>
      tpu.wait_indirect_dma semaphore(%dma_wait3A_587 : memref<!tpu.dma_semaphore, #tpu.memory_space<semaphore_mem>>) src(%dma_wait3A_585 : memref<1024000x32xi32, #tpu.memory_space<hbm>>) dst(%dma_wait3A_579 : memref<128x32xi32, #tpu.memory_space<vmem>>)
      %add3A_588 = arith.constant 3 : i32
      %add3A_589 = arith.addi %mul3A_475, %add3A_588 : i32
      %dma_wait3A_590 = arith.constant 1 : i32
      %dma_wait3A_591 = arith.constant 1 : i32
      %dma_wait3A_592 = arith.constant 384 : i32
      %dma_wait3A_593 = arith.constant 0 : i32
      %dma_wait3A_594 = tpu.memref_slice %arg10[%dma_wait3A_590, %dma_wait3A_592, %dma_wait3A_593] : memref<2x512x32xi32, #tpu.memory_space<vmem>> -> memref<1x128x32xi32, #tpu.memory_space<vmem>>
      %dma_wait3A_595 = tpu.memref_squeeze %dma_wait3A_594 : memref<1x128x32xi32, #tpu.memory_space<vmem>> -> memref<128x32xi32, #tpu.memory_space<vmem>>
      %dma_wait3A_596 = arith.constant 0 : i32
      %dma_wait3A_597 = tpu.memref_slice %arg8[%add3A_589, %dma_wait3A_596] : memref<200x128xi32, #tpu.memory_space<vmem>> -> memref<1x128xi32, #tpu.memory_space<vmem>>
      %dma_wait3A_598 = tpu.memref_squeeze %dma_wait3A_597 : memref<1x128xi32, #tpu.memory_space<vmem>> -> memref<128xi32, #tpu.memory_space<vmem>>
      %dma_wait3A_599 = arith.constant 0 : i32
      %dma_wait3A_600 = arith.constant 0 : i32
      %dma_wait3A_601 = tpu.memref_slice %arg4[%dma_wait3A_599, %dma_wait3A_600] : memref<1024000x32xi32, #tpu.memory_space<hbm>> -> memref<1024000x32xi32, #tpu.memory_space<hbm>>
      %dma_wait3A_602 = tpu.memref_slice %arg13[%dma_wait3A_591] : memref<2x!tpu.dma_semaphore, #tpu.memory_space<semaphore_mem>> -> memref<1x!tpu.dma_semaphore, #tpu.memory_space<semaphore_mem>>
      %dma_wait3A_603 = tpu.memref_squeeze %dma_wait3A_602 : memref<1x!tpu.dma_semaphore, #tpu.memory_space<semaphore_mem>> -> memref<!tpu.dma_semaphore, #tpu.memory_space<semaphore_mem>>
      tpu.wait_indirect_dma semaphore(%dma_wait3A_603 : memref<!tpu.dma_semaphore, #tpu.memory_space<semaphore_mem>>) src(%dma_wait3A_601 : memref<1024000x32xi32, #tpu.memory_space<hbm>>) dst(%dma_wait3A_595 : memref<128x32xi32, #tpu.memory_space<vmem>>)
      %add3A_604 = arith.constant 1 : i32
      %add3A_605 = arith.addi %mul3A_172, %add3A_604 : i32
      %ge3A_606 = arith.constant 2 : i32
      %ge3A_607 = arith.cmpi sge, %add3A_605, %ge3A_606 : i32
      %convert_element_type3A_608 = arith.extui %ge3A_607 : i1 to i32
      %cond3A_609 = arith.constant 0 : i32
      %cond3A_610 = arith.cmpi ne, %convert_element_type3A_608, %cond3A_609 : i32
      scf.if %cond3A_610 {
        %sub3A = arith.constant 2 : i32
        %sub3A_641 = arith.subi %add3A_605, %sub3A : i32
        %mul3A_642 = arith.constant 512 : i32
        %mul3A_643 = arith.muli %sub3A_641, %mul3A_642 : i32
        %add3A_644 = arith.addi %mul3A_16, %mul3A_643 : i32
        %dma_wait3A_645 = arith.constant 1 : i32
        %dma_wait3A_646 = arith.constant 1 : i32
        %dma_wait3A_647 = arith.constant 0 : i32
        %dma_wait3A_648 = tpu.memref_slice %arg11[%dma_wait3A_645, %dma_wait3A_647] : memref<2x528xf32, #tpu.memory_space<vmem>> -> memref<1x512xf32, #tpu.memory_space<vmem>>
        %dma_wait3A_649 = tpu.memref_squeeze %dma_wait3A_648 : memref<1x512xf32, #tpu.memory_space<vmem>> -> memref<512xf32, #tpu.memory_space<vmem>>
        %dma_wait3A_650 = tpu.memref_slice %arg6[%add3A_644] : memref<819200xf32, #tpu.memory_space<hbm>> -> memref<512xf32, #tpu.memory_space<hbm>>
        %dma_wait3A_651 = tpu.memref_slice %arg14[%dma_wait3A_646] : memref<2x!tpu.dma_semaphore, #tpu.memory_space<semaphore_mem>> -> memref<1x!tpu.dma_semaphore, #tpu.memory_space<semaphore_mem>>
        %dma_wait3A_652 = tpu.memref_squeeze %dma_wait3A_651 : memref<1x!tpu.dma_semaphore, #tpu.memory_space<semaphore_mem>> -> memref<!tpu.dma_semaphore, #tpu.memory_space<semaphore_mem>>
        %dma_wait3A_653 = tpu.memref_slice %arg6[%add3A_644] : memref<819200xf32, #tpu.memory_space<hbm>> -> memref<512xf32, #tpu.memory_space<hbm>>
        %dma_wait3A_654 = arith.constant 0 : i32
        %dma_wait3A_655 = tpu.memref_slice %arg11[%dma_wait3A_645, %dma_wait3A_654] : memref<2x528xf32, #tpu.memory_space<vmem>> -> memref<1x512xf32, #tpu.memory_space<vmem>>
        %dma_wait3A_656 = tpu.memref_squeeze %dma_wait3A_655 : memref<1x512xf32, #tpu.memory_space<vmem>> -> memref<512xf32, #tpu.memory_space<vmem>>
        tpu.wait_dma2 semaphore(%dma_wait3A_652 : memref<!tpu.dma_semaphore, #tpu.memory_space<semaphore_mem>>) src(%dma_wait3A_656 : memref<512xf32, #tpu.memory_space<vmem>>) dst(%dma_wait3A_653 : memref<512xf32, #tpu.memory_space<hbm>>)
      } else {
      }
      %scan3A_611 = arith.constant 0 : i32
      %scan3A_612 = arith.constant 0 : i32
      %scan3A_613 = arith.constant 32 : i32
      %scan3A_614 = arith.addi %scan3A_612, %scan3A_613 : i32
      %scan3A_615 = arith.constant 1 : i32
      %scan3A_616 = scf.for %scan3A_641 = %scan3A_612 to %scan3A_614 step %scan3A_615 iter_args(%scan3A_642 = %scan3A_611) -> (i32)  : i32 {
        %mul3A_643 = arith.constant 16 : i32
        %mul3A_644 = arith.muli %scan3A_641, %mul3A_643 : i32
        %add3A_645 = arith.constant 0 : i32
        %add3A_646 = arith.addi %mul3A_644, %add3A_645 : i32
        %get3A_647 = arith.constant 1 : i32
        %get3A_648 = arith.index_cast %get3A_647 : i32 to index
        %get3A_649 = arith.index_cast %add3A_646 : i32 to index
        %get3A_650 = arith.constant 0 : index
        %get3A_651 = tpu.vector_load %arg9[%get3A_648, %get3A_649, %get3A_650] {strides = array<i32>} : memref<2x512x32xi32, #tpu.memory_space<vmem>>, vector<16xi32>,
        %shift_left3A = arith.constant 16 : i32
        %shift_left3A_652 = vector.broadcast %shift_left3A : i32 to vector<16xi32>
        %shift_left3A_653 = arith.shli %get3A_651, %shift_left3A_652 : vector<16xi32>
        %bitcast3A = vector.bitcast %shift_left3A_653 : vector<16xi32> to vector<16xf32>
        %and3A = arith.andi %get3A_651, %broadcast_in_dim3A_12 : vector<16xi32>
        %bitcast3A_654 = vector.bitcast %and3A : vector<16xi32> to vector<16xf32>
        %get3A_655 = arith.constant 1 : i32
        %get3A_656 = arith.index_cast %get3A_655 : i32 to index
        %get3A_657 = arith.index_cast %add3A_646 : i32 to index
        %get3A_658 = arith.constant 16 : index
        %get3A_659 = tpu.vector_load %arg9[%get3A_656, %get3A_657, %get3A_658] {strides = array<i32>} : memref<2x512x32xi32, #tpu.memory_space<vmem>>, vector<16xi32>,
        %shift_left3A_660 = arith.constant 16 : i32
        %shift_left3A_661 = vector.broadcast %shift_left3A_660 : i32 to vector<16xi32>
        %shift_left3A_662 = arith.shli %get3A_659, %shift_left3A_661 : vector<16xi32>
        %bitcast3A_663 = vector.bitcast %shift_left3A_662 : vector<16xi32> to vector<16xf32>
        %and3A_664 = arith.andi %get3A_659, %broadcast_in_dim3A_12 : vector<16xi32>
        %bitcast3A_665 = vector.bitcast %and3A_664 : vector<16xi32> to vector<16xf32>
        %get3A_666 = arith.constant 1 : i32
        %get3A_667 = arith.index_cast %get3A_666 : i32 to index
        %get3A_668 = arith.index_cast %add3A_646 : i32 to index
        %get3A_669 = arith.constant 0 : index
        %get3A_670 = tpu.vector_load %arg10[%get3A_667, %get3A_668, %get3A_669] {strides = array<i32>} : memref<2x512x32xi32, #tpu.memory_space<vmem>>, vector<16xi32>,
        %shift_left3A_671 = arith.constant 16 : i32
        %shift_left3A_672 = vector.broadcast %shift_left3A_671 : i32 to vector<16xi32>
        %shift_left3A_673 = arith.shli %get3A_670, %shift_left3A_672 : vector<16xi32>
        %bitcast3A_674 = vector.bitcast %shift_left3A_673 : vector<16xi32> to vector<16xf32>
        %and3A_675 = arith.andi %get3A_670, %broadcast_in_dim3A_12 : vector<16xi32>
        %bitcast3A_676 = vector.bitcast %and3A_675 : vector<16xi32> to vector<16xf32>
        %get3A_677 = arith.constant 1 : i32
        %get3A_678 = arith.index_cast %get3A_677 : i32 to index
        %get3A_679 = arith.index_cast %add3A_646 : i32 to index
        %get3A_680 = arith.constant 16 : index
        %get3A_681 = tpu.vector_load %arg10[%get3A_678, %get3A_679, %get3A_680] {strides = array<i32>} : memref<2x512x32xi32, #tpu.memory_space<vmem>>, vector<16xi32>,
        %shift_left3A_682 = arith.constant 16 : i32
        %shift_left3A_683 = vector.broadcast %shift_left3A_682 : i32 to vector<16xi32>
        %shift_left3A_684 = arith.shli %get3A_681, %shift_left3A_683 : vector<16xi32>
        %bitcast3A_685 = vector.bitcast %shift_left3A_684 : vector<16xi32> to vector<16xf32>
        %and3A_686 = arith.andi %get3A_681, %broadcast_in_dim3A_12 : vector<16xi32>
        %bitcast3A_687 = vector.bitcast %and3A_686 : vector<16xi32> to vector<16xf32>
        %mul3A_688 = arith.mulf %bitcast3A, %bitcast3A_674 : vector<16xf32>
        %mul3A_689 = arith.mulf %mul3A_688, %get3A_3 : vector<16xf32>
        %mul3A_690 = arith.mulf %bitcast3A_663, %bitcast3A_685 : vector<16xf32>
        %mul3A_691 = arith.mulf %mul3A_690, %get3A_5 : vector<16xf32>
        %add3A_692 = arith.addf %mul3A_689, %mul3A_691 : vector<16xf32>
        %mul3A_693 = arith.mulf %bitcast3A_654, %bitcast3A_676 : vector<16xf32>
        %mul3A_694 = arith.mulf %mul3A_693, %get3A_7 : vector<16xf32>
        %add3A_695 = arith.addf %add3A_692, %mul3A_694 : vector<16xf32>
        %mul3A_696 = arith.mulf %bitcast3A_665, %bitcast3A_687 : vector<16xf32>
        %mul3A_697 = arith.mulf %mul3A_696, %get3A_9 : vector<16xf32>
        %add3A_698 = arith.addf %add3A_695, %mul3A_697 : vector<16xf32>
        %mul3A_699 = arith.constant 16 : i32
        %mul3A_700 = arith.muli %scan3A_641, %mul3A_699 : i32
        %add3A_701 = arith.constant 1 : i32
        %add3A_702 = arith.addi %mul3A_700, %add3A_701 : i32
        %get3A_703 = arith.constant 1 : i32
        %get3A_704 = arith.index_cast %get3A_703 : i32 to index
        %get3A_705 = arith.index_cast %add3A_702 : i32 to index
        %get3A_706 = arith.constant 0 : index
        %get3A_707 = tpu.vector_load %arg9[%get3A_704, %get3A_705, %get3A_706] {strides = array<i32>} : memref<2x512x32xi32, #tpu.memory_space<vmem>>, vector<16xi32>,
        %shift_left3A_708 = arith.constant 16 : i32
        %shift_left3A_709 = vector.broadcast %shift_left3A_708 : i32 to vector<16xi32>
        %shift_left3A_710 = arith.shli %get3A_707, %shift_left3A_709 : vector<16xi32>
        %bitcast3A_711 = vector.bitcast %shift_left3A_710 : vector<16xi32> to vector<16xf32>
        %and3A_712 = arith.andi %get3A_707, %broadcast_in_dim3A_12 : vector<16xi32>
        %bitcast3A_713 = vector.bitcast %and3A_712 : vector<16xi32> to vector<16xf32>
        %get3A_714 = arith.constant 1 : i32
        %get3A_715 = arith.index_cast %get3A_714 : i32 to index
        %get3A_716 = arith.index_cast %add3A_702 : i32 to index
        %get3A_717 = arith.constant 16 : index
        %get3A_718 = tpu.vector_load %arg9[%get3A_715, %get3A_716, %get3A_717] {strides = array<i32>} : memref<2x512x32xi32, #tpu.memory_space<vmem>>, vector<16xi32>,
        %shift_left3A_719 = arith.constant 16 : i32
        %shift_left3A_720 = vector.broadcast %shift_left3A_719 : i32 to vector<16xi32>
        %shift_left3A_721 = arith.shli %get3A_718, %shift_left3A_720 : vector<16xi32>
        %bitcast3A_722 = vector.bitcast %shift_left3A_721 : vector<16xi32> to vector<16xf32>
        %and3A_723 = arith.andi %get3A_718, %broadcast_in_dim3A_12 : vector<16xi32>
        %bitcast3A_724 = vector.bitcast %and3A_723 : vector<16xi32> to vector<16xf32>
        %get3A_725 = arith.constant 1 : i32
        %get3A_726 = arith.index_cast %get3A_725 : i32 to index
        %get3A_727 = arith.index_cast %add3A_702 : i32 to index
        %get3A_728 = arith.constant 0 : index
        %get3A_729 = tpu.vector_load %arg10[%get3A_726, %get3A_727, %get3A_728] {strides = array<i32>} : memref<2x512x32xi32, #tpu.memory_space<vmem>>, vector<16xi32>,
        %shift_left3A_730 = arith.constant 16 : i32
        %shift_left3A_731 = vector.broadcast %shift_left3A_730 : i32 to vector<16xi32>
        %shift_left3A_732 = arith.shli %get3A_729, %shift_left3A_731 : vector<16xi32>
        %bitcast3A_733 = vector.bitcast %shift_left3A_732 : vector<16xi32> to vector<16xf32>
        %and3A_734 = arith.andi %get3A_729, %broadcast_in_dim3A_12 : vector<16xi32>
        %bitcast3A_735 = vector.bitcast %and3A_734 : vector<16xi32> to vector<16xf32>
        %get3A_736 = arith.constant 1 : i32
        %get3A_737 = arith.index_cast %get3A_736 : i32 to index
        %get3A_738 = arith.index_cast %add3A_702 : i32 to index
        %get3A_739 = arith.constant 16 : index
        %get3A_740 = tpu.vector_load %arg10[%get3A_737, %get3A_738, %get3A_739] {strides = array<i32>} : memref<2x512x32xi32, #tpu.memory_space<vmem>>, vector<16xi32>,
        %shift_left3A_741 = arith.constant 16 : i32
        %shift_left3A_742 = vector.broadcast %shift_left3A_741 : i32 to vector<16xi32>
        %shift_left3A_743 = arith.shli %get3A_740, %shift_left3A_742 : vector<16xi32>
        %bitcast3A_744 = vector.bitcast %shift_left3A_743 : vector<16xi32> to vector<16xf32>
        %and3A_745 = arith.andi %get3A_740, %broadcast_in_dim3A_12 : vector<16xi32>
        %bitcast3A_746 = vector.bitcast %and3A_745 : vector<16xi32> to vector<16xf32>
        %mul3A_747 = arith.mulf %bitcast3A_711, %bitcast3A_733 : vector<16xf32>
        %mul3A_748 = arith.mulf %mul3A_747, %get3A_3 : vector<16xf32>
        %mul3A_749 = arith.mulf %bitcast3A_722, %bitcast3A_744 : vector<16xf32>
        %mul3A_750 = arith.mulf %mul3A_749, %get3A_5 : vector<16xf32>
        %add3A_751 = arith.addf %mul3A_748, %mul3A_750 : vector<16xf32>
        %mul3A_752 = arith.mulf %bitcast3A_713, %bitcast3A_735 : vector<16xf32>
        %mul3A_753 = arith.mulf %mul3A_752, %get3A_7 : vector<16xf32>
        %add3A_754 = arith.addf %add3A_751, %mul3A_753 : vector<16xf32>
        %mul3A_755 = arith.mulf %bitcast3A_724, %bitcast3A_746 : vector<16xf32>
        %mul3A_756 = arith.mulf %mul3A_755, %get3A_9 : vector<16xf32>
        %add3A_757 = arith.addf %add3A_754, %mul3A_756 : vector<16xf32>
        %mul3A_758 = arith.constant 16 : i32
        %mul3A_759 = arith.muli %scan3A_641, %mul3A_758 : i32
        %add3A_760 = arith.constant 2 : i32
        %add3A_761 = arith.addi %mul3A_759, %add3A_760 : i32
        %get3A_762 = arith.constant 1 : i32
        %get3A_763 = arith.index_cast %get3A_762 : i32 to index
        %get3A_764 = arith.index_cast %add3A_761 : i32 to index
        %get3A_765 = arith.constant 0 : index
        %get3A_766 = tpu.vector_load %arg9[%get3A_763, %get3A_764, %get3A_765] {strides = array<i32>} : memref<2x512x32xi32, #tpu.memory_space<vmem>>, vector<16xi32>,
        %shift_left3A_767 = arith.constant 16 : i32
        %shift_left3A_768 = vector.broadcast %shift_left3A_767 : i32 to vector<16xi32>
        %shift_left3A_769 = arith.shli %get3A_766, %shift_left3A_768 : vector<16xi32>
        %bitcast3A_770 = vector.bitcast %shift_left3A_769 : vector<16xi32> to vector<16xf32>
        %and3A_771 = arith.andi %get3A_766, %broadcast_in_dim3A_12 : vector<16xi32>
        %bitcast3A_772 = vector.bitcast %and3A_771 : vector<16xi32> to vector<16xf32>
        %get3A_773 = arith.constant 1 : i32
        %get3A_774 = arith.index_cast %get3A_773 : i32 to index
        %get3A_775 = arith.index_cast %add3A_761 : i32 to index
        %get3A_776 = arith.constant 16 : index
        %get3A_777 = tpu.vector_load %arg9[%get3A_774, %get3A_775, %get3A_776] {strides = array<i32>} : memref<2x512x32xi32, #tpu.memory_space<vmem>>, vector<16xi32>,
        %shift_left3A_778 = arith.constant 16 : i32
        %shift_left3A_779 = vector.broadcast %shift_left3A_778 : i32 to vector<16xi32>
        %shift_left3A_780 = arith.shli %get3A_777, %shift_left3A_779 : vector<16xi32>
        %bitcast3A_781 = vector.bitcast %shift_left3A_780 : vector<16xi32> to vector<16xf32>
        %and3A_782 = arith.andi %get3A_777, %broadcast_in_dim3A_12 : vector<16xi32>
        %bitcast3A_783 = vector.bitcast %and3A_782 : vector<16xi32> to vector<16xf32>
        %get3A_784 = arith.constant 1 : i32
        %get3A_785 = arith.index_cast %get3A_784 : i32 to index
        %get3A_786 = arith.index_cast %add3A_761 : i32 to index
        %get3A_787 = arith.constant 0 : index
        %get3A_788 = tpu.vector_load %arg10[%get3A_785, %get3A_786, %get3A_787] {strides = array<i32>} : memref<2x512x32xi32, #tpu.memory_space<vmem>>, vector<16xi32>,
        %shift_left3A_789 = arith.constant 16 : i32
        %shift_left3A_790 = vector.broadcast %shift_left3A_789 : i32 to vector<16xi32>
        %shift_left3A_791 = arith.shli %get3A_788, %shift_left3A_790 : vector<16xi32>
        %bitcast3A_792 = vector.bitcast %shift_left3A_791 : vector<16xi32> to vector<16xf32>
        %and3A_793 = arith.andi %get3A_788, %broadcast_in_dim3A_12 : vector<16xi32>
        %bitcast3A_794 = vector.bitcast %and3A_793 : vector<16xi32> to vector<16xf32>
        %get3A_795 = arith.constant 1 : i32
        %get3A_796 = arith.index_cast %get3A_795 : i32 to index
        %get3A_797 = arith.index_cast %add3A_761 : i32 to index
        %get3A_798 = arith.constant 16 : index
        %get3A_799 = tpu.vector_load %arg10[%get3A_796, %get3A_797, %get3A_798] {strides = array<i32>} : memref<2x512x32xi32, #tpu.memory_space<vmem>>, vector<16xi32>,
        %shift_left3A_800 = arith.constant 16 : i32
        %shift_left3A_801 = vector.broadcast %shift_left3A_800 : i32 to vector<16xi32>
        %shift_left3A_802 = arith.shli %get3A_799, %shift_left3A_801 : vector<16xi32>
        %bitcast3A_803 = vector.bitcast %shift_left3A_802 : vector<16xi32> to vector<16xf32>
        %and3A_804 = arith.andi %get3A_799, %broadcast_in_dim3A_12 : vector<16xi32>
        %bitcast3A_805 = vector.bitcast %and3A_804 : vector<16xi32> to vector<16xf32>
        %mul3A_806 = arith.mulf %bitcast3A_770, %bitcast3A_792 : vector<16xf32>
        %mul3A_807 = arith.mulf %mul3A_806, %get3A_3 : vector<16xf32>
        %mul3A_808 = arith.mulf %bitcast3A_781, %bitcast3A_803 : vector<16xf32>
        %mul3A_809 = arith.mulf %mul3A_808, %get3A_5 : vector<16xf32>
        %add3A_810 = arith.addf %mul3A_807, %mul3A_809 : vector<16xf32>
        %mul3A_811 = arith.mulf %bitcast3A_772, %bitcast3A_794 : vector<16xf32>
        %mul3A_812 = arith.mulf %mul3A_811, %get3A_7 : vector<16xf32>
        %add3A_813 = arith.addf %add3A_810, %mul3A_812 : vector<16xf32>
        %mul3A_814 = arith.mulf %bitcast3A_783, %bitcast3A_805 : vector<16xf32>
        %mul3A_815 = arith.mulf %mul3A_814, %get3A_9 : vector<16xf32>
        %add3A_816 = arith.addf %add3A_813, %mul3A_815 : vector<16xf32>
        %mul3A_817 = arith.constant 16 : i32
        %mul3A_818 = arith.muli %scan3A_641, %mul3A_817 : i32
        %add3A_819 = arith.constant 3 : i32
        %add3A_820 = arith.addi %mul3A_818, %add3A_819 : i32
        %get3A_821 = arith.constant 1 : i32
        %get3A_822 = arith.index_cast %get3A_821 : i32 to index
        %get3A_823 = arith.index_cast %add3A_820 : i32 to index
        %get3A_824 = arith.constant 0 : index
        %get3A_825 = tpu.vector_load %arg9[%get3A_822, %get3A_823, %get3A_824] {strides = array<i32>} : memref<2x512x32xi32, #tpu.memory_space<vmem>>, vector<16xi32>,
        %shift_left3A_826 = arith.constant 16 : i32
        %shift_left3A_827 = vector.broadcast %shift_left3A_826 : i32 to vector<16xi32>
        %shift_left3A_828 = arith.shli %get3A_825, %shift_left3A_827 : vector<16xi32>
        %bitcast3A_829 = vector.bitcast %shift_left3A_828 : vector<16xi32> to vector<16xf32>
        %and3A_830 = arith.andi %get3A_825, %broadcast_in_dim3A_12 : vector<16xi32>
        %bitcast3A_831 = vector.bitcast %and3A_830 : vector<16xi32> to vector<16xf32>
        %get3A_832 = arith.constant 1 : i32
        %get3A_833 = arith.index_cast %get3A_832 : i32 to index
        %get3A_834 = arith.index_cast %add3A_820 : i32 to index
        %get3A_835 = arith.constant 16 : index
        %get3A_836 = tpu.vector_load %arg9[%get3A_833, %get3A_834, %get3A_835] {strides = array<i32>} : memref<2x512x32xi32, #tpu.memory_space<vmem>>, vector<16xi32>,
        %shift_left3A_837 = arith.constant 16 : i32
        %shift_left3A_838 = vector.broadcast %shift_left3A_837 : i32 to vector<16xi32>
        %shift_left3A_839 = arith.shli %get3A_836, %shift_left3A_838 : vector<16xi32>
        %bitcast3A_840 = vector.bitcast %shift_left3A_839 : vector<16xi32> to vector<16xf32>
        %and3A_841 = arith.andi %get3A_836, %broadcast_in_dim3A_12 : vector<16xi32>
        %bitcast3A_842 = vector.bitcast %and3A_841 : vector<16xi32> to vector<16xf32>
        %get3A_843 = arith.constant 1 : i32
        %get3A_844 = arith.index_cast %get3A_843 : i32 to index
        %get3A_845 = arith.index_cast %add3A_820 : i32 to index
        %get3A_846 = arith.constant 0 : index
        %get3A_847 = tpu.vector_load %arg10[%get3A_844, %get3A_845, %get3A_846] {strides = array<i32>} : memref<2x512x32xi32, #tpu.memory_space<vmem>>, vector<16xi32>,
        %shift_left3A_848 = arith.constant 16 : i32
        %shift_left3A_849 = vector.broadcast %shift_left3A_848 : i32 to vector<16xi32>
        %shift_left3A_850 = arith.shli %get3A_847, %shift_left3A_849 : vector<16xi32>
        %bitcast3A_851 = vector.bitcast %shift_left3A_850 : vector<16xi32> to vector<16xf32>
        %and3A_852 = arith.andi %get3A_847, %broadcast_in_dim3A_12 : vector<16xi32>
        %bitcast3A_853 = vector.bitcast %and3A_852 : vector<16xi32> to vector<16xf32>
        %get3A_854 = arith.constant 1 : i32
        %get3A_855 = arith.index_cast %get3A_854 : i32 to index
        %get3A_856 = arith.index_cast %add3A_820 : i32 to index
        %get3A_857 = arith.constant 16 : index
        %get3A_858 = tpu.vector_load %arg10[%get3A_855, %get3A_856, %get3A_857] {strides = array<i32>} : memref<2x512x32xi32, #tpu.memory_space<vmem>>, vector<16xi32>,
        %shift_left3A_859 = arith.constant 16 : i32
        %shift_left3A_860 = vector.broadcast %shift_left3A_859 : i32 to vector<16xi32>
        %shift_left3A_861 = arith.shli %get3A_858, %shift_left3A_860 : vector<16xi32>
        %bitcast3A_862 = vector.bitcast %shift_left3A_861 : vector<16xi32> to vector<16xf32>
        %and3A_863 = arith.andi %get3A_858, %broadcast_in_dim3A_12 : vector<16xi32>
        %bitcast3A_864 = vector.bitcast %and3A_863 : vector<16xi32> to vector<16xf32>
        %mul3A_865 = arith.mulf %bitcast3A_829, %bitcast3A_851 : vector<16xf32>
        %mul3A_866 = arith.mulf %mul3A_865, %get3A_3 : vector<16xf32>
        %mul3A_867 = arith.mulf %bitcast3A_840, %bitcast3A_862 : vector<16xf32>
        %mul3A_868 = arith.mulf %mul3A_867, %get3A_5 : vector<16xf32>
        %add3A_869 = arith.addf %mul3A_866, %mul3A_868 : vector<16xf32>
        %mul3A_870 = arith.mulf %bitcast3A_831, %bitcast3A_853 : vector<16xf32>
        %mul3A_871 = arith.mulf %mul3A_870, %get3A_7 : vector<16xf32>
        %add3A_872 = arith.addf %add3A_869, %mul3A_871 : vector<16xf32>
        %mul3A_873 = arith.mulf %bitcast3A_842, %bitcast3A_864 : vector<16xf32>
        %mul3A_874 = arith.mulf %mul3A_873, %get3A_9 : vector<16xf32>
        %add3A_875 = arith.addf %add3A_872, %mul3A_874 : vector<16xf32>
        %mul3A_876 = arith.constant 16 : i32
        %mul3A_877 = arith.muli %scan3A_641, %mul3A_876 : i32
        %add3A_878 = arith.constant 4 : i32
        %add3A_879 = arith.addi %mul3A_877, %add3A_878 : i32
        %get3A_880 = arith.constant 1 : i32
        %get3A_881 = arith.index_cast %get3A_880 : i32 to index
        %get3A_882 = arith.index_cast %add3A_879 : i32 to index
        %get3A_883 = arith.constant 0 : index
        %get3A_884 = tpu.vector_load %arg9[%get3A_881, %get3A_882, %get3A_883] {strides = array<i32>} : memref<2x512x32xi32, #tpu.memory_space<vmem>>, vector<16xi32>,
        %shift_left3A_885 = arith.constant 16 : i32
        %shift_left3A_886 = vector.broadcast %shift_left3A_885 : i32 to vector<16xi32>
        %shift_left3A_887 = arith.shli %get3A_884, %shift_left3A_886 : vector<16xi32>
        %bitcast3A_888 = vector.bitcast %shift_left3A_887 : vector<16xi32> to vector<16xf32>
        %and3A_889 = arith.andi %get3A_884, %broadcast_in_dim3A_12 : vector<16xi32>
        %bitcast3A_890 = vector.bitcast %and3A_889 : vector<16xi32> to vector<16xf32>
        %get3A_891 = arith.constant 1 : i32
        %get3A_892 = arith.index_cast %get3A_891 : i32 to index
        %get3A_893 = arith.index_cast %add3A_879 : i32 to index
        %get3A_894 = arith.constant 16 : index
        %get3A_895 = tpu.vector_load %arg9[%get3A_892, %get3A_893, %get3A_894] {strides = array<i32>} : memref<2x512x32xi32, #tpu.memory_space<vmem>>, vector<16xi32>,
        %shift_left3A_896 = arith.constant 16 : i32
        %shift_left3A_897 = vector.broadcast %shift_left3A_896 : i32 to vector<16xi32>
        %shift_left3A_898 = arith.shli %get3A_895, %shift_left3A_897 : vector<16xi32>
        %bitcast3A_899 = vector.bitcast %shift_left3A_898 : vector<16xi32> to vector<16xf32>
        %and3A_900 = arith.andi %get3A_895, %broadcast_in_dim3A_12 : vector<16xi32>
        %bitcast3A_901 = vector.bitcast %and3A_900 : vector<16xi32> to vector<16xf32>
        %get3A_902 = arith.constant 1 : i32
        %get3A_903 = arith.index_cast %get3A_902 : i32 to index
        %get3A_904 = arith.index_cast %add3A_879 : i32 to index
        %get3A_905 = arith.constant 0 : index
        %get3A_906 = tpu.vector_load %arg10[%get3A_903, %get3A_904, %get3A_905] {strides = array<i32>} : memref<2x512x32xi32, #tpu.memory_space<vmem>>, vector<16xi32>,
        %shift_left3A_907 = arith.constant 16 : i32
        %shift_left3A_908 = vector.broadcast %shift_left3A_907 : i32 to vector<16xi32>
        %shift_left3A_909 = arith.shli %get3A_906, %shift_left3A_908 : vector<16xi32>
        %bitcast3A_910 = vector.bitcast %shift_left3A_909 : vector<16xi32> to vector<16xf32>
        %and3A_911 = arith.andi %get3A_906, %broadcast_in_dim3A_12 : vector<16xi32>
        %bitcast3A_912 = vector.bitcast %and3A_911 : vector<16xi32> to vector<16xf32>
        %get3A_913 = arith.constant 1 : i32
        %get3A_914 = arith.index_cast %get3A_913 : i32 to index
        %get3A_915 = arith.index_cast %add3A_879 : i32 to index
        %get3A_916 = arith.constant 16 : index
        %get3A_917 = tpu.vector_load %arg10[%get3A_914, %get3A_915, %get3A_916] {strides = array<i32>} : memref<2x512x32xi32, #tpu.memory_space<vmem>>, vector<16xi32>,
        %shift_left3A_918 = arith.constant 16 : i32
        %shift_left3A_919 = vector.broadcast %shift_left3A_918 : i32 to vector<16xi32>
        %shift_left3A_920 = arith.shli %get3A_917, %shift_left3A_919 : vector<16xi32>
        %bitcast3A_921 = vector.bitcast %shift_left3A_920 : vector<16xi32> to vector<16xf32>
        %and3A_922 = arith.andi %get3A_917, %broadcast_in_dim3A_12 : vector<16xi32>
        %bitcast3A_923 = vector.bitcast %and3A_922 : vector<16xi32> to vector<16xf32>
        %mul3A_924 = arith.mulf %bitcast3A_888, %bitcast3A_910 : vector<16xf32>
        %mul3A_925 = arith.mulf %mul3A_924, %get3A_3 : vector<16xf32>
        %mul3A_926 = arith.mulf %bitcast3A_899, %bitcast3A_921 : vector<16xf32>
        %mul3A_927 = arith.mulf %mul3A_926, %get3A_5 : vector<16xf32>
        %add3A_928 = arith.addf %mul3A_925, %mul3A_927 : vector<16xf32>
        %mul3A_929 = arith.mulf %bitcast3A_890, %bitcast3A_912 : vector<16xf32>
        %mul3A_930 = arith.mulf %mul3A_929, %get3A_7 : vector<16xf32>
        %add3A_931 = arith.addf %add3A_928, %mul3A_930 : vector<16xf32>
        %mul3A_932 = arith.mulf %bitcast3A_901, %bitcast3A_923 : vector<16xf32>
        %mul3A_933 = arith.mulf %mul3A_932, %get3A_9 : vector<16xf32>
        %add3A_934 = arith.addf %add3A_931, %mul3A_933 : vector<16xf32>
        %mul3A_935 = arith.constant 16 : i32
        %mul3A_936 = arith.muli %scan3A_641, %mul3A_935 : i32
        %add3A_937 = arith.constant 5 : i32
        %add3A_938 = arith.addi %mul3A_936, %add3A_937 : i32
        %get3A_939 = arith.constant 1 : i32
        %get3A_940 = arith.index_cast %get3A_939 : i32 to index
        %get3A_941 = arith.index_cast %add3A_938 : i32 to index
        %get3A_942 = arith.constant 0 : index
        %get3A_943 = tpu.vector_load %arg9[%get3A_940, %get3A_941, %get3A_942] {strides = array<i32>} : memref<2x512x32xi32, #tpu.memory_space<vmem>>, vector<16xi32>,
        %shift_left3A_944 = arith.constant 16 : i32
        %shift_left3A_945 = vector.broadcast %shift_left3A_944 : i32 to vector<16xi32>
        %shift_left3A_946 = arith.shli %get3A_943, %shift_left3A_945 : vector<16xi32>
        %bitcast3A_947 = vector.bitcast %shift_left3A_946 : vector<16xi32> to vector<16xf32>
        %and3A_948 = arith.andi %get3A_943, %broadcast_in_dim3A_12 : vector<16xi32>
        %bitcast3A_949 = vector.bitcast %and3A_948 : vector<16xi32> to vector<16xf32>
        %get3A_950 = arith.constant 1 : i32
        %get3A_951 = arith.index_cast %get3A_950 : i32 to index
        %get3A_952 = arith.index_cast %add3A_938 : i32 to index
        %get3A_953 = arith.constant 16 : index
        %get3A_954 = tpu.vector_load %arg9[%get3A_951, %get3A_952, %get3A_953] {strides = array<i32>} : memref<2x512x32xi32, #tpu.memory_space<vmem>>, vector<16xi32>,
        %shift_left3A_955 = arith.constant 16 : i32
        %shift_left3A_956 = vector.broadcast %shift_left3A_955 : i32 to vector<16xi32>
        %shift_left3A_957 = arith.shli %get3A_954, %shift_left3A_956 : vector<16xi32>
        %bitcast3A_958 = vector.bitcast %shift_left3A_957 : vector<16xi32> to vector<16xf32>
        %and3A_959 = arith.andi %get3A_954, %broadcast_in_dim3A_12 : vector<16xi32>
        %bitcast3A_960 = vector.bitcast %and3A_959 : vector<16xi32> to vector<16xf32>
        %get3A_961 = arith.constant 1 : i32
        %get3A_962 = arith.index_cast %get3A_961 : i32 to index
        %get3A_963 = arith.index_cast %add3A_938 : i32 to index
        %get3A_964 = arith.constant 0 : index
        %get3A_965 = tpu.vector_load %arg10[%get3A_962, %get3A_963, %get3A_964] {strides = array<i32>} : memref<2x512x32xi32, #tpu.memory_space<vmem>>, vector<16xi32>,
        %shift_left3A_966 = arith.constant 16 : i32
        %shift_left3A_967 = vector.broadcast %shift_left3A_966 : i32 to vector<16xi32>
        %shift_left3A_968 = arith.shli %get3A_965, %shift_left3A_967 : vector<16xi32>
        %bitcast3A_969 = vector.bitcast %shift_left3A_968 : vector<16xi32> to vector<16xf32>
        %and3A_970 = arith.andi %get3A_965, %broadcast_in_dim3A_12 : vector<16xi32>
        %bitcast3A_971 = vector.bitcast %and3A_970 : vector<16xi32> to vector<16xf32>
        %get3A_972 = arith.constant 1 : i32
        %get3A_973 = arith.index_cast %get3A_972 : i32 to index
        %get3A_974 = arith.index_cast %add3A_938 : i32 to index
        %get3A_975 = arith.constant 16 : index
        %get3A_976 = tpu.vector_load %arg10[%get3A_973, %get3A_974, %get3A_975] {strides = array<i32>} : memref<2x512x32xi32, #tpu.memory_space<vmem>>, vector<16xi32>,
        %shift_left3A_977 = arith.constant 16 : i32
        %shift_left3A_978 = vector.broadcast %shift_left3A_977 : i32 to vector<16xi32>
        %shift_left3A_979 = arith.shli %get3A_976, %shift_left3A_978 : vector<16xi32>
        %bitcast3A_980 = vector.bitcast %shift_left3A_979 : vector<16xi32> to vector<16xf32>
        %and3A_981 = arith.andi %get3A_976, %broadcast_in_dim3A_12 : vector<16xi32>
        %bitcast3A_982 = vector.bitcast %and3A_981 : vector<16xi32> to vector<16xf32>
        %mul3A_983 = arith.mulf %bitcast3A_947, %bitcast3A_969 : vector<16xf32>
        %mul3A_984 = arith.mulf %mul3A_983, %get3A_3 : vector<16xf32>
        %mul3A_985 = arith.mulf %bitcast3A_958, %bitcast3A_980 : vector<16xf32>
        %mul3A_986 = arith.mulf %mul3A_985, %get3A_5 : vector<16xf32>
        %add3A_987 = arith.addf %mul3A_984, %mul3A_986 : vector<16xf32>
        %mul3A_988 = arith.mulf %bitcast3A_949, %bitcast3A_971 : vector<16xf32>
        %mul3A_989 = arith.mulf %mul3A_988, %get3A_7 : vector<16xf32>
        %add3A_990 = arith.addf %add3A_987, %mul3A_989 : vector<16xf32>
        %mul3A_991 = arith.mulf %bitcast3A_960, %bitcast3A_982 : vector<16xf32>
        %mul3A_992 = arith.mulf %mul3A_991, %get3A_9 : vector<16xf32>
        %add3A_993 = arith.addf %add3A_990, %mul3A_992 : vector<16xf32>
        %mul3A_994 = arith.constant 16 : i32
        %mul3A_995 = arith.muli %scan3A_641, %mul3A_994 : i32
        %add3A_996 = arith.constant 6 : i32
        %add3A_997 = arith.addi %mul3A_995, %add3A_996 : i32
        %get3A_998 = arith.constant 1 : i32
        %get3A_999 = arith.index_cast %get3A_998 : i32 to index
        %get3A_1000 = arith.index_cast %add3A_997 : i32 to index
        %get3A_1001 = arith.constant 0 : index
        %get3A_1002 = tpu.vector_load %arg9[%get3A_999, %get3A_1000, %get3A_1001] {strides = array<i32>} : memref<2x512x32xi32, #tpu.memory_space<vmem>>, vector<16xi32>,
        %shift_left3A_1003 = arith.constant 16 : i32
        %shift_left3A_1004 = vector.broadcast %shift_left3A_1003 : i32 to vector<16xi32>
        %shift_left3A_1005 = arith.shli %get3A_1002, %shift_left3A_1004 : vector<16xi32>
        %bitcast3A_1006 = vector.bitcast %shift_left3A_1005 : vector<16xi32> to vector<16xf32>
        %and3A_1007 = arith.andi %get3A_1002, %broadcast_in_dim3A_12 : vector<16xi32>
        %bitcast3A_1008 = vector.bitcast %and3A_1007 : vector<16xi32> to vector<16xf32>
        %get3A_1009 = arith.constant 1 : i32
        %get3A_1010 = arith.index_cast %get3A_1009 : i32 to index
        %get3A_1011 = arith.index_cast %add3A_997 : i32 to index
        %get3A_1012 = arith.constant 16 : index
        %get3A_1013 = tpu.vector_load %arg9[%get3A_1010, %get3A_1011, %get3A_1012] {strides = array<i32>} : memref<2x512x32xi32, #tpu.memory_space<vmem>>, vector<16xi32>,
        %shift_left3A_1014 = arith.constant 16 : i32
        %shift_left3A_1015 = vector.broadcast %shift_left3A_1014 : i32 to vector<16xi32>
        %shift_left3A_1016 = arith.shli %get3A_1013, %shift_left3A_1015 : vector<16xi32>
        %bitcast3A_1017 = vector.bitcast %shift_left3A_1016 : vector<16xi32> to vector<16xf32>
        %and3A_1018 = arith.andi %get3A_1013, %broadcast_in_dim3A_12 : vector<16xi32>
        %bitcast3A_1019 = vector.bitcast %and3A_1018 : vector<16xi32> to vector<16xf32>
        %get3A_1020 = arith.constant 1 : i32
        %get3A_1021 = arith.index_cast %get3A_1020 : i32 to index
        %get3A_1022 = arith.index_cast %add3A_997 : i32 to index
        %get3A_1023 = arith.constant 0 : index
        %get3A_1024 = tpu.vector_load %arg10[%get3A_1021, %get3A_1022, %get3A_1023] {strides = array<i32>} : memref<2x512x32xi32, #tpu.memory_space<vmem>>, vector<16xi32>,
        %shift_left3A_1025 = arith.constant 16 : i32
        %shift_left3A_1026 = vector.broadcast %shift_left3A_1025 : i32 to vector<16xi32>
        %shift_left3A_1027 = arith.shli %get3A_1024, %shift_left3A_1026 : vector<16xi32>
        %bitcast3A_1028 = vector.bitcast %shift_left3A_1027 : vector<16xi32> to vector<16xf32>
        %and3A_1029 = arith.andi %get3A_1024, %broadcast_in_dim3A_12 : vector<16xi32>
        %bitcast3A_1030 = vector.bitcast %and3A_1029 : vector<16xi32> to vector<16xf32>
        %get3A_1031 = arith.constant 1 : i32
        %get3A_1032 = arith.index_cast %get3A_1031 : i32 to index
        %get3A_1033 = arith.index_cast %add3A_997 : i32 to index
        %get3A_1034 = arith.constant 16 : index
        %get3A_1035 = tpu.vector_load %arg10[%get3A_1032, %get3A_1033, %get3A_1034] {strides = array<i32>} : memref<2x512x32xi32, #tpu.memory_space<vmem>>, vector<16xi32>,
        %shift_left3A_1036 = arith.constant 16 : i32
        %shift_left3A_1037 = vector.broadcast %shift_left3A_1036 : i32 to vector<16xi32>
        %shift_left3A_1038 = arith.shli %get3A_1035, %shift_left3A_1037 : vector<16xi32>
        %bitcast3A_1039 = vector.bitcast %shift_left3A_1038 : vector<16xi32> to vector<16xf32>
        %and3A_1040 = arith.andi %get3A_1035, %broadcast_in_dim3A_12 : vector<16xi32>
        %bitcast3A_1041 = vector.bitcast %and3A_1040 : vector<16xi32> to vector<16xf32>
        %mul3A_1042 = arith.mulf %bitcast3A_1006, %bitcast3A_1028 : vector<16xf32>
        %mul3A_1043 = arith.mulf %mul3A_1042, %get3A_3 : vector<16xf32>
        %mul3A_1044 = arith.mulf %bitcast3A_1017, %bitcast3A_1039 : vector<16xf32>
        %mul3A_1045 = arith.mulf %mul3A_1044, %get3A_5 : vector<16xf32>
        %add3A_1046 = arith.addf %mul3A_1043, %mul3A_1045 : vector<16xf32>
        %mul3A_1047 = arith.mulf %bitcast3A_1008, %bitcast3A_1030 : vector<16xf32>
        %mul3A_1048 = arith.mulf %mul3A_1047, %get3A_7 : vector<16xf32>
        %add3A_1049 = arith.addf %add3A_1046, %mul3A_1048 : vector<16xf32>
        %mul3A_1050 = arith.mulf %bitcast3A_1019, %bitcast3A_1041 : vector<16xf32>
        %mul3A_1051 = arith.mulf %mul3A_1050, %get3A_9 : vector<16xf32>
        %add3A_1052 = arith.addf %add3A_1049, %mul3A_1051 : vector<16xf32>
        %mul3A_1053 = arith.constant 16 : i32
        %mul3A_1054 = arith.muli %scan3A_641, %mul3A_1053 : i32
        %add3A_1055 = arith.constant 7 : i32
        %add3A_1056 = arith.addi %mul3A_1054, %add3A_1055 : i32
        %get3A_1057 = arith.constant 1 : i32
        %get3A_1058 = arith.index_cast %get3A_1057 : i32 to index
        %get3A_1059 = arith.index_cast %add3A_1056 : i32 to index
        %get3A_1060 = arith.constant 0 : index
        %get3A_1061 = tpu.vector_load %arg9[%get3A_1058, %get3A_1059, %get3A_1060] {strides = array<i32>} : memref<2x512x32xi32, #tpu.memory_space<vmem>>, vector<16xi32>,
        %shift_left3A_1062 = arith.constant 16 : i32
        %shift_left3A_1063 = vector.broadcast %shift_left3A_1062 : i32 to vector<16xi32>
        %shift_left3A_1064 = arith.shli %get3A_1061, %shift_left3A_1063 : vector<16xi32>
        %bitcast3A_1065 = vector.bitcast %shift_left3A_1064 : vector<16xi32> to vector<16xf32>
        %and3A_1066 = arith.andi %get3A_1061, %broadcast_in_dim3A_12 : vector<16xi32>
        %bitcast3A_1067 = vector.bitcast %and3A_1066 : vector<16xi32> to vector<16xf32>
        %get3A_1068 = arith.constant 1 : i32
        %get3A_1069 = arith.index_cast %get3A_1068 : i32 to index
        %get3A_1070 = arith.index_cast %add3A_1056 : i32 to index
        %get3A_1071 = arith.constant 16 : index
        %get3A_1072 = tpu.vector_load %arg9[%get3A_1069, %get3A_1070, %get3A_1071] {strides = array<i32>} : memref<2x512x32xi32, #tpu.memory_space<vmem>>, vector<16xi32>,
        %shift_left3A_1073 = arith.constant 16 : i32
        %shift_left3A_1074 = vector.broadcast %shift_left3A_1073 : i32 to vector<16xi32>
        %shift_left3A_1075 = arith.shli %get3A_1072, %shift_left3A_1074 : vector<16xi32>
        %bitcast3A_1076 = vector.bitcast %shift_left3A_1075 : vector<16xi32> to vector<16xf32>
        %and3A_1077 = arith.andi %get3A_1072, %broadcast_in_dim3A_12 : vector<16xi32>
        %bitcast3A_1078 = vector.bitcast %and3A_1077 : vector<16xi32> to vector<16xf32>
        %get3A_1079 = arith.constant 1 : i32
        %get3A_1080 = arith.index_cast %get3A_1079 : i32 to index
        %get3A_1081 = arith.index_cast %add3A_1056 : i32 to index
        %get3A_1082 = arith.constant 0 : index
        %get3A_1083 = tpu.vector_load %arg10[%get3A_1080, %get3A_1081, %get3A_1082] {strides = array<i32>} : memref<2x512x32xi32, #tpu.memory_space<vmem>>, vector<16xi32>,
        %shift_left3A_1084 = arith.constant 16 : i32
        %shift_left3A_1085 = vector.broadcast %shift_left3A_1084 : i32 to vector<16xi32>
        %shift_left3A_1086 = arith.shli %get3A_1083, %shift_left3A_1085 : vector<16xi32>
        %bitcast3A_1087 = vector.bitcast %shift_left3A_1086 : vector<16xi32> to vector<16xf32>
        %and3A_1088 = arith.andi %get3A_1083, %broadcast_in_dim3A_12 : vector<16xi32>
        %bitcast3A_1089 = vector.bitcast %and3A_1088 : vector<16xi32> to vector<16xf32>
        %get3A_1090 = arith.constant 1 : i32
        %get3A_1091 = arith.index_cast %get3A_1090 : i32 to index
        %get3A_1092 = arith.index_cast %add3A_1056 : i32 to index
        %get3A_1093 = arith.constant 16 : index
        %get3A_1094 = tpu.vector_load %arg10[%get3A_1091, %get3A_1092, %get3A_1093] {strides = array<i32>} : memref<2x512x32xi32, #tpu.memory_space<vmem>>, vector<16xi32>,
        %shift_left3A_1095 = arith.constant 16 : i32
        %shift_left3A_1096 = vector.broadcast %shift_left3A_1095 : i32 to vector<16xi32>
        %shift_left3A_1097 = arith.shli %get3A_1094, %shift_left3A_1096 : vector<16xi32>
        %bitcast3A_1098 = vector.bitcast %shift_left3A_1097 : vector<16xi32> to vector<16xf32>
        %and3A_1099 = arith.andi %get3A_1094, %broadcast_in_dim3A_12 : vector<16xi32>
        %bitcast3A_1100 = vector.bitcast %and3A_1099 : vector<16xi32> to vector<16xf32>
        %mul3A_1101 = arith.mulf %bitcast3A_1065, %bitcast3A_1087 : vector<16xf32>
        %mul3A_1102 = arith.mulf %mul3A_1101, %get3A_3 : vector<16xf32>
        %mul3A_1103 = arith.mulf %bitcast3A_1076, %bitcast3A_1098 : vector<16xf32>
        %mul3A_1104 = arith.mulf %mul3A_1103, %get3A_5 : vector<16xf32>
        %add3A_1105 = arith.addf %mul3A_1102, %mul3A_1104 : vector<16xf32>
        %mul3A_1106 = arith.mulf %bitcast3A_1067, %bitcast3A_1089 : vector<16xf32>
        %mul3A_1107 = arith.mulf %mul3A_1106, %get3A_7 : vector<16xf32>
        %add3A_1108 = arith.addf %add3A_1105, %mul3A_1107 : vector<16xf32>
        %mul3A_1109 = arith.mulf %bitcast3A_1078, %bitcast3A_1100 : vector<16xf32>
        %mul3A_1110 = arith.mulf %mul3A_1109, %get3A_9 : vector<16xf32>
        %add3A_1111 = arith.addf %add3A_1108, %mul3A_1110 : vector<16xf32>
        %mul3A_1112 = arith.constant 16 : i32
        %mul3A_1113 = arith.muli %scan3A_641, %mul3A_1112 : i32
        %add3A_1114 = arith.constant 8 : i32
        %add3A_1115 = arith.addi %mul3A_1113, %add3A_1114 : i32
        %get3A_1116 = arith.constant 1 : i32
        %get3A_1117 = arith.index_cast %get3A_1116 : i32 to index
        %get3A_1118 = arith.index_cast %add3A_1115 : i32 to index
        %get3A_1119 = arith.constant 0 : index
        %get3A_1120 = tpu.vector_load %arg9[%get3A_1117, %get3A_1118, %get3A_1119] {strides = array<i32>} : memref<2x512x32xi32, #tpu.memory_space<vmem>>, vector<16xi32>,
        %shift_left3A_1121 = arith.constant 16 : i32
        %shift_left3A_1122 = vector.broadcast %shift_left3A_1121 : i32 to vector<16xi32>
        %shift_left3A_1123 = arith.shli %get3A_1120, %shift_left3A_1122 : vector<16xi32>
        %bitcast3A_1124 = vector.bitcast %shift_left3A_1123 : vector<16xi32> to vector<16xf32>
        %and3A_1125 = arith.andi %get3A_1120, %broadcast_in_dim3A_12 : vector<16xi32>
        %bitcast3A_1126 = vector.bitcast %and3A_1125 : vector<16xi32> to vector<16xf32>
        %get3A_1127 = arith.constant 1 : i32
        %get3A_1128 = arith.index_cast %get3A_1127 : i32 to index
        %get3A_1129 = arith.index_cast %add3A_1115 : i32 to index
        %get3A_1130 = arith.constant 16 : index
        %get3A_1131 = tpu.vector_load %arg9[%get3A_1128, %get3A_1129, %get3A_1130] {strides = array<i32>} : memref<2x512x32xi32, #tpu.memory_space<vmem>>, vector<16xi32>,
        %shift_left3A_1132 = arith.constant 16 : i32
        %shift_left3A_1133 = vector.broadcast %shift_left3A_1132 : i32 to vector<16xi32>
        %shift_left3A_1134 = arith.shli %get3A_1131, %shift_left3A_1133 : vector<16xi32>
        %bitcast3A_1135 = vector.bitcast %shift_left3A_1134 : vector<16xi32> to vector<16xf32>
        %and3A_1136 = arith.andi %get3A_1131, %broadcast_in_dim3A_12 : vector<16xi32>
        %bitcast3A_1137 = vector.bitcast %and3A_1136 : vector<16xi32> to vector<16xf32>
        %get3A_1138 = arith.constant 1 : i32
        %get3A_1139 = arith.index_cast %get3A_1138 : i32 to index
        %get3A_1140 = arith.index_cast %add3A_1115 : i32 to index
        %get3A_1141 = arith.constant 0 : index
        %get3A_1142 = tpu.vector_load %arg10[%get3A_1139, %get3A_1140, %get3A_1141] {strides = array<i32>} : memref<2x512x32xi32, #tpu.memory_space<vmem>>, vector<16xi32>,
        %shift_left3A_1143 = arith.constant 16 : i32
        %shift_left3A_1144 = vector.broadcast %shift_left3A_1143 : i32 to vector<16xi32>
        %shift_left3A_1145 = arith.shli %get3A_1142, %shift_left3A_1144 : vector<16xi32>
        %bitcast3A_1146 = vector.bitcast %shift_left3A_1145 : vector<16xi32> to vector<16xf32>
        %and3A_1147 = arith.andi %get3A_1142, %broadcast_in_dim3A_12 : vector<16xi32>
        %bitcast3A_1148 = vector.bitcast %and3A_1147 : vector<16xi32> to vector<16xf32>
        %get3A_1149 = arith.constant 1 : i32
        %get3A_1150 = arith.index_cast %get3A_1149 : i32 to index
        %get3A_1151 = arith.index_cast %add3A_1115 : i32 to index
        %get3A_1152 = arith.constant 16 : index
        %get3A_1153 = tpu.vector_load %arg10[%get3A_1150, %get3A_1151, %get3A_1152] {strides = array<i32>} : memref<2x512x32xi32, #tpu.memory_space<vmem>>, vector<16xi32>,
        %shift_left3A_1154 = arith.constant 16 : i32
        %shift_left3A_1155 = vector.broadcast %shift_left3A_1154 : i32 to vector<16xi32>
        %shift_left3A_1156 = arith.shli %get3A_1153, %shift_left3A_1155 : vector<16xi32>
        %bitcast3A_1157 = vector.bitcast %shift_left3A_1156 : vector<16xi32> to vector<16xf32>
        %and3A_1158 = arith.andi %get3A_1153, %broadcast_in_dim3A_12 : vector<16xi32>
        %bitcast3A_1159 = vector.bitcast %and3A_1158 : vector<16xi32> to vector<16xf32>
        %mul3A_1160 = arith.mulf %bitcast3A_1124, %bitcast3A_1146 : vector<16xf32>
        %mul3A_1161 = arith.mulf %mul3A_1160, %get3A_3 : vector<16xf32>
        %mul3A_1162 = arith.mulf %bitcast3A_1135, %bitcast3A_1157 : vector<16xf32>
        %mul3A_1163 = arith.mulf %mul3A_1162, %get3A_5 : vector<16xf32>
        %add3A_1164 = arith.addf %mul3A_1161, %mul3A_1163 : vector<16xf32>
        %mul3A_1165 = arith.mulf %bitcast3A_1126, %bitcast3A_1148 : vector<16xf32>
        %mul3A_1166 = arith.mulf %mul3A_1165, %get3A_7 : vector<16xf32>
        %add3A_1167 = arith.addf %add3A_1164, %mul3A_1166 : vector<16xf32>
        %mul3A_1168 = arith.mulf %bitcast3A_1137, %bitcast3A_1159 : vector<16xf32>
        %mul3A_1169 = arith.mulf %mul3A_1168, %get3A_9 : vector<16xf32>
        %add3A_1170 = arith.addf %add3A_1167, %mul3A_1169 : vector<16xf32>
        %mul3A_1171 = arith.constant 16 : i32
        %mul3A_1172 = arith.muli %scan3A_641, %mul3A_1171 : i32
        %add3A_1173 = arith.constant 9 : i32
        %add3A_1174 = arith.addi %mul3A_1172, %add3A_1173 : i32
        %get3A_1175 = arith.constant 1 : i32
        %get3A_1176 = arith.index_cast %get3A_1175 : i32 to index
        %get3A_1177 = arith.index_cast %add3A_1174 : i32 to index
        %get3A_1178 = arith.constant 0 : index
        %get3A_1179 = tpu.vector_load %arg9[%get3A_1176, %get3A_1177, %get3A_1178] {strides = array<i32>} : memref<2x512x32xi32, #tpu.memory_space<vmem>>, vector<16xi32>,
        %shift_left3A_1180 = arith.constant 16 : i32
        %shift_left3A_1181 = vector.broadcast %shift_left3A_1180 : i32 to vector<16xi32>
        %shift_left3A_1182 = arith.shli %get3A_1179, %shift_left3A_1181 : vector<16xi32>
        %bitcast3A_1183 = vector.bitcast %shift_left3A_1182 : vector<16xi32> to vector<16xf32>
        %and3A_1184 = arith.andi %get3A_1179, %broadcast_in_dim3A_12 : vector<16xi32>
        %bitcast3A_1185 = vector.bitcast %and3A_1184 : vector<16xi32> to vector<16xf32>
        %get3A_1186 = arith.constant 1 : i32
        %get3A_1187 = arith.index_cast %get3A_1186 : i32 to index
        %get3A_1188 = arith.index_cast %add3A_1174 : i32 to index
        %get3A_1189 = arith.constant 16 : index
        %get3A_1190 = tpu.vector_load %arg9[%get3A_1187, %get3A_1188, %get3A_1189] {strides = array<i32>} : memref<2x512x32xi32, #tpu.memory_space<vmem>>, vector<16xi32>,
        %shift_left3A_1191 = arith.constant 16 : i32
        %shift_left3A_1192 = vector.broadcast %shift_left3A_1191 : i32 to vector<16xi32>
        %shift_left3A_1193 = arith.shli %get3A_1190, %shift_left3A_1192 : vector<16xi32>
        %bitcast3A_1194 = vector.bitcast %shift_left3A_1193 : vector<16xi32> to vector<16xf32>
        %and3A_1195 = arith.andi %get3A_1190, %broadcast_in_dim3A_12 : vector<16xi32>
        %bitcast3A_1196 = vector.bitcast %and3A_1195 : vector<16xi32> to vector<16xf32>
        %get3A_1197 = arith.constant 1 : i32
        %get3A_1198 = arith.index_cast %get3A_1197 : i32 to index
        %get3A_1199 = arith.index_cast %add3A_1174 : i32 to index
        %get3A_1200 = arith.constant 0 : index
        %get3A_1201 = tpu.vector_load %arg10[%get3A_1198, %get3A_1199, %get3A_1200] {strides = array<i32>} : memref<2x512x32xi32, #tpu.memory_space<vmem>>, vector<16xi32>,
        %shift_left3A_1202 = arith.constant 16 : i32
        %shift_left3A_1203 = vector.broadcast %shift_left3A_1202 : i32 to vector<16xi32>
        %shift_left3A_1204 = arith.shli %get3A_1201, %shift_left3A_1203 : vector<16xi32>
        %bitcast3A_1205 = vector.bitcast %shift_left3A_1204 : vector<16xi32> to vector<16xf32>
        %and3A_1206 = arith.andi %get3A_1201, %broadcast_in_dim3A_12 : vector<16xi32>
        %bitcast3A_1207 = vector.bitcast %and3A_1206 : vector<16xi32> to vector<16xf32>
        %get3A_1208 = arith.constant 1 : i32
        %get3A_1209 = arith.index_cast %get3A_1208 : i32 to index
        %get3A_1210 = arith.index_cast %add3A_1174 : i32 to index
        %get3A_1211 = arith.constant 16 : index
        %get3A_1212 = tpu.vector_load %arg10[%get3A_1209, %get3A_1210, %get3A_1211] {strides = array<i32>} : memref<2x512x32xi32, #tpu.memory_space<vmem>>, vector<16xi32>,
        %shift_left3A_1213 = arith.constant 16 : i32
        %shift_left3A_1214 = vector.broadcast %shift_left3A_1213 : i32 to vector<16xi32>
        %shift_left3A_1215 = arith.shli %get3A_1212, %shift_left3A_1214 : vector<16xi32>
        %bitcast3A_1216 = vector.bitcast %shift_left3A_1215 : vector<16xi32> to vector<16xf32>
        %and3A_1217 = arith.andi %get3A_1212, %broadcast_in_dim3A_12 : vector<16xi32>
        %bitcast3A_1218 = vector.bitcast %and3A_1217 : vector<16xi32> to vector<16xf32>
        %mul3A_1219 = arith.mulf %bitcast3A_1183, %bitcast3A_1205 : vector<16xf32>
        %mul3A_1220 = arith.mulf %mul3A_1219, %get3A_3 : vector<16xf32>
        %mul3A_1221 = arith.mulf %bitcast3A_1194, %bitcast3A_1216 : vector<16xf32>
        %mul3A_1222 = arith.mulf %mul3A_1221, %get3A_5 : vector<16xf32>
        %add3A_1223 = arith.addf %mul3A_1220, %mul3A_1222 : vector<16xf32>
        %mul3A_1224 = arith.mulf %bitcast3A_1185, %bitcast3A_1207 : vector<16xf32>
        %mul3A_1225 = arith.mulf %mul3A_1224, %get3A_7 : vector<16xf32>
        %add3A_1226 = arith.addf %add3A_1223, %mul3A_1225 : vector<16xf32>
        %mul3A_1227 = arith.mulf %bitcast3A_1196, %bitcast3A_1218 : vector<16xf32>
        %mul3A_1228 = arith.mulf %mul3A_1227, %get3A_9 : vector<16xf32>
        %add3A_1229 = arith.addf %add3A_1226, %mul3A_1228 : vector<16xf32>
        %mul3A_1230 = arith.constant 16 : i32
        %mul3A_1231 = arith.muli %scan3A_641, %mul3A_1230 : i32
        %add3A_1232 = arith.constant 10 : i32
        %add3A_1233 = arith.addi %mul3A_1231, %add3A_1232 : i32
        %get3A_1234 = arith.constant 1 : i32
        %get3A_1235 = arith.index_cast %get3A_1234 : i32 to index
        %get3A_1236 = arith.index_cast %add3A_1233 : i32 to index
        %get3A_1237 = arith.constant 0 : index
        %get3A_1238 = tpu.vector_load %arg9[%get3A_1235, %get3A_1236, %get3A_1237] {strides = array<i32>} : memref<2x512x32xi32, #tpu.memory_space<vmem>>, vector<16xi32>,
        %shift_left3A_1239 = arith.constant 16 : i32
        %shift_left3A_1240 = vector.broadcast %shift_left3A_1239 : i32 to vector<16xi32>
        %shift_left3A_1241 = arith.shli %get3A_1238, %shift_left3A_1240 : vector<16xi32>
        %bitcast3A_1242 = vector.bitcast %shift_left3A_1241 : vector<16xi32> to vector<16xf32>
        %and3A_1243 = arith.andi %get3A_1238, %broadcast_in_dim3A_12 : vector<16xi32>
        %bitcast3A_1244 = vector.bitcast %and3A_1243 : vector<16xi32> to vector<16xf32>
        %get3A_1245 = arith.constant 1 : i32
        %get3A_1246 = arith.index_cast %get3A_1245 : i32 to index
        %get3A_1247 = arith.index_cast %add3A_1233 : i32 to index
        %get3A_1248 = arith.constant 16 : index
        %get3A_1249 = tpu.vector_load %arg9[%get3A_1246, %get3A_1247, %get3A_1248] {strides = array<i32>} : memref<2x512x32xi32, #tpu.memory_space<vmem>>, vector<16xi32>,
        %shift_left3A_1250 = arith.constant 16 : i32
        %shift_left3A_1251 = vector.broadcast %shift_left3A_1250 : i32 to vector<16xi32>
        %shift_left3A_1252 = arith.shli %get3A_1249, %shift_left3A_1251 : vector<16xi32>
        %bitcast3A_1253 = vector.bitcast %shift_left3A_1252 : vector<16xi32> to vector<16xf32>
        %and3A_1254 = arith.andi %get3A_1249, %broadcast_in_dim3A_12 : vector<16xi32>
        %bitcast3A_1255 = vector.bitcast %and3A_1254 : vector<16xi32> to vector<16xf32>
        %get3A_1256 = arith.constant 1 : i32
        %get3A_1257 = arith.index_cast %get3A_1256 : i32 to index
        %get3A_1258 = arith.index_cast %add3A_1233 : i32 to index
        %get3A_1259 = arith.constant 0 : index
        %get3A_1260 = tpu.vector_load %arg10[%get3A_1257, %get3A_1258, %get3A_1259] {strides = array<i32>} : memref<2x512x32xi32, #tpu.memory_space<vmem>>, vector<16xi32>,
        %shift_left3A_1261 = arith.constant 16 : i32
        %shift_left3A_1262 = vector.broadcast %shift_left3A_1261 : i32 to vector<16xi32>
        %shift_left3A_1263 = arith.shli %get3A_1260, %shift_left3A_1262 : vector<16xi32>
        %bitcast3A_1264 = vector.bitcast %shift_left3A_1263 : vector<16xi32> to vector<16xf32>
        %and3A_1265 = arith.andi %get3A_1260, %broadcast_in_dim3A_12 : vector<16xi32>
        %bitcast3A_1266 = vector.bitcast %and3A_1265 : vector<16xi32> to vector<16xf32>
        %get3A_1267 = arith.constant 1 : i32
        %get3A_1268 = arith.index_cast %get3A_1267 : i32 to index
        %get3A_1269 = arith.index_cast %add3A_1233 : i32 to index
        %get3A_1270 = arith.constant 16 : index
        %get3A_1271 = tpu.vector_load %arg10[%get3A_1268, %get3A_1269, %get3A_1270] {strides = array<i32>} : memref<2x512x32xi32, #tpu.memory_space<vmem>>, vector<16xi32>,
        %shift_left3A_1272 = arith.constant 16 : i32
        %shift_left3A_1273 = vector.broadcast %shift_left3A_1272 : i32 to vector<16xi32>
        %shift_left3A_1274 = arith.shli %get3A_1271, %shift_left3A_1273 : vector<16xi32>
        %bitcast3A_1275 = vector.bitcast %shift_left3A_1274 : vector<16xi32> to vector<16xf32>
        %and3A_1276 = arith.andi %get3A_1271, %broadcast_in_dim3A_12 : vector<16xi32>
        %bitcast3A_1277 = vector.bitcast %and3A_1276 : vector<16xi32> to vector<16xf32>
        %mul3A_1278 = arith.mulf %bitcast3A_1242, %bitcast3A_1264 : vector<16xf32>
        %mul3A_1279 = arith.mulf %mul3A_1278, %get3A_3 : vector<16xf32>
        %mul3A_1280 = arith.mulf %bitcast3A_1253, %bitcast3A_1275 : vector<16xf32>
        %mul3A_1281 = arith.mulf %mul3A_1280, %get3A_5 : vector<16xf32>
        %add3A_1282 = arith.addf %mul3A_1279, %mul3A_1281 : vector<16xf32>
        %mul3A_1283 = arith.mulf %bitcast3A_1244, %bitcast3A_1266 : vector<16xf32>
        %mul3A_1284 = arith.mulf %mul3A_1283, %get3A_7 : vector<16xf32>
        %add3A_1285 = arith.addf %add3A_1282, %mul3A_1284 : vector<16xf32>
        %mul3A_1286 = arith.mulf %bitcast3A_1255, %bitcast3A_1277 : vector<16xf32>
        %mul3A_1287 = arith.mulf %mul3A_1286, %get3A_9 : vector<16xf32>
        %add3A_1288 = arith.addf %add3A_1285, %mul3A_1287 : vector<16xf32>
        %mul3A_1289 = arith.constant 16 : i32
        %mul3A_1290 = arith.muli %scan3A_641, %mul3A_1289 : i32
        %add3A_1291 = arith.constant 11 : i32
        %add3A_1292 = arith.addi %mul3A_1290, %add3A_1291 : i32
        %get3A_1293 = arith.constant 1 : i32
        %get3A_1294 = arith.index_cast %get3A_1293 : i32 to index
        %get3A_1295 = arith.index_cast %add3A_1292 : i32 to index
        %get3A_1296 = arith.constant 0 : index
        %get3A_1297 = tpu.vector_load %arg9[%get3A_1294, %get3A_1295, %get3A_1296] {strides = array<i32>} : memref<2x512x32xi32, #tpu.memory_space<vmem>>, vector<16xi32>,
        %shift_left3A_1298 = arith.constant 16 : i32
        %shift_left3A_1299 = vector.broadcast %shift_left3A_1298 : i32 to vector<16xi32>
        %shift_left3A_1300 = arith.shli %get3A_1297, %shift_left3A_1299 : vector<16xi32>
        %bitcast3A_1301 = vector.bitcast %shift_left3A_1300 : vector<16xi32> to vector<16xf32>
        %and3A_1302 = arith.andi %get3A_1297, %broadcast_in_dim3A_12 : vector<16xi32>
        %bitcast3A_1303 = vector.bitcast %and3A_1302 : vector<16xi32> to vector<16xf32>
        %get3A_1304 = arith.constant 1 : i32
        %get3A_1305 = arith.index_cast %get3A_1304 : i32 to index
        %get3A_1306 = arith.index_cast %add3A_1292 : i32 to index
        %get3A_1307 = arith.constant 16 : index
        %get3A_1308 = tpu.vector_load %arg9[%get3A_1305, %get3A_1306, %get3A_1307] {strides = array<i32>} : memref<2x512x32xi32, #tpu.memory_space<vmem>>, vector<16xi32>,
        %shift_left3A_1309 = arith.constant 16 : i32
        %shift_left3A_1310 = vector.broadcast %shift_left3A_1309 : i32 to vector<16xi32>
        %shift_left3A_1311 = arith.shli %get3A_1308, %shift_left3A_1310 : vector<16xi32>
        %bitcast3A_1312 = vector.bitcast %shift_left3A_1311 : vector<16xi32> to vector<16xf32>
        %and3A_1313 = arith.andi %get3A_1308, %broadcast_in_dim3A_12 : vector<16xi32>
        %bitcast3A_1314 = vector.bitcast %and3A_1313 : vector<16xi32> to vector<16xf32>
        %get3A_1315 = arith.constant 1 : i32
        %get3A_1316 = arith.index_cast %get3A_1315 : i32 to index
        %get3A_1317 = arith.index_cast %add3A_1292 : i32 to index
        %get3A_1318 = arith.constant 0 : index
        %get3A_1319 = tpu.vector_load %arg10[%get3A_1316, %get3A_1317, %get3A_1318] {strides = array<i32>} : memref<2x512x32xi32, #tpu.memory_space<vmem>>, vector<16xi32>,
        %shift_left3A_1320 = arith.constant 16 : i32
        %shift_left3A_1321 = vector.broadcast %shift_left3A_1320 : i32 to vector<16xi32>
        %shift_left3A_1322 = arith.shli %get3A_1319, %shift_left3A_1321 : vector<16xi32>
        %bitcast3A_1323 = vector.bitcast %shift_left3A_1322 : vector<16xi32> to vector<16xf32>
        %and3A_1324 = arith.andi %get3A_1319, %broadcast_in_dim3A_12 : vector<16xi32>
        %bitcast3A_1325 = vector.bitcast %and3A_1324 : vector<16xi32> to vector<16xf32>
        %get3A_1326 = arith.constant 1 : i32
        %get3A_1327 = arith.index_cast %get3A_1326 : i32 to index
        %get3A_1328 = arith.index_cast %add3A_1292 : i32 to index
        %get3A_1329 = arith.constant 16 : index
        %get3A_1330 = tpu.vector_load %arg10[%get3A_1327, %get3A_1328, %get3A_1329] {strides = array<i32>} : memref<2x512x32xi32, #tpu.memory_space<vmem>>, vector<16xi32>,
        %shift_left3A_1331 = arith.constant 16 : i32
        %shift_left3A_1332 = vector.broadcast %shift_left3A_1331 : i32 to vector<16xi32>
        %shift_left3A_1333 = arith.shli %get3A_1330, %shift_left3A_1332 : vector<16xi32>
        %bitcast3A_1334 = vector.bitcast %shift_left3A_1333 : vector<16xi32> to vector<16xf32>
        %and3A_1335 = arith.andi %get3A_1330, %broadcast_in_dim3A_12 : vector<16xi32>
        %bitcast3A_1336 = vector.bitcast %and3A_1335 : vector<16xi32> to vector<16xf32>
        %mul3A_1337 = arith.mulf %bitcast3A_1301, %bitcast3A_1323 : vector<16xf32>
        %mul3A_1338 = arith.mulf %mul3A_1337, %get3A_3 : vector<16xf32>
        %mul3A_1339 = arith.mulf %bitcast3A_1312, %bitcast3A_1334 : vector<16xf32>
        %mul3A_1340 = arith.mulf %mul3A_1339, %get3A_5 : vector<16xf32>
        %add3A_1341 = arith.addf %mul3A_1338, %mul3A_1340 : vector<16xf32>
        %mul3A_1342 = arith.mulf %bitcast3A_1303, %bitcast3A_1325 : vector<16xf32>
        %mul3A_1343 = arith.mulf %mul3A_1342, %get3A_7 : vector<16xf32>
        %add3A_1344 = arith.addf %add3A_1341, %mul3A_1343 : vector<16xf32>
        %mul3A_1345 = arith.mulf %bitcast3A_1314, %bitcast3A_1336 : vector<16xf32>
        %mul3A_1346 = arith.mulf %mul3A_1345, %get3A_9 : vector<16xf32>
        %add3A_1347 = arith.addf %add3A_1344, %mul3A_1346 : vector<16xf32>
        %mul3A_1348 = arith.constant 16 : i32
        %mul3A_1349 = arith.muli %scan3A_641, %mul3A_1348 : i32
        %add3A_1350 = arith.constant 12 : i32
        %add3A_1351 = arith.addi %mul3A_1349, %add3A_1350 : i32
        %get3A_1352 = arith.constant 1 : i32
        %get3A_1353 = arith.index_cast %get3A_1352 : i32 to index
        %get3A_1354 = arith.index_cast %add3A_1351 : i32 to index
        %get3A_1355 = arith.constant 0 : index
        %get3A_1356 = tpu.vector_load %arg9[%get3A_1353, %get3A_1354, %get3A_1355] {strides = array<i32>} : memref<2x512x32xi32, #tpu.memory_space<vmem>>, vector<16xi32>,
        %shift_left3A_1357 = arith.constant 16 : i32
        %shift_left3A_1358 = vector.broadcast %shift_left3A_1357 : i32 to vector<16xi32>
        %shift_left3A_1359 = arith.shli %get3A_1356, %shift_left3A_1358 : vector<16xi32>
        %bitcast3A_1360 = vector.bitcast %shift_left3A_1359 : vector<16xi32> to vector<16xf32>
        %and3A_1361 = arith.andi %get3A_1356, %broadcast_in_dim3A_12 : vector<16xi32>
        %bitcast3A_1362 = vector.bitcast %and3A_1361 : vector<16xi32> to vector<16xf32>
        %get3A_1363 = arith.constant 1 : i32
        %get3A_1364 = arith.index_cast %get3A_1363 : i32 to index
        %get3A_1365 = arith.index_cast %add3A_1351 : i32 to index
        %get3A_1366 = arith.constant 16 : index
        %get3A_1367 = tpu.vector_load %arg9[%get3A_1364, %get3A_1365, %get3A_1366] {strides = array<i32>} : memref<2x512x32xi32, #tpu.memory_space<vmem>>, vector<16xi32>,
        %shift_left3A_1368 = arith.constant 16 : i32
        %shift_left3A_1369 = vector.broadcast %shift_left3A_1368 : i32 to vector<16xi32>
        %shift_left3A_1370 = arith.shli %get3A_1367, %shift_left3A_1369 : vector<16xi32>
        %bitcast3A_1371 = vector.bitcast %shift_left3A_1370 : vector<16xi32> to vector<16xf32>
        %and3A_1372 = arith.andi %get3A_1367, %broadcast_in_dim3A_12 : vector<16xi32>
        %bitcast3A_1373 = vector.bitcast %and3A_1372 : vector<16xi32> to vector<16xf32>
        %get3A_1374 = arith.constant 1 : i32
        %get3A_1375 = arith.index_cast %get3A_1374 : i32 to index
        %get3A_1376 = arith.index_cast %add3A_1351 : i32 to index
        %get3A_1377 = arith.constant 0 : index
        %get3A_1378 = tpu.vector_load %arg10[%get3A_1375, %get3A_1376, %get3A_1377] {strides = array<i32>} : memref<2x512x32xi32, #tpu.memory_space<vmem>>, vector<16xi32>,
        %shift_left3A_1379 = arith.constant 16 : i32
        %shift_left3A_1380 = vector.broadcast %shift_left3A_1379 : i32 to vector<16xi32>
        %shift_left3A_1381 = arith.shli %get3A_1378, %shift_left3A_1380 : vector<16xi32>
        %bitcast3A_1382 = vector.bitcast %shift_left3A_1381 : vector<16xi32> to vector<16xf32>
        %and3A_1383 = arith.andi %get3A_1378, %broadcast_in_dim3A_12 : vector<16xi32>
        %bitcast3A_1384 = vector.bitcast %and3A_1383 : vector<16xi32> to vector<16xf32>
        %get3A_1385 = arith.constant 1 : i32
        %get3A_1386 = arith.index_cast %get3A_1385 : i32 to index
        %get3A_1387 = arith.index_cast %add3A_1351 : i32 to index
        %get3A_1388 = arith.constant 16 : index
        %get3A_1389 = tpu.vector_load %arg10[%get3A_1386, %get3A_1387, %get3A_1388] {strides = array<i32>} : memref<2x512x32xi32, #tpu.memory_space<vmem>>, vector<16xi32>,
        %shift_left3A_1390 = arith.constant 16 : i32
        %shift_left3A_1391 = vector.broadcast %shift_left3A_1390 : i32 to vector<16xi32>
        %shift_left3A_1392 = arith.shli %get3A_1389, %shift_left3A_1391 : vector<16xi32>
        %bitcast3A_1393 = vector.bitcast %shift_left3A_1392 : vector<16xi32> to vector<16xf32>
        %and3A_1394 = arith.andi %get3A_1389, %broadcast_in_dim3A_12 : vector<16xi32>
        %bitcast3A_1395 = vector.bitcast %and3A_1394 : vector<16xi32> to vector<16xf32>
        %mul3A_1396 = arith.mulf %bitcast3A_1360, %bitcast3A_1382 : vector<16xf32>
        %mul3A_1397 = arith.mulf %mul3A_1396, %get3A_3 : vector<16xf32>
        %mul3A_1398 = arith.mulf %bitcast3A_1371, %bitcast3A_1393 : vector<16xf32>
        %mul3A_1399 = arith.mulf %mul3A_1398, %get3A_5 : vector<16xf32>
        %add3A_1400 = arith.addf %mul3A_1397, %mul3A_1399 : vector<16xf32>
        %mul3A_1401 = arith.mulf %bitcast3A_1362, %bitcast3A_1384 : vector<16xf32>
        %mul3A_1402 = arith.mulf %mul3A_1401, %get3A_7 : vector<16xf32>
        %add3A_1403 = arith.addf %add3A_1400, %mul3A_1402 : vector<16xf32>
        %mul3A_1404 = arith.mulf %bitcast3A_1373, %bitcast3A_1395 : vector<16xf32>
        %mul3A_1405 = arith.mulf %mul3A_1404, %get3A_9 : vector<16xf32>
        %add3A_1406 = arith.addf %add3A_1403, %mul3A_1405 : vector<16xf32>
        %mul3A_1407 = arith.constant 16 : i32
        %mul3A_1408 = arith.muli %scan3A_641, %mul3A_1407 : i32
        %add3A_1409 = arith.constant 13 : i32
        %add3A_1410 = arith.addi %mul3A_1408, %add3A_1409 : i32
        %get3A_1411 = arith.constant 1 : i32
        %get3A_1412 = arith.index_cast %get3A_1411 : i32 to index
        %get3A_1413 = arith.index_cast %add3A_1410 : i32 to index
        %get3A_1414 = arith.constant 0 : index
        %get3A_1415 = tpu.vector_load %arg9[%get3A_1412, %get3A_1413, %get3A_1414] {strides = array<i32>} : memref<2x512x32xi32, #tpu.memory_space<vmem>>, vector<16xi32>,
        %shift_left3A_1416 = arith.constant 16 : i32
        %shift_left3A_1417 = vector.broadcast %shift_left3A_1416 : i32 to vector<16xi32>
        %shift_left3A_1418 = arith.shli %get3A_1415, %shift_left3A_1417 : vector<16xi32>
        %bitcast3A_1419 = vector.bitcast %shift_left3A_1418 : vector<16xi32> to vector<16xf32>
        %and3A_1420 = arith.andi %get3A_1415, %broadcast_in_dim3A_12 : vector<16xi32>
        %bitcast3A_1421 = vector.bitcast %and3A_1420 : vector<16xi32> to vector<16xf32>
        %get3A_1422 = arith.constant 1 : i32
        %get3A_1423 = arith.index_cast %get3A_1422 : i32 to index
        %get3A_1424 = arith.index_cast %add3A_1410 : i32 to index
        %get3A_1425 = arith.constant 16 : index
        %get3A_1426 = tpu.vector_load %arg9[%get3A_1423, %get3A_1424, %get3A_1425] {strides = array<i32>} : memref<2x512x32xi32, #tpu.memory_space<vmem>>, vector<16xi32>,
        %shift_left3A_1427 = arith.constant 16 : i32
        %shift_left3A_1428 = vector.broadcast %shift_left3A_1427 : i32 to vector<16xi32>
        %shift_left3A_1429 = arith.shli %get3A_1426, %shift_left3A_1428 : vector<16xi32>
        %bitcast3A_1430 = vector.bitcast %shift_left3A_1429 : vector<16xi32> to vector<16xf32>
        %and3A_1431 = arith.andi %get3A_1426, %broadcast_in_dim3A_12 : vector<16xi32>
        %bitcast3A_1432 = vector.bitcast %and3A_1431 : vector<16xi32> to vector<16xf32>
        %get3A_1433 = arith.constant 1 : i32
        %get3A_1434 = arith.index_cast %get3A_1433 : i32 to index
        %get3A_1435 = arith.index_cast %add3A_1410 : i32 to index
        %get3A_1436 = arith.constant 0 : index
        %get3A_1437 = tpu.vector_load %arg10[%get3A_1434, %get3A_1435, %get3A_1436] {strides = array<i32>} : memref<2x512x32xi32, #tpu.memory_space<vmem>>, vector<16xi32>,
        %shift_left3A_1438 = arith.constant 16 : i32
        %shift_left3A_1439 = vector.broadcast %shift_left3A_1438 : i32 to vector<16xi32>
        %shift_left3A_1440 = arith.shli %get3A_1437, %shift_left3A_1439 : vector<16xi32>
        %bitcast3A_1441 = vector.bitcast %shift_left3A_1440 : vector<16xi32> to vector<16xf32>
        %and3A_1442 = arith.andi %get3A_1437, %broadcast_in_dim3A_12 : vector<16xi32>
        %bitcast3A_1443 = vector.bitcast %and3A_1442 : vector<16xi32> to vector<16xf32>
        %get3A_1444 = arith.constant 1 : i32
        %get3A_1445 = arith.index_cast %get3A_1444 : i32 to index
        %get3A_1446 = arith.index_cast %add3A_1410 : i32 to index
        %get3A_1447 = arith.constant 16 : index
        %get3A_1448 = tpu.vector_load %arg10[%get3A_1445, %get3A_1446, %get3A_1447] {strides = array<i32>} : memref<2x512x32xi32, #tpu.memory_space<vmem>>, vector<16xi32>,
        %shift_left3A_1449 = arith.constant 16 : i32
        %shift_left3A_1450 = vector.broadcast %shift_left3A_1449 : i32 to vector<16xi32>
        %shift_left3A_1451 = arith.shli %get3A_1448, %shift_left3A_1450 : vector<16xi32>
        %bitcast3A_1452 = vector.bitcast %shift_left3A_1451 : vector<16xi32> to vector<16xf32>
        %and3A_1453 = arith.andi %get3A_1448, %broadcast_in_dim3A_12 : vector<16xi32>
        %bitcast3A_1454 = vector.bitcast %and3A_1453 : vector<16xi32> to vector<16xf32>
        %mul3A_1455 = arith.mulf %bitcast3A_1419, %bitcast3A_1441 : vector<16xf32>
        %mul3A_1456 = arith.mulf %mul3A_1455, %get3A_3 : vector<16xf32>
        %mul3A_1457 = arith.mulf %bitcast3A_1430, %bitcast3A_1452 : vector<16xf32>
        %mul3A_1458 = arith.mulf %mul3A_1457, %get3A_5 : vector<16xf32>
        %add3A_1459 = arith.addf %mul3A_1456, %mul3A_1458 : vector<16xf32>
        %mul3A_1460 = arith.mulf %bitcast3A_1421, %bitcast3A_1443 : vector<16xf32>
        %mul3A_1461 = arith.mulf %mul3A_1460, %get3A_7 : vector<16xf32>
        %add3A_1462 = arith.addf %add3A_1459, %mul3A_1461 : vector<16xf32>
        %mul3A_1463 = arith.mulf %bitcast3A_1432, %bitcast3A_1454 : vector<16xf32>
        %mul3A_1464 = arith.mulf %mul3A_1463, %get3A_9 : vector<16xf32>
        %add3A_1465 = arith.addf %add3A_1462, %mul3A_1464 : vector<16xf32>
        %mul3A_1466 = arith.constant 16 : i32
        %mul3A_1467 = arith.muli %scan3A_641, %mul3A_1466 : i32
        %add3A_1468 = arith.constant 14 : i32
        %add3A_1469 = arith.addi %mul3A_1467, %add3A_1468 : i32
        %get3A_1470 = arith.constant 1 : i32
        %get3A_1471 = arith.index_cast %get3A_1470 : i32 to index
        %get3A_1472 = arith.index_cast %add3A_1469 : i32 to index
        %get3A_1473 = arith.constant 0 : index
        %get3A_1474 = tpu.vector_load %arg9[%get3A_1471, %get3A_1472, %get3A_1473] {strides = array<i32>} : memref<2x512x32xi32, #tpu.memory_space<vmem>>, vector<16xi32>,
        %shift_left3A_1475 = arith.constant 16 : i32
        %shift_left3A_1476 = vector.broadcast %shift_left3A_1475 : i32 to vector<16xi32>
        %shift_left3A_1477 = arith.shli %get3A_1474, %shift_left3A_1476 : vector<16xi32>
        %bitcast3A_1478 = vector.bitcast %shift_left3A_1477 : vector<16xi32> to vector<16xf32>
        %and3A_1479 = arith.andi %get3A_1474, %broadcast_in_dim3A_12 : vector<16xi32>
        %bitcast3A_1480 = vector.bitcast %and3A_1479 : vector<16xi32> to vector<16xf32>
        %get3A_1481 = arith.constant 1 : i32
        %get3A_1482 = arith.index_cast %get3A_1481 : i32 to index
        %get3A_1483 = arith.index_cast %add3A_1469 : i32 to index
        %get3A_1484 = arith.constant 16 : index
        %get3A_1485 = tpu.vector_load %arg9[%get3A_1482, %get3A_1483, %get3A_1484] {strides = array<i32>} : memref<2x512x32xi32, #tpu.memory_space<vmem>>, vector<16xi32>,
        %shift_left3A_1486 = arith.constant 16 : i32
        %shift_left3A_1487 = vector.broadcast %shift_left3A_1486 : i32 to vector<16xi32>
        %shift_left3A_1488 = arith.shli %get3A_1485, %shift_left3A_1487 : vector<16xi32>
        %bitcast3A_1489 = vector.bitcast %shift_left3A_1488 : vector<16xi32> to vector<16xf32>
        %and3A_1490 = arith.andi %get3A_1485, %broadcast_in_dim3A_12 : vector<16xi32>
        %bitcast3A_1491 = vector.bitcast %and3A_1490 : vector<16xi32> to vector<16xf32>
        %get3A_1492 = arith.constant 1 : i32
        %get3A_1493 = arith.index_cast %get3A_1492 : i32 to index
        %get3A_1494 = arith.index_cast %add3A_1469 : i32 to index
        %get3A_1495 = arith.constant 0 : index
        %get3A_1496 = tpu.vector_load %arg10[%get3A_1493, %get3A_1494, %get3A_1495] {strides = array<i32>} : memref<2x512x32xi32, #tpu.memory_space<vmem>>, vector<16xi32>,
        %shift_left3A_1497 = arith.constant 16 : i32
        %shift_left3A_1498 = vector.broadcast %shift_left3A_1497 : i32 to vector<16xi32>
        %shift_left3A_1499 = arith.shli %get3A_1496, %shift_left3A_1498 : vector<16xi32>
        %bitcast3A_1500 = vector.bitcast %shift_left3A_1499 : vector<16xi32> to vector<16xf32>
        %and3A_1501 = arith.andi %get3A_1496, %broadcast_in_dim3A_12 : vector<16xi32>
        %bitcast3A_1502 = vector.bitcast %and3A_1501 : vector<16xi32> to vector<16xf32>
        %get3A_1503 = arith.constant 1 : i32
        %get3A_1504 = arith.index_cast %get3A_1503 : i32 to index
        %get3A_1505 = arith.index_cast %add3A_1469 : i32 to index
        %get3A_1506 = arith.constant 16 : index
        %get3A_1507 = tpu.vector_load %arg10[%get3A_1504, %get3A_1505, %get3A_1506] {strides = array<i32>} : memref<2x512x32xi32, #tpu.memory_space<vmem>>, vector<16xi32>,
        %shift_left3A_1508 = arith.constant 16 : i32
        %shift_left3A_1509 = vector.broadcast %shift_left3A_1508 : i32 to vector<16xi32>
        %shift_left3A_1510 = arith.shli %get3A_1507, %shift_left3A_1509 : vector<16xi32>
        %bitcast3A_1511 = vector.bitcast %shift_left3A_1510 : vector<16xi32> to vector<16xf32>
        %and3A_1512 = arith.andi %get3A_1507, %broadcast_in_dim3A_12 : vector<16xi32>
        %bitcast3A_1513 = vector.bitcast %and3A_1512 : vector<16xi32> to vector<16xf32>
        %mul3A_1514 = arith.mulf %bitcast3A_1478, %bitcast3A_1500 : vector<16xf32>
        %mul3A_1515 = arith.mulf %mul3A_1514, %get3A_3 : vector<16xf32>
        %mul3A_1516 = arith.mulf %bitcast3A_1489, %bitcast3A_1511 : vector<16xf32>
        %mul3A_1517 = arith.mulf %mul3A_1516, %get3A_5 : vector<16xf32>
        %add3A_1518 = arith.addf %mul3A_1515, %mul3A_1517 : vector<16xf32>
        %mul3A_1519 = arith.mulf %bitcast3A_1480, %bitcast3A_1502 : vector<16xf32>
        %mul3A_1520 = arith.mulf %mul3A_1519, %get3A_7 : vector<16xf32>
        %add3A_1521 = arith.addf %add3A_1518, %mul3A_1520 : vector<16xf32>
        %mul3A_1522 = arith.mulf %bitcast3A_1491, %bitcast3A_1513 : vector<16xf32>
        %mul3A_1523 = arith.mulf %mul3A_1522, %get3A_9 : vector<16xf32>
        %add3A_1524 = arith.addf %add3A_1521, %mul3A_1523 : vector<16xf32>
        %mul3A_1525 = arith.constant 16 : i32
        %mul3A_1526 = arith.muli %scan3A_641, %mul3A_1525 : i32
        %add3A_1527 = arith.constant 15 : i32
        %add3A_1528 = arith.addi %mul3A_1526, %add3A_1527 : i32
        %get3A_1529 = arith.constant 1 : i32
        %get3A_1530 = arith.index_cast %get3A_1529 : i32 to index
        %get3A_1531 = arith.index_cast %add3A_1528 : i32 to index
        %get3A_1532 = arith.constant 0 : index
        %get3A_1533 = tpu.vector_load %arg9[%get3A_1530, %get3A_1531, %get3A_1532] {strides = array<i32>} : memref<2x512x32xi32, #tpu.memory_space<vmem>>, vector<16xi32>,
        %shift_left3A_1534 = arith.constant 16 : i32
        %shift_left3A_1535 = vector.broadcast %shift_left3A_1534 : i32 to vector<16xi32>
        %shift_left3A_1536 = arith.shli %get3A_1533, %shift_left3A_1535 : vector<16xi32>
        %bitcast3A_1537 = vector.bitcast %shift_left3A_1536 : vector<16xi32> to vector<16xf32>
        %and3A_1538 = arith.andi %get3A_1533, %broadcast_in_dim3A_12 : vector<16xi32>
        %bitcast3A_1539 = vector.bitcast %and3A_1538 : vector<16xi32> to vector<16xf32>
        %get3A_1540 = arith.constant 1 : i32
        %get3A_1541 = arith.index_cast %get3A_1540 : i32 to index
        %get3A_1542 = arith.index_cast %add3A_1528 : i32 to index
        %get3A_1543 = arith.constant 16 : index
        %get3A_1544 = tpu.vector_load %arg9[%get3A_1541, %get3A_1542, %get3A_1543] {strides = array<i32>} : memref<2x512x32xi32, #tpu.memory_space<vmem>>, vector<16xi32>,
        %shift_left3A_1545 = arith.constant 16 : i32
        %shift_left3A_1546 = vector.broadcast %shift_left3A_1545 : i32 to vector<16xi32>
        %shift_left3A_1547 = arith.shli %get3A_1544, %shift_left3A_1546 : vector<16xi32>
        %bitcast3A_1548 = vector.bitcast %shift_left3A_1547 : vector<16xi32> to vector<16xf32>
        %and3A_1549 = arith.andi %get3A_1544, %broadcast_in_dim3A_12 : vector<16xi32>
        %bitcast3A_1550 = vector.bitcast %and3A_1549 : vector<16xi32> to vector<16xf32>
        %get3A_1551 = arith.constant 1 : i32
        %get3A_1552 = arith.index_cast %get3A_1551 : i32 to index
        %get3A_1553 = arith.index_cast %add3A_1528 : i32 to index
        %get3A_1554 = arith.constant 0 : index
        %get3A_1555 = tpu.vector_load %arg10[%get3A_1552, %get3A_1553, %get3A_1554] {strides = array<i32>} : memref<2x512x32xi32, #tpu.memory_space<vmem>>, vector<16xi32>,
        %shift_left3A_1556 = arith.constant 16 : i32
        %shift_left3A_1557 = vector.broadcast %shift_left3A_1556 : i32 to vector<16xi32>
        %shift_left3A_1558 = arith.shli %get3A_1555, %shift_left3A_1557 : vector<16xi32>
        %bitcast3A_1559 = vector.bitcast %shift_left3A_1558 : vector<16xi32> to vector<16xf32>
        %and3A_1560 = arith.andi %get3A_1555, %broadcast_in_dim3A_12 : vector<16xi32>
        %bitcast3A_1561 = vector.bitcast %and3A_1560 : vector<16xi32> to vector<16xf32>
        %get3A_1562 = arith.constant 1 : i32
        %get3A_1563 = arith.index_cast %get3A_1562 : i32 to index
        %get3A_1564 = arith.index_cast %add3A_1528 : i32 to index
        %get3A_1565 = arith.constant 16 : index
        %get3A_1566 = tpu.vector_load %arg10[%get3A_1563, %get3A_1564, %get3A_1565] {strides = array<i32>} : memref<2x512x32xi32, #tpu.memory_space<vmem>>, vector<16xi32>,
        %shift_left3A_1567 = arith.constant 16 : i32
        %shift_left3A_1568 = vector.broadcast %shift_left3A_1567 : i32 to vector<16xi32>
        %shift_left3A_1569 = arith.shli %get3A_1566, %shift_left3A_1568 : vector<16xi32>
        %bitcast3A_1570 = vector.bitcast %shift_left3A_1569 : vector<16xi32> to vector<16xf32>
        %and3A_1571 = arith.andi %get3A_1566, %broadcast_in_dim3A_12 : vector<16xi32>
        %bitcast3A_1572 = vector.bitcast %and3A_1571 : vector<16xi32> to vector<16xf32>
        %mul3A_1573 = arith.mulf %bitcast3A_1537, %bitcast3A_1559 : vector<16xf32>
        %mul3A_1574 = arith.mulf %mul3A_1573, %get3A_3 : vector<16xf32>
        %mul3A_1575 = arith.mulf %bitcast3A_1548, %bitcast3A_1570 : vector<16xf32>
        %mul3A_1576 = arith.mulf %mul3A_1575, %get3A_5 : vector<16xf32>
        %add3A_1577 = arith.addf %mul3A_1574, %mul3A_1576 : vector<16xf32>
        %mul3A_1578 = arith.mulf %bitcast3A_1539, %bitcast3A_1561 : vector<16xf32>
        %mul3A_1579 = arith.mulf %mul3A_1578, %get3A_7 : vector<16xf32>
        %add3A_1580 = arith.addf %add3A_1577, %mul3A_1579 : vector<16xf32>
        %mul3A_1581 = arith.mulf %bitcast3A_1550, %bitcast3A_1572 : vector<16xf32>
        %mul3A_1582 = arith.mulf %mul3A_1581, %get3A_9 : vector<16xf32>
        %add3A_1583 = arith.addf %add3A_1580, %mul3A_1582 : vector<16xf32>
        %broadcast_in_dim3A_1584 = arith.constant true
        %broadcast_in_dim3A_1585 = vector.broadcast %broadcast_in_dim3A_1584 : i1 to vector<16xi1>
        %masked_cumsum3A = tpu.scan <sum>, %add3A_698 masked %broadcast_in_dim3A_1585 : vector<16xf32>, vector<16xi1> -> vector<16xf32>
        %broadcast_in_dim3A_1586 = arith.constant true
        %broadcast_in_dim3A_1587 = vector.broadcast %broadcast_in_dim3A_1586 : i1 to vector<16xi1>
        %masked_cumsum3A_1588 = tpu.scan <sum>, %add3A_757 masked %broadcast_in_dim3A_1587 : vector<16xf32>, vector<16xi1> -> vector<16xf32>
        %broadcast_in_dim3A_1589 = arith.constant true
        %broadcast_in_dim3A_1590 = vector.broadcast %broadcast_in_dim3A_1589 : i1 to vector<16xi1>
        %masked_cumsum3A_1591 = tpu.scan <sum>, %add3A_816 masked %broadcast_in_dim3A_1590 : vector<16xf32>, vector<16xi1> -> vector<16xf32>
        %broadcast_in_dim3A_1592 = arith.constant true
        %broadcast_in_dim3A_1593 = vector.broadcast %broadcast_in_dim3A_1592 : i1 to vector<16xi1>
        %masked_cumsum3A_1594 = tpu.scan <sum>, %add3A_875 masked %broadcast_in_dim3A_1593 : vector<16xf32>, vector<16xi1> -> vector<16xf32>
        %broadcast_in_dim3A_1595 = arith.constant true
        %broadcast_in_dim3A_1596 = vector.broadcast %broadcast_in_dim3A_1595 : i1 to vector<16xi1>
        %masked_cumsum3A_1597 = tpu.scan <sum>, %add3A_934 masked %broadcast_in_dim3A_1596 : vector<16xf32>, vector<16xi1> -> vector<16xf32>
        %broadcast_in_dim3A_1598 = arith.constant true
        %broadcast_in_dim3A_1599 = vector.broadcast %broadcast_in_dim3A_1598 : i1 to vector<16xi1>
        %masked_cumsum3A_1600 = tpu.scan <sum>, %add3A_993 masked %broadcast_in_dim3A_1599 : vector<16xf32>, vector<16xi1> -> vector<16xf32>
        %broadcast_in_dim3A_1601 = arith.constant true
        %broadcast_in_dim3A_1602 = vector.broadcast %broadcast_in_dim3A_1601 : i1 to vector<16xi1>
        %masked_cumsum3A_1603 = tpu.scan <sum>, %add3A_1052 masked %broadcast_in_dim3A_1602 : vector<16xf32>, vector<16xi1> -> vector<16xf32>
        %broadcast_in_dim3A_1604 = arith.constant true
        %broadcast_in_dim3A_1605 = vector.broadcast %broadcast_in_dim3A_1604 : i1 to vector<16xi1>
        %masked_cumsum3A_1606 = tpu.scan <sum>, %add3A_1111 masked %broadcast_in_dim3A_1605 : vector<16xf32>, vector<16xi1> -> vector<16xf32>
        %broadcast_in_dim3A_1607 = arith.constant true
        %broadcast_in_dim3A_1608 = vector.broadcast %broadcast_in_dim3A_1607 : i1 to vector<16xi1>
        %masked_cumsum3A_1609 = tpu.scan <sum>, %add3A_1170 masked %broadcast_in_dim3A_1608 : vector<16xf32>, vector<16xi1> -> vector<16xf32>
        %broadcast_in_dim3A_1610 = arith.constant true
        %broadcast_in_dim3A_1611 = vector.broadcast %broadcast_in_dim3A_1610 : i1 to vector<16xi1>
        %masked_cumsum3A_1612 = tpu.scan <sum>, %add3A_1229 masked %broadcast_in_dim3A_1611 : vector<16xf32>, vector<16xi1> -> vector<16xf32>
        %broadcast_in_dim3A_1613 = arith.constant true
        %broadcast_in_dim3A_1614 = vector.broadcast %broadcast_in_dim3A_1613 : i1 to vector<16xi1>
        %masked_cumsum3A_1615 = tpu.scan <sum>, %add3A_1288 masked %broadcast_in_dim3A_1614 : vector<16xf32>, vector<16xi1> -> vector<16xf32>
        %broadcast_in_dim3A_1616 = arith.constant true
        %broadcast_in_dim3A_1617 = vector.broadcast %broadcast_in_dim3A_1616 : i1 to vector<16xi1>
        %masked_cumsum3A_1618 = tpu.scan <sum>, %add3A_1347 masked %broadcast_in_dim3A_1617 : vector<16xf32>, vector<16xi1> -> vector<16xf32>
        %broadcast_in_dim3A_1619 = arith.constant true
        %broadcast_in_dim3A_1620 = vector.broadcast %broadcast_in_dim3A_1619 : i1 to vector<16xi1>
        %masked_cumsum3A_1621 = tpu.scan <sum>, %add3A_1406 masked %broadcast_in_dim3A_1620 : vector<16xf32>, vector<16xi1> -> vector<16xf32>
        %broadcast_in_dim3A_1622 = arith.constant true
        %broadcast_in_dim3A_1623 = vector.broadcast %broadcast_in_dim3A_1622 : i1 to vector<16xi1>
        %masked_cumsum3A_1624 = tpu.scan <sum>, %add3A_1465 masked %broadcast_in_dim3A_1623 : vector<16xf32>, vector<16xi1> -> vector<16xf32>
        %broadcast_in_dim3A_1625 = arith.constant true
        %broadcast_in_dim3A_1626 = vector.broadcast %broadcast_in_dim3A_1625 : i1 to vector<16xi1>
        %masked_cumsum3A_1627 = tpu.scan <sum>, %add3A_1524 masked %broadcast_in_dim3A_1626 : vector<16xf32>, vector<16xi1> -> vector<16xf32>
        %broadcast_in_dim3A_1628 = arith.constant true
        %broadcast_in_dim3A_1629 = vector.broadcast %broadcast_in_dim3A_1628 : i1 to vector<16xi1>
        %masked_cumsum3A_1630 = tpu.scan <sum>, %add3A_1583 masked %broadcast_in_dim3A_1629 : vector<16xf32>, vector<16xi1> -> vector<16xf32>
        %mul3A_1631 = arith.constant 16 : i32
        %mul3A_1632 = arith.muli %scan3A_641, %mul3A_1631 : i32
        %add3A_1633 = arith.constant 0 : i32
        %add3A_1634 = arith.addi %mul3A_1632, %add3A_1633 : i32
        %swap3A = arith.constant 1 : i32
        %swap3A_1635 = arith.index_cast %swap3A : i32 to index
        %swap3A_1636 = arith.index_cast %add3A_1634 : i32 to index
        %swap3A_1637 = tpu.vector_load %arg11[%swap3A_1635, %swap3A_1636] masked %eq3A_11 {strides = array<i32>} : memref<2x528xf32, #tpu.memory_space<vmem>>, vector<16xf32>, vector<16xi1>
        tpu.vector_store %arg11[%swap3A_1635, %swap3A_1636], %masked_cumsum3A masked %eq3A_11 {strides = array<i32>} : memref<2x528xf32, #tpu.memory_space<vmem>>, vector<16xf32>, vector<16xi1>
        %mul3A_1638 = arith.constant 16 : i32
        %mul3A_1639 = arith.muli %scan3A_641, %mul3A_1638 : i32
        %add3A_1640 = arith.constant 1 : i32
        %add3A_1641 = arith.addi %mul3A_1639, %add3A_1640 : i32
        %swap3A_1642 = arith.constant 1 : i32
        %swap3A_1643 = arith.index_cast %swap3A_1642 : i32 to index
        %swap3A_1644 = arith.index_cast %add3A_1641 : i32 to index
        %swap3A_1645 = tpu.vector_load %arg11[%swap3A_1643, %swap3A_1644] masked %eq3A_11 {strides = array<i32>} : memref<2x528xf32, #tpu.memory_space<vmem>>, vector<16xf32>, vector<16xi1>
        tpu.vector_store %arg11[%swap3A_1643, %swap3A_1644], %masked_cumsum3A_1588 masked %eq3A_11 {strides = array<i32>} : memref<2x528xf32, #tpu.memory_space<vmem>>, vector<16xf32>, vector<16xi1>
        %mul3A_1646 = arith.constant 16 : i32
        %mul3A_1647 = arith.muli %scan3A_641, %mul3A_1646 : i32
        %add3A_1648 = arith.constant 2 : i32
        %add3A_1649 = arith.addi %mul3A_1647, %add3A_1648 : i32
        %swap3A_1650 = arith.constant 1 : i32
        %swap3A_1651 = arith.index_cast %swap3A_1650 : i32 to index
        %swap3A_1652 = arith.index_cast %add3A_1649 : i32 to index
        %swap3A_1653 = tpu.vector_load %arg11[%swap3A_1651, %swap3A_1652] masked %eq3A_11 {strides = array<i32>} : memref<2x528xf32, #tpu.memory_space<vmem>>, vector<16xf32>, vector<16xi1>
        tpu.vector_store %arg11[%swap3A_1651, %swap3A_1652], %masked_cumsum3A_1591 masked %eq3A_11 {strides = array<i32>} : memref<2x528xf32, #tpu.memory_space<vmem>>, vector<16xf32>, vector<16xi1>
        %mul3A_1654 = arith.constant 16 : i32
        %mul3A_1655 = arith.muli %scan3A_641, %mul3A_1654 : i32
        %add3A_1656 = arith.constant 3 : i32
        %add3A_1657 = arith.addi %mul3A_1655, %add3A_1656 : i32
        %swap3A_1658 = arith.constant 1 : i32
        %swap3A_1659 = arith.index_cast %swap3A_1658 : i32 to index
        %swap3A_1660 = arith.index_cast %add3A_1657 : i32 to index
        %swap3A_1661 = tpu.vector_load %arg11[%swap3A_1659, %swap3A_1660] masked %eq3A_11 {strides = array<i32>} : memref<2x528xf32, #tpu.memory_space<vmem>>, vector<16xf32>, vector<16xi1>
        tpu.vector_store %arg11[%swap3A_1659, %swap3A_1660], %masked_cumsum3A_1594 masked %eq3A_11 {strides = array<i32>} : memref<2x528xf32, #tpu.memory_space<vmem>>, vector<16xf32>, vector<16xi1>
        %mul3A_1662 = arith.constant 16 : i32
        %mul3A_1663 = arith.muli %scan3A_641, %mul3A_1662 : i32
        %add3A_1664 = arith.constant 4 : i32
        %add3A_1665 = arith.addi %mul3A_1663, %add3A_1664 : i32
        %swap3A_1666 = arith.constant 1 : i32
        %swap3A_1667 = arith.index_cast %swap3A_1666 : i32 to index
        %swap3A_1668 = arith.index_cast %add3A_1665 : i32 to index
        %swap3A_1669 = tpu.vector_load %arg11[%swap3A_1667, %swap3A_1668] masked %eq3A_11 {strides = array<i32>} : memref<2x528xf32, #tpu.memory_space<vmem>>, vector<16xf32>, vector<16xi1>
        tpu.vector_store %arg11[%swap3A_1667, %swap3A_1668], %masked_cumsum3A_1597 masked %eq3A_11 {strides = array<i32>} : memref<2x528xf32, #tpu.memory_space<vmem>>, vector<16xf32>, vector<16xi1>
        %mul3A_1670 = arith.constant 16 : i32
        %mul3A_1671 = arith.muli %scan3A_641, %mul3A_1670 : i32
        %add3A_1672 = arith.constant 5 : i32
        %add3A_1673 = arith.addi %mul3A_1671, %add3A_1672 : i32
        %swap3A_1674 = arith.constant 1 : i32
        %swap3A_1675 = arith.index_cast %swap3A_1674 : i32 to index
        %swap3A_1676 = arith.index_cast %add3A_1673 : i32 to index
        %swap3A_1677 = tpu.vector_load %arg11[%swap3A_1675, %swap3A_1676] masked %eq3A_11 {strides = array<i32>} : memref<2x528xf32, #tpu.memory_space<vmem>>, vector<16xf32>, vector<16xi1>
        tpu.vector_store %arg11[%swap3A_1675, %swap3A_1676], %masked_cumsum3A_1600 masked %eq3A_11 {strides = array<i32>} : memref<2x528xf32, #tpu.memory_space<vmem>>, vector<16xf32>, vector<16xi1>
        %mul3A_1678 = arith.constant 16 : i32
        %mul3A_1679 = arith.muli %scan3A_641, %mul3A_1678 : i32
        %add3A_1680 = arith.constant 6 : i32
        %add3A_1681 = arith.addi %mul3A_1679, %add3A_1680 : i32
        %swap3A_1682 = arith.constant 1 : i32
        %swap3A_1683 = arith.index_cast %swap3A_1682 : i32 to index
        %swap3A_1684 = arith.index_cast %add3A_1681 : i32 to index
        %swap3A_1685 = tpu.vector_load %arg11[%swap3A_1683, %swap3A_1684] masked %eq3A_11 {strides = array<i32>} : memref<2x528xf32, #tpu.memory_space<vmem>>, vector<16xf32>, vector<16xi1>
        tpu.vector_store %arg11[%swap3A_1683, %swap3A_1684], %masked_cumsum3A_1603 masked %eq3A_11 {strides = array<i32>} : memref<2x528xf32, #tpu.memory_space<vmem>>, vector<16xf32>, vector<16xi1>
        %mul3A_1686 = arith.constant 16 : i32
        %mul3A_1687 = arith.muli %scan3A_641, %mul3A_1686 : i32
        %add3A_1688 = arith.constant 7 : i32
        %add3A_1689 = arith.addi %mul3A_1687, %add3A_1688 : i32
        %swap3A_1690 = arith.constant 1 : i32
        %swap3A_1691 = arith.index_cast %swap3A_1690 : i32 to index
        %swap3A_1692 = arith.index_cast %add3A_1689 : i32 to index
        %swap3A_1693 = tpu.vector_load %arg11[%swap3A_1691, %swap3A_1692] masked %eq3A_11 {strides = array<i32>} : memref<2x528xf32, #tpu.memory_space<vmem>>, vector<16xf32>, vector<16xi1>
        tpu.vector_store %arg11[%swap3A_1691, %swap3A_1692], %masked_cumsum3A_1606 masked %eq3A_11 {strides = array<i32>} : memref<2x528xf32, #tpu.memory_space<vmem>>, vector<16xf32>, vector<16xi1>
        %mul3A_1694 = arith.constant 16 : i32
        %mul3A_1695 = arith.muli %scan3A_641, %mul3A_1694 : i32
        %add3A_1696 = arith.constant 8 : i32
        %add3A_1697 = arith.addi %mul3A_1695, %add3A_1696 : i32
        %swap3A_1698 = arith.constant 1 : i32
        %swap3A_1699 = arith.index_cast %swap3A_1698 : i32 to index
        %swap3A_1700 = arith.index_cast %add3A_1697 : i32 to index
        %swap3A_1701 = tpu.vector_load %arg11[%swap3A_1699, %swap3A_1700] masked %eq3A_11 {strides = array<i32>} : memref<2x528xf32, #tpu.memory_space<vmem>>, vector<16xf32>, vector<16xi1>
        tpu.vector_store %arg11[%swap3A_1699, %swap3A_1700], %masked_cumsum3A_1609 masked %eq3A_11 {strides = array<i32>} : memref<2x528xf32, #tpu.memory_space<vmem>>, vector<16xf32>, vector<16xi1>
        %mul3A_1702 = arith.constant 16 : i32
        %mul3A_1703 = arith.muli %scan3A_641, %mul3A_1702 : i32
        %add3A_1704 = arith.constant 9 : i32
        %add3A_1705 = arith.addi %mul3A_1703, %add3A_1704 : i32
        %swap3A_1706 = arith.constant 1 : i32
        %swap3A_1707 = arith.index_cast %swap3A_1706 : i32 to index
        %swap3A_1708 = arith.index_cast %add3A_1705 : i32 to index
        %swap3A_1709 = tpu.vector_load %arg11[%swap3A_1707, %swap3A_1708] masked %eq3A_11 {strides = array<i32>} : memref<2x528xf32, #tpu.memory_space<vmem>>, vector<16xf32>, vector<16xi1>
        tpu.vector_store %arg11[%swap3A_1707, %swap3A_1708], %masked_cumsum3A_1612 masked %eq3A_11 {strides = array<i32>} : memref<2x528xf32, #tpu.memory_space<vmem>>, vector<16xf32>, vector<16xi1>
        %mul3A_1710 = arith.constant 16 : i32
        %mul3A_1711 = arith.muli %scan3A_641, %mul3A_1710 : i32
        %add3A_1712 = arith.constant 10 : i32
        %add3A_1713 = arith.addi %mul3A_1711, %add3A_1712 : i32
        %swap3A_1714 = arith.constant 1 : i32
        %swap3A_1715 = arith.index_cast %swap3A_1714 : i32 to index
        %swap3A_1716 = arith.index_cast %add3A_1713 : i32 to index
        %swap3A_1717 = tpu.vector_load %arg11[%swap3A_1715, %swap3A_1716] masked %eq3A_11 {strides = array<i32>} : memref<2x528xf32, #tpu.memory_space<vmem>>, vector<16xf32>, vector<16xi1>
        tpu.vector_store %arg11[%swap3A_1715, %swap3A_1716], %masked_cumsum3A_1615 masked %eq3A_11 {strides = array<i32>} : memref<2x528xf32, #tpu.memory_space<vmem>>, vector<16xf32>, vector<16xi1>
        %mul3A_1718 = arith.constant 16 : i32
        %mul3A_1719 = arith.muli %scan3A_641, %mul3A_1718 : i32
        %add3A_1720 = arith.constant 11 : i32
        %add3A_1721 = arith.addi %mul3A_1719, %add3A_1720 : i32
        %swap3A_1722 = arith.constant 1 : i32
        %swap3A_1723 = arith.index_cast %swap3A_1722 : i32 to index
        %swap3A_1724 = arith.index_cast %add3A_1721 : i32 to index
        %swap3A_1725 = tpu.vector_load %arg11[%swap3A_1723, %swap3A_1724] masked %eq3A_11 {strides = array<i32>} : memref<2x528xf32, #tpu.memory_space<vmem>>, vector<16xf32>, vector<16xi1>
        tpu.vector_store %arg11[%swap3A_1723, %swap3A_1724], %masked_cumsum3A_1618 masked %eq3A_11 {strides = array<i32>} : memref<2x528xf32, #tpu.memory_space<vmem>>, vector<16xf32>, vector<16xi1>
        %mul3A_1726 = arith.constant 16 : i32
        %mul3A_1727 = arith.muli %scan3A_641, %mul3A_1726 : i32
        %add3A_1728 = arith.constant 12 : i32
        %add3A_1729 = arith.addi %mul3A_1727, %add3A_1728 : i32
        %swap3A_1730 = arith.constant 1 : i32
        %swap3A_1731 = arith.index_cast %swap3A_1730 : i32 to index
        %swap3A_1732 = arith.index_cast %add3A_1729 : i32 to index
        %swap3A_1733 = tpu.vector_load %arg11[%swap3A_1731, %swap3A_1732] masked %eq3A_11 {strides = array<i32>} : memref<2x528xf32, #tpu.memory_space<vmem>>, vector<16xf32>, vector<16xi1>
        tpu.vector_store %arg11[%swap3A_1731, %swap3A_1732], %masked_cumsum3A_1621 masked %eq3A_11 {strides = array<i32>} : memref<2x528xf32, #tpu.memory_space<vmem>>, vector<16xf32>, vector<16xi1>
        %mul3A_1734 = arith.constant 16 : i32
        %mul3A_1735 = arith.muli %scan3A_641, %mul3A_1734 : i32
        %add3A_1736 = arith.constant 13 : i32
        %add3A_1737 = arith.addi %mul3A_1735, %add3A_1736 : i32
        %swap3A_1738 = arith.constant 1 : i32
        %swap3A_1739 = arith.index_cast %swap3A_1738 : i32 to index
        %swap3A_1740 = arith.index_cast %add3A_1737 : i32 to index
        %swap3A_1741 = tpu.vector_load %arg11[%swap3A_1739, %swap3A_1740] masked %eq3A_11 {strides = array<i32>} : memref<2x528xf32, #tpu.memory_space<vmem>>, vector<16xf32>, vector<16xi1>
        tpu.vector_store %arg11[%swap3A_1739, %swap3A_1740], %masked_cumsum3A_1624 masked %eq3A_11 {strides = array<i32>} : memref<2x528xf32, #tpu.memory_space<vmem>>, vector<16xf32>, vector<16xi1>
        %mul3A_1742 = arith.constant 16 : i32
        %mul3A_1743 = arith.muli %scan3A_641, %mul3A_1742 : i32
        %add3A_1744 = arith.constant 14 : i32
        %add3A_1745 = arith.addi %mul3A_1743, %add3A_1744 : i32
        %swap3A_1746 = arith.constant 1 : i32
        %swap3A_1747 = arith.index_cast %swap3A_1746 : i32 to index
        %swap3A_1748 = arith.index_cast %add3A_1745 : i32 to index
        %swap3A_1749 = tpu.vector_load %arg11[%swap3A_1747, %swap3A_1748] masked %eq3A_11 {strides = array<i32>} : memref<2x528xf32, #tpu.memory_space<vmem>>, vector<16xf32>, vector<16xi1>
        tpu.vector_store %arg11[%swap3A_1747, %swap3A_1748], %masked_cumsum3A_1627 masked %eq3A_11 {strides = array<i32>} : memref<2x528xf32, #tpu.memory_space<vmem>>, vector<16xf32>, vector<16xi1>
        %mul3A_1750 = arith.constant 16 : i32
        %mul3A_1751 = arith.muli %scan3A_641, %mul3A_1750 : i32
        %add3A_1752 = arith.constant 15 : i32
        %add3A_1753 = arith.addi %mul3A_1751, %add3A_1752 : i32
        %swap3A_1754 = arith.constant 1 : i32
        %swap3A_1755 = arith.index_cast %swap3A_1754 : i32 to index
        %swap3A_1756 = arith.index_cast %add3A_1753 : i32 to index
        %swap3A_1757 = tpu.vector_load %arg11[%swap3A_1755, %swap3A_1756] masked %eq3A_11 {strides = array<i32>} : memref<2x528xf32, #tpu.memory_space<vmem>>, vector<16xf32>, vector<16xi1>
        tpu.vector_store %arg11[%swap3A_1755, %swap3A_1756], %masked_cumsum3A_1630 masked %eq3A_11 {strides = array<i32>} : memref<2x528xf32, #tpu.memory_space<vmem>>, vector<16xf32>, vector<16xi1>
        %scan3A_1758 = arith.constant 0 : i32
        scf.yield %scan3A_1758 : i32
      }
      %scan3A_617 = arith.constant 32 : i32
      %scan3A_618 = arith.constant 0 : i32
      %scan3A_619 = arith.constant 0 : i32
      %scan3A_620 = arith.constant 32 : i32
      %scan3A_621 = arith.addi %scan3A_619, %scan3A_620 : i32
      %scan3A_622 = arith.constant 1 : i32
      %scan3A_623 = scf.for %scan3A_641 = %scan3A_619 to %scan3A_621 step %scan3A_622 iter_args(%scan3A_642 = %scan3A_618) -> (i32)  : i32 {
        %mul3A_643 = arith.constant 16 : i32
        %mul3A_644 = arith.muli %scan3A_641, %mul3A_643 : i32
        %get3A_645 = arith.constant 1 : i32
        %get3A_646 = arith.index_cast %get3A_645 : i32 to index
        %get3A_647 = arith.index_cast %mul3A_644 : i32 to index
        %get3A_648 = tpu.vector_load %arg11[%get3A_646, %get3A_647] {strides = array<i32>} : memref<2x528xf32, #tpu.memory_space<vmem>>, vector<16xf32>,
        %add3A_649 = arith.addf %get3A_648, %get3A_1 : vector<16xf32>
        %neg3A = arith.constant 0.000000e+00 : f32
        %neg3A_650 = vector.broadcast %neg3A : f32 to vector<16xf32>
        %neg3A_651 = arith.subf %neg3A_650, %add3A_649 : vector<16xf32>
        %exp3A = math.exp %neg3A_651 : vector<16xf32>
        %add3A_652 = arith.constant 1.000000e+00 : f32
        %add3A_653 = vector.broadcast %add3A_652 : f32 to vector<16xf32>
        %add3A_654 = arith.addf %add3A_653, %exp3A : vector<16xf32>
        %div3A = arith.constant 1.000000e+00 : f32
        %div3A_655 = vector.broadcast %div3A : f32 to vector<16xf32>
        %div3A_656 = arith.divf %div3A_655, %add3A_654 : vector<16xf32>
        %mul3A_657 = arith.constant 16 : i32
        %mul3A_658 = arith.muli %scan3A_641, %mul3A_657 : i32
        %swap3A = arith.constant 1 : i32
        %swap3A_659 = arith.index_cast %swap3A : i32 to index
        %swap3A_660 = arith.index_cast %mul3A_658 : i32 to index
        %swap3A_661 = tpu.vector_load %arg11[%swap3A_659, %swap3A_660] {strides = array<i32>} : memref<2x528xf32, #tpu.memory_space<vmem>>, vector<16xf32>,
        tpu.vector_store %arg11[%swap3A_659, %swap3A_660], %div3A_656 {strides = array<i32>} : memref<2x528xf32, #tpu.memory_space<vmem>>, vector<16xf32>,
        %scan3A_662 = arith.constant 0 : i32
        scf.yield %scan3A_662 : i32
      }
      %scan3A_624 = arith.constant 32 : i32
      %mul3A_625 = arith.constant 512 : i32
      %mul3A_626 = arith.muli %add3A_605, %mul3A_625 : i32
      %add3A_627 = arith.addi %mul3A_16, %mul3A_626 : i32
      %dma_start3A_628 = arith.constant 1 : i32
      %dma_start3A_629 = arith.constant 1 : i32
      %dma_start3A_630 = arith.constant 0 : i32
      %dma_start3A_631 = tpu.memref_slice %arg11[%dma_start3A_628, %dma_start3A_630] : memref<2x528xf32, #tpu.memory_space<vmem>> -> memref<1x512xf32, #tpu.memory_space<vmem>>
      %dma_start3A_632 = tpu.memref_squeeze %dma_start3A_631 : memref<1x512xf32, #tpu.memory_space<vmem>> -> memref<512xf32, #tpu.memory_space<vmem>>
      %dma_start3A_633 = tpu.memref_slice %arg6[%add3A_627] : memref<819200xf32, #tpu.memory_space<hbm>> -> memref<512xf32, #tpu.memory_space<hbm>>
      %dma_start3A_634 = tpu.memref_slice %arg14[%dma_start3A_629] : memref<2x!tpu.dma_semaphore, #tpu.memory_space<semaphore_mem>> -> memref<1x!tpu.dma_semaphore, #tpu.memory_space<semaphore_mem>>
      %dma_start3A_635 = tpu.memref_squeeze %dma_start3A_634 : memref<1x!tpu.dma_semaphore, #tpu.memory_space<semaphore_mem>> -> memref<!tpu.dma_semaphore, #tpu.memory_space<semaphore_mem>>
      %dma_start3A_636 = tpu.memref_slice %arg6[%add3A_627] : memref<819200xf32, #tpu.memory_space<hbm>> -> memref<512xf32, #tpu.memory_space<hbm>>
      %dma_start3A_637 = arith.constant 0 : i32
      %dma_start3A_638 = tpu.memref_slice %arg11[%dma_start3A_628, %dma_start3A_637] : memref<2x528xf32, #tpu.memory_space<vmem>> -> memref<1x512xf32, #tpu.memory_space<vmem>>
      %dma_start3A_639 = tpu.memref_squeeze %dma_start3A_638 : memref<1x512xf32, #tpu.memory_space<vmem>> -> memref<512xf32, #tpu.memory_space<vmem>>
      tpu.enqueue_dma source(%dma_start3A_639 : memref<512xf32, #tpu.memory_space<vmem>>) target(%dma_start3A_636 : memref<512xf32, #tpu.memory_space<hbm>>) target_semaphore(%dma_start3A_635 : memref<!tpu.dma_semaphore, #tpu.memory_space<semaphore_mem>>)
      %scan3A_640 = arith.constant 0 : i32
      scf.yield %scan3A_640 : i32
    }
    %scan3A_141 = arith.constant 25 : i32
    %add3A_142 = arith.constant 24576 : i32
    %add3A_143 = arith.addi %mul3A_16, %add3A_142 : i32
    %dma_wait3A = arith.constant 0 : i32
    %dma_wait3A_144 = arith.constant 0 : i32
    %dma_wait3A_145 = arith.constant 0 : i32
    %dma_wait3A_146 = tpu.memref_slice %arg11[%dma_wait3A, %dma_wait3A_145] : memref<2x528xf32, #tpu.memory_space<vmem>> -> memref<1x512xf32, #tpu.memory_space<vmem>>
    %dma_wait3A_147 = tpu.memref_squeeze %dma_wait3A_146 : memref<1x512xf32, #tpu.memory_space<vmem>> -> memref<512xf32, #tpu.memory_space<vmem>>
    %dma_wait3A_148 = tpu.memref_slice %arg6[%add3A_143] : memref<819200xf32, #tpu.memory_space<hbm>> -> memref<512xf32, #tpu.memory_space<hbm>>
    %dma_wait3A_149 = tpu.memref_slice %arg14[%dma_wait3A_144] : memref<2x!tpu.dma_semaphore, #tpu.memory_space<semaphore_mem>> -> memref<1x!tpu.dma_semaphore, #tpu.memory_space<semaphore_mem>>
    %dma_wait3A_150 = tpu.memref_squeeze %dma_wait3A_149 : memref<1x!tpu.dma_semaphore, #tpu.memory_space<semaphore_mem>> -> memref<!tpu.dma_semaphore, #tpu.memory_space<semaphore_mem>>
    %dma_wait3A_151 = tpu.memref_slice %arg6[%add3A_143] : memref<819200xf32, #tpu.memory_space<hbm>> -> memref<512xf32, #tpu.memory_space<hbm>>
    %dma_wait3A_152 = arith.constant 0 : i32
    %dma_wait3A_153 = tpu.memref_slice %arg11[%dma_wait3A, %dma_wait3A_152] : memref<2x528xf32, #tpu.memory_space<vmem>> -> memref<1x512xf32, #tpu.memory_space<vmem>>
    %dma_wait3A_154 = tpu.memref_squeeze %dma_wait3A_153 : memref<1x512xf32, #tpu.memory_space<vmem>> -> memref<512xf32, #tpu.memory_space<vmem>>
    tpu.wait_dma2 semaphore(%dma_wait3A_150 : memref<!tpu.dma_semaphore, #tpu.memory_space<semaphore_mem>>) src(%dma_wait3A_154 : memref<512xf32, #tpu.memory_space<vmem>>) dst(%dma_wait3A_151 : memref<512xf32, #tpu.memory_space<hbm>>)
    %add3A_155 = arith.constant 25088 : i32
    %add3A_156 = arith.addi %mul3A_16, %add3A_155 : i32
    %dma_wait3A_157 = arith.constant 1 : i32
    %dma_wait3A_158 = arith.constant 1 : i32
    %dma_wait3A_159 = arith.constant 0 : i32
    %dma_wait3A_160 = tpu.memref_slice %arg11[%dma_wait3A_157, %dma_wait3A_159] : memref<2x528xf32, #tpu.memory_space<vmem>> -> memref<1x512xf32, #tpu.memory_space<vmem>>
    %dma_wait3A_161 = tpu.memref_squeeze %dma_wait3A_160 : memref<1x512xf32, #tpu.memory_space<vmem>> -> memref<512xf32, #tpu.memory_space<vmem>>
    %dma_wait3A_162 = tpu.memref_slice %arg6[%add3A_156] : memref<819200xf32, #tpu.memory_space<hbm>> -> memref<512xf32, #tpu.memory_space<hbm>>
    %dma_wait3A_163 = tpu.memref_slice %arg14[%dma_wait3A_158] : memref<2x!tpu.dma_semaphore, #tpu.memory_space<semaphore_mem>> -> memref<1x!tpu.dma_semaphore, #tpu.memory_space<semaphore_mem>>
    %dma_wait3A_164 = tpu.memref_squeeze %dma_wait3A_163 : memref<1x!tpu.dma_semaphore, #tpu.memory_space<semaphore_mem>> -> memref<!tpu.dma_semaphore, #tpu.memory_space<semaphore_mem>>
    %dma_wait3A_165 = tpu.memref_slice %arg6[%add3A_156] : memref<819200xf32, #tpu.memory_space<hbm>> -> memref<512xf32, #tpu.memory_space<hbm>>
    %dma_wait3A_166 = arith.constant 0 : i32
    %dma_wait3A_167 = tpu.memref_slice %arg11[%dma_wait3A_157, %dma_wait3A_166] : memref<2x528xf32, #tpu.memory_space<vmem>> -> memref<1x512xf32, #tpu.memory_space<vmem>>
    %dma_wait3A_168 = tpu.memref_squeeze %dma_wait3A_167 : memref<1x512xf32, #tpu.memory_space<vmem>> -> memref<512xf32, #tpu.memory_space<vmem>>
    tpu.wait_dma2 semaphore(%dma_wait3A_164 : memref<!tpu.dma_semaphore, #tpu.memory_space<semaphore_mem>>) src(%dma_wait3A_168 : memref<512xf32, #tpu.memory_space<vmem>>) dst(%dma_wait3A_165 : memref<512xf32, #tpu.memory_space<hbm>>)
    return
  }
}

</mosaic_0001>

<sc_bundles>
// kernel: _run.3.cloned.1.call-start
scs
__scs_entry_jumppad:
0x0: {  	(pc) =	sbr.rel $0x88, $3  }
0x1: {  	(tag) =	ssettag $0x0;
	lr =	simm.s32 $0x1  }
0x2: {  	[smem:$0x3F9D] =	sst lr;
	_ =	strace $0xD0000000  }
0x3: {  	_ = 	snop  }
0x4: {  	_ = 	snop  }
0x5: {  	_ = 	snop  }
0x6: {  	_ = 	snop  }
0x7: {  	_ = 	snop  }
__scs_overlays_trampoline_lowered:
0x8: {  	[smem:$0x3FAC] =	sst s0  }
0x9: {  	[smem:$0x3FAD] =	sst s1  }
0xa: {  	[smem:$0x3FAE] =	sst s2  }
0xb: {  	[smem:$0x3FAF] =	sst s3  }
0xc: {  	[smem:$0x3FB0] =	sst s4  }
0xd: {  	[smem:$0x3FB1] =	sst s5  }
0xe: {  	[smem:$0x3FB2] =	sst s6  }
0xf: {  	[smem:$0x3FB3] =	sst s7  }
0x10: {  	[smem:$0x3FB4] =	sst s8  }
0x11: {  	[smem:$0x3FB5] =	sst s9;
	s0 =	simm.s32 @!p0 $0x0  }
0x12: {  	s1 =	sld [smem:$0x3F9B];
	s0 =	simm.s32 @p0 $0x1  }
0x13: {  	[smem:$0x3FB6] =	sst s0;
	s0 =	simm.s32 @!p1 $0x0  }
0x14: {  	s2 =	sld [smem:$0x3F9A];
	s0 =	simm.s32 @p1 $0x1  }
0x15: {  	[smem:$0x3FB7] =	sst s0;
	s0 =	simm.s32 @!p2 $0x0  }
0x16: {  	s3 =	sld [smem:$0x3FDB];
	s0 =	simm.s32 @p2 $0x1  }
0x17: {  	s4 =	simm.s32 $0x1BF5;
	[smem:$0x3FB9] =	sst s0  }
0x18: {  	s0 =	sld [smem:$0x3F9C];
	_ =	swait.ge [sflag:s4], $0x0  }
0x19: {  	s7 =	sld [smem:$0x3F9D]  }
0x1a: {  	s8 =	sadd.s32 $0xFFFFE003, lr  }
0x1b: {  	s9 =	sadd.s32 $0xFFFFFEF7, lr;
	s5 =	simm.s32 $0xFFFFFFFF;
	p2 =	slt.u32 s8, $0xFFFFF086  }
0x1c: {  	p1 =	slt.u32 s9, $0xF7A;
	s5 =	simm.s32 @!p2 $0x0  }
0x1d: {  	s5 =	simm.s32 @p1 $0x1;
	p0 =	seq.s32 s7, s2  }
0x1e: {  	s7 =	smul.u32 @!p0 $0xF7A, s2;
	p2 =	seq.s32 @!p0 s5, $0x0  }
0x1f: {  	s9 =	smul.u32 $0xF7A, s1;
	s8 =	simm.s32 @!p0 $0x1BF5;
	p2 =	por !p2, p0  }
0x20: {  	[sflag:s8] =	ssyncset.s32 @!p0 $0xFFFFF086;
	s6 =	sadd.s32 @!p0 s3, s7;
	s7 =	simm.s32 @!p0 $0x108  }
0x21: {  	s3 =	sadd.s32 s3, s9;
	s6 =	sadd.s32 @!p0 $0x88, s6;
	s7 =	simm.s32 @p2 $0x1082  }
0x22: {  	[simem:s7], [sflag:s8] =	dma.local @!p0 [hbm:s6], $0xF7A  }
0x23: {  	s9 =	sor.u32 $0xD0000000, s2;
	s6 =	simm.s32 $0x108;
	_ =	swait.ge @!p0 [sflag:s8], $0x0  }
0x24: {  	s3 =	sadd.s32 $0x88, s3;
	s6 =	simm.s32 @!p1 $0x1082;
	[sflag:s4] =	ssyncset.s32 $0xFFFFF086  }
0x25: {  	[simem:s6], [sflag:s4] =	dma.local [hbm:s3], $0xF7A  }
0x26: {  	[smem:$0x3F9D] =	sst s1;
	(tag) =	ssettag s2;
	_ =	strace s9  }
0x27: {  	s1 =	sld [smem:$0x3FAD]  }
0x28: {  	s2 =	sld [smem:$0x3FAE]  }
0x29: {  	s4 =	sld [smem:$0x3FB0]  }
0x2a: {  	p0 =	seq.s32 s5, $0x0;
	s5 =	sld [smem:$0x3FB1]  }
0x2b: {  	s6 =	sld [smem:$0x3FB2]  }
0x2c: {  	s7 =	sld [smem:$0x3FB3]  }
0x2d: {  	s3 =	simm.s32 $0x108;
	s8 =	sld [smem:$0x3FB4]  }
0x2e: {  	s3 =	simm.s32 @!p0 $0x1082;
	s9 =	sld [smem:$0x3FB5]  }
0x2f: {  	lr =	sadd.s32 s0, s3;
	s0 =	sld [smem:$0x3FAC]  }
0x30: {  	s3 =	sld [smem:$0x3FAF]  }
0x31: {  	[smem:$0x3FB8] =	sst s10  }
0x32: {  	s10 =	sld [smem:$0x3FB6];
	_ =	sdelay $0x3  }
0x33: {  	p0 =	seq.s32 s10, $0x1;
	s10 =	sld [smem:$0x3FB8];
	_ =	sdelay $0x3  }
0x34: {  	[smem:$0x3FB8] =	sst s10  }
0x35: {  	s10 =	sld [smem:$0x3FB7];
	_ =	sdelay $0x3  }
0x36: {  	p1 =	seq.s32 s10, $0x1;
	s10 =	sld [smem:$0x3FB8];
	_ =	sdelay $0x3  }
0x37: {  	[smem:$0x3FB8] =	sst s10  }
0x38: {  	s10 =	sld [smem:$0x3FB9]  }
0x39: {  	_ = 	snop;
	(pc) =	sbr.ind lr, $3  }
0x3a: {  	_ = 	snop  }
0x3b: {  	_ = 	snop  }
0x3c: {  	p2 =	seq.s32 s10, $0x1;
	s10 =	sld [smem:$0x3FB8]  }
0x3d: {  	_ =	shalt  }
0x3e: {  	_ =	shalt  }
0x3f: {  	_ =	shalt  }
0x40: {  	_ =	shalt  }
0x41: {  	_ =	shalt  }
0x42: {  	_ =	shalt  }
0x43: {  	_ =	shalt  }
0x44: {  	_ =	shalt  }
0x45: {  	_ =	shalt  }
0x46: {  	_ =	shalt  }
0x47: {  	_ =	shalt  }
0x48: {  	_ =	shalt  }
0x49: {  	_ =	shalt  }
0x4a: {  	_ =	shalt  }
0x4b: {  	_ =	shalt  }
0x4c: {  	_ =	shalt  }
0x4d: {  	_ =	shalt  }
0x4e: {  	_ =	shalt  }
0x4f: {  	_ =	shalt  }
0x50: {  	_ =	shalt  }
0x51: {  	_ =	shalt  }
0x52: {  	_ =	shalt  }
0x53: {  	_ =	shalt  }
0x54: {  	_ =	shalt  }
0x55: {  	_ =	shalt  }
0x56: {  	_ =	shalt  }
0x57: {  	_ =	shalt  }
0x58: {  	_ =	shalt  }
0x59: {  	_ =	shalt  }
0x5a: {  	_ =	shalt  }
0x5b: {  	_ =	shalt  }
0x5c: {  	_ =	shalt  }
0x5d: {  	_ =	shalt  }
0x5e: {  	_ =	shalt  }
0x5f: {  	_ =	shalt  }
0x60: {  	_ =	shalt  }
0x61: {  	_ =	shalt  }
0x62: {  	_ =	shalt  }
0x63: {  	_ =	shalt  }
0x64: {  	_ =	shalt  }
0x65: {  	_ =	shalt  }
0x66: {  	_ =	shalt  }
0x67: {  	_ =	shalt  }
0x68: {  	_ =	shalt  }
0x69: {  	_ =	shalt  }
0x6a: {  	_ =	shalt  }
0x6b: {  	_ =	shalt  }
0x6c: {  	_ =	shalt  }
0x6d: {  	_ =	shalt  }
0x6e: {  	_ =	shalt  }
0x6f: {  	_ =	shalt  }
0x70: {  	_ =	shalt  }
0x71: {  	_ =	shalt  }
0x72: {  	_ =	shalt  }
0x73: {  	_ =	shalt  }
0x74: {  	_ =	shalt  }
0x75: {  	_ =	shalt  }
0x76: {  	_ =	shalt  }
0x77: {  	_ =	shalt  }
0x78: {  	_ =	shalt  }
0x79: {  	_ =	shalt  }
0x7a: {  	_ =	shalt  }
0x7b: {  	_ =	shalt  }
0x7c: {  	_ =	shalt  }
0x7d: {  	_ =	shalt  }
0x7e: {  	_ =	shalt  }
0x7f: {  	_ =	shalt  }
0x80: {  	_ =	shalt  }
0x81: {  	_ =	shalt  }
0x82: {  	_ =	shalt  }
0x83: {  	_ =	shalt  }
0x84: {  	_ =	shalt  }
0x85: {  	_ =	shalt  }
0x86: {  	_ =	shalt  }
0x87: {  	_ =	shalt  }
.Lfunc_end0:
.L_simem_size_0:
called_computation_lowered:
.L_overlay_start_0:
0x88: {  	s2 =	sld [smem:$0x3FD9]  }
0x89: {  	s3 =	sld [smem:$0x3FFE];
	_ =	sdelay $0x1  }
0x8a: {  	s1 =	srdreg.scid  }
0x8b: {  	s0 =	sand.u32 $0x1, s1  }
0x8c: {  	s17 =	sshll.u32 s0, $0xA;
	s2 =	sadd.s32 s3, s2  }
0x8d: {  	s2 =	sadd.s32 s2, s17  }
0x8e: {  	[smem:$0x3FC4] =	sst s2  }
0x8f: {  	_ = 	snop  }
0x90: {  	s2 =	sld [smem:$0x3FC9]  }
0x91: {  	s18 =	sld [smem:$0x3FC8]  }
0x92: {  	s4 =	sld [smem:$0x3FC6]  }
0x93: {  	s5 =	sld [smem:$0x3FD0];
	(tm) =	ssettm $0x1  }
0x94: {  	s6 =	sld [smem:$0x3FFB];
	_ =	sdelay $0x3  }
0x95: {  	_ =	strace s6  }
0x96: {  	s6 =	sld [smem:$0x3FFC];
	_ =	sdelay $0x3  }
0x97: {  	_ =	strace s6  }
0x98: {  	s6 =	sld [smem:$0x3FFD];
	_ =	sdelay $0x3  }
0x99: {  	_ =	strace s6  }
0x9a: {  	_ =	strace $0x8FFFFFFF  }
0x9b: {  	s19 =	sld [smem:$0x3FDB];
	_ =	sdelay $0x1  }
0x9c: {  	s7 =	simm.s32 $_scs_section_size  }
0x9d: {  	s8 =	simm.s32 $_size__tile_overlayer_lowered;
	s9 =	simm.s32 $_tile_overlayer_lowered  }
0x9e: {  	s22 =	simm.s32 $0x1BFF;
	s21 =	sshll.u32 s9, $0x1;
	s6 =	sadd.s32 s7, s19  }
0x9f: {  	s10 =	simm.s32 $0x0;
	s20 =	sshll.u32 s8, $0x1;
	s8 =	sadd.s32 s21, s6  }
0xa0: {  	[timem:s10], [sflag:s22] =	dma.local [hbm:s8], s20  }
0xa1: {  	_ =	swait.ge [sflag:s22], s20  }
0xa2: {  	s7 =	ssub.s32 $0x0, s20;
	[sflag:s22] =	ssyncset.done $0x0  }
0xa3: {  	[sflag:s22] =	ssyncadd.s32 s7;
	_ =	sdelay $0x1  }
0xa4: {  	s23 =	simm.s32 $0x1B8B  }
0xa5: {  	_ =	swait.ge [sflag:s23], $0x1  }
0xa6: {  	[sflag:s23] =	ssyncset.done $0x0  }
0xa7: {  	s25 =	simm.s32 $0x1B8E;
	s24 =	sld [smem:$0x3FFE];
	[sflag:s23] =	ssyncadd.s32 $0xFFFFFFFF  }
0xa8: {  	s26 =	simm.s32 $execute0_lowered;
	[smem:$0x3FD2] =	sst s25  }
0xa9: {  	s8 =	sshll.u32 s26, $0x1;
	_ =	strace $0x80000046;
	[dreg:$0x1] =	wrdreg $0xFFFFFFFF  }
0xaa: {  	s28 =	simm.s32 $_size_execute0_lowered;
	s6 =	sadd.s32 s6, s8;
	[dreg:$0x0] =	wrdreg $0x0  }
0xab: {  	s8 =	sshll.u32 s28, $0x1;
	[dreg:$0x2] =	wrdreg s6  }
0xac: {  	[dreg:$0x3] =	wrdreg s8  }
0xad: {  	[dreg:$0x4] =	wrdreg $0xC0  }
0xae: {  	_ =	task [dreg:s10], $0x5FFFF  }
0xaf: {  	[dreg:$0x1] =	wrdreg $0xFFFFFFFF  }
0xb0: {  	[dreg:$0x0] =	wrdreg $0x60  }
0xb1: {  	[dreg:$0x2] =	wrdreg s2  }
0xb2: {  	[dreg:$0x3] =	wrdreg s18  }
0xb3: {  	[dreg:$0x4] =	wrdreg s24  }
0xb4: {  	[dreg:$0x5] =	wrdreg s4  }
0xb5: {  	[dreg:$0x6] =	wrdreg s5  }
0xb6: {  	[dreg:$0x7] =	wrdreg $0x9  }
0xb7: {  	_ =	task.clear_ibuf [dreg:s10], $0x8FFFF;
	_ =	strace $0x90000046  }
0xb8: {  	s29 =	simm.s32 $0x9;
	_ =	strace $0x80000048  }
0xb9: {  	_ =	swait.ge [sflag:s29], $0x1  }
0xba: {  	[sflag:s29] =	ssyncadd.s32 $0xFFFFFFFF  }
0xbb: {  	_ =	strace $0x90000048  }
0xbc: {  	_ =	sfence  }
0xbd: {  	s30 =	sld [smem:$0x0];
	_ =	sdelay $0x2  }
0xbe: {  	s31 =	sshll.u32 s1, $0xD;
	s1 =	sshrl.u32 s1, $0x2  }
0xbf: {  	s3 =	sand.u32 $0x4000, s31;
	s1 =	sadd.s32 s1, s30  }
0xc0: {  	s0 =	sor.u32 s3, s0;
	s1 =	sshll.u32 s1, $0x11  }
0xc1: {  	s0 =	sor.u32 s1, s0  }
0xc2: {  	s0 =	sadd.s32 $0x8F2B, s0  }
0xc3: {  	[sflag:s0] =	ssyncadd.remote.s32 $0x1  }
0xc4: {  	_ =	sfence.sel $0xFFFF  }
0xc5: {  	[dreg:$0x0] =	wrdreg $0xFFFFFFFF;
	(pc) =	sbr.abs _section_cstart, $3  }
0xc6: {  	[dreg:$0x1] =	wrdreg $0xFFFFFFFF  }
0xc7: {  	_ =	task.clear_ibuf [dreg:s10], $0x2FFFF;
	_ =	strace $0x9FFFFFFF  }
0xc8: {  	(tm) =	ssettm $0x7FFFFFFF  }
0xc9: {  	_ =	shalt  }
tec
execute0_lowered:
.L_overlay_start_1:
0x0: {  	(tag) =	ssettag $0x1  }
0x1: {  	s0 =	rddreg [dreg:$0x0]  }
0x2: {  	s1 =	rddreg [dreg:$0x1]  }
0x3: {  	s2 =	rddreg [dreg:$0x2]  }
0x4: {  	s3 =	rddreg [dreg:$0x4]  }
0x5: {  	s4 =	srdreg.scid;
	s6 =	stileid.u32  }
0x6: {  	s11 =	simm.s32 $0x5;
	s13 =	simm.s32 $0x80;
	s28 =	simm.s32 $0x10800  }
0x7: {  	s29 =	simm.s32 $0x18800;
	s30 =	simm.s32 $0x11800;
	s31 =	simm.s32 $0x19800  }
0x8: {  	s10 =	simm.s32 $0x1B800;
	s14 =	simm.s32 $0x1;
	s15 =	simm.s32 $0x1C800  }
0x9: {  	s16 =	simm.s32 $0x2;
	s17 =	simm.s32 $0x1CA10;
	s18 =	simm.s32 $0x3  }
0xa: {  	s19 =	simm.s32 $0x4;
	s20 =	simm.s32 $0x0;
	s5 =	sand.u32 $0x1, s4  }
0xb: {  	s6 =	sshll.u32 s6, $0x1;
	s4 =	simm.s32 $0x0;
	s7 =	ssub.s32 $0x2, s5  }
0xc: {  	s6 =	sor.u32 s5, s6;
	[smem:$0x7FF] =	sst s4;
	s5 =	sadd.s32 $0xFA0400, s2  }
0xd: {  	s2 =	simm.s32 $0x13800;
	s8 =	sshrl.u32 s7, $0x1;
	s9 =	smul.u32 $0xC80, s6  }
0xe: {  	_ =	strace $0x80000047;
	s6 =	smul.u32 $0x6400, s6;
	s26 =	ssub.s32 s7, s8  }
0xf: {  	s0 =	sadd.s32 s0, s9;
	s8 =	sadd.s32 s1, s9;
	s9 =	smax.u32 s26, $0x1  }
0x10: {  	vm0 =	vcmask $0x3F3C;
	s1 =	simm.s32 $0x1A800;
	[dreg:$0x6] =	wrdreg s0;
	s0 =	simm.s32 $0x12800  }
.LBB2_1:
0x11: {  	s7 =	rddreg [dreg:$0x3];
	s12 =	simm.s32 $0x1CC20  }
0x12: {  	[tilespmem:s12], [sflag:$0x5] =	stream.linear.gather [hbm4b:s7+s4], $0x50, $0x38;
	[tilespmem:$0x1CC70] =	vst v63  }
0x13: {  	_ =	swait.ge [sflag:s11], $0x50  }
0x14: {  	[sflag:s11] =	ssyncset.done $0x0  }
0x15: {  	[sflag:s11] =	ssyncadd.s32 $0xFFFFFFB0  }
0x16: {  	v0 =	vld [tilespmem:$0x1CC60]  }
0x17: {  	v1 =	vld [tilespmem:$0x1CC20]  }
0x18: {  	v2 =	vld [tilespmem:$0x1CC30]  }
0x19: {  	s24 =	rddreg [dreg:$0x6];
	v3 =	vld [tilespmem:$0x1CC40]  }
0x1a: {  	v4 =	vld [tilespmem:$0x1CC50];
	[tilespmem:s4], [sflag:$0x5] =	stream.linear.gather [hbm4b:s24+s4], $0x6400, $0x38  }
0x1b: {  	_ =	swait.ge [sflag:s11], $0x6400  }
0x1c: {  	[sflag:s11] =	ssyncset.done $0x0  }
0x1d: {  	s25 =	simm.s32 $0x6400;
	[sflag:s11] =	ssyncadd.s32 $0xFFFF9C00  }
0x1e: {  	[tilespmem:s25], [sflag:$0x5] =	stream.linear.gather [hbm4b:s8+s4], $0x6400, $0x38;
	[tilespmem:$0x1CC70] =	vst v63  }
0x1f: {  	_ =	swait.ge [sflag:s11], $0x6400  }
0x20: {  	[sflag:s11] =	ssyncset.done $0x0  }
0x21: {  	s26 =	simm.s32 $0xC800;
	[sflag:s11] =	ssyncadd.s32 $0xFFFF9C00  }
0x22: {  	[tilespmem:s26], [sflag:$0x1] =	stream.indirect.gather [hbm4b:s5+s13], $0x20, s4, s13, $0xb8;
	[tilespmem:$0x1CC70] =	vst v63  }
0x23: {  	s21 =	simm.s32 $0x14800  }
0x24: {  	[tilespmem:s21], [sflag:$0x1] =	stream.indirect.gather [hbm4b:s5+s13], $0x20, s25, s13, $0xb8;
	[tilespmem:$0x1CC70] =	vst v63  }
0x25: {  	s22 =	simm.s32 $0xD800  }
0x26: {  	[tilespmem:s22], [sflag:$0x1] =	stream.indirect.gather [hbm4b:s5+s13], $0x20, s13, s13, $0xb8;
	[tilespmem:$0x1CC70] =	vst v63  }
0x27: {  	s23 =	simm.s32 $0x6480;
	s24 =	simm.s32 $0x15800  }
0x28: {  	[tilespmem:s24], [sflag:$0x1] =	stream.indirect.gather [hbm4b:s5+s13], $0x20, s23, s13, $0xb8;
	[tilespmem:$0x1CC70] =	vst v63  }
0x29: {  	s26 =	simm.s32 $0xE800;
	s25 =	simm.s32 $0x100  }
0x2a: {  	[tilespmem:s26], [sflag:$0x1] =	stream.indirect.gather [hbm4b:s5+s13], $0x20, s25, s13, $0xb8;
	[tilespmem:$0x1CC70] =	vst v63  }
0x2b: {  	s21 =	simm.s32 $0x6500;
	s22 =	simm.s32 $0x16800  }
0x2c: {  	[tilespmem:s22], [sflag:$0x1] =	stream.indirect.gather [hbm4b:s5+s13], $0x20, s21, s13, $0xb8;
	[tilespmem:$0x1CC70] =	vst v63  }
0x2d: {  	s23 =	simm.s32 $0x180;
	s24 =	simm.s32 $0xF800  }
0x2e: {  	[tilespmem:s24], [sflag:$0x1] =	stream.indirect.gather [hbm4b:s5+s13], $0x20, s23, s13, $0xb8;
	[tilespmem:$0x1CC70] =	vst v63  }
0x2f: {  	s25 =	simm.s32 $0x6580;
	s26 =	simm.s32 $0x17800;
	s21 =	simm.s32 $0x0  }
0x30: {  	[tilespmem:s26], [sflag:$0x1] =	stream.indirect.gather [hbm4b:s5+s13], $0x20, s25, s13, $0xb8;
	[tilespmem:$0x1CC70] =	vst v63  }
.LBB2_2:
0x31: {  	s23 =	sshll.u32 s21, $0xA  }
0x32: {  	s22 =	sor.u32 $0x200, s23  }
0x33: {  	[tilespmem:s28], [sflag:$0x2] =	stream.indirect.gather [hbm4b:s5+s13], $0x20, s22, s13, $0xb8;
	[tilespmem:$0x1CC70] =	vst v63  }
0x34: {  	s12 =	sadd.s32 $0x6600, s23  }
0x35: {  	[tilespmem:s29], [sflag:$0x2] =	stream.indirect.gather [hbm4b:s5+s13], $0x20, s12, s13, $0xb8;
	[tilespmem:$0x1CC70] =	vst v63  }
0x36: {  	s25 =	sor.u32 $0x280, s23  }
0x37: {  	[tilespmem:s30], [sflag:$0x2] =	stream.indirect.gather [hbm4b:s5+s13], $0x20, s25, s13, $0xb8;
	[tilespmem:$0x1CC70] =	vst v63  }
0x38: {  	s26 =	sadd.s32 $0x6680, s23  }
0x39: {  	[tilespmem:s31], [sflag:$0x2] =	stream.indirect.gather [hbm4b:s5+s13], $0x20, s26, s13, $0xb8;
	[tilespmem:$0x1CC70] =	vst v63  }
0x3a: {  	s7 =	sor.u32 $0x300, s23  }
0x3b: {  	[tilespmem:s0], [sflag:$0x2] =	stream.indirect.gather [hbm4b:s5+s13], $0x20, s7, s13, $0xb8;
	[tilespmem:$0x1CC70] =	vst v63  }
0x3c: {  	s24 =	sadd.s32 $0x6700, s23  }
0x3d: {  	[tilespmem:s1], [sflag:$0x2] =	stream.indirect.gather [hbm4b:s5+s13], $0x20, s24, s13, $0xb8;
	[tilespmem:$0x1CC70] =	vst v63  }
0x3e: {  	s25 =	sor.u32 $0x380, s23  }
0x3f: {  	[tilespmem:s2], [sflag:$0x2] =	stream.indirect.gather [hbm4b:s5+s13], $0x20, s25, s13, $0xb8;
	[tilespmem:$0x1CC70] =	vst v63  }
0x40: {  	s26 =	sadd.s32 $0x6780, s23  }
0x41: {  	[tilespmem:s10], [sflag:$0x2] =	stream.indirect.gather [hbm4b:s5+s13], $0x20, s26, s13, $0xb8;
	[tilespmem:$0x1CC70] =	vst v63  }
0x42: {  	_ =	swait.ge [sflag:s14], $0x1000  }
0x43: {  	[sflag:s14] =	ssyncset.done $0x0  }
0x44: {  	[sflag:s14] =	ssyncadd.s32 $0xFFFFF000  }
0x45: {  	_ =	swait.ge [sflag:s14], $0x1000  }
0x46: {  	[sflag:s14] =	ssyncset.done $0x0  }
0x47: {  	[sflag:s14] =	ssyncadd.s32 $0xFFFFF000  }
0x48: {  	_ =	swait.ge [sflag:s14], $0x1000  }
0x49: {  	[sflag:s14] =	ssyncset.done $0x0  }
0x4a: {  	[sflag:s14] =	ssyncadd.s32 $0xFFFFF000  }
0x4b: {  	_ =	swait.ge [sflag:s14], $0x1000  }
0x4c: {  	[sflag:s14] =	ssyncset.done $0x0  }
0x4d: {  	[sflag:s14] =	ssyncadd.s32 $0xFFFFF000  }
0x4e: {  	_ =	swait.ge [sflag:s14], $0x1000  }
0x4f: {  	[sflag:s14] =	ssyncset.done $0x0  }
0x50: {  	[sflag:s14] =	ssyncadd.s32 $0xFFFFF000  }
0x51: {  	_ =	swait.ge [sflag:s14], $0x1000  }
0x52: {  	[sflag:s14] =	ssyncset.done $0x0  }
0x53: {  	[sflag:s14] =	ssyncadd.s32 $0xFFFFF000  }
0x54: {  	_ =	swait.ge [sflag:s14], $0x1000  }
0x55: {  	[sflag:s14] =	ssyncset.done $0x0  }
0x56: {  	[sflag:s14] =	ssyncadd.s32 $0xFFFFF000  }
0x57: {  	_ =	swait.ge [sflag:s14], $0x1000  }
0x58: {  	p0 =	seq.s32 s21, $0x0;
	[sflag:s14] =	ssyncset.done $0x0  }
0x59: {  	s12 =	simm.s32 @!p0 $0x3;
	[sflag:s14] =	ssyncadd.s32 $0xFFFFF000  }
0x5a: {  	_ =	swait.ge @!p0 [sflag:s12], $0x200  }
0x5b: {  	s24 =	simm.s32 $0x0;
	s25 =	simm.s32 $0xC900;
	[sflag:s12] =	ssyncset.done @!p0 $0x0  }
0x5c: {  	s26 =	simm.s32 $0x14900;
	[sflag:s12] =	ssyncadd.s32 @!p0 $0xFFFFFE00;
	s12 =	simm.s32 $0x0  }
.LBB2_3:
0x5d: {  	v5 =	vld [tilespmem:s25+$0xFFFFFF00]  }
0x5e: {  	v6 =	vld [tilespmem:s25+$0xFFFFFF10]  }
0x5f: {  	v7 =	vld [tilespmem:s26+$0xFFFFFF00]  }
0x60: {  	v8 =	vld [tilespmem:s26+$0xFFFFFF10]  }
0x61: {  	v9 =	vld [tilespmem:s25+$0xFFFFFF20]  }
0x62: {  	v12 =	vld [tilespmem:s25+$0xFFFFFF30]  }
0x63: {  	v36 =	vld [tilespmem:s26+$0xFFFFFF20]  }
0x64: {  	v37 =	vld [tilespmem:s26+$0xFFFFFF30]  }
0x65: {  	v15 =	vld [tilespmem:s25+$0xFFFFFF50]  }
0x66: {  	v16 =	vld [tilespmem:s26+$0xFFFFFF40]  }
0x67: {  	v20 =	vld [tilespmem:s26+$0xFFFFFF50]  }
0x68: {  	v50 =	vld [tilespmem:s25+$0xFFFFFF60];
	v10 =	vshll.u32 v5, $0x10;
	v11 =	vshll.u32 v7, $0x10;
	v13 =	vshll.u32 v6, $0x10  }
0x69: {  	v52 =	vld [tilespmem:s25+$0xFFFFFF70];
	v14 =	vshll.u32 v8, $0x10;
	v5 =	vand.u32 $0xFFFF0000, v5;
	v7 =	vand.u32 $0xFFFF0000, v7  }
0x6a: {  	v55 =	vld [tilespmem:s26+$0xFFFFFF60];
	v6 =	vand.u32 $0xFFFF0000, v6;
	v8 =	vand.u32 $0xFFFF0000, v8;
	v38 =	vshll.u32 v9, $0x10  }
0x6b: {  	v57 =	vld [tilespmem:s26+$0xFFFFFF70];
	v17 =	vshll.u32 v12, $0x10;
	v18 =	vshll.u32 v36, $0x10;
	v19 =	vshll.u32 v37, $0x10  }
0x6c: {  	v59 =	vld [tilespmem:s25+$0xFFFFFF90];
	v41 =	vand.u32 $0xFFFF0000, v9;
	v42 =	vand.u32 $0xFFFF0000, v12;
	v45 =	vshll.u32 v16, $0x10  }
0x6d: {  	v63 =	vld [tilespmem:s26+$0xFFFFFF90];
	v46 =	vshll.u32 v15, $0x10;
	v47 =	vshll.u32 v20, $0x10;
	v48 =	vand.u32 $0xFFFF0000, v37  }
0x6e: {  	v29 =	vld [tilespmem:s25+$0xFFFFFFA0];
	v16 =	vand.u32 $0xFFFF0000, v16;
	v53 =	vand.u32 $0xFFFF0000, v15;
	v54 =	vand.u32 $0xFFFF0000, v20  }
0x6f: {  	v22 =	vld [tilespmem:s25+$0xFFFFFFB0];
	v61 =	vshll.u32 v50, $0x10;
	v62 =	vshll.u32 v55, $0x10;
	v24 =	vshll.u32 v52, $0x10  }
0x70: {  	v33 =	vld [tilespmem:s26+$0xFFFFFFA0];
	v25 =	vshll.u32 v57, $0x10;
	v10 =	vmul.f32 v11, v10;
	v13 =	vmul.f32 v14, v13  }
0x71: {  	v34 =	vld [tilespmem:s26+$0xFFFFFFB0];
	v26 =	vand.u32 $0xFFFF0000, v50;
	v5 =	vmul.f32 v7, v5;
	v39 =	vmul.f32 v18, v38  }
0x72: {  	v58 =	vld [tilespmem:s25+$0xFFFFFF80];
	v30 =	vshll.u32 v59, $0x10;
	v40 =	vmul.f32 v19, v17;
	v6 =	vmul.f32 v8, v6  }
0x73: {  	v60 =	vld [tilespmem:s26+$0xFFFFFF80];
	v21 =	vshll.u32 v63, $0x10;
	v49 =	vmul.f32 v47, v46;
	v9 =	vmul.f32 v48, v42  }
0x74: {  	v11 =	vand.u32 $0xFFFF0000, v36;
	v56 =	vmul.f32 v54, v53;
	v27 =	vmul.f32 v25, v24  }
0x75: {  	v32 =	vmul.f32 v21, v30;
	v18 =	vand.u32 $0xFFFF0000, v29;
	v42 =	vshll.u32 v22, $0x10  }
0x76: {  	v24 =	vshll.u32 v34, $0x10;
	v19 =	vand.u32 $0xFFFF0000, v33;
	v8 =	vmul.f32 v11, v41  }
0x77: {  	v28 =	vshll.u32 v58, $0x10;
	v21 =	vmul.f32 v24, v42;
	v18 =	vmul.f32 v19, v18  }
0x78: {  	v31 =	vshll.u32 v60, $0x10;
	v10 =	vmul.f32 v10, v1;
	v13 =	vmul.f32 v13, v2  }
0x79: {  	v37 =	vand.u32 $0xFFFF0000, v59;
	v7 =	vld [tilespmem:s25+$0xFFFFFF40];
	v5 =	vmul.f32 v5, v3;
	v43 =	vmul.f32 v40, v2  }
0x7a: {  	v23 =	vshll.u32 v33, $0x10;
	v25 =	vld [tilespmem:s26+$0xFFFFFFD0];
	v51 =	vmul.f32 v49, v2;
	v6 =	vmul.f32 v6, v4  }
0x7b: {  	v14 =	vand.u32 $0xFFFF0000, v52;
	v53 =	vld [tilespmem:s26+$0xFFFFFFE0];
	v9 =	vmul.f32 v9, v4;
	v12 =	vmul.f32 v56, v4  }
0x7c: {  	v54 =	vld [tilespmem:s26+$0xFFFFFFF0];
	v17 =	vmul.f32 v27, v2;
	v40 =	vshll.u32 v29, $0x10;
	v8 =	vmul.f32 v8, v3  }
0x7d: {  	v36 =	vld [tilespmem:s25+$0xFFFFFFC0];
	v18 =	vmul.f32 v18, v3;
	v10 =	vadd.f32 v13, v10;
	v13 =	vand.u32 $0xFFFF0000, v57  }
0x7e: {  	v41 =	vld [tilespmem:s26+$0xFFFFFFC0];
	v44 =	vshll.u32 v7, $0x10;
	v7 =	vand.u32 $0xFFFF0000, v7;
	v13 =	vmul.f32 v13, v14  }
0x7f: {  	v14 =	vand.u32 $0xFFFF0000, v34;
	v48 =	vshll.u32 v25, $0x10;
	v59 =	vand.u32 $0xFFFF0000, v25  }
0x80: {  	v29 =	vshll.u32 v53, $0x10;
	v5 =	vadd.f32 v10, v5;
	v10 =	vmul.f32 v39, v1  }
0x81: {  	v57 =	vld [tilespmem:s25+$0x0];
	v30 =	vshll.u32 v54, $0x10;
	v11 =	vmul.f32 v45, v44;
	v7 =	vmul.f32 v16, v7  }
0x82: {  	v16 =	vand.u32 $0xFFFF0000, v55;
	v44 =	vmul.f32 v21, v2;
	v45 =	vshll.u32 v36, $0x10  }
0x83: {  	v39 =	vld [tilespmem:s25+$0xFFFFFFD0];
	v46 =	vshll.u32 v41, $0x10;
	v20 =	vand.u32 $0xFFFF0000, v41;
	v35 =	vmul.f32 v13, v4  }
0x84: {  	v21 =	vmul.f32 v46, v45;
	v11 =	vmul.f32 v11, v1;
	v10 =	vadd.f32 v43, v10  }
0x85: {  	v50 =	vld [tilespmem:s25+$0xFFFFFFE0];
	v7 =	vmul.f32 v7, v3;
	v6 =	vadd.f32 v5, v6;
	v43 =	vand.u32 $0xFFFF0000, v22  }
0x86: {  	v13 =	vmul.f32 v14, v43;
	v21 =	vmul.f32 v21, v1;
	v33 =	vshll.u32 v57, $0x10  }
0x87: {  	v11 =	vadd.f32 v51, v11;
	v8 =	vadd.f32 v10, v8;
	v10 =	vand.u32 $0xFFFF0000, v58  }
0x88: {  	v47 =	vshll.u32 v39, $0x10;
	v13 =	vmul.f32 v13, v4;
	v58 =	vand.u32 $0xFFFF0000, v39  }
0x89: {  	v11 =	vadd.f32 v11, v7;
	v7 =	vadd.f32 v8, v9;
	v9 =	vmul.f32 v62, v61  }
0x8a: {  	v51 =	vld [tilespmem:s25+$0xFFFFFFF0];
	v8 =	vand.u32 $0xFFFF0000, v60;
	v49 =	vmul.f32 v48, v47;
	v61 =	vshll.u32 v50, $0x10  }
0x8b: {  	v62 =	vand.u32 $0xFFFF0000, v50;
	v8 =	vmul.f32 v8, v10;
	v10 =	vand.u32 $0xFFFF0000, v36  }
0x8c: {  	v15 =	vmul.f32 v29, v61;
	v5 =	vadd.f32 v11, v12;
	v9 =	vmul.f32 v9, v1  }
0x8d: {  	v43 =	vld [tilespmem:s25+$0x40];
	v11 =	vmul.f32 v16, v26;
	v16 =	vmul.f32 v31, v28;
	v12 =	vand.u32 $0xFFFF0000, v63  }
0x8e: {  	v39 =	vld [tilespmem:s26+$0x20];
	v14 =	vmul.f32 v49, v2;
	v52 =	vmul.f32 v20, v10;
	v20 =	vand.u32 $0xFFFF0000, v53  }
0x8f: {  	v60 =	vld [tilespmem:s25+$0x10];
	v8 =	vmul.f32 v8, v3;
	v12 =	vmul.f32 v12, v37;
	v28 =	vshll.u32 v51, $0x10  }
0x90: {  	v48 =	vld [tilespmem:s26+$0x40];
	v15 =	vmul.f32 v15, v1;
	v9 =	vadd.f32 v17, v9;
	v11 =	vmul.f32 v11, v3  }
0x91: {  	v16 =	vmul.f32 v16, v1;
	v17 =	vmul.f32 v32, v2;
	v55 =	vadd.f32 v14, v21  }
0x92: {  	v63 =	vld [tilespmem:s26+$0x0];
	v56 =	vmul.f32 v52, v3;
	v19 =	vmul.f32 v30, v28;
	v32 =	vand.u32 $0xFFFF0000, v51  }
0x93: {  	v31 =	vld [tilespmem:s26+$0x10];
	v50 =	vshll.u32 v39, $0x10;
	v21 =	vand.u32 $0xFFFF0000, v39;
	v52 =	vshll.u32 v43, $0x10  }
0x94: {  	v12 =	vmul.f32 v12, v4;
	v36 =	vshll.u32 v60, $0x10;
	v14 =	vand.u32 $0xFFFF0000, v60  }
0x95: {  	v45 =	vld [tilespmem:s25+$0x50];
	v53 =	vshll.u32 v48, $0x10;
	v9 =	vadd.f32 v9, v11;
	v38 =	vadd.f32 v17, v16  }
0x96: {  	v37 =	vld [tilespmem:s25+$0x30];
	v17 =	vmul.f32 v23, v40;
	v11 =	vadd.f32 v55, v56;
	v16 =	vmul.f32 v20, v62  }
0x97: {  	v28 =	vld [tilespmem:s26+$0x50];
	v19 =	vmul.f32 v19, v2;
	v25 =	vmul.f32 v53, v52;
	v23 =	vand.u32 $0xFFFF0000, v48  }
0x98: {  	v34 =	vshll.u32 v63, $0x10;
	v26 =	vshll.u32 v31, $0x10;
	v17 =	vmul.f32 v17, v1  }
0x99: {  	v8 =	vadd.f32 v38, v8;
	v10 =	vadd.f32 v9, v35;
	v16 =	vmul.f32 v16, v3  }
0x9a: {  	v40 =	vld [tilespmem:s26+$0x30];
	v20 =	vmul.f32 v34, v33;
	v15 =	vadd.f32 v19, v15;
	v38 =	vmul.f32 v26, v36  }
0x9b: {  	v56 =	vld [tilespmem:s25+$0x60];
	v49 =	vshll.u32 v37, $0x10;
	v22 =	vand.u32 $0xFFFF0000, v37;
	v25 =	vmul.f32 v25, v1  }
0x9c: {  	v61 =	vld [tilespmem:s26+$0x70];
	v19 =	vand.u32 $0xFFFF0000, v45;
	v29 =	vshll.u32 v28, $0x10;
	v62 =	vand.u32 $0xFFFF0000, v28  }
0x9d: {  	v17 =	vadd.f32 v44, v17;
	v9 =	vadd.f32 v8, v12;
	v12 =	vand.u32 $0xFFFF0000, v57  }
0x9e: {  	v35 =	vld [tilespmem:s25+$0x20];
	v20 =	vmul.f32 v20, v1;
	v41 =	vmul.f32 v38, v2;
	v44 =	vand.u32 $0xFFFF0000, v31  }
0x9f: {  	v15 =	vadd.f32 v15, v16;
	v33 =	vmul.f32 v62, v19;
	v14 =	vmul.f32 v44, v14  }
0xa0: {  	v27 =	vshll.u32 v40, $0x10;
	v51 =	vand.u32 $0xFFFF0000, v40;
	v36 =	vshll.u32 v56, $0x10  }
0xa1: {  	v34 =	vld [tilespmem:s25+$0x90];
	v40 =	vshll.u32 v61, $0x10;
	v17 =	vadd.f32 v17, v18;
	v18 =	vand.u32 $0xFFFF0000, v54  }
0xa2: {  	v57 =	vld [tilespmem:s25+$0x70];
	v24 =	vmul.f32 v27, v49;
	v54 =	vshll.u32 v45, $0x10;
	v18 =	vmul.f32 v18, v32  }
0xa3: {  	v38 =	vld [tilespmem:s26+$0x90];
	v46 =	vshll.u32 v35, $0x10;
	v14 =	vmul.f32 v14, v4;
	v55 =	vmul.f32 v29, v54  }
0xa4: {  	v8 =	vadd.f32 v17, v13;
	v13 =	vmul.f32 v59, v58;
	v17 =	vand.u32 $0xFFFF0000, v63  }
0xa5: {  	v31 =	vld [tilespmem:s25+$0xD0];
	v47 =	vand.u32 $0xFFFF0000, v35;
	v24 =	vmul.f32 v24, v2;
	v12 =	vmul.f32 v17, v12  }
0xa6: {  	v45 =	vld [tilespmem:s25+$0xA0];
	v16 =	vand.u32 $0xFFFF0000, v34;
	v42 =	vmul.f32 v18, v4;
	v18 =	vmul.f32 v50, v46  }
0xa7: {  	v49 =	vld [tilespmem:s26+$0xA0];
	v17 =	vand.u32 $0xFFFF0000, v43;
	v58 =	vmul.f32 v55, v2;
	v39 =	vshll.u32 v57, $0x10  }
0xa8: {  	v43 =	vand.u32 $0xFFFF0000, v57;
	v46 =	vshll.u32 v34, $0x10;
	v48 =	vshll.u32 v38, $0x10  }
0xa9: {  	v53 =	vand.u32 $0xFFFF0000, v38;
	v13 =	vmul.f32 v13, v4;
	v17 =	vmul.f32 v23, v17  }
0xaa: {  	v35 =	vld [tilespmem:s26+$0x80];
	v27 =	vmul.f32 v48, v46;
	v16 =	vmul.f32 v53, v16;
	v46 =	vand.u32 $0xFFFF0000, v31  }
0xab: {  	v30 =	vld [tilespmem:s25+$0xB0];
	v12 =	vmul.f32 v12, v3;
	v18 =	vmul.f32 v18, v1;
	v15 =	vadd.f32 v15, v42  }
0xac: {  	v59 =	vld [tilespmem:s26+$0x60];
	v42 =	vmul.f32 v40, v39;
	v54 =	vshll.u32 v45, $0x10;
	v57 =	vshll.u32 v49, $0x10  }
0xad: {  	v63 =	vld [tilespmem:s25+$0x80];
	v62 =	vand.u32 $0xFFFF0000, v45;
	v34 =	vand.u32 $0xFFFF0000, v49;
	v11 =	vadd.f32 v11, v13  }
0xae: {  	v32 =	vld [tilespmem:s26+$0xF0];
	v13 =	vadd.f32 v41, v20;
	v20 =	vmul.f32 v21, v47;
	v21 =	vmul.f32 v51, v22  }
0xaf: {  	v17 =	vmul.f32 v17, v3;
	v41 =	vand.u32 $0xFFFF0000, v56;
	v47 =	vshll.u32 v35, $0x10  }
0xb0: {  	v55 =	vld [tilespmem:s25+$0xC0];
	v27 =	vmul.f32 v27, v2;
	v56 =	vshll.u32 v30, $0x10;
	v16 =	vmul.f32 v16, v4  }
0xb1: {  	v18 =	vadd.f32 v24, v18;
	v37 =	vshll.u32 v59, $0x10;
	v22 =	vand.u32 $0xFFFF0000, v59  }
0xb2: {  	v44 =	vshll.u32 v63, $0x10;
	v50 =	vand.u32 $0xFFFF0000, v63;
	v59 =	vmul.f32 v57, v54  }
0xb3: {  	v57 =	vand.u32 $0xFFFF0000, v32;
	v20 =	vmul.f32 v20, v3;
	v12 =	vadd.f32 v13, v12  }
0xb4: {  	(xrf2) =	vadd.scan.msk.f32 $0xffff, v6;
	v40 =	vld [tilespmem:s26+$0xE0];
	v60 =	vmul.f32 v21, v4;
	v13 =	vadd.f32 v58, v25;
	v19 =	vmul.f32 v37, v36  }
0xb5: {  	(xrf2) =	vadd.scan.msk.f32 $0xffff, v7;
	v51 =	vld [tilespmem:s26+$0xB0];
	v21 =	vand.u32 $0xFFFF0000, v61;
	v39 =	vshll.u32 v55, $0x10;
	v7 =	vand.u32 $0xFFFF0000, v55  }
0xb6: {  	v38 =	vld [tilespmem:s25+$0xF0];
	v21 =	vmul.f32 v21, v43;
	v18 =	vadd.f32 v18, v20;
	v12 =	vadd.f32 v12, v14  }
0xb7: {  	v13 =	vadd.f32 v13, v17;
	v14 =	vmul.f32 v33, v4;
	v19 =	vmul.f32 v19, v1  }
0xb8: {  	v20 =	vmul.f32 v42, v2;
	v17 =	vand.u32 $0xFFFF0000, v35;
	v35 =	vmul.f32 v34, v62  }
0xb9: {  	v63 =	vld [tilespmem:s26+$0xD0];
	v49 =	vshll.u32 v40, $0x10;
	v54 =	vand.u32 $0xFFFF0000, v40;
	v52 =	vmul.f32 v21, v4  }
0xba: {  	v61 =	vld [tilespmem:s26+$0xC0];
	v17 =	vmul.f32 v17, v50;
	v58 =	vshll.u32 v51, $0x10;
	v25 =	vand.u32 $0xFFFF0000, v51  }
0xbb: {  	v50 =	vshll.u32 v38, $0x10;
	v51 =	vshll.u32 v32, $0x10;
	v18 =	vadd.f32 v18, v60  }
0xbc: {  	v13 =	vadd.f32 v13, v14;
	v14 =	vmul.f32 v22, v41;
	v22 =	vmul.f32 v47, v44  }
0xbd: {  	(xrf2) =	vadd.scan.msk.f32 $0xffff, v5;
	v36 =	vld [tilespmem:s25+$0xE0];
	v19 =	vadd.f32 v20, v19;
	v60 =	vmul.f32 v58, v56;
	v41 =	vshll.u32 v31, $0x10  }
0xbe: {  	(xrf2) =	vadd.scan.msk.f32 $0xffff, v10;
	v43 =	vshll.u32 v63, $0x10;
	v10 =	vmul.f32 v51, v50;
	v56 =	vand.u32 $0xFFFF0000, v38  }
0xbf: {  	v17 =	vmul.f32 v17, v3;
	v42 =	vshll.u32 v61, $0x10;
	v22 =	vmul.f32 v22, v1  }
0xc0: {  	v45 =	vmul.f32 v43, v41;
	v47 =	vand.u32 $0xFFFF0000, v61;
	v58 =	vmul.f32 v57, v56  }
0xc1: {  	v14 =	vmul.f32 v14, v3;
	v21 =	vmul.f32 v60, v2;
	v22 =	vadd.f32 v27, v22  }
0xc2: {  	v53 =	vand.u32 $0xFFFF0000, v36;
	v44 =	vmul.f32 v42, v39;
	v5 =	vmul.f32 v47, v7  }
0xc3: {  	(xrf2) =	vadd.scan.msk.f32 $0xffff, v9;
	v14 =	vadd.f32 v19, v14;
	v19 =	vmul.f32 v59, v1;
	v17 =	vadd.f32 v22, v17  }
0xc4: {  	(xrf2) =	vadd.scan.msk.f32 $0xffff, v8;
	v7 =	vshll.u32 v36, $0x10;
	v10 =	vmul.f32 v10, v2;
	v8 =	vmul.f32 v54, v53  }
0xc5: {  	v19 =	vadd.f32 v21, v19;
	v16 =	vadd.f32 v17, v16;
	v17 =	vmul.f32 v35, v3  }
0xc6: {  	v37 =	vand.u32 $0xFFFF0000, v30;
	v48 =	vmul.f32 v45, v2;
	v7 =	vmul.f32 v49, v7  }
0xc7: {  	v5 =	vmul.f32 v5, v3;
	v17 =	vadd.f32 v19, v17;
	v19 =	vmul.f32 v44, v1  }
0xc8: {  	(xrf2) =	vadd.scan.msk.f32 $0xffff, v11;
	v14 =	vadd.f32 v14, v52;
	v22 =	vmul.f32 v25, v37;
	v52 =	vand.u32 $0xFFFF0000, v63  }
0xc9: {  	(xrf2) =	vadd.scan.msk.f32 $0xffff, v15;
	v7 =	vmul.f32 v7, v1;
	v9 =	vmul.f32 v52, v46;
	v55 =	vadd.f32 v48, v19  }
0xca: {  	(xrf2) =	vadd.scan.msk.f32 $0xffff, v12;
	v8 =	vmul.f32 v8, v3;
	v6 =	vmul.f32 v22, v4  }
0xcb: {  	(xrf2) =	vadd.scan.msk.f32 $0xffff, v18;
	v7 =	vadd.f32 v10, v7;
	v9 =	vmul.f32 v9, v4;
	v5 =	vadd.f32 v55, v5  }
0xcc: {  	s7 =	sshra.s32 s12, $0x2;
	v60 =	vmul.f32 v58, v4;
	v59, _, _ =	vpop (xrf2);
	(xrf2) =	vadd.scan.msk.f32 $0xffff, v13;
	v6 =	vadd.f32 v17, v6  }
0xcd: {  	v61, _, _ =	vpop (xrf2);
	[tilespmem:s7+$0x1C800] =	vst.msk vm0, v59;
	(xrf2) =	vadd.scan.msk.f32 $0xffff, v14;
	v7 =	vadd.f32 v7, v8;
	v5 =	vadd.f32 v5, v9  }
0xce: {  	v62, _, _ =	vpop (xrf2);
	[tilespmem:s7+$0x1C801] =	vst.msk vm0, v61;
	(xrf2) =	vadd.scan.msk.f32 $0xffff, v16  }
0xcf: {  	v63, _, _ =	vpop (xrf2);
	[tilespmem:s7+$0x1C802] =	vst.msk vm0, v62;
	v7 =	vadd.f32 v7, v60;
	(xrf2) =	vadd.scan.msk.f32 $0xffff, v6  }
0xd0: {  	[tilespmem:s7+$0x1C803] =	vst.msk vm0, v63;
	v6, _, _ =	vpop (xrf2);
	(xrf2) =	vadd.scan.msk.f32 $0xffff, v5  }
0xd1: {  	[tilespmem:s7+$0x1C804] =	vst.msk vm0, v6;
	v5, _, _ =	vpop (xrf2);
	(xrf2) =	vadd.scan.msk.f32 $0xffff, v7  }
0xd2: {  	v6, _, _ =	vpop (xrf2);
	[tilespmem:s7+$0x1C805] =	vst.msk vm0, v5  }
0xd3: {  	v5, _, _ =	vpop (xrf2);
	[tilespmem:s7+$0x1C806] =	vst.msk vm0, v6  }
0xd4: {  	v6, _, _ =	vpop (xrf2);
	[tilespmem:s7+$0x1C807] =	vst.msk vm0, v5  }
0xd5: {  	v5, _, _ =	vpop (xrf2);
	[tilespmem:s7+$0x1C808] =	vst.msk vm0, v6  }
0xd6: {  	v6, _, _ =	vpop (xrf2);
	[tilespmem:s7+$0x1C809] =	vst.msk vm0, v5  }
0xd7: {  	p1 =	sne.s32 s12, $0x7C0;
	v5, _, _ =	vpop (xrf2);
	[tilespmem:s7+$0x1C80A] =	vst.msk vm0, v6  }
.Ltmp0:
0xd8: {  	v6, _, _ =	vpop (xrf2);
	[tilespmem:s7+$0x1C80B] =	vst.msk vm0, v5;
	(pc) =	sbr.rel @p1 .LBB2_3-.Ltmp0, $4  }
0xd9: {  	v5, _, _ =	vpop (xrf2);
	[tilespmem:s7+$0x1C80C] =	vst.msk vm0, v6  }
0xda: {  	v6, _, _ =	vpop (xrf2);
	[tilespmem:s7+$0x1C80D] =	vst.msk vm0, v5  }
0xdb: {  	v5, _, _ =	vpop (xrf2);
	[tilespmem:s7+$0x1C80E] =	vst.msk vm0, v6  }
0xdc: {  	s12 =	sadd.s32 $0x40, s12;
	s25 =	sadd.s32 $0x200, s25;
	s26 =	sadd.s32 $0x200, s26;
	[tilespmem:s7+$0x1C80F] =	vst.msk vm0, v5  }
0xdd: {  	s12 =	sshra.s32 s24, $0x2;
	s24 =	sadd.s32 $0x40, s24  }
.LBB2_5:
0xde: {  	p1 =	sne.s32 s24, $0x7C0;
	v5 =	vld [tilespmem:s12+$0x1C800];
	_ =	sdelay $0x4  }
0xdf: {  	v5 =	vadd.f32 v5, v0;
	_ =	sdelay $0x1  }
0xe0: {  	v5 =	vsub.f32 $0.0e+00, v5;
	_ =	sdelay $0x1  }
0xe1: {  	v5 =	vmul.f32 $1.442695020e+00, v5;
	_ =	sdelay $0x1  }
0xe2: {  	(erf) = vpow2.f32 v5;
	_ =	sdelay $0x8  }
0xe3: {  	v5 =	vpop (erf)  }
0xe4: {  	v5 =	vadd.f32 $1.000000000e+00, v5;
	_ =	sdelay $0x1  }
0xe5: {  	(erf) = vrcp.f32 v5;
	_ =	sdelay $0x5  }
.Ltmp1:
0xe6: {  	(pc) =	sbr.rel @p1 .LBB2_5-.Ltmp1, $3  }
0xe7: {  	_ =	sdelay $0x1  }
0xe8: {  	v5 =	vpop (erf)  }
0xe9: {  	[tilespmem:s12+$0x1C800] =	vst v5;
	s12 =	sshra.s32 s24, $0x2;
	s24 =	sadd.s32 $0x40, s24  }
0xea: {  	v5 =	vld [tilespmem:s12+$0x1C800];
	_ =	sdelay $0x4  }
0xeb: {  	v5 =	vadd.f32 v5, v0;
	_ =	sdelay $0x1  }
0xec: {  	v5 =	vsub.f32 $0.0e+00, v5;
	_ =	sdelay $0x1  }
0xed: {  	v5 =	vmul.f32 $1.442695020e+00, v5;
	_ =	sdelay $0x1  }
0xee: {  	(erf) = vpow2.f32 v5;
	_ =	sdelay $0x8  }
0xef: {  	v5 =	vpop (erf)  }
0xf0: {  	v5 =	vadd.f32 $1.000000000e+00, v5;
	_ =	sdelay $0x1  }
0xf1: {  	(erf) = vrcp.f32 v5;
	_ =	sdelay $0x7  }
0xf2: {  	s7 =	sadd.s32 s6, s23  }
0xf3: {  	s7 =	sshrl.u32 s7, $0x3;
	v5 =	vpop (erf)  }
0xf4: {  	p1 =	seq.s32 s21, $0x18;
	s7 =	sadd.s32 s3, s7;
	[tilespmem:s12+$0x1C800] =	vst v5  }
0xf5: {  	[hbm4b:s7+s4] =	stream.linear.scatter [tilespmem:s15], [sflag:$0x3], $0x200, $0x38;
	[tilespmem:$0x1CC70] =	vst v63  }
0xf6: {  	s24 =	simm.s32 @!p1 $0xC800;
	s12 =	simm.s32 @!p1 $0x80;
	s7 =	sadd.s32 @!p1 $0x400, s23  }
0xf7: {  	[tilespmem:s24], [sflag:$0x1] =	stream.indirect.gather @!p1 [hbm4b:s5+s12], $0x20, s7, s12, $0xb8;
	[tilespmem:$0x1CC70] =	vst v63  }
0xf8: {  	s7 =	sadd.s32 @!p1 $0x6800, s23;
	s24 =	simm.s32 @!p1 $0x14800  }
0xf9: {  	[tilespmem:s24], [sflag:$0x1] =	stream.indirect.gather @!p1 [hbm4b:s5+s12], $0x20, s7, s12, $0xb8;
	[tilespmem:$0x1CC70] =	vst v63  }
0xfa: {  	s7 =	sadd.s32 @!p1 $0x480, s23;
	s24 =	simm.s32 @!p1 $0xD800  }
0xfb: {  	[tilespmem:s24], [sflag:$0x1] =	stream.indirect.gather @!p1 [hbm4b:s5+s12], $0x20, s7, s12, $0xb8;
	[tilespmem:$0x1CC70] =	vst v63  }
0xfc: {  	s7 =	sadd.s32 @!p1 $0x6880, s23;
	s24 =	simm.s32 @!p1 $0x15800  }
0xfd: {  	[tilespmem:s24], [sflag:$0x1] =	stream.indirect.gather @!p1 [hbm4b:s5+s12], $0x20, s7, s12, $0xb8;
	[tilespmem:$0x1CC70] =	vst v63  }
0xfe: {  	s7 =	sadd.s32 @!p1 $0x500, s23;
	s24 =	simm.s32 @!p1 $0xE800  }
0xff: {  	[tilespmem:s24], [sflag:$0x1] =	stream.indirect.gather @!p1 [hbm4b:s5+s12], $0x20, s7, s12, $0xb8;
	[tilespmem:$0x1CC70] =	vst v63  }
0x100: {  	s7 =	sadd.s32 @!p1 $0x6900, s23;
	s24 =	simm.s32 @!p1 $0x16800  }
0x101: {  	[tilespmem:s24], [sflag:$0x1] =	stream.indirect.gather @!p1 [hbm4b:s5+s12], $0x20, s7, s12, $0xb8;
	[tilespmem:$0x1CC70] =	vst v63  }
0x102: {  	s7 =	sadd.s32 @!p1 $0x580, s23;
	s24 =	simm.s32 @!p1 $0xF800  }
0x103: {  	[tilespmem:s24], [sflag:$0x1] =	stream.indirect.gather @!p1 [hbm4b:s5+s12], $0x20, s7, s12, $0xb8;
	[tilespmem:$0x1CC70] =	vst v63  }
0x104: {  	s7 =	sadd.s32 @!p1 $0x6980, s23;
	s23 =	simm.s32 @!p1 $0x17800  }
0x105: {  	[tilespmem:s23], [sflag:$0x1] =	stream.indirect.gather @!p1 [hbm4b:s5+s12], $0x20, s7, s12, $0xb8;
	[tilespmem:$0x1CC70] =	vst v63  }
0x106: {  	_ =	swait.ge [sflag:s16], $0x1000  }
0x107: {  	[sflag:s16] =	ssyncset.done $0x0  }
0x108: {  	[sflag:s16] =	ssyncadd.s32 $0xFFFFF000  }
0x109: {  	_ =	swait.ge [sflag:s16], $0x1000  }
0x10a: {  	[sflag:s16] =	ssyncset.done $0x0  }
0x10b: {  	[sflag:s16] =	ssyncadd.s32 $0xFFFFF000  }
0x10c: {  	_ =	swait.ge [sflag:s16], $0x1000  }
0x10d: {  	[sflag:s16] =	ssyncset.done $0x0  }
0x10e: {  	[sflag:s16] =	ssyncadd.s32 $0xFFFFF000  }
0x10f: {  	_ =	swait.ge [sflag:s16], $0x1000  }
0x110: {  	[sflag:s16] =	ssyncset.done $0x0  }
0x111: {  	[sflag:s16] =	ssyncadd.s32 $0xFFFFF000  }
0x112: {  	_ =	swait.ge [sflag:s16], $0x1000  }
0x113: {  	[sflag:s16] =	ssyncset.done $0x0  }
0x114: {  	[sflag:s16] =	ssyncadd.s32 $0xFFFFF000  }
0x115: {  	_ =	swait.ge [sflag:s16], $0x1000  }
0x116: {  	[sflag:s16] =	ssyncset.done $0x0  }
0x117: {  	[sflag:s16] =	ssyncadd.s32 $0xFFFFF000  }
0x118: {  	_ =	swait.ge [sflag:s16], $0x1000  }
0x119: {  	[sflag:s16] =	ssyncset.done $0x0  }
0x11a: {  	[sflag:s16] =	ssyncadd.s32 $0xFFFFF000  }
0x11b: {  	_ =	swait.ge [sflag:s16], $0x1000  }
0x11c: {  	[sflag:s16] =	ssyncset.done $0x0  }
0x11d: {  	s7 =	simm.s32 @!p0 $0x4;
	[sflag:s16] =	ssyncadd.s32 $0xFFFFF000  }
0x11e: {  	_ =	swait.ge @!p0 [sflag:s7], $0x200  }
0x11f: {  	s24 =	simm.s32 $0x0;
	[sflag:s7] =	ssyncset.done @!p0 $0x0  }
0x120: {  	s23 =	simm.s32 $0x0;
	s12 =	simm.s32 $0x1CA10;
	[sflag:s7] =	ssyncadd.s32 @!p0 $0xFFFFFE00  }
.LBB2_7:
0x121: {  	s25 =	sshra.s32 s24, $0x2  }
0x122: {  	v5 =	vld [tilespmem:s25+$0x10800]  }
0x123: {  	v6 =	vld [tilespmem:s25+$0x10810]  }
0x124: {  	v7 =	vld [tilespmem:s25+$0x18800]  }
0x125: {  	v8 =	vld [tilespmem:s25+$0x18810]  }
0x126: {  	v9 =	vld [tilespmem:s25+$0x10820]  }
0x127: {  	v12 =	vld [tilespmem:s25+$0x10830]  }
0x128: {  	v36 =	vld [tilespmem:s25+$0x18820]  }
0x129: {  	v37 =	vld [tilespmem:s25+$0x18830]  }
0x12a: {  	v15 =	vld [tilespmem:s25+$0x10850]  }
0x12b: {  	v16 =	vld [tilespmem:s25+$0x18840]  }
0x12c: {  	v20 =	vld [tilespmem:s25+$0x18850]  }
0x12d: {  	v50 =	vld [tilespmem:s25+$0x10860];
	v10 =	vshll.u32 v5, $0x10;
	v11 =	vshll.u32 v7, $0x10;
	v13 =	vshll.u32 v6, $0x10  }
0x12e: {  	v52 =	vld [tilespmem:s25+$0x10870];
	v14 =	vshll.u32 v8, $0x10;
	v5 =	vand.u32 $0xFFFF0000, v5;
	v7 =	vand.u32 $0xFFFF0000, v7  }
0x12f: {  	v55 =	vld [tilespmem:s25+$0x18860];
	v6 =	vand.u32 $0xFFFF0000, v6;
	v8 =	vand.u32 $0xFFFF0000, v8;
	v38 =	vshll.u32 v9, $0x10  }
0x130: {  	v57 =	vld [tilespmem:s25+$0x18870];
	v17 =	vshll.u32 v12, $0x10;
	v18 =	vshll.u32 v36, $0x10;
	v19 =	vshll.u32 v37, $0x10  }
0x131: {  	v59 =	vld [tilespmem:s25+$0x10890];
	v41 =	vand.u32 $0xFFFF0000, v9;
	v42 =	vand.u32 $0xFFFF0000, v12;
	v45 =	vshll.u32 v16, $0x10  }
0x132: {  	v63 =	vld [tilespmem:s25+$0x18890];
	v46 =	vshll.u32 v15, $0x10;
	v47 =	vshll.u32 v20, $0x10;
	v48 =	vand.u32 $0xFFFF0000, v37  }
0x133: {  	v29 =	vld [tilespmem:s25+$0x108A0];
	v16 =	vand.u32 $0xFFFF0000, v16;
	v53 =	vand.u32 $0xFFFF0000, v15;
	v54 =	vand.u32 $0xFFFF0000, v20  }
0x134: {  	v22 =	vld [tilespmem:s25+$0x108B0];
	v61 =	vshll.u32 v50, $0x10;
	v62 =	vshll.u32 v55, $0x10;
	v24 =	vshll.u32 v52, $0x10  }
0x135: {  	v33 =	vld [tilespmem:s25+$0x188A0];
	v25 =	vshll.u32 v57, $0x10;
	v10 =	vmul.f32 v11, v10;
	v13 =	vmul.f32 v14, v13  }
0x136: {  	v34 =	vld [tilespmem:s25+$0x188B0];
	v26 =	vand.u32 $0xFFFF0000, v50;
	v5 =	vmul.f32 v7, v5;
	v39 =	vmul.f32 v18, v38  }
0x137: {  	v58 =	vld [tilespmem:s25+$0x10880];
	v30 =	vshll.u32 v59, $0x10;
	v40 =	vmul.f32 v19, v17;
	v6 =	vmul.f32 v8, v6  }
0x138: {  	v60 =	vld [tilespmem:s25+$0x18880];
	v21 =	vshll.u32 v63, $0x10;
	v49 =	vmul.f32 v47, v46;
	v9 =	vmul.f32 v48, v42  }
0x139: {  	v11 =	vand.u32 $0xFFFF0000, v36;
	v56 =	vmul.f32 v54, v53;
	v27 =	vmul.f32 v25, v24  }
0x13a: {  	v32 =	vmul.f32 v21, v30;
	v18 =	vand.u32 $0xFFFF0000, v29;
	v42 =	vshll.u32 v22, $0x10  }
0x13b: {  	v24 =	vshll.u32 v34, $0x10;
	v19 =	vand.u32 $0xFFFF0000, v33;
	v8 =	vmul.f32 v11, v41  }
0x13c: {  	v28 =	vshll.u32 v58, $0x10;
	v21 =	vmul.f32 v24, v42;
	v18 =	vmul.f32 v19, v18  }
0x13d: {  	v31 =	vshll.u32 v60, $0x10;
	v10 =	vmul.f32 v10, v1;
	v13 =	vmul.f32 v13, v2  }
0x13e: {  	v37 =	vand.u32 $0xFFFF0000, v59;
	v7 =	vld [tilespmem:s25+$0x10840];
	v5 =	vmul.f32 v5, v3;
	v43 =	vmul.f32 v40, v2  }
0x13f: {  	v23 =	vshll.u32 v33, $0x10;
	v25 =	vld [tilespmem:s25+$0x188D0];
	v51 =	vmul.f32 v49, v2;
	v6 =	vmul.f32 v6, v4  }
0x140: {  	v14 =	vand.u32 $0xFFFF0000, v52;
	v53 =	vld [tilespmem:s25+$0x188E0];
	v9 =	vmul.f32 v9, v4;
	v12 =	vmul.f32 v56, v4  }
0x141: {  	v54 =	vld [tilespmem:s25+$0x188F0];
	v17 =	vmul.f32 v27, v2;
	v40 =	vshll.u32 v29, $0x10;
	v8 =	vmul.f32 v8, v3  }
0x142: {  	v36 =	vld [tilespmem:s25+$0x108C0];
	v18 =	vmul.f32 v18, v3;
	v10 =	vadd.f32 v13, v10;
	v13 =	vand.u32 $0xFFFF0000, v57  }
0x143: {  	v41 =	vld [tilespmem:s25+$0x188C0];
	v44 =	vshll.u32 v7, $0x10;
	v7 =	vand.u32 $0xFFFF0000, v7;
	v13 =	vmul.f32 v13, v14  }
0x144: {  	v14 =	vand.u32 $0xFFFF0000, v34;
	v48 =	vshll.u32 v25, $0x10;
	v59 =	vand.u32 $0xFFFF0000, v25  }
0x145: {  	v29 =	vshll.u32 v53, $0x10;
	v5 =	vadd.f32 v10, v5;
	v10 =	vmul.f32 v39, v1  }
0x146: {  	v57 =	vld [tilespmem:s25+$0x10900];
	v30 =	vshll.u32 v54, $0x10;
	v11 =	vmul.f32 v45, v44;
	v7 =	vmul.f32 v16, v7  }
0x147: {  	v16 =	vand.u32 $0xFFFF0000, v55;
	v44 =	vmul.f32 v21, v2;
	v45 =	vshll.u32 v36, $0x10  }
0x148: {  	v39 =	vld [tilespmem:s25+$0x108D0];
	v46 =	vshll.u32 v41, $0x10;
	v20 =	vand.u32 $0xFFFF0000, v41;
	v35 =	vmul.f32 v13, v4  }
0x149: {  	v21 =	vmul.f32 v46, v45;
	v11 =	vmul.f32 v11, v1;
	v10 =	vadd.f32 v43, v10  }
0x14a: {  	v50 =	vld [tilespmem:s25+$0x108E0];
	v7 =	vmul.f32 v7, v3;
	v6 =	vadd.f32 v5, v6;
	v43 =	vand.u32 $0xFFFF0000, v22  }
0x14b: {  	v13 =	vmul.f32 v14, v43;
	v21 =	vmul.f32 v21, v1;
	v33 =	vshll.u32 v57, $0x10  }
0x14c: {  	v11 =	vadd.f32 v51, v11;
	v8 =	vadd.f32 v10, v8;
	v10 =	vand.u32 $0xFFFF0000, v58  }
0x14d: {  	v47 =	vshll.u32 v39, $0x10;
	v13 =	vmul.f32 v13, v4;
	v58 =	vand.u32 $0xFFFF0000, v39  }
0x14e: {  	v11 =	vadd.f32 v11, v7;
	v7 =	vadd.f32 v8, v9;
	v9 =	vmul.f32 v62, v61  }
0x14f: {  	v51 =	vld [tilespmem:s25+$0x108F0];
	v8 =	vand.u32 $0xFFFF0000, v60;
	v49 =	vmul.f32 v48, v47;
	v61 =	vshll.u32 v50, $0x10  }
0x150: {  	v62 =	vand.u32 $0xFFFF0000, v50;
	v8 =	vmul.f32 v8, v10;
	v10 =	vand.u32 $0xFFFF0000, v36  }
0x151: {  	v15 =	vmul.f32 v29, v61;
	v5 =	vadd.f32 v11, v12;
	v9 =	vmul.f32 v9, v1  }
0x152: {  	v43 =	vld [tilespmem:s25+$0x10940];
	v11 =	vmul.f32 v16, v26;
	v16 =	vmul.f32 v31, v28;
	v12 =	vand.u32 $0xFFFF0000, v63  }
0x153: {  	v39 =	vld [tilespmem:s25+$0x18920];
	v14 =	vmul.f32 v49, v2;
	v52 =	vmul.f32 v20, v10;
	v20 =	vand.u32 $0xFFFF0000, v53  }
0x154: {  	v60 =	vld [tilespmem:s25+$0x10910];
	v8 =	vmul.f32 v8, v3;
	v12 =	vmul.f32 v12, v37;
	v28 =	vshll.u32 v51, $0x10  }
0x155: {  	v48 =	vld [tilespmem:s25+$0x18940];
	v15 =	vmul.f32 v15, v1;
	v9 =	vadd.f32 v17, v9;
	v11 =	vmul.f32 v11, v3  }
0x156: {  	v16 =	vmul.f32 v16, v1;
	v17 =	vmul.f32 v32, v2;
	v55 =	vadd.f32 v14, v21  }
0x157: {  	v63 =	vld [tilespmem:s25+$0x18900];
	v56 =	vmul.f32 v52, v3;
	v19 =	vmul.f32 v30, v28;
	v32 =	vand.u32 $0xFFFF0000, v51  }
0x158: {  	v31 =	vld [tilespmem:s25+$0x18910];
	v50 =	vshll.u32 v39, $0x10;
	v21 =	vand.u32 $0xFFFF0000, v39;
	v52 =	vshll.u32 v43, $0x10  }
0x159: {  	v12 =	vmul.f32 v12, v4;
	v36 =	vshll.u32 v60, $0x10;
	v14 =	vand.u32 $0xFFFF0000, v60  }
0x15a: {  	v45 =	vld [tilespmem:s25+$0x10950];
	v53 =	vshll.u32 v48, $0x10;
	v9 =	vadd.f32 v9, v11;
	v38 =	vadd.f32 v17, v16  }
0x15b: {  	v37 =	vld [tilespmem:s25+$0x10930];
	v17 =	vmul.f32 v23, v40;
	v11 =	vadd.f32 v55, v56;
	v16 =	vmul.f32 v20, v62  }
0x15c: {  	v28 =	vld [tilespmem:s25+$0x18950];
	v19 =	vmul.f32 v19, v2;
	v25 =	vmul.f32 v53, v52;
	v23 =	vand.u32 $0xFFFF0000, v48  }
0x15d: {  	v34 =	vshll.u32 v63, $0x10;
	v26 =	vshll.u32 v31, $0x10;
	v17 =	vmul.f32 v17, v1  }
0x15e: {  	v8 =	vadd.f32 v38, v8;
	v10 =	vadd.f32 v9, v35;
	v16 =	vmul.f32 v16, v3  }
0x15f: {  	v40 =	vld [tilespmem:s25+$0x18930];
	v20 =	vmul.f32 v34, v33;
	v15 =	vadd.f32 v19, v15;
	v38 =	vmul.f32 v26, v36  }
0x160: {  	v56 =	vld [tilespmem:s25+$0x10960];
	v49 =	vshll.u32 v37, $0x10;
	v22 =	vand.u32 $0xFFFF0000, v37;
	v25 =	vmul.f32 v25, v1  }
0x161: {  	v61 =	vld [tilespmem:s25+$0x18970];
	v19 =	vand.u32 $0xFFFF0000, v45;
	v29 =	vshll.u32 v28, $0x10;
	v62 =	vand.u32 $0xFFFF0000, v28  }
0x162: {  	v17 =	vadd.f32 v44, v17;
	v9 =	vadd.f32 v8, v12;
	v12 =	vand.u32 $0xFFFF0000, v57  }
0x163: {  	v35 =	vld [tilespmem:s25+$0x10920];
	v20 =	vmul.f32 v20, v1;
	v41 =	vmul.f32 v38, v2;
	v44 =	vand.u32 $0xFFFF0000, v31  }
0x164: {  	v15 =	vadd.f32 v15, v16;
	v33 =	vmul.f32 v62, v19;
	v14 =	vmul.f32 v44, v14  }
0x165: {  	v27 =	vshll.u32 v40, $0x10;
	v51 =	vand.u32 $0xFFFF0000, v40;
	v36 =	vshll.u32 v56, $0x10  }
0x166: {  	v34 =	vld [tilespmem:s25+$0x10990];
	v40 =	vshll.u32 v61, $0x10;
	v17 =	vadd.f32 v17, v18;
	v18 =	vand.u32 $0xFFFF0000, v54  }
0x167: {  	v57 =	vld [tilespmem:s25+$0x10970];
	v24 =	vmul.f32 v27, v49;
	v54 =	vshll.u32 v45, $0x10;
	v18 =	vmul.f32 v18, v32  }
0x168: {  	v38 =	vld [tilespmem:s25+$0x18990];
	v46 =	vshll.u32 v35, $0x10;
	v14 =	vmul.f32 v14, v4;
	v55 =	vmul.f32 v29, v54  }
0x169: {  	v8 =	vadd.f32 v17, v13;
	v13 =	vmul.f32 v59, v58;
	v17 =	vand.u32 $0xFFFF0000, v63  }
0x16a: {  	v31 =	vld [tilespmem:s25+$0x109D0];
	v47 =	vand.u32 $0xFFFF0000, v35;
	v24 =	vmul.f32 v24, v2;
	v12 =	vmul.f32 v17, v12  }
0x16b: {  	v45 =	vld [tilespmem:s25+$0x109A0];
	v16 =	vand.u32 $0xFFFF0000, v34;
	v42 =	vmul.f32 v18, v4;
	v18 =	vmul.f32 v50, v46  }
0x16c: {  	v49 =	vld [tilespmem:s25+$0x189A0];
	v17 =	vand.u32 $0xFFFF0000, v43;
	v58 =	vmul.f32 v55, v2;
	v39 =	vshll.u32 v57, $0x10  }
0x16d: {  	v43 =	vand.u32 $0xFFFF0000, v57;
	v46 =	vshll.u32 v34, $0x10;
	v48 =	vshll.u32 v38, $0x10  }
0x16e: {  	v53 =	vand.u32 $0xFFFF0000, v38;
	v13 =	vmul.f32 v13, v4;
	v17 =	vmul.f32 v23, v17  }
0x16f: {  	v35 =	vld [tilespmem:s25+$0x18980];
	v27 =	vmul.f32 v48, v46;
	v16 =	vmul.f32 v53, v16;
	v46 =	vand.u32 $0xFFFF0000, v31  }
0x170: {  	v30 =	vld [tilespmem:s25+$0x109B0];
	v12 =	vmul.f32 v12, v3;
	v18 =	vmul.f32 v18, v1;
	v15 =	vadd.f32 v15, v42  }
0x171: {  	v59 =	vld [tilespmem:s25+$0x18960];
	v42 =	vmul.f32 v40, v39;
	v54 =	vshll.u32 v45, $0x10;
	v57 =	vshll.u32 v49, $0x10  }
0x172: {  	v63 =	vld [tilespmem:s25+$0x10980];
	v62 =	vand.u32 $0xFFFF0000, v45;
	v34 =	vand.u32 $0xFFFF0000, v49;
	v11 =	vadd.f32 v11, v13  }
0x173: {  	v32 =	vld [tilespmem:s25+$0x189F0];
	v13 =	vadd.f32 v41, v20;
	v20 =	vmul.f32 v21, v47;
	v21 =	vmul.f32 v51, v22  }
0x174: {  	v17 =	vmul.f32 v17, v3;
	v41 =	vand.u32 $0xFFFF0000, v56;
	v47 =	vshll.u32 v35, $0x10  }
0x175: {  	v55 =	vld [tilespmem:s25+$0x109C0];
	v27 =	vmul.f32 v27, v2;
	v56 =	vshll.u32 v30, $0x10;
	v16 =	vmul.f32 v16, v4  }
0x176: {  	v18 =	vadd.f32 v24, v18;
	v37 =	vshll.u32 v59, $0x10;
	v22 =	vand.u32 $0xFFFF0000, v59  }
0x177: {  	v44 =	vshll.u32 v63, $0x10;
	v50 =	vand.u32 $0xFFFF0000, v63;
	v59 =	vmul.f32 v57, v54  }
0x178: {  	v57 =	vand.u32 $0xFFFF0000, v32;
	v20 =	vmul.f32 v20, v3;
	v12 =	vadd.f32 v13, v12  }
0x179: {  	(xrf2) =	vadd.scan.msk.f32 $0xffff, v6;
	v40 =	vld [tilespmem:s25+$0x189E0];
	v60 =	vmul.f32 v21, v4;
	v13 =	vadd.f32 v58, v25;
	v19 =	vmul.f32 v37, v36  }
0x17a: {  	(xrf2) =	vadd.scan.msk.f32 $0xffff, v7;
	v51 =	vld [tilespmem:s25+$0x189B0];
	v21 =	vand.u32 $0xFFFF0000, v61;
	v39 =	vshll.u32 v55, $0x10;
	v7 =	vand.u32 $0xFFFF0000, v55  }
0x17b: {  	v38 =	vld [tilespmem:s25+$0x109F0];
	v21 =	vmul.f32 v21, v43;
	v18 =	vadd.f32 v18, v20;
	v12 =	vadd.f32 v12, v14  }
0x17c: {  	v13 =	vadd.f32 v13, v17;
	v14 =	vmul.f32 v33, v4;
	v19 =	vmul.f32 v19, v1  }
0x17d: {  	v20 =	vmul.f32 v42, v2;
	v17 =	vand.u32 $0xFFFF0000, v35;
	v35 =	vmul.f32 v34, v62  }
0x17e: {  	v63 =	vld [tilespmem:s25+$0x189D0];
	v49 =	vshll.u32 v40, $0x10;
	v54 =	vand.u32 $0xFFFF0000, v40;
	v52 =	vmul.f32 v21, v4  }
0x17f: {  	v61 =	vld [tilespmem:s25+$0x189C0];
	v17 =	vmul.f32 v17, v50;
	v58 =	vshll.u32 v51, $0x10;
	v25 =	vand.u32 $0xFFFF0000, v51  }
0x180: {  	v50 =	vshll.u32 v38, $0x10;
	v51 =	vshll.u32 v32, $0x10;
	v18 =	vadd.f32 v18, v60  }
0x181: {  	v13 =	vadd.f32 v13, v14;
	v14 =	vmul.f32 v22, v41;
	v22 =	vmul.f32 v47, v44  }
0x182: {  	(xrf2) =	vadd.scan.msk.f32 $0xffff, v5;
	v36 =	vld [tilespmem:s25+$0x109E0];
	v19 =	vadd.f32 v20, v19;
	v60 =	vmul.f32 v58, v56;
	v41 =	vshll.u32 v31, $0x10  }
0x183: {  	(xrf2) =	vadd.scan.msk.f32 $0xffff, v10;
	v43 =	vshll.u32 v63, $0x10;
	v10 =	vmul.f32 v51, v50;
	v56 =	vand.u32 $0xFFFF0000, v38  }
0x184: {  	v17 =	vmul.f32 v17, v3;
	v42 =	vshll.u32 v61, $0x10;
	v22 =	vmul.f32 v22, v1  }
0x185: {  	v45 =	vmul.f32 v43, v41;
	v47 =	vand.u32 $0xFFFF0000, v61;
	v58 =	vmul.f32 v57, v56  }
0x186: {  	v14 =	vmul.f32 v14, v3;
	v21 =	vmul.f32 v60, v2;
	v22 =	vadd.f32 v27, v22  }
0x187: {  	v53 =	vand.u32 $0xFFFF0000, v36;
	v44 =	vmul.f32 v42, v39;
	v5 =	vmul.f32 v47, v7  }
0x188: {  	(xrf2) =	vadd.scan.msk.f32 $0xffff, v9;
	v14 =	vadd.f32 v19, v14;
	v19 =	vmul.f32 v59, v1;
	v17 =	vadd.f32 v22, v17  }
0x189: {  	(xrf2) =	vadd.scan.msk.f32 $0xffff, v8;
	v7 =	vshll.u32 v36, $0x10;
	v10 =	vmul.f32 v10, v2;
	v8 =	vmul.f32 v54, v53  }
0x18a: {  	v19 =	vadd.f32 v21, v19;
	v16 =	vadd.f32 v17, v16;
	v17 =	vmul.f32 v35, v3  }
0x18b: {  	v37 =	vand.u32 $0xFFFF0000, v30;
	v48 =	vmul.f32 v45, v2;
	v7 =	vmul.f32 v49, v7  }
0x18c: {  	v5 =	vmul.f32 v5, v3;
	v17 =	vadd.f32 v19, v17;
	v19 =	vmul.f32 v44, v1  }
0x18d: {  	(xrf2) =	vadd.scan.msk.f32 $0xffff, v11;
	v14 =	vadd.f32 v14, v52;
	v22 =	vmul.f32 v25, v37;
	v52 =	vand.u32 $0xFFFF0000, v63  }
0x18e: {  	(xrf2) =	vadd.scan.msk.f32 $0xffff, v15;
	v7 =	vmul.f32 v7, v1;
	v9 =	vmul.f32 v52, v46;
	v55 =	vadd.f32 v48, v19  }
0x18f: {  	(xrf2) =	vadd.scan.msk.f32 $0xffff, v12;
	v8 =	vmul.f32 v8, v3;
	v6 =	vmul.f32 v22, v4  }
0x190: {  	(xrf2) =	vadd.scan.msk.f32 $0xffff, v18;
	v7 =	vadd.f32 v10, v7;
	v9 =	vmul.f32 v9, v4;
	v5 =	vadd.f32 v55, v5  }
0x191: {  	v60 =	vmul.f32 v58, v4;
	v59, _, _ =	vpop (xrf2);
	(xrf2) =	vadd.scan.msk.f32 $0xffff, v13;
	v6 =	vadd.f32 v17, v6  }
0x192: {  	v61, _, _ =	vpop (xrf2);
	[tilespmem:s12+$0x0] =	vst.msk vm0, v59;
	(xrf2) =	vadd.scan.msk.f32 $0xffff, v14;
	v7 =	vadd.f32 v7, v8;
	v5 =	vadd.f32 v5, v9  }
0x193: {  	v62, _, _ =	vpop (xrf2);
	[tilespmem:s12+$0x1] =	vst.msk vm0, v61;
	(xrf2) =	vadd.scan.msk.f32 $0xffff, v16  }
0x194: {  	v63, _, _ =	vpop (xrf2);
	[tilespmem:s12+$0x2] =	vst.msk vm0, v62;
	v7 =	vadd.f32 v7, v60;
	(xrf2) =	vadd.scan.msk.f32 $0xffff, v6  }
0x195: {  	[tilespmem:s12+$0x3] =	vst.msk vm0, v63;
	v6, _, _ =	vpop (xrf2);
	(xrf2) =	vadd.scan.msk.f32 $0xffff, v5  }
0x196: {  	[tilespmem:s12+$0x4] =	vst.msk vm0, v6;
	v5, _, _ =	vpop (xrf2);
	(xrf2) =	vadd.scan.msk.f32 $0xffff, v7  }
0x197: {  	v6, _, _ =	vpop (xrf2);
	[tilespmem:s12+$0x5] =	vst.msk vm0, v5  }
0x198: {  	v5, _, _ =	vpop (xrf2);
	[tilespmem:s12+$0x6] =	vst.msk vm0, v6  }
0x199: {  	v6, _, _ =	vpop (xrf2);
	[tilespmem:s12+$0x7] =	vst.msk vm0, v5  }
0x19a: {  	v5, _, _ =	vpop (xrf2);
	[tilespmem:s12+$0x8] =	vst.msk vm0, v6  }
0x19b: {  	v6, _, _ =	vpop (xrf2);
	[tilespmem:s12+$0x9] =	vst.msk vm0, v5  }
0x19c: {  	p0 =	sne.s32 s24, $0xF800;
	v5, _, _ =	vpop (xrf2);
	[tilespmem:s12+$0xA] =	vst.msk vm0, v6  }
.Ltmp2:
0x19d: {  	v6, _, _ =	vpop (xrf2);
	[tilespmem:s12+$0xB] =	vst.msk vm0, v5;
	(pc) =	sbr.rel @p0 .LBB2_7-.Ltmp2, $4  }
0x19e: {  	v5, _, _ =	vpop (xrf2);
	[tilespmem:s12+$0xC] =	vst.msk vm0, v6  }
0x19f: {  	v6, _, _ =	vpop (xrf2);
	[tilespmem:s12+$0xD] =	vst.msk vm0, v5  }
0x1a0: {  	v5, _, _ =	vpop (xrf2);
	[tilespmem:s12+$0xE] =	vst.msk vm0, v6  }
0x1a1: {  	s24 =	sadd.s32 $0x800, s24;
	[tilespmem:s12+$0xF] =	vst.msk vm0, v5;
	s12 =	sadd.s32 $0x10, s12  }
0x1a2: {  	s12 =	sshra.s32 s23, $0x2;
	s23 =	sadd.s32 $0x40, s23  }
.LBB2_9:
0x1a3: {  	p0 =	sne.s32 s23, $0x7C0;
	v5 =	vld [tilespmem:s12+$0x1CA10];
	_ =	sdelay $0x4  }
0x1a4: {  	v5 =	vadd.f32 v5, v0;
	_ =	sdelay $0x1  }
0x1a5: {  	v5 =	vsub.f32 $0.0e+00, v5;
	_ =	sdelay $0x1  }
0x1a6: {  	v5 =	vmul.f32 $1.442695020e+00, v5;
	_ =	sdelay $0x1  }
0x1a7: {  	(erf) = vpow2.f32 v5;
	_ =	sdelay $0x8  }
0x1a8: {  	v5 =	vpop (erf)  }
0x1a9: {  	v5 =	vadd.f32 $1.000000000e+00, v5;
	_ =	sdelay $0x1  }
0x1aa: {  	(erf) = vrcp.f32 v5;
	_ =	sdelay $0x5  }
.Ltmp3:
0x1ab: {  	(pc) =	sbr.rel @p0 .LBB2_9-.Ltmp3, $3  }
0x1ac: {  	_ =	sdelay $0x1  }
0x1ad: {  	v5 =	vpop (erf)  }
0x1ae: {  	[tilespmem:s12+$0x1CA10] =	vst v5;
	s12 =	sshra.s32 s23, $0x2;
	s23 =	sadd.s32 $0x40, s23  }
0x1af: {  	v5 =	vld [tilespmem:s12+$0x1CA10];
	_ =	sdelay $0x4  }
0x1b0: {  	v5 =	vadd.f32 v5, v0;
	_ =	sdelay $0x1  }
0x1b1: {  	v5 =	vsub.f32 $0.0e+00, v5;
	_ =	sdelay $0x1  }
0x1b2: {  	v5 =	vmul.f32 $1.442695020e+00, v5;
	_ =	sdelay $0x1  }
0x1b3: {  	(erf) = vpow2.f32 v5;
	_ =	sdelay $0x8  }
0x1b4: {  	v5 =	vpop (erf)  }
0x1b5: {  	v5 =	vadd.f32 $1.000000000e+00, v5;
	_ =	sdelay $0x1  }
0x1b6: {  	(erf) = vrcp.f32 v5;
	_ =	sdelay $0x4  }
0x1b7: {  	s21 =	sadd.s32 $0x1, s21  }
0x1b8: {  	p0 =	sne.s32 s21, $0x19  }
.Ltmp4:
0x1b9: {  	_ = 	snop;
	(pc) =	sbr.rel @p0 .LBB2_2-.Ltmp4, $4  }
0x1ba: {  	s7 =	sadd.s32 s6, s22  }
0x1bb: {  	s7 =	sshrl.u32 s7, $0x3;
	v5 =	vpop (erf)  }
0x1bc: {  	s7 =	sadd.s32 s3, s7;
	[tilespmem:s12+$0x1CA10] =	vst v5  }
0x1bd: {  	[hbm4b:s7+s4] =	stream.linear.scatter [tilespmem:s17], [sflag:$0x4], $0x200, $0x38;
	[tilespmem:$0x1CC70] =	vst v63  }
0x1be: {  	s20 =	sadd.s32 $0x1, s20  }
0x1bf: {  	_ =	swait.ge [sflag:s18], $0x200;
	p0 =	sne.s32 s20, s9  }
.Ltmp5:
0x1c0: {  	[sflag:s18] =	ssyncset.done $0x0;
	(pc) =	sbr.rel @p0 .LBB2_1-.Ltmp5, $4  }
0x1c1: {  	[sflag:s18] =	ssyncadd.s32 $0xFFFFFE00  }
0x1c2: {  	_ =	swait.ge [sflag:s19], $0x200  }
0x1c3: {  	[sflag:s19] =	ssyncset.done $0x0  }
0x1c4: {  	[sflag:s19] =	ssyncadd.s32 $0xFFFFFE00  }
0x1c5: {  	_ =	sfence.sel $0x180000  }
0x1c6: {  	[bflag:$0x0] =	sbarrier.arrive $0xFFFF  }
0x1c7: {  	_ =	strace $0x90000047  }
0x1c8: {  	s0 =	stileid.u32;
	[bflag:$0x2] =	sbarrier.arrive $0xFFFF  }
0x1c9: {  	p0 =	sne.s32 s0, $0x0;
	s0 =	rddreg [dreg:$0x5]  }
0x1ca: {  	s0 =	sadd.s32 @!p0 $0x100000, s0  }
0x1cb: {  	[sflag:s0] =	ssyncadd.tile.s32 @!p0 $0x1;
	_ =	shalt  }
.Lfunc_end2:
_tile_overlayer_lowered:
.L_overlay_start_2:
0x1cc: {  	(tag) =	ssettag $0x2  }
0x1cd: {  	s0 =	rddreg [dreg:$0x0];
	s2 =	stileid.u32  }
0x1ce: {  	s1 =	rddreg [dreg:$0x1];
	p0 =	sne.s32 s2, $0x0  }
0x1cf: {  	s3 =	rddreg [dreg:$0x2];
	[bflag:$0x3] =	sbarrier.arrive $0xFFFF;
	s2 =	simm.s32 @!p0 $0x1C05  }
0x1d0: {  	[timem:s3], [sflag:s2] =	dma.local @!p0 [hbm:s0], s1  }
0x1d1: {  	s0 =	simm.s32 @!p0 $0x5  }
0x1d2: {  	_ =	swait.ge @!p0 [sflag:s0], s1  }
0x1d3: {  	s1 =	ssub.s32 @!p0 $0x0, s1;
	[sflag:s0] =	ssyncset.done @!p0 $0x0  }
0x1d4: {  	[sflag:s0] =	ssyncadd.s32 @!p0 s1  }
0x1d5: {  	[bflag:$0x3] =	sbarrier.arrive $0xFFFF  }
0x1d6: {  	_ =	shalt  }

</sc_bundles>
